<compile_context>
chip_gen: v7x
topology: tpu7x:2x2x1
jax: 0.10.2.dev20260603
libtpu: 0.0.44.dev20260713+nightly
codegen_flags: <defaults>
</compile_context>

<pallas_src>
import jax
import jax.numpy as jnp
from jax import lax
from jax.experimental import pallas as pl
from jax.experimental.pallas import tpu as pltpu
from jax.experimental.pallas import tpu_sc as plsc

_CH = 1000
_NC = 2
_NS = 16
_NW = _NC * _NS
_D = 8


def _sc_agg(h, ei, zeros_init):
    N = h.shape[0]
    n_pad = zeros_init.shape[0]
    E = ei.shape[1]
    epw = E // _NW
    iters = epw // (4 * _CH)
    ch = -(-N // _NS)
    ch = -(-ch // 8) * 8
    tail = N - (_NS - 1) * ch
    rows_z = n_pad // _NS

    def body(h_hbm, ei_hbm, zero_hbm, out_hbm,
             srcv, dstv, msgv, h_sh, acc_sh, gsem, isem, ssem):
        c = lax.axis_index("c")
        s = lax.axis_index("s")
        wid = s * _NC + c

        @pl.when(s < _NS - 1)
        def _():
            pltpu.sync_copy(h_hbm.at[pl.ds(s * ch, ch)],
                            h_sh.at[pl.ds(s * ch, ch)])

        @pl.when(s == _NS - 1)
        def _():
            pltpu.sync_copy(h_hbm.at[pl.ds((_NS - 1) * ch, tail)],
                            h_sh.at[pl.ds((_NS - 1) * ch, tail)])

        pltpu.sync_copy(zero_hbm.at[pl.ds(s * rows_z, rows_z)],
                        acc_sh.at[pl.ds(s * rows_z, rows_z)])
        plsc.subcore_barrier()

        wbase = wid * epw
        pltpu.sync_copy(ei_hbm.at[0, pl.ds(wbase, _CH)], srcv.at[0])
        pltpu.sync_copy(ei_hbm.at[1, pl.ds(wbase, _CH)], dstv.at[0])

        def step(i, carry):
            base = wbase + i * (4 * _CH)
            for k in range(4):
                mi = k % 2
                nxt = (k + 1) % 4
                nbase = lax.min(base + (k + 1) * _CH, E - _CH)
                d1 = pltpu.async_copy(ei_hbm.at[0, pl.ds(nbase, _CH)],
                                      srcv.at[nxt], isem)
                d2 = pltpu.async_copy(ei_hbm.at[1, pl.ds(nbase, _CH)],
                                      dstv.at[nxt], isem)

                if k >= 2:
                    pltpu.make_async_copy(h_hbm.at[pl.ds(0, _CH)],
                                          msgv.at[mi], ssem).wait()
                else:
                    @pl.when(i > 0)
                    def _():
                        pltpu.make_async_copy(h_hbm.at[pl.ds(0, _CH)],
                                              msgv.at[mi], ssem).wait()

                pltpu.async_copy(h_sh.at[srcv.at[k]], msgv.at[mi],
                                 gsem).wait()
                pltpu.async_copy(msgv.at[mi], acc_sh.at[dstv.at[k]],
                                 ssem, add=True)
                d1.wait()
                d2.wait()
            return carry

        lax.fori_loop(0, iters, step, 0)
        pltpu.make_async_copy(h_hbm.at[pl.ds(0, _CH)], msgv.at[0], ssem).wait()
        pltpu.make_async_copy(h_hbm.at[pl.ds(0, _CH)], msgv.at[1], ssem).wait()
        plsc.subcore_barrier()

        @pl.when(s < _NS - 1)
        def _():
            pltpu.sync_copy(acc_sh.at[pl.ds(s * ch, ch)],
                            out_hbm.at[pl.ds(c * N + s * ch, ch)])

        @pl.when(s == _NS - 1)
        def _():
            pltpu.sync_copy(acc_sh.at[pl.ds((_NS - 1) * ch, tail)],
                            out_hbm.at[pl.ds(c * N + (_NS - 1) * ch, tail)])

    mesh = plsc.VectorSubcoreMesh(core_axis_name="c", subcore_axis_name="s")
    f = pl.kernel(
        body,
        out_type=jax.ShapeDtypeStruct((2 * N, _D), jnp.float32),
        mesh=mesh,
        compiler_params=pltpu.CompilerParams(use_tc_tiling_on_sc=False),
        scratch_types=[
            pltpu.VMEM((4, _CH), jnp.int32),
            pltpu.VMEM((4, _CH), jnp.int32),
            pltpu.VMEM((2, _CH, _D), jnp.float32),
            pltpu.VMEM_SHARED((N, _D), jnp.float32),
            pltpu.VMEM_SHARED((n_pad, _D), jnp.float32),
            pltpu.SemaphoreType.DMA,
            pltpu.SemaphoreType.DMA,
            pltpu.SemaphoreType.DMA,
        ],
    )
    return f(h, ei, zeros_init)


_BR = 6250


def _sigmoid(x):
    return 1.0 / (1.0 + jnp.exp(-x))


def _tc_update(h128, parts128, Wb, bb, eps2d):
    R = h128.shape[0]
    nb = R // _BR

    def ubody(eps_ref, h_ref, p0_ref, p1_ref, W_ref, b_ref, o_ref):
        t = h_ref[...] * (1.0 + eps_ref[0, 0]) + p0_ref[0] + p1_ref[0]
        o_ref[...] = jnp.maximum(
            jnp.dot(t, W_ref[...], preferred_element_type=jnp.float32)
            + b_ref[...], 0.0)

    return pl.pallas_call(
        ubody,
        grid=(nb,),
        in_specs=[
            pl.BlockSpec(memory_space=pltpu.SMEM),
            pl.BlockSpec((_BR, 128), lambda i: (i, 0)),
            pl.BlockSpec((1, _BR, 128), lambda i: (0, i, 0)),
            pl.BlockSpec((1, _BR, 128), lambda i: (1, i, 0)),
            pl.BlockSpec((128, 128), lambda i: (0, 0)),
            pl.BlockSpec((1, 128), lambda i: (0, 0)),
        ],
        out_specs=pl.BlockSpec((_BR, 128), lambda i: (i, 0)),
        out_shape=jax.ShapeDtypeStruct((R, 128), jnp.float32),
    )(eps2d, h128, parts128, parts128, Wb, bb)


def _tc_final(h128, parts128, gWb, gbb, eps2d, W1b, b1b, W2b, b2b, W3b, b3b):
    R = h128.shape[0]
    nb = R // _BR

    def fbody(eps_ref, h_ref, p0_ref, p1_ref, gW_ref, gb_ref,
              W1_ref, b1_ref, W2_ref, b2_ref, W3_ref, b3_ref, o_ref):
        t = h_ref[...] * (1.0 + eps_ref[0, 0]) + p0_ref[0] + p1_ref[0]
        t = jnp.maximum(
            jnp.dot(t, gW_ref[...], preferred_element_type=jnp.float32)
            + gb_ref[...], 0.0)
        o = _sigmoid(jnp.dot(t, W1_ref[...],
                             preferred_element_type=jnp.float32) + b1_ref[...])
        o = _sigmoid(jnp.dot(o, W2_ref[...],
                             preferred_element_type=jnp.float32) + b2_ref[...])
        o_ref[...] = _sigmoid(jnp.dot(o, W3_ref[...],
                                      preferred_element_type=jnp.float32)
                              + b3_ref[...])

    return pl.pallas_call(
        fbody,
        grid=(nb,),
        in_specs=[
            pl.BlockSpec(memory_space=pltpu.SMEM),
            pl.BlockSpec((_BR, 128), lambda i: (i, 0)),
            pl.BlockSpec((1, _BR, 128), lambda i: (0, i, 0)),
            pl.BlockSpec((1, _BR, 128), lambda i: (1, i, 0)),
            pl.BlockSpec((128, 128), lambda i: (0, 0)),
            pl.BlockSpec((1, 128), lambda i: (0, 0)),
            pl.BlockSpec((128, 320), lambda i: (0, 0)),
            pl.BlockSpec((1, 320), lambda i: (0, 0)),
            pl.BlockSpec((320, 480), lambda i: (0, 0)),
            pl.BlockSpec((1, 480), lambda i: (0, 0)),
            pl.BlockSpec((480, 16), lambda i: (0, 0)),
            pl.BlockSpec((1, 16), lambda i: (0, 0)),
        ],
        out_specs=pl.BlockSpec((_BR, 16), lambda i: (i, 0)),
        out_shape=jax.ShapeDtypeStruct((R, 16), jnp.float32),
    )(eps2d, h128, parts128, parts128, gWb, gbb,
      W1b, b1b, W2b, b2b, W3b, b3b)


def kernel(x, edge_index, gin_W1, gin_b1, gin_W2, gin_b2, gin_W3, gin_b3,
           gin_eps, W1, b1, W2, b2, W3, b3):
    N = x.shape[0]
    E = edge_index.shape[1]
    ei = edge_index.astype(jnp.int32)
    assert E % (_NW * 4 * _CH) == 0, "edge count must split evenly"
    assert N % (16 * _BR) == 0
    n_pad = -(-(N + 1) // 128) * 128
    zeros_init = jnp.zeros((n_pad, _D), jnp.float32)
    R = N // 16
    eye16 = jnp.eye(16, dtype=jnp.float32)

    dpad = _D - x.shape[1]
    gWbs = tuple(jnp.kron(eye16, jnp.pad(W, ((0, dpad), (0, dpad))))
                 for W in (gin_W1, gin_W2, gin_W3))
    gbbs = tuple(jnp.tile(jnp.pad(b, (0, dpad)), 16).reshape(1, 128)
                 for b in (gin_b1, gin_b2, gin_b3))
    W1b = jnp.kron(eye16, jnp.pad(W1, ((0, dpad), (0, 0))))
    b1b = jnp.tile(b1, 16).reshape(1, 320)
    W2b = jnp.kron(eye16, W2)
    b2b = jnp.tile(b2, 16).reshape(1, 480)
    W3b = jnp.kron(eye16, W3)
    b3b = jnp.tile(b3, 16).reshape(1, 16)

    h = jnp.pad(x, ((0, 0), (0, dpad)))
    for l in range(2):
        parts = _sc_agg(h, ei, zeros_init)
        h128 = _tc_update(h.reshape(R, 128), parts.reshape(2, R, 128),
                          gWbs[l], gbbs[l], gin_eps[l].reshape(1, 1))
        h = h128.reshape(N, _D)
    parts = _sc_agg(h, ei, zeros_init)
    out16 = _tc_final(h.reshape(R, 128), parts.reshape(2, R, 128),
                      gWbs[2], gbbs[2], gin_eps[2].reshape(1, 1),
                      W1b, b1b, W2b, b2b, W3b, b3b)
    return out16.reshape(N, 1)

# --- scband reference (transcript-rebuilt; emitter-appended) ---
"""Pipeline reference for scband-model-73821897883754 (READ-ONLY COPY).

The authoritative reference and input builder live on the scoring server;
editing this copy changes nothing except your own understanding.
"""

import jax, jax.numpy as jnp
import numpy as np

N = 100000
E = 6400000
D = 4


def setup_inputs(seed: int = 0) -> dict:
    key = jax.random.key(seed)
    ks = jax.random.split(key, 20)
    x = jax.random.normal(ks[0], (N, D), dtype=jnp.float32)
    edge_index = jax.random.randint(ks[1], (2, E), 0, N).astype(jnp.int64)
    # GIN: 3 message-passing layers, hidden dim 4 (in=4, out=4 each so fun1 sees dim 4)
    gin_W1 = jax.random.normal(ks[2], (D, D), dtype=jnp.float32) * 0.3
    gin_b1 = jnp.zeros((D,), dtype=jnp.float32)
    gin_W2 = jax.random.normal(ks[3], (D, D), dtype=jnp.float32) * 0.3
    gin_b2 = jnp.zeros((D,), dtype=jnp.float32)
    gin_W3 = jax.random.normal(ks[4], (D, D), dtype=jnp.float32) * 0.3
    gin_b3 = jnp.zeros((D,), dtype=jnp.float32)
    gin_eps = jnp.zeros((3,), dtype=jnp.float32)
    # MLP head: Linear(4,20) -> sigmoid -> Linear(20,30) -> sigmoid -> Linear(30,1) -> sigmoid
    W1 = jax.random.normal(ks[5], (4, 20), dtype=jnp.float32) * 0.3
    b1 = jnp.zeros((20,), dtype=jnp.float32)
    W2 = jax.random.normal(ks[6], (20, 30), dtype=jnp.float32) * 0.3
    b2 = jnp.zeros((30,), dtype=jnp.float32)
    W3 = jax.random.normal(ks[7], (30, 1), dtype=jnp.float32) * 0.3
    b3 = jnp.zeros((1,), dtype=jnp.float32)
    return {"x": x, "edge_index": edge_index,
            "gin_W1": gin_W1, "gin_b1": gin_b1,
            "gin_W2": gin_W2, "gin_b2": gin_b2,
            "gin_W3": gin_W3, "gin_b3": gin_b3,
            "gin_eps": gin_eps,
            "W1": W1, "b1": b1, "W2": W2, "b2": b2, "W3": W3, "b3": b3}


def _gin_layer(h, src, dst, W, b, eps):
    # sum aggregation of neighbor messages (scatter-add), GIN update
    agg = jnp.zeros_like(h).at[dst].add(h[src])
    h = ((1.0 + eps) * h + agg) @ W + b
    return jax.nn.relu(h)


def reference(x, edge_index, gin_W1, gin_b1, gin_W2, gin_b2, gin_W3, gin_b3,
              gin_eps, W1, b1, W2, b2, W3, b3):
    src = edge_index[0]
    dst = edge_index[1]
    h = _gin_layer(x, src, dst, gin_W1, gin_b1, gin_eps[0])
    h = _gin_layer(h, src, dst, gin_W2, gin_b2, gin_eps[1])
    h = _gin_layer(h, src, dst, gin_W3, gin_b3, gin_eps[2])
    out = jax.nn.sigmoid(h @ W1 + b1)
    out = jax.nn.sigmoid(out @ W2 + b2)
    out = jax.nn.sigmoid(out @ W3 + b3)
    return out

if __name__ == "__main__":
    import jax
    _d = setup_inputs()
    print(jax.jit(kernel)(*tuple(_d.values())))

</pallas_src>

<mosaic_0001>
#map = affine_map<(d0, d1) -> (0, 0)>
module attributes {stable_mosaic.version = 14 : i64} {
  func.func @body(%arg0: i32, %arg1: i32, %arg2: memref<100000x8xf32, #tpu.memory_space<hbm>>, %arg3: memref<2x6400000xi32, #tpu.memory_space<hbm>>, %arg4: memref<100096x8xf32, #tpu.memory_space<hbm>>, %arg5: memref<200000x8xf32, #tpu.memory_space<hbm>>, %arg6: memref<4x1000xi32, #tpu.memory_space<vmem>>, %arg7: memref<4x1000xi32, #tpu.memory_space<vmem>>, %arg8: memref<2x1000x8xf32, #tpu.memory_space<vmem>>, %arg9: memref<100000x8xf32, #tpu.memory_space<vmem_shared>>, %arg10: memref<100096x8xf32, #tpu.memory_space<vmem_shared>>, %arg11: memref<!tpu.dma_semaphore, #tpu.memory_space<semaphore_mem>>, %arg12: memref<!tpu.dma_semaphore, #tpu.memory_space<semaphore_mem>>, %arg13: memref<!tpu.dma_semaphore, #tpu.memory_space<semaphore_mem>>) attributes {dimension_semantics = [#tpu.dimension_semantics<core_parallel>, #tpu.dimension_semantics<subcore_parallel>], iteration_bounds = array<i64: 2, 16>, scalar_prefetch = 0 : i64, scratch_operands = 8 : i64, tpu.core_type = #tpu.core_type<sc_vector_subcore>, window_params = [{transform_indices = #map}, {transform_indices = #map}, {transform_indices = #map}, {transform_indices = #map}]} {
    %mul3A = arith.constant 2 : i32
    %mul3A_0 = arith.muli %arg1, %mul3A : i32
    %add3A = arith.addi %mul3A_0, %arg0 : i32
    %lt3A = arith.constant 15 : i32
    %lt3A_1 = arith.cmpi slt, %arg1, %lt3A : i32
    %convert_element_type3A = arith.extui %lt3A_1 : i1 to i32
    %cond3A = arith.constant 0 : i32
    %cond3A_2 = arith.cmpi ne, %convert_element_type3A, %cond3A : i32
    scf.if %cond3A_2 {
      %mul3A_61 = arith.constant 6256 : i32
      %mul3A_62 = arith.muli %arg1, %mul3A_61 : i32
      %mul3A_63 = arith.constant 6256 : i32
      %mul3A_64 = arith.muli %arg1, %mul3A_63 : i32
      "tpu.region"() ({
        %run_scoped3A_65 = tpu.sem_alloc : memref<!tpu.dma_semaphore, #tpu.memory_space<semaphore_mem>>
        %dma_start3A = arith.constant 0 : i32
        %dma_start3A_66 = tpu.memref_slice %arg9[%mul3A_64, %dma_start3A] : memref<100000x8xf32, #tpu.memory_space<vmem_shared>> -> memref<6256x8xf32, #tpu.memory_space<vmem_shared>>
        %dma_start3A_67 = arith.constant 0 : i32
        %dma_start3A_68 = tpu.memref_slice %arg2[%mul3A_62, %dma_start3A_67] : memref<100000x8xf32, #tpu.memory_space<hbm>> -> memref<6256x8xf32, #tpu.memory_space<hbm>>
        tpu.enqueue_dma source(%dma_start3A_68 : memref<6256x8xf32, #tpu.memory_space<hbm>>) target(%dma_start3A_66 : memref<6256x8xf32, #tpu.memory_space<vmem_shared>>) target_semaphore(%run_scoped3A_65 : memref<!tpu.dma_semaphore, #tpu.memory_space<semaphore_mem>>)
        %dma_wait3A_69 = arith.constant 0 : i32
        %dma_wait3A_70 = tpu.memref_slice %arg9[%mul3A_64, %dma_wait3A_69] : memref<100000x8xf32, #tpu.memory_space<vmem_shared>> -> memref<6256x8xf32, #tpu.memory_space<vmem_shared>>
        %dma_wait3A_71 = arith.constant 0 : i32
        %dma_wait3A_72 = tpu.memref_slice %arg2[%mul3A_62, %dma_wait3A_71] : memref<100000x8xf32, #tpu.memory_space<hbm>> -> memref<6256x8xf32, #tpu.memory_space<hbm>>
        tpu.wait_dma2 semaphore(%run_scoped3A_65 : memref<!tpu.dma_semaphore, #tpu.memory_space<semaphore_mem>>) src(%dma_wait3A_72 : memref<6256x8xf32, #tpu.memory_space<hbm>>) dst(%dma_wait3A_70 : memref<6256x8xf32, #tpu.memory_space<vmem_shared>>)
        tpu.yield
      }) : () -> ()
    } else {
    }
    %eq3A = arith.constant 15 : i32
    %eq3A_3 = arith.cmpi eq, %arg1, %eq3A : i32
    %convert_element_type3A_4 = arith.extui %eq3A_3 : i1 to i32
    %cond3A_5 = arith.constant 0 : i32
    %cond3A_6 = arith.cmpi ne, %convert_element_type3A_4, %cond3A_5 : i32
    scf.if %cond3A_6 {
      "tpu.region"() ({
        %run_scoped3A_61 = tpu.sem_alloc : memref<!tpu.dma_semaphore, #tpu.memory_space<semaphore_mem>>
        %dma_start3A = arith.constant 93840 : i32
        %dma_start3A_62 = arith.constant 0 : i32
        %dma_start3A_63 = tpu.memref_slice %arg9[%dma_start3A, %dma_start3A_62] : memref<100000x8xf32, #tpu.memory_space<vmem_shared>> -> memref<6160x8xf32, #tpu.memory_space<vmem_shared>>
        %dma_start3A_64 = arith.constant 93840 : i32
        %dma_start3A_65 = arith.constant 0 : i32
        %dma_start3A_66 = tpu.memref_slice %arg2[%dma_start3A_64, %dma_start3A_65] : memref<100000x8xf32, #tpu.memory_space<hbm>> -> memref<6160x8xf32, #tpu.memory_space<hbm>>
        tpu.enqueue_dma source(%dma_start3A_66 : memref<6160x8xf32, #tpu.memory_space<hbm>>) target(%dma_start3A_63 : memref<6160x8xf32, #tpu.memory_space<vmem_shared>>) target_semaphore(%run_scoped3A_61 : memref<!tpu.dma_semaphore, #tpu.memory_space<semaphore_mem>>)
        %dma_wait3A_67 = arith.constant 93840 : i32
        %dma_wait3A_68 = arith.constant 0 : i32
        %dma_wait3A_69 = tpu.memref_slice %arg9[%dma_wait3A_67, %dma_wait3A_68] : memref<100000x8xf32, #tpu.memory_space<vmem_shared>> -> memref<6160x8xf32, #tpu.memory_space<vmem_shared>>
        %dma_wait3A_70 = arith.constant 93840 : i32
        %dma_wait3A_71 = arith.constant 0 : i32
        %dma_wait3A_72 = tpu.memref_slice %arg2[%dma_wait3A_70, %dma_wait3A_71] : memref<100000x8xf32, #tpu.memory_space<hbm>> -> memref<6160x8xf32, #tpu.memory_space<hbm>>
        tpu.wait_dma2 semaphore(%run_scoped3A_61 : memref<!tpu.dma_semaphore, #tpu.memory_space<semaphore_mem>>) src(%dma_wait3A_72 : memref<6160x8xf32, #tpu.memory_space<hbm>>) dst(%dma_wait3A_69 : memref<6160x8xf32, #tpu.memory_space<vmem_shared>>)
        tpu.yield
      }) : () -> ()
    } else {
    }
    %mul3A_7 = arith.constant 6256 : i32
    %mul3A_8 = arith.muli %arg1, %mul3A_7 : i32
    %mul3A_9 = arith.constant 6256 : i32
    %mul3A_10 = arith.muli %arg1, %mul3A_9 : i32
    "tpu.region"() ({
      %run_scoped3A_61 = tpu.sem_alloc : memref<!tpu.dma_semaphore, #tpu.memory_space<semaphore_mem>>
      %dma_start3A = arith.constant 0 : i32
      %dma_start3A_62 = tpu.memref_slice %arg10[%mul3A_10, %dma_start3A] : memref<100096x8xf32, #tpu.memory_space<vmem_shared>> -> memref<6256x8xf32, #tpu.memory_space<vmem_shared>>
      %dma_start3A_63 = arith.constant 0 : i32
      %dma_start3A_64 = tpu.memref_slice %arg4[%mul3A_8, %dma_start3A_63] : memref<100096x8xf32, #tpu.memory_space<hbm>> -> memref<6256x8xf32, #tpu.memory_space<hbm>>
      tpu.enqueue_dma source(%dma_start3A_64 : memref<6256x8xf32, #tpu.memory_space<hbm>>) target(%dma_start3A_62 : memref<6256x8xf32, #tpu.memory_space<vmem_shared>>) target_semaphore(%run_scoped3A_61 : memref<!tpu.dma_semaphore, #tpu.memory_space<semaphore_mem>>)
      %dma_wait3A_65 = arith.constant 0 : i32
      %dma_wait3A_66 = tpu.memref_slice %arg10[%mul3A_10, %dma_wait3A_65] : memref<100096x8xf32, #tpu.memory_space<vmem_shared>> -> memref<6256x8xf32, #tpu.memory_space<vmem_shared>>
      %dma_wait3A_67 = arith.constant 0 : i32
      %dma_wait3A_68 = tpu.memref_slice %arg4[%mul3A_8, %dma_wait3A_67] : memref<100096x8xf32, #tpu.memory_space<hbm>> -> memref<6256x8xf32, #tpu.memory_space<hbm>>
      tpu.wait_dma2 semaphore(%run_scoped3A_61 : memref<!tpu.dma_semaphore, #tpu.memory_space<semaphore_mem>>) src(%dma_wait3A_68 : memref<6256x8xf32, #tpu.memory_space<hbm>>) dst(%dma_wait3A_66 : memref<6256x8xf32, #tpu.memory_space<vmem_shared>>)
      tpu.yield
    }) : () -> ()
    %barrier3A = arith.constant 0 : index
    tpu.barrier barrier_id(%barrier3A)
    %mul3A_11 = arith.constant 200000 : i32
    %mul3A_12 = arith.muli %add3A, %mul3A_11 : i32
    %run_scoped3A = arith.constant 0 : i32
    %run_scoped3A_13 = arith.constant 0 : i32
    "tpu.region"() ({
      %run_scoped3A_61 = tpu.sem_alloc : memref<!tpu.dma_semaphore, #tpu.memory_space<semaphore_mem>>
      %dma_start3A = arith.constant 0 : i32
      %dma_start3A_62 = tpu.memref_slice %arg6[%run_scoped3A_13, %dma_start3A] : memref<4x1000xi32, #tpu.memory_space<vmem>> -> memref<1x1000xi32, #tpu.memory_space<vmem>>
      %dma_start3A_63 = tpu.memref_squeeze %dma_start3A_62 : memref<1x1000xi32, #tpu.memory_space<vmem>> -> memref<1000xi32, #tpu.memory_space<vmem>>
      %dma_start3A_64 = tpu.memref_slice %arg3[%run_scoped3A, %mul3A_12] : memref<2x6400000xi32, #tpu.memory_space<hbm>> -> memref<1x1000xi32, #tpu.memory_space<hbm>>
      %dma_start3A_65 = tpu.memref_squeeze %dma_start3A_64 : memref<1x1000xi32, #tpu.memory_space<hbm>> -> memref<1000xi32, #tpu.memory_space<hbm>>
      %dma_start3A_66 = arith.constant 0 : i32
      %dma_start3A_67 = tpu.memref_slice %arg6[%run_scoped3A_13, %dma_start3A_66] : memref<4x1000xi32, #tpu.memory_space<vmem>> -> memref<1x1000xi32, #tpu.memory_space<vmem>>
      %dma_start3A_68 = tpu.memref_squeeze %dma_start3A_67 : memref<1x1000xi32, #tpu.memory_space<vmem>> -> memref<1000xi32, #tpu.memory_space<vmem>>
      %dma_start3A_69 = tpu.memref_slice %arg3[%run_scoped3A, %mul3A_12] : memref<2x6400000xi32, #tpu.memory_space<hbm>> -> memref<1x1000xi32, #tpu.memory_space<hbm>>
      %dma_start3A_70 = tpu.memref_squeeze %dma_start3A_69 : memref<1x1000xi32, #tpu.memory_space<hbm>> -> memref<1000xi32, #tpu.memory_space<hbm>>
      tpu.enqueue_dma source(%dma_start3A_70 : memref<1000xi32, #tpu.memory_space<hbm>>) target(%dma_start3A_68 : memref<1000xi32, #tpu.memory_space<vmem>>) target_semaphore(%run_scoped3A_61 : memref<!tpu.dma_semaphore, #tpu.memory_space<semaphore_mem>>)
      %dma_wait3A_71 = arith.constant 0 : i32
      %dma_wait3A_72 = tpu.memref_slice %arg6[%run_scoped3A_13, %dma_wait3A_71] : memref<4x1000xi32, #tpu.memory_space<vmem>> -> memref<1x1000xi32, #tpu.memory_space<vmem>>
      %dma_wait3A_73 = tpu.memref_squeeze %dma_wait3A_72 : memref<1x1000xi32, #tpu.memory_space<vmem>> -> memref<1000xi32, #tpu.memory_space<vmem>>
      %dma_wait3A_74 = tpu.memref_slice %arg3[%run_scoped3A, %mul3A_12] : memref<2x6400000xi32, #tpu.memory_space<hbm>> -> memref<1x1000xi32, #tpu.memory_space<hbm>>
      %dma_wait3A_75 = tpu.memref_squeeze %dma_wait3A_74 : memref<1x1000xi32, #tpu.memory_space<hbm>> -> memref<1000xi32, #tpu.memory_space<hbm>>
      %dma_wait3A_76 = arith.constant 0 : i32
      %dma_wait3A_77 = tpu.memref_slice %arg6[%run_scoped3A_13, %dma_wait3A_76] : memref<4x1000xi32, #tpu.memory_space<vmem>> -> memref<1x1000xi32, #tpu.memory_space<vmem>>
      %dma_wait3A_78 = tpu.memref_squeeze %dma_wait3A_77 : memref<1x1000xi32, #tpu.memory_space<vmem>> -> memref<1000xi32, #tpu.memory_space<vmem>>
      %dma_wait3A_79 = tpu.memref_slice %arg3[%run_scoped3A, %mul3A_12] : memref<2x6400000xi32, #tpu.memory_space<hbm>> -> memref<1x1000xi32, #tpu.memory_space<hbm>>
      %dma_wait3A_80 = tpu.memref_squeeze %dma_wait3A_79 : memref<1x1000xi32, #tpu.memory_space<hbm>> -> memref<1000xi32, #tpu.memory_space<hbm>>
      tpu.wait_dma2 semaphore(%run_scoped3A_61 : memref<!tpu.dma_semaphore, #tpu.memory_space<semaphore_mem>>) src(%dma_wait3A_80 : memref<1000xi32, #tpu.memory_space<hbm>>) dst(%dma_wait3A_78 : memref<1000xi32, #tpu.memory_space<vmem>>)
      tpu.yield
    }) : () -> ()
    %run_scoped3A_14 = arith.constant 1 : i32
    %run_scoped3A_15 = arith.constant 0 : i32
    "tpu.region"() ({
      %run_scoped3A_61 = tpu.sem_alloc : memref<!tpu.dma_semaphore, #tpu.memory_space<semaphore_mem>>
      %dma_start3A = arith.constant 0 : i32
      %dma_start3A_62 = tpu.memref_slice %arg7[%run_scoped3A_15, %dma_start3A] : memref<4x1000xi32, #tpu.memory_space<vmem>> -> memref<1x1000xi32, #tpu.memory_space<vmem>>
      %dma_start3A_63 = tpu.memref_squeeze %dma_start3A_62 : memref<1x1000xi32, #tpu.memory_space<vmem>> -> memref<1000xi32, #tpu.memory_space<vmem>>
      %dma_start3A_64 = tpu.memref_slice %arg3[%run_scoped3A_14, %mul3A_12] : memref<2x6400000xi32, #tpu.memory_space<hbm>> -> memref<1x1000xi32, #tpu.memory_space<hbm>>
      %dma_start3A_65 = tpu.memref_squeeze %dma_start3A_64 : memref<1x1000xi32, #tpu.memory_space<hbm>> -> memref<1000xi32, #tpu.memory_space<hbm>>
      %dma_start3A_66 = arith.constant 0 : i32
      %dma_start3A_67 = tpu.memref_slice %arg7[%run_scoped3A_15, %dma_start3A_66] : memref<4x1000xi32, #tpu.memory_space<vmem>> -> memref<1x1000xi32, #tpu.memory_space<vmem>>
      %dma_start3A_68 = tpu.memref_squeeze %dma_start3A_67 : memref<1x1000xi32, #tpu.memory_space<vmem>> -> memref<1000xi32, #tpu.memory_space<vmem>>
      %dma_start3A_69 = tpu.memref_slice %arg3[%run_scoped3A_14, %mul3A_12] : memref<2x6400000xi32, #tpu.memory_space<hbm>> -> memref<1x1000xi32, #tpu.memory_space<hbm>>
      %dma_start3A_70 = tpu.memref_squeeze %dma_start3A_69 : memref<1x1000xi32, #tpu.memory_space<hbm>> -> memref<1000xi32, #tpu.memory_space<hbm>>
      tpu.enqueue_dma source(%dma_start3A_70 : memref<1000xi32, #tpu.memory_space<hbm>>) target(%dma_start3A_68 : memref<1000xi32, #tpu.memory_space<vmem>>) target_semaphore(%run_scoped3A_61 : memref<!tpu.dma_semaphore, #tpu.memory_space<semaphore_mem>>)
      %dma_wait3A_71 = arith.constant 0 : i32
      %dma_wait3A_72 = tpu.memref_slice %arg7[%run_scoped3A_15, %dma_wait3A_71] : memref<4x1000xi32, #tpu.memory_space<vmem>> -> memref<1x1000xi32, #tpu.memory_space<vmem>>
      %dma_wait3A_73 = tpu.memref_squeeze %dma_wait3A_72 : memref<1x1000xi32, #tpu.memory_space<vmem>> -> memref<1000xi32, #tpu.memory_space<vmem>>
      %dma_wait3A_74 = tpu.memref_slice %arg3[%run_scoped3A_14, %mul3A_12] : memref<2x6400000xi32, #tpu.memory_space<hbm>> -> memref<1x1000xi32, #tpu.memory_space<hbm>>
      %dma_wait3A_75 = tpu.memref_squeeze %dma_wait3A_74 : memref<1x1000xi32, #tpu.memory_space<hbm>> -> memref<1000xi32, #tpu.memory_space<hbm>>
      %dma_wait3A_76 = arith.constant 0 : i32
      %dma_wait3A_77 = tpu.memref_slice %arg7[%run_scoped3A_15, %dma_wait3A_76] : memref<4x1000xi32, #tpu.memory_space<vmem>> -> memref<1x1000xi32, #tpu.memory_space<vmem>>
      %dma_wait3A_78 = tpu.memref_squeeze %dma_wait3A_77 : memref<1x1000xi32, #tpu.memory_space<vmem>> -> memref<1000xi32, #tpu.memory_space<vmem>>
      %dma_wait3A_79 = tpu.memref_slice %arg3[%run_scoped3A_14, %mul3A_12] : memref<2x6400000xi32, #tpu.memory_space<hbm>> -> memref<1x1000xi32, #tpu.memory_space<hbm>>
      %dma_wait3A_80 = tpu.memref_squeeze %dma_wait3A_79 : memref<1x1000xi32, #tpu.memory_space<hbm>> -> memref<1000xi32, #tpu.memory_space<hbm>>
      tpu.wait_dma2 semaphore(%run_scoped3A_61 : memref<!tpu.dma_semaphore, #tpu.memory_space<semaphore_mem>>) src(%dma_wait3A_80 : memref<1000xi32, #tpu.memory_space<hbm>>) dst(%dma_wait3A_78 : memref<1000xi32, #tpu.memory_space<vmem>>)
      tpu.yield
    }) : () -> ()
    %scan3A = arith.constant 0 : i32
    %scan3A_16 = arith.constant 0 : i32
    %scan3A_17 = arith.constant 50 : i32
    %scan3A_18 = arith.addi %scan3A_16, %scan3A_17 : i32
    %scan3A_19 = arith.constant 1 : i32
    scf.for %scan3A_61 = %scan3A_16 to %scan3A_18 step %scan3A_19  : i32 {
      %mul3A_62 = arith.constant 4000 : i32
      %mul3A_63 = arith.muli %scan3A_61, %mul3A_62 : i32
      %add3A_64 = arith.addi %mul3A_12, %mul3A_63 : i32
      %add3A_65 = arith.constant 1000 : i32
      %add3A_66 = arith.addi %add3A_64, %add3A_65 : i32
      %min3A = arith.constant 6399000 : i32
      %min3A_67 = arith.minsi %add3A_66, %min3A : i32
      %dma_start3A = arith.constant 0 : i32
      %dma_start3A_68 = arith.constant 1 : i32
      %dma_start3A_69 = arith.constant 0 : i32
      %dma_start3A_70 = tpu.memref_slice %arg6[%dma_start3A_68, %dma_start3A_69] : memref<4x1000xi32, #tpu.memory_space<vmem>> -> memref<1x1000xi32, #tpu.memory_space<vmem>>
      %dma_start3A_71 = tpu.memref_squeeze %dma_start3A_70 : memref<1x1000xi32, #tpu.memory_space<vmem>> -> memref<1000xi32, #tpu.memory_space<vmem>>
      %dma_start3A_72 = tpu.memref_slice %arg3[%dma_start3A, %min3A_67] : memref<2x6400000xi32, #tpu.memory_space<hbm>> -> memref<1x1000xi32, #tpu.memory_space<hbm>>
      %dma_start3A_73 = tpu.memref_squeeze %dma_start3A_72 : memref<1x1000xi32, #tpu.memory_space<hbm>> -> memref<1000xi32, #tpu.memory_space<hbm>>
      %dma_start3A_74 = arith.constant 0 : i32
      %dma_start3A_75 = tpu.memref_slice %arg6[%dma_start3A_68, %dma_start3A_74] : memref<4x1000xi32, #tpu.memory_space<vmem>> -> memref<1x1000xi32, #tpu.memory_space<vmem>>
      %dma_start3A_76 = tpu.memref_squeeze %dma_start3A_75 : memref<1x1000xi32, #tpu.memory_space<vmem>> -> memref<1000xi32, #tpu.memory_space<vmem>>
      %dma_start3A_77 = tpu.memref_slice %arg3[%dma_start3A, %min3A_67] : memref<2x6400000xi32, #tpu.memory_space<hbm>> -> memref<1x1000xi32, #tpu.memory_space<hbm>>
      %dma_start3A_78 = tpu.memref_squeeze %dma_start3A_77 : memref<1x1000xi32, #tpu.memory_space<hbm>> -> memref<1000xi32, #tpu.memory_space<hbm>>
      tpu.enqueue_dma source(%dma_start3A_78 : memref<1000xi32, #tpu.memory_space<hbm>>) target(%dma_start3A_76 : memref<1000xi32, #tpu.memory_space<vmem>>) target_semaphore(%arg12 : memref<!tpu.dma_semaphore, #tpu.memory_space<semaphore_mem>>)
      %dma_start3A_79 = arith.constant 1 : i32
      %dma_start3A_80 = arith.constant 1 : i32
      %dma_start3A_81 = arith.constant 0 : i32
      %dma_start3A_82 = tpu.memref_slice %arg7[%dma_start3A_80, %dma_start3A_81] : memref<4x1000xi32, #tpu.memory_space<vmem>> -> memref<1x1000xi32, #tpu.memory_space<vmem>>
      %dma_start3A_83 = tpu.memref_squeeze %dma_start3A_82 : memref<1x1000xi32, #tpu.memory_space<vmem>> -> memref<1000xi32, #tpu.memory_space<vmem>>
      %dma_start3A_84 = tpu.memref_slice %arg3[%dma_start3A_79, %min3A_67] : memref<2x6400000xi32, #tpu.memory_space<hbm>> -> memref<1x1000xi32, #tpu.memory_space<hbm>>
      %dma_start3A_85 = tpu.memref_squeeze %dma_start3A_84 : memref<1x1000xi32, #tpu.memory_space<hbm>> -> memref<1000xi32, #tpu.memory_space<hbm>>
      %dma_start3A_86 = arith.constant 0 : i32
      %dma_start3A_87 = tpu.memref_slice %arg7[%dma_start3A_80, %dma_start3A_86] : memref<4x1000xi32, #tpu.memory_space<vmem>> -> memref<1x1000xi32, #tpu.memory_space<vmem>>
      %dma_start3A_88 = tpu.memref_squeeze %dma_start3A_87 : memref<1x1000xi32, #tpu.memory_space<vmem>> -> memref<1000xi32, #tpu.memory_space<vmem>>
      %dma_start3A_89 = tpu.memref_slice %arg3[%dma_start3A_79, %min3A_67] : memref<2x6400000xi32, #tpu.memory_space<hbm>> -> memref<1x1000xi32, #tpu.memory_space<hbm>>
      %dma_start3A_90 = tpu.memref_squeeze %dma_start3A_89 : memref<1x1000xi32, #tpu.memory_space<hbm>> -> memref<1000xi32, #tpu.memory_space<hbm>>
      tpu.enqueue_dma source(%dma_start3A_90 : memref<1000xi32, #tpu.memory_space<hbm>>) target(%dma_start3A_88 : memref<1000xi32, #tpu.memory_space<vmem>>) target_semaphore(%arg12 : memref<!tpu.dma_semaphore, #tpu.memory_space<semaphore_mem>>)
      %gt3A = arith.constant 0 : i32
      %gt3A_91 = arith.cmpi sgt, %scan3A_61, %gt3A : i32
      %convert_element_type3A_92 = arith.extui %gt3A_91 : i1 to i32
      %cond3A_93 = arith.constant 0 : i32
      %cond3A_94 = arith.cmpi ne, %convert_element_type3A_92, %cond3A_93 : i32
      scf.if %cond3A_94 {
        %dma_wait3A_454 = arith.constant 0 : i32
        %dma_wait3A_455 = arith.constant 0 : i32
        %dma_wait3A_456 = arith.constant 0 : i32
        %dma_wait3A_457 = tpu.memref_slice %arg8[%dma_wait3A_454, %dma_wait3A_455, %dma_wait3A_456] : memref<2x1000x8xf32, #tpu.memory_space<vmem>> -> memref<1x1000x8xf32, #tpu.memory_space<vmem>>
        %dma_wait3A_458 = tpu.memref_squeeze %dma_wait3A_457 : memref<1x1000x8xf32, #tpu.memory_space<vmem>> -> memref<1000x8xf32, #tpu.memory_space<vmem>>
        %dma_wait3A_459 = arith.constant 0 : i32
        %dma_wait3A_460 = arith.constant 0 : i32
        %dma_wait3A_461 = tpu.memref_slice %arg2[%dma_wait3A_459, %dma_wait3A_460] : memref<100000x8xf32, #tpu.memory_space<hbm>> -> memref<1000x8xf32, #tpu.memory_space<hbm>>
        %dma_wait3A_462 = arith.constant 0 : i32
        %dma_wait3A_463 = arith.constant 0 : i32
        %dma_wait3A_464 = tpu.memref_slice %arg8[%dma_wait3A_454, %dma_wait3A_462, %dma_wait3A_463] : memref<2x1000x8xf32, #tpu.memory_space<vmem>> -> memref<1x1000x8xf32, #tpu.memory_space<vmem>>
        %dma_wait3A_465 = tpu.memref_squeeze %dma_wait3A_464 : memref<1x1000x8xf32, #tpu.memory_space<vmem>> -> memref<1000x8xf32, #tpu.memory_space<vmem>>
        %dma_wait3A_466 = arith.constant 0 : i32
        %dma_wait3A_467 = arith.constant 0 : i32
        %dma_wait3A_468 = tpu.memref_slice %arg2[%dma_wait3A_466, %dma_wait3A_467] : memref<100000x8xf32, #tpu.memory_space<hbm>> -> memref<1000x8xf32, #tpu.memory_space<hbm>>
        tpu.wait_dma2 semaphore(%arg13 : memref<!tpu.dma_semaphore, #tpu.memory_space<semaphore_mem>>) src(%dma_wait3A_468 : memref<1000x8xf32, #tpu.memory_space<hbm>>) dst(%dma_wait3A_465 : memref<1000x8xf32, #tpu.memory_space<vmem>>)
      } else {
      }
      %dma_start3A_95 = arith.constant 0 : i32
      %dma_start3A_96 = arith.constant 0 : i32
      %dma_start3A_97 = arith.constant 0 : i32
      %dma_start3A_98 = arith.constant 0 : i32
      %dma_start3A_99 = tpu.memref_slice %arg8[%dma_start3A_96, %dma_start3A_97, %dma_start3A_98] : memref<2x1000x8xf32, #tpu.memory_space<vmem>> -> memref<1x1000x8xf32, #tpu.memory_space<vmem>>
      %dma_start3A_100 = tpu.memref_squeeze %dma_start3A_99 : memref<1x1000x8xf32, #tpu.memory_space<vmem>> -> memref<1000x8xf32, #tpu.memory_space<vmem>>
      %dma_start3A_101 = arith.constant 0 : i32
      %dma_start3A_102 = tpu.memref_slice %arg6[%dma_start3A_95, %dma_start3A_101] : memref<4x1000xi32, #tpu.memory_space<vmem>> -> memref<1x1000xi32, #tpu.memory_space<vmem>>
      %dma_start3A_103 = tpu.memref_squeeze %dma_start3A_102 : memref<1x1000xi32, #tpu.memory_space<vmem>> -> memref<1000xi32, #tpu.memory_space<vmem>>
      %dma_start3A_104 = arith.constant 0 : i32
      %dma_start3A_105 = arith.constant 0 : i32
      %dma_start3A_106 = tpu.memref_slice %arg9[%dma_start3A_104, %dma_start3A_105] : memref<100000x8xf32, #tpu.memory_space<vmem_shared>> -> memref<100000x8xf32, #tpu.memory_space<vmem_shared>>
      tpu.enqueue_indirect_dma source(%dma_start3A_106 : memref<100000x8xf32, #tpu.memory_space<vmem_shared>>) target(%dma_start3A_100 : memref<1000x8xf32, #tpu.memory_space<vmem>>) offsets(%dma_start3A_103 : memref<1000xi32, #tpu.memory_space<vmem>>) semaphore(%arg11 : memref<!tpu.dma_semaphore, #tpu.memory_space<semaphore_mem>>)
      %dma_wait3A_107 = arith.constant 0 : i32
      %dma_wait3A_108 = arith.constant 0 : i32
      %dma_wait3A_109 = arith.constant 0 : i32
      %dma_wait3A_110 = arith.constant 0 : i32
      %dma_wait3A_111 = tpu.memref_slice %arg8[%dma_wait3A_108, %dma_wait3A_109, %dma_wait3A_110] : memref<2x1000x8xf32, #tpu.memory_space<vmem>> -> memref<1x1000x8xf32, #tpu.memory_space<vmem>>
      %dma_wait3A_112 = tpu.memref_squeeze %dma_wait3A_111 : memref<1x1000x8xf32, #tpu.memory_space<vmem>> -> memref<1000x8xf32, #tpu.memory_space<vmem>>
      %dma_wait3A_113 = arith.constant 0 : i32
      %dma_wait3A_114 = tpu.memref_slice %arg6[%dma_wait3A_107, %dma_wait3A_113] : memref<4x1000xi32, #tpu.memory_space<vmem>> -> memref<1x1000xi32, #tpu.memory_space<vmem>>
      %dma_wait3A_115 = tpu.memref_squeeze %dma_wait3A_114 : memref<1x1000xi32, #tpu.memory_space<vmem>> -> memref<1000xi32, #tpu.memory_space<vmem>>
      %dma_wait3A_116 = arith.constant 0 : i32
      %dma_wait3A_117 = arith.constant 0 : i32
      %dma_wait3A_118 = tpu.memref_slice %arg9[%dma_wait3A_116, %dma_wait3A_117] : memref<100000x8xf32, #tpu.memory_space<vmem_shared>> -> memref<100000x8xf32, #tpu.memory_space<vmem_shared>>
      tpu.wait_indirect_dma semaphore(%arg11 : memref<!tpu.dma_semaphore, #tpu.memory_space<semaphore_mem>>) src(%dma_wait3A_118 : memref<100000x8xf32, #tpu.memory_space<vmem_shared>>) dst(%dma_wait3A_112 : memref<1000x8xf32, #tpu.memory_space<vmem>>)
      %dma_start3A_119 = arith.constant 0 : i32
      %dma_start3A_120 = arith.constant 0 : i32
      %dma_start3A_121 = arith.constant 0 : i32
      %dma_start3A_122 = arith.constant 0 : i32
      %dma_start3A_123 = tpu.memref_slice %arg8[%dma_start3A_119, %dma_start3A_121, %dma_start3A_122] : memref<2x1000x8xf32, #tpu.memory_space<vmem>> -> memref<1x1000x8xf32, #tpu.memory_space<vmem>>
      %dma_start3A_124 = tpu.memref_squeeze %dma_start3A_123 : memref<1x1000x8xf32, #tpu.memory_space<vmem>> -> memref<1000x8xf32, #tpu.memory_space<vmem>>
      %dma_start3A_125 = arith.constant 0 : i32
      %dma_start3A_126 = tpu.memref_slice %arg7[%dma_start3A_120, %dma_start3A_125] : memref<4x1000xi32, #tpu.memory_space<vmem>> -> memref<1x1000xi32, #tpu.memory_space<vmem>>
      %dma_start3A_127 = tpu.memref_squeeze %dma_start3A_126 : memref<1x1000xi32, #tpu.memory_space<vmem>> -> memref<1000xi32, #tpu.memory_space<vmem>>
      %dma_start3A_128 = arith.constant 0 : i32
      %dma_start3A_129 = arith.constant 0 : i32
      %dma_start3A_130 = tpu.memref_slice %arg10[%dma_start3A_128, %dma_start3A_129] : memref<100096x8xf32, #tpu.memory_space<vmem_shared>> -> memref<100096x8xf32, #tpu.memory_space<vmem_shared>>
      tpu.enqueue_indirect_dma source(%dma_start3A_124 : memref<1000x8xf32, #tpu.memory_space<vmem>>) target(%dma_start3A_130 : memref<100096x8xf32, #tpu.memory_space<vmem_shared>>) offsets(%dma_start3A_127 : memref<1000xi32, #tpu.memory_space<vmem>>) semaphore(%arg13 : memref<!tpu.dma_semaphore, #tpu.memory_space<semaphore_mem>>) {add = true}
      %dma_wait3A_131 = arith.constant 0 : i32
      %dma_wait3A_132 = arith.constant 1 : i32
      %dma_wait3A_133 = arith.constant 0 : i32
      %dma_wait3A_134 = tpu.memref_slice %arg6[%dma_wait3A_132, %dma_wait3A_133] : memref<4x1000xi32, #tpu.memory_space<vmem>> -> memref<1x1000xi32, #tpu.memory_space<vmem>>
      %dma_wait3A_135 = tpu.memref_squeeze %dma_wait3A_134 : memref<1x1000xi32, #tpu.memory_space<vmem>> -> memref<1000xi32, #tpu.memory_space<vmem>>
      %dma_wait3A_136 = tpu.memref_slice %arg3[%dma_wait3A_131, %min3A_67] : memref<2x6400000xi32, #tpu.memory_space<hbm>> -> memref<1x1000xi32, #tpu.memory_space<hbm>>
      %dma_wait3A_137 = tpu.memref_squeeze %dma_wait3A_136 : memref<1x1000xi32, #tpu.memory_space<hbm>> -> memref<1000xi32, #tpu.memory_space<hbm>>
      %dma_wait3A_138 = arith.constant 0 : i32
      %dma_wait3A_139 = tpu.memref_slice %arg6[%dma_wait3A_132, %dma_wait3A_138] : memref<4x1000xi32, #tpu.memory_space<vmem>> -> memref<1x1000xi32, #tpu.memory_space<vmem>>
      %dma_wait3A_140 = tpu.memref_squeeze %dma_wait3A_139 : memref<1x1000xi32, #tpu.memory_space<vmem>> -> memref<1000xi32, #tpu.memory_space<vmem>>
      %dma_wait3A_141 = tpu.memref_slice %arg3[%dma_wait3A_131, %min3A_67] : memref<2x6400000xi32, #tpu.memory_space<hbm>> -> memref<1x1000xi32, #tpu.memory_space<hbm>>
      %dma_wait3A_142 = tpu.memref_squeeze %dma_wait3A_141 : memref<1x1000xi32, #tpu.memory_space<hbm>> -> memref<1000xi32, #tpu.memory_space<hbm>>
      tpu.wait_dma2 semaphore(%arg12 : memref<!tpu.dma_semaphore, #tpu.memory_space<semaphore_mem>>) src(%dma_wait3A_142 : memref<1000xi32, #tpu.memory_space<hbm>>) dst(%dma_wait3A_140 : memref<1000xi32, #tpu.memory_space<vmem>>)
      %dma_wait3A_143 = arith.constant 1 : i32
      %dma_wait3A_144 = arith.constant 1 : i32
      %dma_wait3A_145 = arith.constant 0 : i32
      %dma_wait3A_146 = tpu.memref_slice %arg7[%dma_wait3A_144, %dma_wait3A_145] : memref<4x1000xi32, #tpu.memory_space<vmem>> -> memref<1x1000xi32, #tpu.memory_space<vmem>>
      %dma_wait3A_147 = tpu.memref_squeeze %dma_wait3A_146 : memref<1x1000xi32, #tpu.memory_space<vmem>> -> memref<1000xi32, #tpu.memory_space<vmem>>
      %dma_wait3A_148 = tpu.memref_slice %arg3[%dma_wait3A_143, %min3A_67] : memref<2x6400000xi32, #tpu.memory_space<hbm>> -> memref<1x1000xi32, #tpu.memory_space<hbm>>
      %dma_wait3A_149 = tpu.memref_squeeze %dma_wait3A_148 : memref<1x1000xi32, #tpu.memory_space<hbm>> -> memref<1000xi32, #tpu.memory_space<hbm>>
      %dma_wait3A_150 = arith.constant 0 : i32
      %dma_wait3A_151 = tpu.memref_slice %arg7[%dma_wait3A_144, %dma_wait3A_150] : memref<4x1000xi32, #tpu.memory_space<vmem>> -> memref<1x1000xi32, #tpu.memory_space<vmem>>
      %dma_wait3A_152 = tpu.memref_squeeze %dma_wait3A_151 : memref<1x1000xi32, #tpu.memory_space<vmem>> -> memref<1000xi32, #tpu.memory_space<vmem>>
      %dma_wait3A_153 = tpu.memref_slice %arg3[%dma_wait3A_143, %min3A_67] : memref<2x6400000xi32, #tpu.memory_space<hbm>> -> memref<1x1000xi32, #tpu.memory_space<hbm>>
      %dma_wait3A_154 = tpu.memref_squeeze %dma_wait3A_153 : memref<1x1000xi32, #tpu.memory_space<hbm>> -> memref<1000xi32, #tpu.memory_space<hbm>>
      tpu.wait_dma2 semaphore(%arg12 : memref<!tpu.dma_semaphore, #tpu.memory_space<semaphore_mem>>) src(%dma_wait3A_154 : memref<1000xi32, #tpu.memory_space<hbm>>) dst(%dma_wait3A_152 : memref<1000xi32, #tpu.memory_space<vmem>>)
      %add3A_155 = arith.constant 2000 : i32
      %add3A_156 = arith.addi %add3A_64, %add3A_155 : i32
      %min3A_157 = arith.constant 6399000 : i32
      %min3A_158 = arith.minsi %add3A_156, %min3A_157 : i32
      %dma_start3A_159 = arith.constant 0 : i32
      %dma_start3A_160 = arith.constant 2 : i32
      %dma_start3A_161 = arith.constant 0 : i32
      %dma_start3A_162 = tpu.memref_slice %arg6[%dma_start3A_160, %dma_start3A_161] : memref<4x1000xi32, #tpu.memory_space<vmem>> -> memref<1x1000xi32, #tpu.memory_space<vmem>>
      %dma_start3A_163 = tpu.memref_squeeze %dma_start3A_162 : memref<1x1000xi32, #tpu.memory_space<vmem>> -> memref<1000xi32, #tpu.memory_space<vmem>>
      %dma_start3A_164 = tpu.memref_slice %arg3[%dma_start3A_159, %min3A_158] : memref<2x6400000xi32, #tpu.memory_space<hbm>> -> memref<1x1000xi32, #tpu.memory_space<hbm>>
      %dma_start3A_165 = tpu.memref_squeeze %dma_start3A_164 : memref<1x1000xi32, #tpu.memory_space<hbm>> -> memref<1000xi32, #tpu.memory_space<hbm>>
      %dma_start3A_166 = arith.constant 0 : i32
      %dma_start3A_167 = tpu.memref_slice %arg6[%dma_start3A_160, %dma_start3A_166] : memref<4x1000xi32, #tpu.memory_space<vmem>> -> memref<1x1000xi32, #tpu.memory_space<vmem>>
      %dma_start3A_168 = tpu.memref_squeeze %dma_start3A_167 : memref<1x1000xi32, #tpu.memory_space<vmem>> -> memref<1000xi32, #tpu.memory_space<vmem>>
      %dma_start3A_169 = tpu.memref_slice %arg3[%dma_start3A_159, %min3A_158] : memref<2x6400000xi32, #tpu.memory_space<hbm>> -> memref<1x1000xi32, #tpu.memory_space<hbm>>
      %dma_start3A_170 = tpu.memref_squeeze %dma_start3A_169 : memref<1x1000xi32, #tpu.memory_space<hbm>> -> memref<1000xi32, #tpu.memory_space<hbm>>
      tpu.enqueue_dma source(%dma_start3A_170 : memref<1000xi32, #tpu.memory_space<hbm>>) target(%dma_start3A_168 : memref<1000xi32, #tpu.memory_space<vmem>>) target_semaphore(%arg12 : memref<!tpu.dma_semaphore, #tpu.memory_space<semaphore_mem>>)
      %dma_start3A_171 = arith.constant 1 : i32
      %dma_start3A_172 = arith.constant 2 : i32
      %dma_start3A_173 = arith.constant 0 : i32
      %dma_start3A_174 = tpu.memref_slice %arg7[%dma_start3A_172, %dma_start3A_173] : memref<4x1000xi32, #tpu.memory_space<vmem>> -> memref<1x1000xi32, #tpu.memory_space<vmem>>
      %dma_start3A_175 = tpu.memref_squeeze %dma_start3A_174 : memref<1x1000xi32, #tpu.memory_space<vmem>> -> memref<1000xi32, #tpu.memory_space<vmem>>
      %dma_start3A_176 = tpu.memref_slice %arg3[%dma_start3A_171, %min3A_158] : memref<2x6400000xi32, #tpu.memory_space<hbm>> -> memref<1x1000xi32, #tpu.memory_space<hbm>>
      %dma_start3A_177 = tpu.memref_squeeze %dma_start3A_176 : memref<1x1000xi32, #tpu.memory_space<hbm>> -> memref<1000xi32, #tpu.memory_space<hbm>>
      %dma_start3A_178 = arith.constant 0 : i32
      %dma_start3A_179 = tpu.memref_slice %arg7[%dma_start3A_172, %dma_start3A_178] : memref<4x1000xi32, #tpu.memory_space<vmem>> -> memref<1x1000xi32, #tpu.memory_space<vmem>>
      %dma_start3A_180 = tpu.memref_squeeze %dma_start3A_179 : memref<1x1000xi32, #tpu.memory_space<vmem>> -> memref<1000xi32, #tpu.memory_space<vmem>>
      %dma_start3A_181 = tpu.memref_slice %arg3[%dma_start3A_171, %min3A_158] : memref<2x6400000xi32, #tpu.memory_space<hbm>> -> memref<1x1000xi32, #tpu.memory_space<hbm>>
      %dma_start3A_182 = tpu.memref_squeeze %dma_start3A_181 : memref<1x1000xi32, #tpu.memory_space<hbm>> -> memref<1000xi32, #tpu.memory_space<hbm>>
      tpu.enqueue_dma source(%dma_start3A_182 : memref<1000xi32, #tpu.memory_space<hbm>>) target(%dma_start3A_180 : memref<1000xi32, #tpu.memory_space<vmem>>) target_semaphore(%arg12 : memref<!tpu.dma_semaphore, #tpu.memory_space<semaphore_mem>>)
      %gt3A_183 = arith.constant 0 : i32
      %gt3A_184 = arith.cmpi sgt, %scan3A_61, %gt3A_183 : i32
      %convert_element_type3A_185 = arith.extui %gt3A_184 : i1 to i32
      %cond3A_186 = arith.constant 0 : i32
      %cond3A_187 = arith.cmpi ne, %convert_element_type3A_185, %cond3A_186 : i32
      scf.if %cond3A_187 {
        %dma_wait3A_454 = arith.constant 1 : i32
        %dma_wait3A_455 = arith.constant 0 : i32
        %dma_wait3A_456 = arith.constant 0 : i32
        %dma_wait3A_457 = tpu.memref_slice %arg8[%dma_wait3A_454, %dma_wait3A_455, %dma_wait3A_456] : memref<2x1000x8xf32, #tpu.memory_space<vmem>> -> memref<1x1000x8xf32, #tpu.memory_space<vmem>>
        %dma_wait3A_458 = tpu.memref_squeeze %dma_wait3A_457 : memref<1x1000x8xf32, #tpu.memory_space<vmem>> -> memref<1000x8xf32, #tpu.memory_space<vmem>>
        %dma_wait3A_459 = arith.constant 0 : i32
        %dma_wait3A_460 = arith.constant 0 : i32
        %dma_wait3A_461 = tpu.memref_slice %arg2[%dma_wait3A_459, %dma_wait3A_460] : memref<100000x8xf32, #tpu.memory_space<hbm>> -> memref<1000x8xf32, #tpu.memory_space<hbm>>
        %dma_wait3A_462 = arith.constant 0 : i32
        %dma_wait3A_463 = arith.constant 0 : i32
        %dma_wait3A_464 = tpu.memref_slice %arg8[%dma_wait3A_454, %dma_wait3A_462, %dma_wait3A_463] : memref<2x1000x8xf32, #tpu.memory_space<vmem>> -> memref<1x1000x8xf32, #tpu.memory_space<vmem>>
        %dma_wait3A_465 = tpu.memref_squeeze %dma_wait3A_464 : memref<1x1000x8xf32, #tpu.memory_space<vmem>> -> memref<1000x8xf32, #tpu.memory_space<vmem>>
        %dma_wait3A_466 = arith.constant 0 : i32
        %dma_wait3A_467 = arith.constant 0 : i32
        %dma_wait3A_468 = tpu.memref_slice %arg2[%dma_wait3A_466, %dma_wait3A_467] : memref<100000x8xf32, #tpu.memory_space<hbm>> -> memref<1000x8xf32, #tpu.memory_space<hbm>>
        tpu.wait_dma2 semaphore(%arg13 : memref<!tpu.dma_semaphore, #tpu.memory_space<semaphore_mem>>) src(%dma_wait3A_468 : memref<1000x8xf32, #tpu.memory_space<hbm>>) dst(%dma_wait3A_465 : memref<1000x8xf32, #tpu.memory_space<vmem>>)
      } else {
      }
      %dma_start3A_188 = arith.constant 1 : i32
      %dma_start3A_189 = arith.constant 1 : i32
      %dma_start3A_190 = arith.constant 0 : i32
      %dma_start3A_191 = arith.constant 0 : i32
      %dma_start3A_192 = tpu.memref_slice %arg8[%dma_start3A_189, %dma_start3A_190, %dma_start3A_191] : memref<2x1000x8xf32, #tpu.memory_space<vmem>> -> memref<1x1000x8xf32, #tpu.memory_space<vmem>>
      %dma_start3A_193 = tpu.memref_squeeze %dma_start3A_192 : memref<1x1000x8xf32, #tpu.memory_space<vmem>> -> memref<1000x8xf32, #tpu.memory_space<vmem>>
      %dma_start3A_194 = arith.constant 0 : i32
      %dma_start3A_195 = tpu.memref_slice %arg6[%dma_start3A_188, %dma_start3A_194] : memref<4x1000xi32, #tpu.memory_space<vmem>> -> memref<1x1000xi32, #tpu.memory_space<vmem>>
      %dma_start3A_196 = tpu.memref_squeeze %dma_start3A_195 : memref<1x1000xi32, #tpu.memory_space<vmem>> -> memref<1000xi32, #tpu.memory_space<vmem>>
      %dma_start3A_197 = arith.constant 0 : i32
      %dma_start3A_198 = arith.constant 0 : i32
      %dma_start3A_199 = tpu.memref_slice %arg9[%dma_start3A_197, %dma_start3A_198] : memref<100000x8xf32, #tpu.memory_space<vmem_shared>> -> memref<100000x8xf32, #tpu.memory_space<vmem_shared>>
      tpu.enqueue_indirect_dma source(%dma_start3A_199 : memref<100000x8xf32, #tpu.memory_space<vmem_shared>>) target(%dma_start3A_193 : memref<1000x8xf32, #tpu.memory_space<vmem>>) offsets(%dma_start3A_196 : memref<1000xi32, #tpu.memory_space<vmem>>) semaphore(%arg11 : memref<!tpu.dma_semaphore, #tpu.memory_space<semaphore_mem>>)
      %dma_wait3A_200 = arith.constant 1 : i32
      %dma_wait3A_201 = arith.constant 1 : i32
      %dma_wait3A_202 = arith.constant 0 : i32
      %dma_wait3A_203 = arith.constant 0 : i32
      %dma_wait3A_204 = tpu.memref_slice %arg8[%dma_wait3A_201, %dma_wait3A_202, %dma_wait3A_203] : memref<2x1000x8xf32, #tpu.memory_space<vmem>> -> memref<1x1000x8xf32, #tpu.memory_space<vmem>>
      %dma_wait3A_205 = tpu.memref_squeeze %dma_wait3A_204 : memref<1x1000x8xf32, #tpu.memory_space<vmem>> -> memref<1000x8xf32, #tpu.memory_space<vmem>>
      %dma_wait3A_206 = arith.constant 0 : i32
      %dma_wait3A_207 = tpu.memref_slice %arg6[%dma_wait3A_200, %dma_wait3A_206] : memref<4x1000xi32, #tpu.memory_space<vmem>> -> memref<1x1000xi32, #tpu.memory_space<vmem>>
      %dma_wait3A_208 = tpu.memref_squeeze %dma_wait3A_207 : memref<1x1000xi32, #tpu.memory_space<vmem>> -> memref<1000xi32, #tpu.memory_space<vmem>>
      %dma_wait3A_209 = arith.constant 0 : i32
      %dma_wait3A_210 = arith.constant 0 : i32
      %dma_wait3A_211 = tpu.memref_slice %arg9[%dma_wait3A_209, %dma_wait3A_210] : memref<100000x8xf32, #tpu.memory_space<vmem_shared>> -> memref<100000x8xf32, #tpu.memory_space<vmem_shared>>
      tpu.wait_indirect_dma semaphore(%arg11 : memref<!tpu.dma_semaphore, #tpu.memory_space<semaphore_mem>>) src(%dma_wait3A_211 : memref<100000x8xf32, #tpu.memory_space<vmem_shared>>) dst(%dma_wait3A_205 : memref<1000x8xf32, #tpu.memory_space<vmem>>)
      %dma_start3A_212 = arith.constant 1 : i32
      %dma_start3A_213 = arith.constant 1 : i32
      %dma_start3A_214 = arith.constant 0 : i32
      %dma_start3A_215 = arith.constant 0 : i32
      %dma_start3A_216 = tpu.memref_slice %arg8[%dma_start3A_212, %dma_start3A_214, %dma_start3A_215] : memref<2x1000x8xf32, #tpu.memory_space<vmem>> -> memref<1x1000x8xf32, #tpu.memory_space<vmem>>
      %dma_start3A_217 = tpu.memref_squeeze %dma_start3A_216 : memref<1x1000x8xf32, #tpu.memory_space<vmem>> -> memref<1000x8xf32, #tpu.memory_space<vmem>>
      %dma_start3A_218 = arith.constant 0 : i32
      %dma_start3A_219 = tpu.memref_slice %arg7[%dma_start3A_213, %dma_start3A_218] : memref<4x1000xi32, #tpu.memory_space<vmem>> -> memref<1x1000xi32, #tpu.memory_space<vmem>>
      %dma_start3A_220 = tpu.memref_squeeze %dma_start3A_219 : memref<1x1000xi32, #tpu.memory_space<vmem>> -> memref<1000xi32, #tpu.memory_space<vmem>>
      %dma_start3A_221 = arith.constant 0 : i32
      %dma_start3A_222 = arith.constant 0 : i32
      %dma_start3A_223 = tpu.memref_slice %arg10[%dma_start3A_221, %dma_start3A_222] : memref<100096x8xf32, #tpu.memory_space<vmem_shared>> -> memref<100096x8xf32, #tpu.memory_space<vmem_shared>>
      tpu.enqueue_indirect_dma source(%dma_start3A_217 : memref<1000x8xf32, #tpu.memory_space<vmem>>) target(%dma_start3A_223 : memref<100096x8xf32, #tpu.memory_space<vmem_shared>>) offsets(%dma_start3A_220 : memref<1000xi32, #tpu.memory_space<vmem>>) semaphore(%arg13 : memref<!tpu.dma_semaphore, #tpu.memory_space<semaphore_mem>>) {add = true}
      %dma_wait3A_224 = arith.constant 0 : i32
      %dma_wait3A_225 = arith.constant 2 : i32
      %dma_wait3A_226 = arith.constant 0 : i32
      %dma_wait3A_227 = tpu.memref_slice %arg6[%dma_wait3A_225, %dma_wait3A_226] : memref<4x1000xi32, #tpu.memory_space<vmem>> -> memref<1x1000xi32, #tpu.memory_space<vmem>>
      %dma_wait3A_228 = tpu.memref_squeeze %dma_wait3A_227 : memref<1x1000xi32, #tpu.memory_space<vmem>> -> memref<1000xi32, #tpu.memory_space<vmem>>
      %dma_wait3A_229 = tpu.memref_slice %arg3[%dma_wait3A_224, %min3A_158] : memref<2x6400000xi32, #tpu.memory_space<hbm>> -> memref<1x1000xi32, #tpu.memory_space<hbm>>
      %dma_wait3A_230 = tpu.memref_squeeze %dma_wait3A_229 : memref<1x1000xi32, #tpu.memory_space<hbm>> -> memref<1000xi32, #tpu.memory_space<hbm>>
      %dma_wait3A_231 = arith.constant 0 : i32
      %dma_wait3A_232 = tpu.memref_slice %arg6[%dma_wait3A_225, %dma_wait3A_231] : memref<4x1000xi32, #tpu.memory_space<vmem>> -> memref<1x1000xi32, #tpu.memory_space<vmem>>
      %dma_wait3A_233 = tpu.memref_squeeze %dma_wait3A_232 : memref<1x1000xi32, #tpu.memory_space<vmem>> -> memref<1000xi32, #tpu.memory_space<vmem>>
      %dma_wait3A_234 = tpu.memref_slice %arg3[%dma_wait3A_224, %min3A_158] : memref<2x6400000xi32, #tpu.memory_space<hbm>> -> memref<1x1000xi32, #tpu.memory_space<hbm>>
      %dma_wait3A_235 = tpu.memref_squeeze %dma_wait3A_234 : memref<1x1000xi32, #tpu.memory_space<hbm>> -> memref<1000xi32, #tpu.memory_space<hbm>>
      tpu.wait_dma2 semaphore(%arg12 : memref<!tpu.dma_semaphore, #tpu.memory_space<semaphore_mem>>) src(%dma_wait3A_235 : memref<1000xi32, #tpu.memory_space<hbm>>) dst(%dma_wait3A_233 : memref<1000xi32, #tpu.memory_space<vmem>>)
      %dma_wait3A_236 = arith.constant 1 : i32
      %dma_wait3A_237 = arith.constant 2 : i32
      %dma_wait3A_238 = arith.constant 0 : i32
      %dma_wait3A_239 = tpu.memref_slice %arg7[%dma_wait3A_237, %dma_wait3A_238] : memref<4x1000xi32, #tpu.memory_space<vmem>> -> memref<1x1000xi32, #tpu.memory_space<vmem>>
      %dma_wait3A_240 = tpu.memref_squeeze %dma_wait3A_239 : memref<1x1000xi32, #tpu.memory_space<vmem>> -> memref<1000xi32, #tpu.memory_space<vmem>>
      %dma_wait3A_241 = tpu.memref_slice %arg3[%dma_wait3A_236, %min3A_158] : memref<2x6400000xi32, #tpu.memory_space<hbm>> -> memref<1x1000xi32, #tpu.memory_space<hbm>>
      %dma_wait3A_242 = tpu.memref_squeeze %dma_wait3A_241 : memref<1x1000xi32, #tpu.memory_space<hbm>> -> memref<1000xi32, #tpu.memory_space<hbm>>
      %dma_wait3A_243 = arith.constant 0 : i32
      %dma_wait3A_244 = tpu.memref_slice %arg7[%dma_wait3A_237, %dma_wait3A_243] : memref<4x1000xi32, #tpu.memory_space<vmem>> -> memref<1x1000xi32, #tpu.memory_space<vmem>>
      %dma_wait3A_245 = tpu.memref_squeeze %dma_wait3A_244 : memref<1x1000xi32, #tpu.memory_space<vmem>> -> memref<1000xi32, #tpu.memory_space<vmem>>
      %dma_wait3A_246 = tpu.memref_slice %arg3[%dma_wait3A_236, %min3A_158] : memref<2x6400000xi32, #tpu.memory_space<hbm>> -> memref<1x1000xi32, #tpu.memory_space<hbm>>
      %dma_wait3A_247 = tpu.memref_squeeze %dma_wait3A_246 : memref<1x1000xi32, #tpu.memory_space<hbm>> -> memref<1000xi32, #tpu.memory_space<hbm>>
      tpu.wait_dma2 semaphore(%arg12 : memref<!tpu.dma_semaphore, #tpu.memory_space<semaphore_mem>>) src(%dma_wait3A_247 : memref<1000xi32, #tpu.memory_space<hbm>>) dst(%dma_wait3A_245 : memref<1000xi32, #tpu.memory_space<vmem>>)
      %add3A_248 = arith.constant 3000 : i32
      %add3A_249 = arith.addi %add3A_64, %add3A_248 : i32
      %min3A_250 = arith.constant 6399000 : i32
      %min3A_251 = arith.minsi %add3A_249, %min3A_250 : i32
      %dma_start3A_252 = arith.constant 0 : i32
      %dma_start3A_253 = arith.constant 3 : i32
      %dma_start3A_254 = arith.constant 0 : i32
      %dma_start3A_255 = tpu.memref_slice %arg6[%dma_start3A_253, %dma_start3A_254] : memref<4x1000xi32, #tpu.memory_space<vmem>> -> memref<1x1000xi32, #tpu.memory_space<vmem>>
      %dma_start3A_256 = tpu.memref_squeeze %dma_start3A_255 : memref<1x1000xi32, #tpu.memory_space<vmem>> -> memref<1000xi32, #tpu.memory_space<vmem>>
      %dma_start3A_257 = tpu.memref_slice %arg3[%dma_start3A_252, %min3A_251] : memref<2x6400000xi32, #tpu.memory_space<hbm>> -> memref<1x1000xi32, #tpu.memory_space<hbm>>
      %dma_start3A_258 = tpu.memref_squeeze %dma_start3A_257 : memref<1x1000xi32, #tpu.memory_space<hbm>> -> memref<1000xi32, #tpu.memory_space<hbm>>
      %dma_start3A_259 = arith.constant 0 : i32
      %dma_start3A_260 = tpu.memref_slice %arg6[%dma_start3A_253, %dma_start3A_259] : memref<4x1000xi32, #tpu.memory_space<vmem>> -> memref<1x1000xi32, #tpu.memory_space<vmem>>
      %dma_start3A_261 = tpu.memref_squeeze %dma_start3A_260 : memref<1x1000xi32, #tpu.memory_space<vmem>> -> memref<1000xi32, #tpu.memory_space<vmem>>
      %dma_start3A_262 = tpu.memref_slice %arg3[%dma_start3A_252, %min3A_251] : memref<2x6400000xi32, #tpu.memory_space<hbm>> -> memref<1x1000xi32, #tpu.memory_space<hbm>>
      %dma_start3A_263 = tpu.memref_squeeze %dma_start3A_262 : memref<1x1000xi32, #tpu.memory_space<hbm>> -> memref<1000xi32, #tpu.memory_space<hbm>>
      tpu.enqueue_dma source(%dma_start3A_263 : memref<1000xi32, #tpu.memory_space<hbm>>) target(%dma_start3A_261 : memref<1000xi32, #tpu.memory_space<vmem>>) target_semaphore(%arg12 : memref<!tpu.dma_semaphore, #tpu.memory_space<semaphore_mem>>)
      %dma_start3A_264 = arith.constant 1 : i32
      %dma_start3A_265 = arith.constant 3 : i32
      %dma_start3A_266 = arith.constant 0 : i32
      %dma_start3A_267 = tpu.memref_slice %arg7[%dma_start3A_265, %dma_start3A_266] : memref<4x1000xi32, #tpu.memory_space<vmem>> -> memref<1x1000xi32, #tpu.memory_space<vmem>>
      %dma_start3A_268 = tpu.memref_squeeze %dma_start3A_267 : memref<1x1000xi32, #tpu.memory_space<vmem>> -> memref<1000xi32, #tpu.memory_space<vmem>>
      %dma_start3A_269 = tpu.memref_slice %arg3[%dma_start3A_264, %min3A_251] : memref<2x6400000xi32, #tpu.memory_space<hbm>> -> memref<1x1000xi32, #tpu.memory_space<hbm>>
      %dma_start3A_270 = tpu.memref_squeeze %dma_start3A_269 : memref<1x1000xi32, #tpu.memory_space<hbm>> -> memref<1000xi32, #tpu.memory_space<hbm>>
      %dma_start3A_271 = arith.constant 0 : i32
      %dma_start3A_272 = tpu.memref_slice %arg7[%dma_start3A_265, %dma_start3A_271] : memref<4x1000xi32, #tpu.memory_space<vmem>> -> memref<1x1000xi32, #tpu.memory_space<vmem>>
      %dma_start3A_273 = tpu.memref_squeeze %dma_start3A_272 : memref<1x1000xi32, #tpu.memory_space<vmem>> -> memref<1000xi32, #tpu.memory_space<vmem>>
      %dma_start3A_274 = tpu.memref_slice %arg3[%dma_start3A_264, %min3A_251] : memref<2x6400000xi32, #tpu.memory_space<hbm>> -> memref<1x1000xi32, #tpu.memory_space<hbm>>
      %dma_start3A_275 = tpu.memref_squeeze %dma_start3A_274 : memref<1x1000xi32, #tpu.memory_space<hbm>> -> memref<1000xi32, #tpu.memory_space<hbm>>
      tpu.enqueue_dma source(%dma_start3A_275 : memref<1000xi32, #tpu.memory_space<hbm>>) target(%dma_start3A_273 : memref<1000xi32, #tpu.memory_space<vmem>>) target_semaphore(%arg12 : memref<!tpu.dma_semaphore, #tpu.memory_space<semaphore_mem>>)
      %dma_wait3A_276 = arith.constant 0 : i32
      %dma_wait3A_277 = arith.constant 0 : i32
      %dma_wait3A_278 = arith.constant 0 : i32
      %dma_wait3A_279 = tpu.memref_slice %arg8[%dma_wait3A_276, %dma_wait3A_277, %dma_wait3A_278] : memref<2x1000x8xf32, #tpu.memory_space<vmem>> -> memref<1x1000x8xf32, #tpu.memory_space<vmem>>
      %dma_wait3A_280 = tpu.memref_squeeze %dma_wait3A_279 : memref<1x1000x8xf32, #tpu.memory_space<vmem>> -> memref<1000x8xf32, #tpu.memory_space<vmem>>
      %dma_wait3A_281 = arith.constant 0 : i32
      %dma_wait3A_282 = arith.constant 0 : i32
      %dma_wait3A_283 = tpu.memref_slice %arg2[%dma_wait3A_281, %dma_wait3A_282] : memref<100000x8xf32, #tpu.memory_space<hbm>> -> memref<1000x8xf32, #tpu.memory_space<hbm>>
      %dma_wait3A_284 = arith.constant 0 : i32
      %dma_wait3A_285 = arith.constant 0 : i32
      %dma_wait3A_286 = tpu.memref_slice %arg8[%dma_wait3A_276, %dma_wait3A_284, %dma_wait3A_285] : memref<2x1000x8xf32, #tpu.memory_space<vmem>> -> memref<1x1000x8xf32, #tpu.memory_space<vmem>>
      %dma_wait3A_287 = tpu.memref_squeeze %dma_wait3A_286 : memref<1x1000x8xf32, #tpu.memory_space<vmem>> -> memref<1000x8xf32, #tpu.memory_space<vmem>>
      %dma_wait3A_288 = arith.constant 0 : i32
      %dma_wait3A_289 = arith.constant 0 : i32
      %dma_wait3A_290 = tpu.memref_slice %arg2[%dma_wait3A_288, %dma_wait3A_289] : memref<100000x8xf32, #tpu.memory_space<hbm>> -> memref<1000x8xf32, #tpu.memory_space<hbm>>
      tpu.wait_dma2 semaphore(%arg13 : memref<!tpu.dma_semaphore, #tpu.memory_space<semaphore_mem>>) src(%dma_wait3A_290 : memref<1000x8xf32, #tpu.memory_space<hbm>>) dst(%dma_wait3A_287 : memref<1000x8xf32, #tpu.memory_space<vmem>>)
      %dma_start3A_291 = arith.constant 2 : i32
      %dma_start3A_292 = arith.constant 0 : i32
      %dma_start3A_293 = arith.constant 0 : i32
      %dma_start3A_294 = arith.constant 0 : i32
      %dma_start3A_295 = tpu.memref_slice %arg8[%dma_start3A_292, %dma_start3A_293, %dma_start3A_294] : memref<2x1000x8xf32, #tpu.memory_space<vmem>> -> memref<1x1000x8xf32, #tpu.memory_space<vmem>>
      %dma_start3A_296 = tpu.memref_squeeze %dma_start3A_295 : memref<1x1000x8xf32, #tpu.memory_space<vmem>> -> memref<1000x8xf32, #tpu.memory_space<vmem>>
      %dma_start3A_297 = arith.constant 0 : i32
      %dma_start3A_298 = tpu.memref_slice %arg6[%dma_start3A_291, %dma_start3A_297] : memref<4x1000xi32, #tpu.memory_space<vmem>> -> memref<1x1000xi32, #tpu.memory_space<vmem>>
      %dma_start3A_299 = tpu.memref_squeeze %dma_start3A_298 : memref<1x1000xi32, #tpu.memory_space<vmem>> -> memref<1000xi32, #tpu.memory_space<vmem>>
      %dma_start3A_300 = arith.constant 0 : i32
      %dma_start3A_301 = arith.constant 0 : i32
      %dma_start3A_302 = tpu.memref_slice %arg9[%dma_start3A_300, %dma_start3A_301] : memref<100000x8xf32, #tpu.memory_space<vmem_shared>> -> memref<100000x8xf32, #tpu.memory_space<vmem_shared>>
      tpu.enqueue_indirect_dma source(%dma_start3A_302 : memref<100000x8xf32, #tpu.memory_space<vmem_shared>>) target(%dma_start3A_296 : memref<1000x8xf32, #tpu.memory_space<vmem>>) offsets(%dma_start3A_299 : memref<1000xi32, #tpu.memory_space<vmem>>) semaphore(%arg11 : memref<!tpu.dma_semaphore, #tpu.memory_space<semaphore_mem>>)
      %dma_wait3A_303 = arith.constant 2 : i32
      %dma_wait3A_304 = arith.constant 0 : i32
      %dma_wait3A_305 = arith.constant 0 : i32
      %dma_wait3A_306 = arith.constant 0 : i32
      %dma_wait3A_307 = tpu.memref_slice %arg8[%dma_wait3A_304, %dma_wait3A_305, %dma_wait3A_306] : memref<2x1000x8xf32, #tpu.memory_space<vmem>> -> memref<1x1000x8xf32, #tpu.memory_space<vmem>>
      %dma_wait3A_308 = tpu.memref_squeeze %dma_wait3A_307 : memref<1x1000x8xf32, #tpu.memory_space<vmem>> -> memref<1000x8xf32, #tpu.memory_space<vmem>>
      %dma_wait3A_309 = arith.constant 0 : i32
      %dma_wait3A_310 = tpu.memref_slice %arg6[%dma_wait3A_303, %dma_wait3A_309] : memref<4x1000xi32, #tpu.memory_space<vmem>> -> memref<1x1000xi32, #tpu.memory_space<vmem>>
      %dma_wait3A_311 = tpu.memref_squeeze %dma_wait3A_310 : memref<1x1000xi32, #tpu.memory_space<vmem>> -> memref<1000xi32, #tpu.memory_space<vmem>>
      %dma_wait3A_312 = arith.constant 0 : i32
      %dma_wait3A_313 = arith.constant 0 : i32
      %dma_wait3A_314 = tpu.memref_slice %arg9[%dma_wait3A_312, %dma_wait3A_313] : memref<100000x8xf32, #tpu.memory_space<vmem_shared>> -> memref<100000x8xf32, #tpu.memory_space<vmem_shared>>
      tpu.wait_indirect_dma semaphore(%arg11 : memref<!tpu.dma_semaphore, #tpu.memory_space<semaphore_mem>>) src(%dma_wait3A_314 : memref<100000x8xf32, #tpu.memory_space<vmem_shared>>) dst(%dma_wait3A_308 : memref<1000x8xf32, #tpu.memory_space<vmem>>)
      %dma_start3A_315 = arith.constant 0 : i32
      %dma_start3A_316 = arith.constant 2 : i32
      %dma_start3A_317 = arith.constant 0 : i32
      %dma_start3A_318 = arith.constant 0 : i32
      %dma_start3A_319 = tpu.memref_slice %arg8[%dma_start3A_315, %dma_start3A_317, %dma_start3A_318] : memref<2x1000x8xf32, #tpu.memory_space<vmem>> -> memref<1x1000x8xf32, #tpu.memory_space<vmem>>
      %dma_start3A_320 = tpu.memref_squeeze %dma_start3A_319 : memref<1x1000x8xf32, #tpu.memory_space<vmem>> -> memref<1000x8xf32, #tpu.memory_space<vmem>>
      %dma_start3A_321 = arith.constant 0 : i32
      %dma_start3A_322 = tpu.memref_slice %arg7[%dma_start3A_316, %dma_start3A_321] : memref<4x1000xi32, #tpu.memory_space<vmem>> -> memref<1x1000xi32, #tpu.memory_space<vmem>>
      %dma_start3A_323 = tpu.memref_squeeze %dma_start3A_322 : memref<1x1000xi32, #tpu.memory_space<vmem>> -> memref<1000xi32, #tpu.memory_space<vmem>>
      %dma_start3A_324 = arith.constant 0 : i32
      %dma_start3A_325 = arith.constant 0 : i32
      %dma_start3A_326 = tpu.memref_slice %arg10[%dma_start3A_324, %dma_start3A_325] : memref<100096x8xf32, #tpu.memory_space<vmem_shared>> -> memref<100096x8xf32, #tpu.memory_space<vmem_shared>>
      tpu.enqueue_indirect_dma source(%dma_start3A_320 : memref<1000x8xf32, #tpu.memory_space<vmem>>) target(%dma_start3A_326 : memref<100096x8xf32, #tpu.memory_space<vmem_shared>>) offsets(%dma_start3A_323 : memref<1000xi32, #tpu.memory_space<vmem>>) semaphore(%arg13 : memref<!tpu.dma_semaphore, #tpu.memory_space<semaphore_mem>>) {add = true}
      %dma_wait3A_327 = arith.constant 0 : i32
      %dma_wait3A_328 = arith.constant 3 : i32
      %dma_wait3A_329 = arith.constant 0 : i32
      %dma_wait3A_330 = tpu.memref_slice %arg6[%dma_wait3A_328, %dma_wait3A_329] : memref<4x1000xi32, #tpu.memory_space<vmem>> -> memref<1x1000xi32, #tpu.memory_space<vmem>>
      %dma_wait3A_331 = tpu.memref_squeeze %dma_wait3A_330 : memref<1x1000xi32, #tpu.memory_space<vmem>> -> memref<1000xi32, #tpu.memory_space<vmem>>
      %dma_wait3A_332 = tpu.memref_slice %arg3[%dma_wait3A_327, %min3A_251] : memref<2x6400000xi32, #tpu.memory_space<hbm>> -> memref<1x1000xi32, #tpu.memory_space<hbm>>
      %dma_wait3A_333 = tpu.memref_squeeze %dma_wait3A_332 : memref<1x1000xi32, #tpu.memory_space<hbm>> -> memref<1000xi32, #tpu.memory_space<hbm>>
      %dma_wait3A_334 = arith.constant 0 : i32
      %dma_wait3A_335 = tpu.memref_slice %arg6[%dma_wait3A_328, %dma_wait3A_334] : memref<4x1000xi32, #tpu.memory_space<vmem>> -> memref<1x1000xi32, #tpu.memory_space<vmem>>
      %dma_wait3A_336 = tpu.memref_squeeze %dma_wait3A_335 : memref<1x1000xi32, #tpu.memory_space<vmem>> -> memref<1000xi32, #tpu.memory_space<vmem>>
      %dma_wait3A_337 = tpu.memref_slice %arg3[%dma_wait3A_327, %min3A_251] : memref<2x6400000xi32, #tpu.memory_space<hbm>> -> memref<1x1000xi32, #tpu.memory_space<hbm>>
      %dma_wait3A_338 = tpu.memref_squeeze %dma_wait3A_337 : memref<1x1000xi32, #tpu.memory_space<hbm>> -> memref<1000xi32, #tpu.memory_space<hbm>>
      tpu.wait_dma2 semaphore(%arg12 : memref<!tpu.dma_semaphore, #tpu.memory_space<semaphore_mem>>) src(%dma_wait3A_338 : memref<1000xi32, #tpu.memory_space<hbm>>) dst(%dma_wait3A_336 : memref<1000xi32, #tpu.memory_space<vmem>>)
      %dma_wait3A_339 = arith.constant 1 : i32
      %dma_wait3A_340 = arith.constant 3 : i32
      %dma_wait3A_341 = arith.constant 0 : i32
      %dma_wait3A_342 = tpu.memref_slice %arg7[%dma_wait3A_340, %dma_wait3A_341] : memref<4x1000xi32, #tpu.memory_space<vmem>> -> memref<1x1000xi32, #tpu.memory_space<vmem>>
      %dma_wait3A_343 = tpu.memref_squeeze %dma_wait3A_342 : memref<1x1000xi32, #tpu.memory_space<vmem>> -> memref<1000xi32, #tpu.memory_space<vmem>>
      %dma_wait3A_344 = tpu.memref_slice %arg3[%dma_wait3A_339, %min3A_251] : memref<2x6400000xi32, #tpu.memory_space<hbm>> -> memref<1x1000xi32, #tpu.memory_space<hbm>>
      %dma_wait3A_345 = tpu.memref_squeeze %dma_wait3A_344 : memref<1x1000xi32, #tpu.memory_space<hbm>> -> memref<1000xi32, #tpu.memory_space<hbm>>
      %dma_wait3A_346 = arith.constant 0 : i32
      %dma_wait3A_347 = tpu.memref_slice %arg7[%dma_wait3A_340, %dma_wait3A_346] : memref<4x1000xi32, #tpu.memory_space<vmem>> -> memref<1x1000xi32, #tpu.memory_space<vmem>>
      %dma_wait3A_348 = tpu.memref_squeeze %dma_wait3A_347 : memref<1x1000xi32, #tpu.memory_space<vmem>> -> memref<1000xi32, #tpu.memory_space<vmem>>
      %dma_wait3A_349 = tpu.memref_slice %arg3[%dma_wait3A_339, %min3A_251] : memref<2x6400000xi32, #tpu.memory_space<hbm>> -> memref<1x1000xi32, #tpu.memory_space<hbm>>
      %dma_wait3A_350 = tpu.memref_squeeze %dma_wait3A_349 : memref<1x1000xi32, #tpu.memory_space<hbm>> -> memref<1000xi32, #tpu.memory_space<hbm>>
      tpu.wait_dma2 semaphore(%arg12 : memref<!tpu.dma_semaphore, #tpu.memory_space<semaphore_mem>>) src(%dma_wait3A_350 : memref<1000xi32, #tpu.memory_space<hbm>>) dst(%dma_wait3A_348 : memref<1000xi32, #tpu.memory_space<vmem>>)
      %add3A_351 = arith.constant 4000 : i32
      %add3A_352 = arith.addi %add3A_64, %add3A_351 : i32
      %min3A_353 = arith.constant 6399000 : i32
      %min3A_354 = arith.minsi %add3A_352, %min3A_353 : i32
      %dma_start3A_355 = arith.constant 0 : i32
      %dma_start3A_356 = arith.constant 0 : i32
      %dma_start3A_357 = arith.constant 0 : i32
      %dma_start3A_358 = tpu.memref_slice %arg6[%dma_start3A_356, %dma_start3A_357] : memref<4x1000xi32, #tpu.memory_space<vmem>> -> memref<1x1000xi32, #tpu.memory_space<vmem>>
      %dma_start3A_359 = tpu.memref_squeeze %dma_start3A_358 : memref<1x1000xi32, #tpu.memory_space<vmem>> -> memref<1000xi32, #tpu.memory_space<vmem>>
      %dma_start3A_360 = tpu.memref_slice %arg3[%dma_start3A_355, %min3A_354] : memref<2x6400000xi32, #tpu.memory_space<hbm>> -> memref<1x1000xi32, #tpu.memory_space<hbm>>
      %dma_start3A_361 = tpu.memref_squeeze %dma_start3A_360 : memref<1x1000xi32, #tpu.memory_space<hbm>> -> memref<1000xi32, #tpu.memory_space<hbm>>
      %dma_start3A_362 = arith.constant 0 : i32
      %dma_start3A_363 = tpu.memref_slice %arg6[%dma_start3A_356, %dma_start3A_362] : memref<4x1000xi32, #tpu.memory_space<vmem>> -> memref<1x1000xi32, #tpu.memory_space<vmem>>
      %dma_start3A_364 = tpu.memref_squeeze %dma_start3A_363 : memref<1x1000xi32, #tpu.memory_space<vmem>> -> memref<1000xi32, #tpu.memory_space<vmem>>
      %dma_start3A_365 = tpu.memref_slice %arg3[%dma_start3A_355, %min3A_354] : memref<2x6400000xi32, #tpu.memory_space<hbm>> -> memref<1x1000xi32, #tpu.memory_space<hbm>>
      %dma_start3A_366 = tpu.memref_squeeze %dma_start3A_365 : memref<1x1000xi32, #tpu.memory_space<hbm>> -> memref<1000xi32, #tpu.memory_space<hbm>>
      tpu.enqueue_dma source(%dma_start3A_366 : memref<1000xi32, #tpu.memory_space<hbm>>) target(%dma_start3A_364 : memref<1000xi32, #tpu.memory_space<vmem>>) target_semaphore(%arg12 : memref<!tpu.dma_semaphore, #tpu.memory_space<semaphore_mem>>)
      %dma_start3A_367 = arith.constant 1 : i32
      %dma_start3A_368 = arith.constant 0 : i32
      %dma_start3A_369 = arith.constant 0 : i32
      %dma_start3A_370 = tpu.memref_slice %arg7[%dma_start3A_368, %dma_start3A_369] : memref<4x1000xi32, #tpu.memory_space<vmem>> -> memref<1x1000xi32, #tpu.memory_space<vmem>>
      %dma_start3A_371 = tpu.memref_squeeze %dma_start3A_370 : memref<1x1000xi32, #tpu.memory_space<vmem>> -> memref<1000xi32, #tpu.memory_space<vmem>>
      %dma_start3A_372 = tpu.memref_slice %arg3[%dma_start3A_367, %min3A_354] : memref<2x6400000xi32, #tpu.memory_space<hbm>> -> memref<1x1000xi32, #tpu.memory_space<hbm>>
      %dma_start3A_373 = tpu.memref_squeeze %dma_start3A_372 : memref<1x1000xi32, #tpu.memory_space<hbm>> -> memref<1000xi32, #tpu.memory_space<hbm>>
      %dma_start3A_374 = arith.constant 0 : i32
      %dma_start3A_375 = tpu.memref_slice %arg7[%dma_start3A_368, %dma_start3A_374] : memref<4x1000xi32, #tpu.memory_space<vmem>> -> memref<1x1000xi32, #tpu.memory_space<vmem>>
      %dma_start3A_376 = tpu.memref_squeeze %dma_start3A_375 : memref<1x1000xi32, #tpu.memory_space<vmem>> -> memref<1000xi32, #tpu.memory_space<vmem>>
      %dma_start3A_377 = tpu.memref_slice %arg3[%dma_start3A_367, %min3A_354] : memref<2x6400000xi32, #tpu.memory_space<hbm>> -> memref<1x1000xi32, #tpu.memory_space<hbm>>
      %dma_start3A_378 = tpu.memref_squeeze %dma_start3A_377 : memref<1x1000xi32, #tpu.memory_space<hbm>> -> memref<1000xi32, #tpu.memory_space<hbm>>
      tpu.enqueue_dma source(%dma_start3A_378 : memref<1000xi32, #tpu.memory_space<hbm>>) target(%dma_start3A_376 : memref<1000xi32, #tpu.memory_space<vmem>>) target_semaphore(%arg12 : memref<!tpu.dma_semaphore, #tpu.memory_space<semaphore_mem>>)
      %dma_wait3A_379 = arith.constant 1 : i32
      %dma_wait3A_380 = arith.constant 0 : i32
      %dma_wait3A_381 = arith.constant 0 : i32
      %dma_wait3A_382 = tpu.memref_slice %arg8[%dma_wait3A_379, %dma_wait3A_380, %dma_wait3A_381] : memref<2x1000x8xf32, #tpu.memory_space<vmem>> -> memref<1x1000x8xf32, #tpu.memory_space<vmem>>
      %dma_wait3A_383 = tpu.memref_squeeze %dma_wait3A_382 : memref<1x1000x8xf32, #tpu.memory_space<vmem>> -> memref<1000x8xf32, #tpu.memory_space<vmem>>
      %dma_wait3A_384 = arith.constant 0 : i32
      %dma_wait3A_385 = arith.constant 0 : i32
      %dma_wait3A_386 = tpu.memref_slice %arg2[%dma_wait3A_384, %dma_wait3A_385] : memref<100000x8xf32, #tpu.memory_space<hbm>> -> memref<1000x8xf32, #tpu.memory_space<hbm>>
      %dma_wait3A_387 = arith.constant 0 : i32
      %dma_wait3A_388 = arith.constant 0 : i32
      %dma_wait3A_389 = tpu.memref_slice %arg8[%dma_wait3A_379, %dma_wait3A_387, %dma_wait3A_388] : memref<2x1000x8xf32, #tpu.memory_space<vmem>> -> memref<1x1000x8xf32, #tpu.memory_space<vmem>>
      %dma_wait3A_390 = tpu.memref_squeeze %dma_wait3A_389 : memref<1x1000x8xf32, #tpu.memory_space<vmem>> -> memref<1000x8xf32, #tpu.memory_space<vmem>>
      %dma_wait3A_391 = arith.constant 0 : i32
      %dma_wait3A_392 = arith.constant 0 : i32
      %dma_wait3A_393 = tpu.memref_slice %arg2[%dma_wait3A_391, %dma_wait3A_392] : memref<100000x8xf32, #tpu.memory_space<hbm>> -> memref<1000x8xf32, #tpu.memory_space<hbm>>
      tpu.wait_dma2 semaphore(%arg13 : memref<!tpu.dma_semaphore, #tpu.memory_space<semaphore_mem>>) src(%dma_wait3A_393 : memref<1000x8xf32, #tpu.memory_space<hbm>>) dst(%dma_wait3A_390 : memref<1000x8xf32, #tpu.memory_space<vmem>>)
      %dma_start3A_394 = arith.constant 3 : i32
      %dma_start3A_395 = arith.constant 1 : i32
      %dma_start3A_396 = arith.constant 0 : i32
      %dma_start3A_397 = arith.constant 0 : i32
      %dma_start3A_398 = tpu.memref_slice %arg8[%dma_start3A_395, %dma_start3A_396, %dma_start3A_397] : memref<2x1000x8xf32, #tpu.memory_space<vmem>> -> memref<1x1000x8xf32, #tpu.memory_space<vmem>>
      %dma_start3A_399 = tpu.memref_squeeze %dma_start3A_398 : memref<1x1000x8xf32, #tpu.memory_space<vmem>> -> memref<1000x8xf32, #tpu.memory_space<vmem>>
      %dma_start3A_400 = arith.constant 0 : i32
      %dma_start3A_401 = tpu.memref_slice %arg6[%dma_start3A_394, %dma_start3A_400] : memref<4x1000xi32, #tpu.memory_space<vmem>> -> memref<1x1000xi32, #tpu.memory_space<vmem>>
      %dma_start3A_402 = tpu.memref_squeeze %dma_start3A_401 : memref<1x1000xi32, #tpu.memory_space<vmem>> -> memref<1000xi32, #tpu.memory_space<vmem>>
      %dma_start3A_403 = arith.constant 0 : i32
      %dma_start3A_404 = arith.constant 0 : i32
      %dma_start3A_405 = tpu.memref_slice %arg9[%dma_start3A_403, %dma_start3A_404] : memref<100000x8xf32, #tpu.memory_space<vmem_shared>> -> memref<100000x8xf32, #tpu.memory_space<vmem_shared>>
      tpu.enqueue_indirect_dma source(%dma_start3A_405 : memref<100000x8xf32, #tpu.memory_space<vmem_shared>>) target(%dma_start3A_399 : memref<1000x8xf32, #tpu.memory_space<vmem>>) offsets(%dma_start3A_402 : memref<1000xi32, #tpu.memory_space<vmem>>) semaphore(%arg11 : memref<!tpu.dma_semaphore, #tpu.memory_space<semaphore_mem>>)
      %dma_wait3A_406 = arith.constant 3 : i32
      %dma_wait3A_407 = arith.constant 1 : i32
      %dma_wait3A_408 = arith.constant 0 : i32
      %dma_wait3A_409 = arith.constant 0 : i32
      %dma_wait3A_410 = tpu.memref_slice %arg8[%dma_wait3A_407, %dma_wait3A_408, %dma_wait3A_409] : memref<2x1000x8xf32, #tpu.memory_space<vmem>> -> memref<1x1000x8xf32, #tpu.memory_space<vmem>>
      %dma_wait3A_411 = tpu.memref_squeeze %dma_wait3A_410 : memref<1x1000x8xf32, #tpu.memory_space<vmem>> -> memref<1000x8xf32, #tpu.memory_space<vmem>>
      %dma_wait3A_412 = arith.constant 0 : i32
      %dma_wait3A_413 = tpu.memref_slice %arg6[%dma_wait3A_406, %dma_wait3A_412] : memref<4x1000xi32, #tpu.memory_space<vmem>> -> memref<1x1000xi32, #tpu.memory_space<vmem>>
      %dma_wait3A_414 = tpu.memref_squeeze %dma_wait3A_413 : memref<1x1000xi32, #tpu.memory_space<vmem>> -> memref<1000xi32, #tpu.memory_space<vmem>>
      %dma_wait3A_415 = arith.constant 0 : i32
      %dma_wait3A_416 = arith.constant 0 : i32
      %dma_wait3A_417 = tpu.memref_slice %arg9[%dma_wait3A_415, %dma_wait3A_416] : memref<100000x8xf32, #tpu.memory_space<vmem_shared>> -> memref<100000x8xf32, #tpu.memory_space<vmem_shared>>
      tpu.wait_indirect_dma semaphore(%arg11 : memref<!tpu.dma_semaphore, #tpu.memory_space<semaphore_mem>>) src(%dma_wait3A_417 : memref<100000x8xf32, #tpu.memory_space<vmem_shared>>) dst(%dma_wait3A_411 : memref<1000x8xf32, #tpu.memory_space<vmem>>)
      %dma_start3A_418 = arith.constant 1 : i32
      %dma_start3A_419 = arith.constant 3 : i32
      %dma_start3A_420 = arith.constant 0 : i32
      %dma_start3A_421 = arith.constant 0 : i32
      %dma_start3A_422 = tpu.memref_slice %arg8[%dma_start3A_418, %dma_start3A_420, %dma_start3A_421] : memref<2x1000x8xf32, #tpu.memory_space<vmem>> -> memref<1x1000x8xf32, #tpu.memory_space<vmem>>
      %dma_start3A_423 = tpu.memref_squeeze %dma_start3A_422 : memref<1x1000x8xf32, #tpu.memory_space<vmem>> -> memref<1000x8xf32, #tpu.memory_space<vmem>>
      %dma_start3A_424 = arith.constant 0 : i32
      %dma_start3A_425 = tpu.memref_slice %arg7[%dma_start3A_419, %dma_start3A_424] : memref<4x1000xi32, #tpu.memory_space<vmem>> -> memref<1x1000xi32, #tpu.memory_space<vmem>>
      %dma_start3A_426 = tpu.memref_squeeze %dma_start3A_425 : memref<1x1000xi32, #tpu.memory_space<vmem>> -> memref<1000xi32, #tpu.memory_space<vmem>>
      %dma_start3A_427 = arith.constant 0 : i32
      %dma_start3A_428 = arith.constant 0 : i32
      %dma_start3A_429 = tpu.memref_slice %arg10[%dma_start3A_427, %dma_start3A_428] : memref<100096x8xf32, #tpu.memory_space<vmem_shared>> -> memref<100096x8xf32, #tpu.memory_space<vmem_shared>>
      tpu.enqueue_indirect_dma source(%dma_start3A_423 : memref<1000x8xf32, #tpu.memory_space<vmem>>) target(%dma_start3A_429 : memref<100096x8xf32, #tpu.memory_space<vmem_shared>>) offsets(%dma_start3A_426 : memref<1000xi32, #tpu.memory_space<vmem>>) semaphore(%arg13 : memref<!tpu.dma_semaphore, #tpu.memory_space<semaphore_mem>>) {add = true}
      %dma_wait3A_430 = arith.constant 0 : i32
      %dma_wait3A_431 = arith.constant 0 : i32
      %dma_wait3A_432 = arith.constant 0 : i32
      %dma_wait3A_433 = tpu.memref_slice %arg6[%dma_wait3A_431, %dma_wait3A_432] : memref<4x1000xi32, #tpu.memory_space<vmem>> -> memref<1x1000xi32, #tpu.memory_space<vmem>>
      %dma_wait3A_434 = tpu.memref_squeeze %dma_wait3A_433 : memref<1x1000xi32, #tpu.memory_space<vmem>> -> memref<1000xi32, #tpu.memory_space<vmem>>
      %dma_wait3A_435 = tpu.memref_slice %arg3[%dma_wait3A_430, %min3A_354] : memref<2x6400000xi32, #tpu.memory_space<hbm>> -> memref<1x1000xi32, #tpu.memory_space<hbm>>
      %dma_wait3A_436 = tpu.memref_squeeze %dma_wait3A_435 : memref<1x1000xi32, #tpu.memory_space<hbm>> -> memref<1000xi32, #tpu.memory_space<hbm>>
      %dma_wait3A_437 = arith.constant 0 : i32
      %dma_wait3A_438 = tpu.memref_slice %arg6[%dma_wait3A_431, %dma_wait3A_437] : memref<4x1000xi32, #tpu.memory_space<vmem>> -> memref<1x1000xi32, #tpu.memory_space<vmem>>
      %dma_wait3A_439 = tpu.memref_squeeze %dma_wait3A_438 : memref<1x1000xi32, #tpu.memory_space<vmem>> -> memref<1000xi32, #tpu.memory_space<vmem>>
      %dma_wait3A_440 = tpu.memref_slice %arg3[%dma_wait3A_430, %min3A_354] : memref<2x6400000xi32, #tpu.memory_space<hbm>> -> memref<1x1000xi32, #tpu.memory_space<hbm>>
      %dma_wait3A_441 = tpu.memref_squeeze %dma_wait3A_440 : memref<1x1000xi32, #tpu.memory_space<hbm>> -> memref<1000xi32, #tpu.memory_space<hbm>>
      tpu.wait_dma2 semaphore(%arg12 : memref<!tpu.dma_semaphore, #tpu.memory_space<semaphore_mem>>) src(%dma_wait3A_441 : memref<1000xi32, #tpu.memory_space<hbm>>) dst(%dma_wait3A_439 : memref<1000xi32, #tpu.memory_space<vmem>>)
      %dma_wait3A_442 = arith.constant 1 : i32
      %dma_wait3A_443 = arith.constant 0 : i32
      %dma_wait3A_444 = arith.constant 0 : i32
      %dma_wait3A_445 = tpu.memref_slice %arg7[%dma_wait3A_443, %dma_wait3A_444] : memref<4x1000xi32, #tpu.memory_space<vmem>> -> memref<1x1000xi32, #tpu.memory_space<vmem>>
      %dma_wait3A_446 = tpu.memref_squeeze %dma_wait3A_445 : memref<1x1000xi32, #tpu.memory_space<vmem>> -> memref<1000xi32, #tpu.memory_space<vmem>>
      %dma_wait3A_447 = tpu.memref_slice %arg3[%dma_wait3A_442, %min3A_354] : memref<2x6400000xi32, #tpu.memory_space<hbm>> -> memref<1x1000xi32, #tpu.memory_space<hbm>>
      %dma_wait3A_448 = tpu.memref_squeeze %dma_wait3A_447 : memref<1x1000xi32, #tpu.memory_space<hbm>> -> memref<1000xi32, #tpu.memory_space<hbm>>
      %dma_wait3A_449 = arith.constant 0 : i32
      %dma_wait3A_450 = tpu.memref_slice %arg7[%dma_wait3A_443, %dma_wait3A_449] : memref<4x1000xi32, #tpu.memory_space<vmem>> -> memref<1x1000xi32, #tpu.memory_space<vmem>>
      %dma_wait3A_451 = tpu.memref_squeeze %dma_wait3A_450 : memref<1x1000xi32, #tpu.memory_space<vmem>> -> memref<1000xi32, #tpu.memory_space<vmem>>
      %dma_wait3A_452 = tpu.memref_slice %arg3[%dma_wait3A_442, %min3A_354] : memref<2x6400000xi32, #tpu.memory_space<hbm>> -> memref<1x1000xi32, #tpu.memory_space<hbm>>
      %dma_wait3A_453 = tpu.memref_squeeze %dma_wait3A_452 : memref<1x1000xi32, #tpu.memory_space<hbm>> -> memref<1000xi32, #tpu.memory_space<hbm>>
      tpu.wait_dma2 semaphore(%arg12 : memref<!tpu.dma_semaphore, #tpu.memory_space<semaphore_mem>>) src(%dma_wait3A_453 : memref<1000xi32, #tpu.memory_space<hbm>>) dst(%dma_wait3A_451 : memref<1000xi32, #tpu.memory_space<vmem>>)
    }
    %scan3A_20 = arith.constant 50 : i32
    %dma_wait3A = arith.constant 0 : i32
    %dma_wait3A_21 = arith.constant 0 : i32
    %dma_wait3A_22 = arith.constant 0 : i32
    %dma_wait3A_23 = tpu.memref_slice %arg8[%dma_wait3A, %dma_wait3A_21, %dma_wait3A_22] : memref<2x1000x8xf32, #tpu.memory_space<vmem>> -> memref<1x1000x8xf32, #tpu.memory_space<vmem>>
    %dma_wait3A_24 = tpu.memref_squeeze %dma_wait3A_23 : memref<1x1000x8xf32, #tpu.memory_space<vmem>> -> memref<1000x8xf32, #tpu.memory_space<vmem>>
    %dma_wait3A_25 = arith.constant 0 : i32
    %dma_wait3A_26 = arith.constant 0 : i32
    %dma_wait3A_27 = tpu.memref_slice %arg2[%dma_wait3A_25, %dma_wait3A_26] : memref<100000x8xf32, #tpu.memory_space<hbm>> -> memref<1000x8xf32, #tpu.memory_space<hbm>>
    %dma_wait3A_28 = arith.constant 0 : i32
    %dma_wait3A_29 = arith.constant 0 : i32
    %dma_wait3A_30 = tpu.memref_slice %arg8[%dma_wait3A, %dma_wait3A_28, %dma_wait3A_29] : memref<2x1000x8xf32, #tpu.memory_space<vmem>> -> memref<1x1000x8xf32, #tpu.memory_space<vmem>>
    %dma_wait3A_31 = tpu.memref_squeeze %dma_wait3A_30 : memref<1x1000x8xf32, #tpu.memory_space<vmem>> -> memref<1000x8xf32, #tpu.memory_space<vmem>>
    %dma_wait3A_32 = arith.constant 0 : i32
    %dma_wait3A_33 = arith.constant 0 : i32
    %dma_wait3A_34 = tpu.memref_slice %arg2[%dma_wait3A_32, %dma_wait3A_33] : memref<100000x8xf32, #tpu.memory_space<hbm>> -> memref<1000x8xf32, #tpu.memory_space<hbm>>
    tpu.wait_dma2 semaphore(%arg13 : memref<!tpu.dma_semaphore, #tpu.memory_space<semaphore_mem>>) src(%dma_wait3A_34 : memref<1000x8xf32, #tpu.memory_space<hbm>>) dst(%dma_wait3A_31 : memref<1000x8xf32, #tpu.memory_space<vmem>>)
    %dma_wait3A_35 = arith.constant 1 : i32
    %dma_wait3A_36 = arith.constant 0 : i32
    %dma_wait3A_37 = arith.constant 0 : i32
    %dma_wait3A_38 = tpu.memref_slice %arg8[%dma_wait3A_35, %dma_wait3A_36, %dma_wait3A_37] : memref<2x1000x8xf32, #tpu.memory_space<vmem>> -> memref<1x1000x8xf32, #tpu.memory_space<vmem>>
    %dma_wait3A_39 = tpu.memref_squeeze %dma_wait3A_38 : memref<1x1000x8xf32, #tpu.memory_space<vmem>> -> memref<1000x8xf32, #tpu.memory_space<vmem>>
    %dma_wait3A_40 = arith.constant 0 : i32
    %dma_wait3A_41 = arith.constant 0 : i32
    %dma_wait3A_42 = tpu.memref_slice %arg2[%dma_wait3A_40, %dma_wait3A_41] : memref<100000x8xf32, #tpu.memory_space<hbm>> -> memref<1000x8xf32, #tpu.memory_space<hbm>>
    %dma_wait3A_43 = arith.constant 0 : i32
    %dma_wait3A_44 = arith.constant 0 : i32
    %dma_wait3A_45 = tpu.memref_slice %arg8[%dma_wait3A_35, %dma_wait3A_43, %dma_wait3A_44] : memref<2x1000x8xf32, #tpu.memory_space<vmem>> -> memref<1x1000x8xf32, #tpu.memory_space<vmem>>
    %dma_wait3A_46 = tpu.memref_squeeze %dma_wait3A_45 : memref<1x1000x8xf32, #tpu.memory_space<vmem>> -> memref<1000x8xf32, #tpu.memory_space<vmem>>
    %dma_wait3A_47 = arith.constant 0 : i32
    %dma_wait3A_48 = arith.constant 0 : i32
    %dma_wait3A_49 = tpu.memref_slice %arg2[%dma_wait3A_47, %dma_wait3A_48] : memref<100000x8xf32, #tpu.memory_space<hbm>> -> memref<1000x8xf32, #tpu.memory_space<hbm>>
    tpu.wait_dma2 semaphore(%arg13 : memref<!tpu.dma_semaphore, #tpu.memory_space<semaphore_mem>>) src(%dma_wait3A_49 : memref<1000x8xf32, #tpu.memory_space<hbm>>) dst(%dma_wait3A_46 : memref<1000x8xf32, #tpu.memory_space<vmem>>)
    %barrier3A_50 = arith.constant 0 : index
    tpu.barrier barrier_id(%barrier3A_50)
    %lt3A_51 = arith.constant 15 : i32
    %lt3A_52 = arith.cmpi slt, %arg1, %lt3A_51 : i32
    %convert_element_type3A_53 = arith.extui %lt3A_52 : i1 to i32
    %cond3A_54 = arith.constant 0 : i32
    %cond3A_55 = arith.cmpi ne, %convert_element_type3A_53, %cond3A_54 : i32
    scf.if %cond3A_55 {
      %mul3A_61 = arith.constant 6256 : i32
      %mul3A_62 = arith.muli %arg1, %mul3A_61 : i32
      %mul3A_63 = arith.constant 100000 : i32
      %mul3A_64 = arith.muli %arg0, %mul3A_63 : i32
      %mul3A_65 = arith.constant 6256 : i32
      %mul3A_66 = arith.muli %arg1, %mul3A_65 : i32
      %add3A_67 = arith.addi %mul3A_64, %mul3A_66 : i32
      "tpu.region"() ({
        %run_scoped3A_68 = tpu.sem_alloc : memref<!tpu.dma_semaphore, #tpu.memory_space<semaphore_mem>>
        %dma_start3A = arith.constant 0 : i32
        %dma_start3A_69 = tpu.memref_slice %arg5[%add3A_67, %dma_start3A] : memref<200000x8xf32, #tpu.memory_space<hbm>> -> memref<6256x8xf32, #tpu.memory_space<hbm>>
        %dma_start3A_70 = arith.constant 0 : i32
        %dma_start3A_71 = tpu.memref_slice %arg10[%mul3A_62, %dma_start3A_70] : memref<100096x8xf32, #tpu.memory_space<vmem_shared>> -> memref<6256x8xf32, #tpu.memory_space<vmem_shared>>
        tpu.enqueue_dma source(%dma_start3A_71 : memref<6256x8xf32, #tpu.memory_space<vmem_shared>>) target(%dma_start3A_69 : memref<6256x8xf32, #tpu.memory_space<hbm>>) target_semaphore(%run_scoped3A_68 : memref<!tpu.dma_semaphore, #tpu.memory_space<semaphore_mem>>)
        %dma_wait3A_72 = arith.constant 0 : i32
        %dma_wait3A_73 = tpu.memref_slice %arg5[%add3A_67, %dma_wait3A_72] : memref<200000x8xf32, #tpu.memory_space<hbm>> -> memref<6256x8xf32, #tpu.memory_space<hbm>>
        %dma_wait3A_74 = arith.constant 0 : i32
        %dma_wait3A_75 = tpu.memref_slice %arg10[%mul3A_62, %dma_wait3A_74] : memref<100096x8xf32, #tpu.memory_space<vmem_shared>> -> memref<6256x8xf32, #tpu.memory_space<vmem_shared>>
        tpu.wait_dma2 semaphore(%run_scoped3A_68 : memref<!tpu.dma_semaphore, #tpu.memory_space<semaphore_mem>>) src(%dma_wait3A_75 : memref<6256x8xf32, #tpu.memory_space<vmem_shared>>) dst(%dma_wait3A_73 : memref<6256x8xf32, #tpu.memory_space<hbm>>)
        tpu.yield
      }) : () -> ()
    } else {
    }
    %eq3A_56 = arith.constant 15 : i32
    %eq3A_57 = arith.cmpi eq, %arg1, %eq3A_56 : i32
    %convert_element_type3A_58 = arith.extui %eq3A_57 : i1 to i32
    %cond3A_59 = arith.constant 0 : i32
    %cond3A_60 = arith.cmpi ne, %convert_element_type3A_58, %cond3A_59 : i32
    scf.if %cond3A_60 {
      %mul3A_61 = arith.constant 100000 : i32
      %mul3A_62 = arith.muli %arg0, %mul3A_61 : i32
      %add3A_63 = arith.constant 93840 : i32
      %add3A_64 = arith.addi %mul3A_62, %add3A_63 : i32
      "tpu.region"() ({
        %run_scoped3A_65 = tpu.sem_alloc : memref<!tpu.dma_semaphore, #tpu.memory_space<semaphore_mem>>
        %dma_start3A = arith.constant 0 : i32
        %dma_start3A_66 = tpu.memref_slice %arg5[%add3A_64, %dma_start3A] : memref<200000x8xf32, #tpu.memory_space<hbm>> -> memref<6160x8xf32, #tpu.memory_space<hbm>>
        %dma_start3A_67 = arith.constant 93840 : i32
        %dma_start3A_68 = arith.constant 0 : i32
        %dma_start3A_69 = tpu.memref_slice %arg10[%dma_start3A_67, %dma_start3A_68] : memref<100096x8xf32, #tpu.memory_space<vmem_shared>> -> memref<6160x8xf32, #tpu.memory_space<vmem_shared>>
        tpu.enqueue_dma source(%dma_start3A_69 : memref<6160x8xf32, #tpu.memory_space<vmem_shared>>) target(%dma_start3A_66 : memref<6160x8xf32, #tpu.memory_space<hbm>>) target_semaphore(%run_scoped3A_65 : memref<!tpu.dma_semaphore, #tpu.memory_space<semaphore_mem>>)
        %dma_wait3A_70 = arith.constant 0 : i32
        %dma_wait3A_71 = tpu.memref_slice %arg5[%add3A_64, %dma_wait3A_70] : memref<200000x8xf32, #tpu.memory_space<hbm>> -> memref<6160x8xf32, #tpu.memory_space<hbm>>
        %dma_wait3A_72 = arith.constant 93840 : i32
        %dma_wait3A_73 = arith.constant 0 : i32
        %dma_wait3A_74 = tpu.memref_slice %arg10[%dma_wait3A_72, %dma_wait3A_73] : memref<100096x8xf32, #tpu.memory_space<vmem_shared>> -> memref<6160x8xf32, #tpu.memory_space<vmem_shared>>
        tpu.wait_dma2 semaphore(%run_scoped3A_65 : memref<!tpu.dma_semaphore, #tpu.memory_space<semaphore_mem>>) src(%dma_wait3A_74 : memref<6160x8xf32, #tpu.memory_space<vmem_shared>>) dst(%dma_wait3A_71 : memref<6160x8xf32, #tpu.memory_space<hbm>>)
        tpu.yield
      }) : () -> ()
    } else {
    }
    return
  }
}

#map = affine_map<(d0, d1) -> (0, 0)>
module attributes {stable_mosaic.version = 14 : i64} {
  func.func @body(%arg0: i32, %arg1: i32, %arg2: memref<100000x8xf32, #tpu.memory_space<hbm>>, %arg3: memref<2x6400000xi32, #tpu.memory_space<hbm>>, %arg4: memref<100096x8xf32, #tpu.memory_space<hbm>>, %arg5: memref<200000x8xf32, #tpu.memory_space<hbm>>, %arg6: memref<4x1000xi32, #tpu.memory_space<vmem>>, %arg7: memref<4x1000xi32, #tpu.memory_space<vmem>>, %arg8: memref<2x1000x8xf32, #tpu.memory_space<vmem>>, %arg9: memref<100000x8xf32, #tpu.memory_space<vmem_shared>>, %arg10: memref<100096x8xf32, #tpu.memory_space<vmem_shared>>, %arg11: memref<!tpu.dma_semaphore, #tpu.memory_space<semaphore_mem>>, %arg12: memref<!tpu.dma_semaphore, #tpu.memory_space<semaphore_mem>>, %arg13: memref<!tpu.dma_semaphore, #tpu.memory_space<semaphore_mem>>) attributes {dimension_semantics = [#tpu.dimension_semantics<core_parallel>, #tpu.dimension_semantics<subcore_parallel>], iteration_bounds = array<i64: 2, 16>, scalar_prefetch = 0 : i64, scratch_operands = 8 : i64, tpu.core_type = #tpu.core_type<sc_vector_subcore>, window_params = [{transform_indices = #map}, {transform_indices = #map}, {transform_indices = #map}, {transform_indices = #map}]} {
    %mul3A = arith.constant 2 : i32
    %mul3A_0 = arith.muli %arg1, %mul3A : i32
    %add3A = arith.addi %mul3A_0, %arg0 : i32
    %lt3A = arith.constant 15 : i32
    %lt3A_1 = arith.cmpi slt, %arg1, %lt3A : i32
    %convert_element_type3A = arith.extui %lt3A_1 : i1 to i32
    %cond3A = arith.constant 0 : i32
    %cond3A_2 = arith.cmpi ne, %convert_element_type3A, %cond3A : i32
    scf.if %cond3A_2 {
      %mul3A_61 = arith.constant 6256 : i32
      %mul3A_62 = arith.muli %arg1, %mul3A_61 : i32
      %mul3A_63 = arith.constant 6256 : i32
      %mul3A_64 = arith.muli %arg1, %mul3A_63 : i32
      "tpu.region"() ({
        %run_scoped3A_65 = tpu.sem_alloc : memref<!tpu.dma_semaphore, #tpu.memory_space<semaphore_mem>>
        %dma_start3A = arith.constant 0 : i32
        %dma_start3A_66 = tpu.memref_slice %arg9[%mul3A_64, %dma_start3A] : memref<100000x8xf32, #tpu.memory_space<vmem_shared>> -> memref<6256x8xf32, #tpu.memory_space<vmem_shared>>
        %dma_start3A_67 = arith.constant 0 : i32
        %dma_start3A_68 = tpu.memref_slice %arg2[%mul3A_62, %dma_start3A_67] : memref<100000x8xf32, #tpu.memory_space<hbm>> -> memref<6256x8xf32, #tpu.memory_space<hbm>>
        tpu.enqueue_dma source(%dma_start3A_68 : memref<6256x8xf32, #tpu.memory_space<hbm>>) target(%dma_start3A_66 : memref<6256x8xf32, #tpu.memory_space<vmem_shared>>) target_semaphore(%run_scoped3A_65 : memref<!tpu.dma_semaphore, #tpu.memory_space<semaphore_mem>>)
        %dma_wait3A_69 = arith.constant 0 : i32
        %dma_wait3A_70 = tpu.memref_slice %arg9[%mul3A_64, %dma_wait3A_69] : memref<100000x8xf32, #tpu.memory_space<vmem_shared>> -> memref<6256x8xf32, #tpu.memory_space<vmem_shared>>
        %dma_wait3A_71 = arith.constant 0 : i32
        %dma_wait3A_72 = tpu.memref_slice %arg2[%mul3A_62, %dma_wait3A_71] : memref<100000x8xf32, #tpu.memory_space<hbm>> -> memref<6256x8xf32, #tpu.memory_space<hbm>>
        tpu.wait_dma2 semaphore(%run_scoped3A_65 : memref<!tpu.dma_semaphore, #tpu.memory_space<semaphore_mem>>) src(%dma_wait3A_72 : memref<6256x8xf32, #tpu.memory_space<hbm>>) dst(%dma_wait3A_70 : memref<6256x8xf32, #tpu.memory_space<vmem_shared>>)
        tpu.yield
      }) : () -> ()
    } else {
    }
    %eq3A = arith.constant 15 : i32
    %eq3A_3 = arith.cmpi eq, %arg1, %eq3A : i32
    %convert_element_type3A_4 = arith.extui %eq3A_3 : i1 to i32
    %cond3A_5 = arith.constant 0 : i32
    %cond3A_6 = arith.cmpi ne, %convert_element_type3A_4, %cond3A_5 : i32
    scf.if %cond3A_6 {
      "tpu.region"() ({
        %run_scoped3A_61 = tpu.sem_alloc : memref<!tpu.dma_semaphore, #tpu.memory_space<semaphore_mem>>
        %dma_start3A = arith.constant 93840 : i32
        %dma_start3A_62 = arith.constant 0 : i32
        %dma_start3A_63 = tpu.memref_slice %arg9[%dma_start3A, %dma_start3A_62] : memref<100000x8xf32, #tpu.memory_space<vmem_shared>> -> memref<6160x8xf32, #tpu.memory_space<vmem_shared>>
        %dma_start3A_64 = arith.constant 93840 : i32
        %dma_start3A_65 = arith.constant 0 : i32
        %dma_start3A_66 = tpu.memref_slice %arg2[%dma_start3A_64, %dma_start3A_65] : memref<100000x8xf32, #tpu.memory_space<hbm>> -> memref<6160x8xf32, #tpu.memory_space<hbm>>
        tpu.enqueue_dma source(%dma_start3A_66 : memref<6160x8xf32, #tpu.memory_space<hbm>>) target(%dma_start3A_63 : memref<6160x8xf32, #tpu.memory_space<vmem_shared>>) target_semaphore(%run_scoped3A_61 : memref<!tpu.dma_semaphore, #tpu.memory_space<semaphore_mem>>)
        %dma_wait3A_67 = arith.constant 93840 : i32
        %dma_wait3A_68 = arith.constant 0 : i32
        %dma_wait3A_69 = tpu.memref_slice %arg9[%dma_wait3A_67, %dma_wait3A_68] : memref<100000x8xf32, #tpu.memory_space<vmem_shared>> -> memref<6160x8xf32, #tpu.memory_space<vmem_shared>>
        %dma_wait3A_70 = arith.constant 93840 : i32
        %dma_wait3A_71 = arith.constant 0 : i32
        %dma_wait3A_72 = tpu.memref_slice %arg2[%dma_wait3A_70, %dma_wait3A_71] : memref<100000x8xf32, #tpu.memory_space<hbm>> -> memref<6160x8xf32, #tpu.memory_space<hbm>>
        tpu.wait_dma2 semaphore(%run_scoped3A_61 : memref<!tpu.dma_semaphore, #tpu.memory_space<semaphore_mem>>) src(%dma_wait3A_72 : memref<6160x8xf32, #tpu.memory_space<hbm>>) dst(%dma_wait3A_69 : memref<6160x8xf32, #tpu.memory_space<vmem_shared>>)
        tpu.yield
      }) : () -> ()
    } else {
    }
    %mul3A_7 = arith.constant 6256 : i32
    %mul3A_8 = arith.muli %arg1, %mul3A_7 : i32
    %mul3A_9 = arith.constant 6256 : i32
    %mul3A_10 = arith.muli %arg1, %mul3A_9 : i32
    "tpu.region"() ({
      %run_scoped3A_61 = tpu.sem_alloc : memref<!tpu.dma_semaphore, #tpu.memory_space<semaphore_mem>>
      %dma_start3A = arith.constant 0 : i32
      %dma_start3A_62 = tpu.memref_slice %arg10[%mul3A_10, %dma_start3A] : memref<100096x8xf32, #tpu.memory_space<vmem_shared>> -> memref<6256x8xf32, #tpu.memory_space<vmem_shared>>
      %dma_start3A_63 = arith.constant 0 : i32
      %dma_start3A_64 = tpu.memref_slice %arg4[%mul3A_8, %dma_start3A_63] : memref<100096x8xf32, #tpu.memory_space<hbm>> -> memref<6256x8xf32, #tpu.memory_space<hbm>>
      tpu.enqueue_dma source(%dma_start3A_64 : memref<6256x8xf32, #tpu.memory_space<hbm>>) target(%dma_start3A_62 : memref<6256x8xf32, #tpu.memory_space<vmem_shared>>) target_semaphore(%run_scoped3A_61 : memref<!tpu.dma_semaphore, #tpu.memory_space<semaphore_mem>>)
      %dma_wait3A_65 = arith.constant 0 : i32
      %dma_wait3A_66 = tpu.memref_slice %arg10[%mul3A_10, %dma_wait3A_65] : memref<100096x8xf32, #tpu.memory_space<vmem_shared>> -> memref<6256x8xf32, #tpu.memory_space<vmem_shared>>
      %dma_wait3A_67 = arith.constant 0 : i32
      %dma_wait3A_68 = tpu.memref_slice %arg4[%mul3A_8, %dma_wait3A_67] : memref<100096x8xf32, #tpu.memory_space<hbm>> -> memref<6256x8xf32, #tpu.memory_space<hbm>>
      tpu.wait_dma2 semaphore(%run_scoped3A_61 : memref<!tpu.dma_semaphore, #tpu.memory_space<semaphore_mem>>) src(%dma_wait3A_68 : memref<6256x8xf32, #tpu.memory_space<hbm>>) dst(%dma_wait3A_66 : memref<6256x8xf32, #tpu.memory_space<vmem_shared>>)
      tpu.yield
    }) : () -> ()
    %barrier3A = arith.constant 0 : index
    tpu.barrier barrier_id(%barrier3A)
    %mul3A_11 = arith.constant 200000 : i32
    %mul3A_12 = arith.muli %add3A, %mul3A_11 : i32
    %run_scoped3A = arith.constant 0 : i32
    %run_scoped3A_13 = arith.constant 0 : i32
    "tpu.region"() ({
      %run_scoped3A_61 = tpu.sem_alloc : memref<!tpu.dma_semaphore, #tpu.memory_space<semaphore_mem>>
      %dma_start3A = arith.constant 0 : i32
      %dma_start3A_62 = tpu.memref_slice %arg6[%run_scoped3A_13, %dma_start3A] : memref<4x1000xi32, #tpu.memory_space<vmem>> -> memref<1x1000xi32, #tpu.memory_space<vmem>>
      %dma_start3A_63 = tpu.memref_squeeze %dma_start3A_62 : memref<1x1000xi32, #tpu.memory_space<vmem>> -> memref<1000xi32, #tpu.memory_space<vmem>>
      %dma_start3A_64 = tpu.memref_slice %arg3[%run_scoped3A, %mul3A_12] : memref<2x6400000xi32, #tpu.memory_space<hbm>> -> memref<1x1000xi32, #tpu.memory_space<hbm>>
      %dma_start3A_65 = tpu.memref_squeeze %dma_start3A_64 : memref<1x1000xi32, #tpu.memory_space<hbm>> -> memref<1000xi32, #tpu.memory_space<hbm>>
      %dma_start3A_66 = arith.constant 0 : i32
      %dma_start3A_67 = tpu.memref_slice %arg6[%run_scoped3A_13, %dma_start3A_66] : memref<4x1000xi32, #tpu.memory_space<vmem>> -> memref<1x1000xi32, #tpu.memory_space<vmem>>
      %dma_start3A_68 = tpu.memref_squeeze %dma_start3A_67 : memref<1x1000xi32, #tpu.memory_space<vmem>> -> memref<1000xi32, #tpu.memory_space<vmem>>
      %dma_start3A_69 = tpu.memref_slice %arg3[%run_scoped3A, %mul3A_12] : memref<2x6400000xi32, #tpu.memory_space<hbm>> -> memref<1x1000xi32, #tpu.memory_space<hbm>>
      %dma_start3A_70 = tpu.memref_squeeze %dma_start3A_69 : memref<1x1000xi32, #tpu.memory_space<hbm>> -> memref<1000xi32, #tpu.memory_space<hbm>>
      tpu.enqueue_dma source(%dma_start3A_70 : memref<1000xi32, #tpu.memory_space<hbm>>) target(%dma_start3A_68 : memref<1000xi32, #tpu.memory_space<vmem>>) target_semaphore(%run_scoped3A_61 : memref<!tpu.dma_semaphore, #tpu.memory_space<semaphore_mem>>)
      %dma_wait3A_71 = arith.constant 0 : i32
      %dma_wait3A_72 = tpu.memref_slice %arg6[%run_scoped3A_13, %dma_wait3A_71] : memref<4x1000xi32, #tpu.memory_space<vmem>> -> memref<1x1000xi32, #tpu.memory_space<vmem>>
      %dma_wait3A_73 = tpu.memref_squeeze %dma_wait3A_72 : memref<1x1000xi32, #tpu.memory_space<vmem>> -> memref<1000xi32, #tpu.memory_space<vmem>>
      %dma_wait3A_74 = tpu.memref_slice %arg3[%run_scoped3A, %mul3A_12] : memref<2x6400000xi32, #tpu.memory_space<hbm>> -> memref<1x1000xi32, #tpu.memory_space<hbm>>
      %dma_wait3A_75 = tpu.memref_squeeze %dma_wait3A_74 : memref<1x1000xi32, #tpu.memory_space<hbm>> -> memref<1000xi32, #tpu.memory_space<hbm>>
      %dma_wait3A_76 = arith.constant 0 : i32
      %dma_wait3A_77 = tpu.memref_slice %arg6[%run_scoped3A_13, %dma_wait3A_76] : memref<4x1000xi32, #tpu.memory_space<vmem>> -> memref<1x1000xi32, #tpu.memory_space<vmem>>
      %dma_wait3A_78 = tpu.memref_squeeze %dma_wait3A_77 : memref<1x1000xi32, #tpu.memory_space<vmem>> -> memref<1000xi32, #tpu.memory_space<vmem>>
      %dma_wait3A_79 = tpu.memref_slice %arg3[%run_scoped3A, %mul3A_12] : memref<2x6400000xi32, #tpu.memory_space<hbm>> -> memref<1x1000xi32, #tpu.memory_space<hbm>>
      %dma_wait3A_80 = tpu.memref_squeeze %dma_wait3A_79 : memref<1x1000xi32, #tpu.memory_space<hbm>> -> memref<1000xi32, #tpu.memory_space<hbm>>
      tpu.wait_dma2 semaphore(%run_scoped3A_61 : memref<!tpu.dma_semaphore, #tpu.memory_space<semaphore_mem>>) src(%dma_wait3A_80 : memref<1000xi32, #tpu.memory_space<hbm>>) dst(%dma_wait3A_78 : memref<1000xi32, #tpu.memory_space<vmem>>)
      tpu.yield
    }) : () -> ()
    %run_scoped3A_14 = arith.constant 1 : i32
    %run_scoped3A_15 = arith.constant 0 : i32
    "tpu.region"() ({
      %run_scoped3A_61 = tpu.sem_alloc : memref<!tpu.dma_semaphore, #tpu.memory_space<semaphore_mem>>
      %dma_start3A = arith.constant 0 : i32
      %dma_start3A_62 = tpu.memref_slice %arg7[%run_scoped3A_15, %dma_start3A] : memref<4x1000xi32, #tpu.memory_space<vmem>> -> memref<1x1000xi32, #tpu.memory_space<vmem>>
      %dma_start3A_63 = tpu.memref_squeeze %dma_start3A_62 : memref<1x1000xi32, #tpu.memory_space<vmem>> -> memref<1000xi32, #tpu.memory_space<vmem>>
      %dma_start3A_64 = tpu.memref_slice %arg3[%run_scoped3A_14, %mul3A_12] : memref<2x6400000xi32, #tpu.memory_space<hbm>> -> memref<1x1000xi32, #tpu.memory_space<hbm>>
      %dma_start3A_65 = tpu.memref_squeeze %dma_start3A_64 : memref<1x1000xi32, #tpu.memory_space<hbm>> -> memref<1000xi32, #tpu.memory_space<hbm>>
      %dma_start3A_66 = arith.constant 0 : i32
      %dma_start3A_67 = tpu.memref_slice %arg7[%run_scoped3A_15, %dma_start3A_66] : memref<4x1000xi32, #tpu.memory_space<vmem>> -> memref<1x1000xi32, #tpu.memory_space<vmem>>
      %dma_start3A_68 = tpu.memref_squeeze %dma_start3A_67 : memref<1x1000xi32, #tpu.memory_space<vmem>> -> memref<1000xi32, #tpu.memory_space<vmem>>
      %dma_start3A_69 = tpu.memref_slice %arg3[%run_scoped3A_14, %mul3A_12] : memref<2x6400000xi32, #tpu.memory_space<hbm>> -> memref<1x1000xi32, #tpu.memory_space<hbm>>
      %dma_start3A_70 = tpu.memref_squeeze %dma_start3A_69 : memref<1x1000xi32, #tpu.memory_space<hbm>> -> memref<1000xi32, #tpu.memory_space<hbm>>
      tpu.enqueue_dma source(%dma_start3A_70 : memref<1000xi32, #tpu.memory_space<hbm>>) target(%dma_start3A_68 : memref<1000xi32, #tpu.memory_space<vmem>>) target_semaphore(%run_scoped3A_61 : memref<!tpu.dma_semaphore, #tpu.memory_space<semaphore_mem>>)
      %dma_wait3A_71 = arith.constant 0 : i32
      %dma_wait3A_72 = tpu.memref_slice %arg7[%run_scoped3A_15, %dma_wait3A_71] : memref<4x1000xi32, #tpu.memory_space<vmem>> -> memref<1x1000xi32, #tpu.memory_space<vmem>>
      %dma_wait3A_73 = tpu.memref_squeeze %dma_wait3A_72 : memref<1x1000xi32, #tpu.memory_space<vmem>> -> memref<1000xi32, #tpu.memory_space<vmem>>
      %dma_wait3A_74 = tpu.memref_slice %arg3[%run_scoped3A_14, %mul3A_12] : memref<2x6400000xi32, #tpu.memory_space<hbm>> -> memref<1x1000xi32, #tpu.memory_space<hbm>>
      %dma_wait3A_75 = tpu.memref_squeeze %dma_wait3A_74 : memref<1x1000xi32, #tpu.memory_space<hbm>> -> memref<1000xi32, #tpu.memory_space<hbm>>
      %dma_wait3A_76 = arith.constant 0 : i32
      %dma_wait3A_77 = tpu.memref_slice %arg7[%run_scoped3A_15, %dma_wait3A_76] : memref<4x1000xi32, #tpu.memory_space<vmem>> -> memref<1x1000xi32, #tpu.memory_space<vmem>>
      %dma_wait3A_78 = tpu.memref_squeeze %dma_wait3A_77 : memref<1x1000xi32, #tpu.memory_space<vmem>> -> memref<1000xi32, #tpu.memory_space<vmem>>
      %dma_wait3A_79 = tpu.memref_slice %arg3[%run_scoped3A_14, %mul3A_12] : memref<2x6400000xi32, #tpu.memory_space<hbm>> -> memref<1x1000xi32, #tpu.memory_space<hbm>>
      %dma_wait3A_80 = tpu.memref_squeeze %dma_wait3A_79 : memref<1x1000xi32, #tpu.memory_space<hbm>> -> memref<1000xi32, #tpu.memory_space<hbm>>
      tpu.wait_dma2 semaphore(%run_scoped3A_61 : memref<!tpu.dma_semaphore, #tpu.memory_space<semaphore_mem>>) src(%dma_wait3A_80 : memref<1000xi32, #tpu.memory_space<hbm>>) dst(%dma_wait3A_78 : memref<1000xi32, #tpu.memory_space<vmem>>)
      tpu.yield
    }) : () -> ()
    %scan3A = arith.constant 0 : i32
    %scan3A_16 = arith.constant 0 : i32
    %scan3A_17 = arith.constant 50 : i32
    %scan3A_18 = arith.addi %scan3A_16, %scan3A_17 : i32
    %scan3A_19 = arith.constant 1 : i32
    scf.for %scan3A_61 = %scan3A_16 to %scan3A_18 step %scan3A_19  : i32 {
      %mul3A_62 = arith.constant 4000 : i32
      %mul3A_63 = arith.muli %scan3A_61, %mul3A_62 : i32
      %add3A_64 = arith.addi %mul3A_12, %mul3A_63 : i32
      %add3A_65 = arith.constant 1000 : i32
      %add3A_66 = arith.addi %add3A_64, %add3A_65 : i32
      %min3A = arith.constant 6399000 : i32
      %min3A_67 = arith.minsi %add3A_66, %min3A : i32
      %dma_start3A = arith.constant 0 : i32
      %dma_start3A_68 = arith.constant 1 : i32
      %dma_start3A_69 = arith.constant 0 : i32
      %dma_start3A_70 = tpu.memref_slice %arg6[%dma_start3A_68, %dma_start3A_69] : memref<4x1000xi32, #tpu.memory_space<vmem>> -> memref<1x1000xi32, #tpu.memory_space<vmem>>
      %dma_start3A_71 = tpu.memref_squeeze %dma_start3A_70 : memref<1x1000xi32, #tpu.memory_space<vmem>> -> memref<1000xi32, #tpu.memory_space<vmem>>
      %dma_start3A_72 = tpu.memref_slice %arg3[%dma_start3A, %min3A_67] : memref<2x6400000xi32, #tpu.memory_space<hbm>> -> memref<1x1000xi32, #tpu.memory_space<hbm>>
      %dma_start3A_73 = tpu.memref_squeeze %dma_start3A_72 : memref<1x1000xi32, #tpu.memory_space<hbm>> -> memref<1000xi32, #tpu.memory_space<hbm>>
      %dma_start3A_74 = arith.constant 0 : i32
      %dma_start3A_75 = tpu.memref_slice %arg6[%dma_start3A_68, %dma_start3A_74] : memref<4x1000xi32, #tpu.memory_space<vmem>> -> memref<1x1000xi32, #tpu.memory_space<vmem>>
      %dma_start3A_76 = tpu.memref_squeeze %dma_start3A_75 : memref<1x1000xi32, #tpu.memory_space<vmem>> -> memref<1000xi32, #tpu.memory_space<vmem>>
      %dma_start3A_77 = tpu.memref_slice %arg3[%dma_start3A, %min3A_67] : memref<2x6400000xi32, #tpu.memory_space<hbm>> -> memref<1x1000xi32, #tpu.memory_space<hbm>>
      %dma_start3A_78 = tpu.memref_squeeze %dma_start3A_77 : memref<1x1000xi32, #tpu.memory_space<hbm>> -> memref<1000xi32, #tpu.memory_space<hbm>>
      tpu.enqueue_dma source(%dma_start3A_78 : memref<1000xi32, #tpu.memory_space<hbm>>) target(%dma_start3A_76 : memref<1000xi32, #tpu.memory_space<vmem>>) target_semaphore(%arg12 : memref<!tpu.dma_semaphore, #tpu.memory_space<semaphore_mem>>)
      %dma_start3A_79 = arith.constant 1 : i32
      %dma_start3A_80 = arith.constant 1 : i32
      %dma_start3A_81 = arith.constant 0 : i32
      %dma_start3A_82 = tpu.memref_slice %arg7[%dma_start3A_80, %dma_start3A_81] : memref<4x1000xi32, #tpu.memory_space<vmem>> -> memref<1x1000xi32, #tpu.memory_space<vmem>>
      %dma_start3A_83 = tpu.memref_squeeze %dma_start3A_82 : memref<1x1000xi32, #tpu.memory_space<vmem>> -> memref<1000xi32, #tpu.memory_space<vmem>>
      %dma_start3A_84 = tpu.memref_slice %arg3[%dma_start3A_79, %min3A_67] : memref<2x6400000xi32, #tpu.memory_space<hbm>> -> memref<1x1000xi32, #tpu.memory_space<hbm>>
      %dma_start3A_85 = tpu.memref_squeeze %dma_start3A_84 : memref<1x1000xi32, #tpu.memory_space<hbm>> -> memref<1000xi32, #tpu.memory_space<hbm>>
      %dma_start3A_86 = arith.constant 0 : i32
      %dma_start3A_87 = tpu.memref_slice %arg7[%dma_start3A_80, %dma_start3A_86] : memref<4x1000xi32, #tpu.memory_space<vmem>> -> memref<1x1000xi32, #tpu.memory_space<vmem>>
      %dma_start3A_88 = tpu.memref_squeeze %dma_start3A_87 : memref<1x1000xi32, #tpu.memory_space<vmem>> -> memref<1000xi32, #tpu.memory_space<vmem>>
      %dma_start3A_89 = tpu.memref_slice %arg3[%dma_start3A_79, %min3A_67] : memref<2x6400000xi32, #tpu.memory_space<hbm>> -> memref<1x1000xi32, #tpu.memory_space<hbm>>
      %dma_start3A_90 = tpu.memref_squeeze %dma_start3A_89 : memref<1x1000xi32, #tpu.memory_space<hbm>> -> memref<1000xi32, #tpu.memory_space<hbm>>
      tpu.enqueue_dma source(%dma_start3A_90 : memref<1000xi32, #tpu.memory_space<hbm>>) target(%dma_start3A_88 : memref<1000xi32, #tpu.memory_space<vmem>>) target_semaphore(%arg12 : memref<!tpu.dma_semaphore, #tpu.memory_space<semaphore_mem>>)
      %gt3A = arith.constant 0 : i32
      %gt3A_91 = arith.cmpi sgt, %scan3A_61, %gt3A : i32
      %convert_element_type3A_92 = arith.extui %gt3A_91 : i1 to i32
      %cond3A_93 = arith.constant 0 : i32
      %cond3A_94 = arith.cmpi ne, %convert_element_type3A_92, %cond3A_93 : i32
      scf.if %cond3A_94 {
        %dma_wait3A_454 = arith.constant 0 : i32
        %dma_wait3A_455 = arith.constant 0 : i32
        %dma_wait3A_456 = arith.constant 0 : i32
        %dma_wait3A_457 = tpu.memref_slice %arg8[%dma_wait3A_454, %dma_wait3A_455, %dma_wait3A_456] : memref<2x1000x8xf32, #tpu.memory_space<vmem>> -> memref<1x1000x8xf32, #tpu.memory_space<vmem>>
        %dma_wait3A_458 = tpu.memref_squeeze %dma_wait3A_457 : memref<1x1000x8xf32, #tpu.memory_space<vmem>> -> memref<1000x8xf32, #tpu.memory_space<vmem>>
        %dma_wait3A_459 = arith.constant 0 : i32
        %dma_wait3A_460 = arith.constant 0 : i32
        %dma_wait3A_461 = tpu.memref_slice %arg2[%dma_wait3A_459, %dma_wait3A_460] : memref<100000x8xf32, #tpu.memory_space<hbm>> -> memref<1000x8xf32, #tpu.memory_space<hbm>>
        %dma_wait3A_462 = arith.constant 0 : i32
        %dma_wait3A_463 = arith.constant 0 : i32
        %dma_wait3A_464 = tpu.memref_slice %arg8[%dma_wait3A_454, %dma_wait3A_462, %dma_wait3A_463] : memref<2x1000x8xf32, #tpu.memory_space<vmem>> -> memref<1x1000x8xf32, #tpu.memory_space<vmem>>
        %dma_wait3A_465 = tpu.memref_squeeze %dma_wait3A_464 : memref<1x1000x8xf32, #tpu.memory_space<vmem>> -> memref<1000x8xf32, #tpu.memory_space<vmem>>
        %dma_wait3A_466 = arith.constant 0 : i32
        %dma_wait3A_467 = arith.constant 0 : i32
        %dma_wait3A_468 = tpu.memref_slice %arg2[%dma_wait3A_466, %dma_wait3A_467] : memref<100000x8xf32, #tpu.memory_space<hbm>> -> memref<1000x8xf32, #tpu.memory_space<hbm>>
        tpu.wait_dma2 semaphore(%arg13 : memref<!tpu.dma_semaphore, #tpu.memory_space<semaphore_mem>>) src(%dma_wait3A_468 : memref<1000x8xf32, #tpu.memory_space<hbm>>) dst(%dma_wait3A_465 : memref<1000x8xf32, #tpu.memory_space<vmem>>)
      } else {
      }
      %dma_start3A_95 = arith.constant 0 : i32
      %dma_start3A_96 = arith.constant 0 : i32
      %dma_start3A_97 = arith.constant 0 : i32
      %dma_start3A_98 = arith.constant 0 : i32
      %dma_start3A_99 = tpu.memref_slice %arg8[%dma_start3A_96, %dma_start3A_97, %dma_start3A_98] : memref<2x1000x8xf32, #tpu.memory_space<vmem>> -> memref<1x1000x8xf32, #tpu.memory_space<vmem>>
      %dma_start3A_100 = tpu.memref_squeeze %dma_start3A_99 : memref<1x1000x8xf32, #tpu.memory_space<vmem>> -> memref<1000x8xf32, #tpu.memory_space<vmem>>
      %dma_start3A_101 = arith.constant 0 : i32
      %dma_start3A_102 = tpu.memref_slice %arg6[%dma_start3A_95, %dma_start3A_101] : memref<4x1000xi32, #tpu.memory_space<vmem>> -> memref<1x1000xi32, #tpu.memory_space<vmem>>
      %dma_start3A_103 = tpu.memref_squeeze %dma_start3A_102 : memref<1x1000xi32, #tpu.memory_space<vmem>> -> memref<1000xi32, #tpu.memory_space<vmem>>
      %dma_start3A_104 = arith.constant 0 : i32
      %dma_start3A_105 = arith.constant 0 : i32
      %dma_start3A_106 = tpu.memref_slice %arg9[%dma_start3A_104, %dma_start3A_105] : memref<100000x8xf32, #tpu.memory_space<vmem_shared>> -> memref<100000x8xf32, #tpu.memory_space<vmem_shared>>
      tpu.enqueue_indirect_dma source(%dma_start3A_106 : memref<100000x8xf32, #tpu.memory_space<vmem_shared>>) target(%dma_start3A_100 : memref<1000x8xf32, #tpu.memory_space<vmem>>) offsets(%dma_start3A_103 : memref<1000xi32, #tpu.memory_space<vmem>>) semaphore(%arg11 : memref<!tpu.dma_semaphore, #tpu.memory_space<semaphore_mem>>)
      %dma_wait3A_107 = arith.constant 0 : i32
      %dma_wait3A_108 = arith.constant 0 : i32
      %dma_wait3A_109 = arith.constant 0 : i32
      %dma_wait3A_110 = arith.constant 0 : i32
      %dma_wait3A_111 = tpu.memref_slice %arg8[%dma_wait3A_108, %dma_wait3A_109, %dma_wait3A_110] : memref<2x1000x8xf32, #tpu.memory_space<vmem>> -> memref<1x1000x8xf32, #tpu.memory_space<vmem>>
      %dma_wait3A_112 = tpu.memref_squeeze %dma_wait3A_111 : memref<1x1000x8xf32, #tpu.memory_space<vmem>> -> memref<1000x8xf32, #tpu.memory_space<vmem>>
      %dma_wait3A_113 = arith.constant 0 : i32
      %dma_wait3A_114 = tpu.memref_slice %arg6[%dma_wait3A_107, %dma_wait3A_113] : memref<4x1000xi32, #tpu.memory_space<vmem>> -> memref<1x1000xi32, #tpu.memory_space<vmem>>
      %dma_wait3A_115 = tpu.memref_squeeze %dma_wait3A_114 : memref<1x1000xi32, #tpu.memory_space<vmem>> -> memref<1000xi32, #tpu.memory_space<vmem>>
      %dma_wait3A_116 = arith.constant 0 : i32
      %dma_wait3A_117 = arith.constant 0 : i32
      %dma_wait3A_118 = tpu.memref_slice %arg9[%dma_wait3A_116, %dma_wait3A_117] : memref<100000x8xf32, #tpu.memory_space<vmem_shared>> -> memref<100000x8xf32, #tpu.memory_space<vmem_shared>>
      tpu.wait_indirect_dma semaphore(%arg11 : memref<!tpu.dma_semaphore, #tpu.memory_space<semaphore_mem>>) src(%dma_wait3A_118 : memref<100000x8xf32, #tpu.memory_space<vmem_shared>>) dst(%dma_wait3A_112 : memref<1000x8xf32, #tpu.memory_space<vmem>>)
      %dma_start3A_119 = arith.constant 0 : i32
      %dma_start3A_120 = arith.constant 0 : i32
      %dma_start3A_121 = arith.constant 0 : i32
      %dma_start3A_122 = arith.constant 0 : i32
      %dma_start3A_123 = tpu.memref_slice %arg8[%dma_start3A_119, %dma_start3A_121, %dma_start3A_122] : memref<2x1000x8xf32, #tpu.memory_space<vmem>> -> memref<1x1000x8xf32, #tpu.memory_space<vmem>>
      %dma_start3A_124 = tpu.memref_squeeze %dma_start3A_123 : memref<1x1000x8xf32, #tpu.memory_space<vmem>> -> memref<1000x8xf32, #tpu.memory_space<vmem>>
      %dma_start3A_125 = arith.constant 0 : i32
      %dma_start3A_126 = tpu.memref_slice %arg7[%dma_start3A_120, %dma_start3A_125] : memref<4x1000xi32, #tpu.memory_space<vmem>> -> memref<1x1000xi32, #tpu.memory_space<vmem>>
      %dma_start3A_127 = tpu.memref_squeeze %dma_start3A_126 : memref<1x1000xi32, #tpu.memory_space<vmem>> -> memref<1000xi32, #tpu.memory_space<vmem>>
      %dma_start3A_128 = arith.constant 0 : i32
      %dma_start3A_129 = arith.constant 0 : i32
      %dma_start3A_130 = tpu.memref_slice %arg10[%dma_start3A_128, %dma_start3A_129] : memref<100096x8xf32, #tpu.memory_space<vmem_shared>> -> memref<100096x8xf32, #tpu.memory_space<vmem_shared>>
      tpu.enqueue_indirect_dma source(%dma_start3A_124 : memref<1000x8xf32, #tpu.memory_space<vmem>>) target(%dma_start3A_130 : memref<100096x8xf32, #tpu.memory_space<vmem_shared>>) offsets(%dma_start3A_127 : memref<1000xi32, #tpu.memory_space<vmem>>) semaphore(%arg13 : memref<!tpu.dma_semaphore, #tpu.memory_space<semaphore_mem>>) {add = true}
      %dma_wait3A_131 = arith.constant 0 : i32
      %dma_wait3A_132 = arith.constant 1 : i32
      %dma_wait3A_133 = arith.constant 0 : i32
      %dma_wait3A_134 = tpu.memref_slice %arg6[%dma_wait3A_132, %dma_wait3A_133] : memref<4x1000xi32, #tpu.memory_space<vmem>> -> memref<1x1000xi32, #tpu.memory_space<vmem>>
      %dma_wait3A_135 = tpu.memref_squeeze %dma_wait3A_134 : memref<1x1000xi32, #tpu.memory_space<vmem>> -> memref<1000xi32, #tpu.memory_space<vmem>>
      %dma_wait3A_136 = tpu.memref_slice %arg3[%dma_wait3A_131, %min3A_67] : memref<2x6400000xi32, #tpu.memory_space<hbm>> -> memref<1x1000xi32, #tpu.memory_space<hbm>>
      %dma_wait3A_137 = tpu.memref_squeeze %dma_wait3A_136 : memref<1x1000xi32, #tpu.memory_space<hbm>> -> memref<1000xi32, #tpu.memory_space<hbm>>
      %dma_wait3A_138 = arith.constant 0 : i32
      %dma_wait3A_139 = tpu.memref_slice %arg6[%dma_wait3A_132, %dma_wait3A_138] : memref<4x1000xi32, #tpu.memory_space<vmem>> -> memref<1x1000xi32, #tpu.memory_space<vmem>>
      %dma_wait3A_140 = tpu.memref_squeeze %dma_wait3A_139 : memref<1x1000xi32, #tpu.memory_space<vmem>> -> memref<1000xi32, #tpu.memory_space<vmem>>
      %dma_wait3A_141 = tpu.memref_slice %arg3[%dma_wait3A_131, %min3A_67] : memref<2x6400000xi32, #tpu.memory_space<hbm>> -> memref<1x1000xi32, #tpu.memory_space<hbm>>
      %dma_wait3A_142 = tpu.memref_squeeze %dma_wait3A_141 : memref<1x1000xi32, #tpu.memory_space<hbm>> -> memref<1000xi32, #tpu.memory_space<hbm>>
      tpu.wait_dma2 semaphore(%arg12 : memref<!tpu.dma_semaphore, #tpu.memory_space<semaphore_mem>>) src(%dma_wait3A_142 : memref<1000xi32, #tpu.memory_space<hbm>>) dst(%dma_wait3A_140 : memref<1000xi32, #tpu.memory_space<vmem>>)
      %dma_wait3A_143 = arith.constant 1 : i32
      %dma_wait3A_144 = arith.constant 1 : i32
      %dma_wait3A_145 = arith.constant 0 : i32
      %dma_wait3A_146 = tpu.memref_slice %arg7[%dma_wait3A_144, %dma_wait3A_145] : memref<4x1000xi32, #tpu.memory_space<vmem>> -> memref<1x1000xi32, #tpu.memory_space<vmem>>
      %dma_wait3A_147 = tpu.memref_squeeze %dma_wait3A_146 : memref<1x1000xi32, #tpu.memory_space<vmem>> -> memref<1000xi32, #tpu.memory_space<vmem>>
      %dma_wait3A_148 = tpu.memref_slice %arg3[%dma_wait3A_143, %min3A_67] : memref<2x6400000xi32, #tpu.memory_space<hbm>> -> memref<1x1000xi32, #tpu.memory_space<hbm>>
      %dma_wait3A_149 = tpu.memref_squeeze %dma_wait3A_148 : memref<1x1000xi32, #tpu.memory_space<hbm>> -> memref<1000xi32, #tpu.memory_space<hbm>>
      %dma_wait3A_150 = arith.constant 0 : i32
      %dma_wait3A_151 = tpu.memref_slice %arg7[%dma_wait3A_144, %dma_wait3A_150] : memref<4x1000xi32, #tpu.memory_space<vmem>> -> memref<1x1000xi32, #tpu.memory_space<vmem>>
      %dma_wait3A_152 = tpu.memref_squeeze %dma_wait3A_151 : memref<1x1000xi32, #tpu.memory_space<vmem>> -> memref<1000xi32, #tpu.memory_space<vmem>>
      %dma_wait3A_153 = tpu.memref_slice %arg3[%dma_wait3A_143, %min3A_67] : memref<2x6400000xi32, #tpu.memory_space<hbm>> -> memref<1x1000xi32, #tpu.memory_space<hbm>>
      %dma_wait3A_154 = tpu.memref_squeeze %dma_wait3A_153 : memref<1x1000xi32, #tpu.memory_space<hbm>> -> memref<1000xi32, #tpu.memory_space<hbm>>
      tpu.wait_dma2 semaphore(%arg12 : memref<!tpu.dma_semaphore, #tpu.memory_space<semaphore_mem>>) src(%dma_wait3A_154 : memref<1000xi32, #tpu.memory_space<hbm>>) dst(%dma_wait3A_152 : memref<1000xi32, #tpu.memory_space<vmem>>)
      %add3A_155 = arith.constant 2000 : i32
      %add3A_156 = arith.addi %add3A_64, %add3A_155 : i32
      %min3A_157 = arith.constant 6399000 : i32
      %min3A_158 = arith.minsi %add3A_156, %min3A_157 : i32
      %dma_start3A_159 = arith.constant 0 : i32
      %dma_start3A_160 = arith.constant 2 : i32
      %dma_start3A_161 = arith.constant 0 : i32
      %dma_start3A_162 = tpu.memref_slice %arg6[%dma_start3A_160, %dma_start3A_161] : memref<4x1000xi32, #tpu.memory_space<vmem>> -> memref<1x1000xi32, #tpu.memory_space<vmem>>
      %dma_start3A_163 = tpu.memref_squeeze %dma_start3A_162 : memref<1x1000xi32, #tpu.memory_space<vmem>> -> memref<1000xi32, #tpu.memory_space<vmem>>
      %dma_start3A_164 = tpu.memref_slice %arg3[%dma_start3A_159, %min3A_158] : memref<2x6400000xi32, #tpu.memory_space<hbm>> -> memref<1x1000xi32, #tpu.memory_space<hbm>>
      %dma_start3A_165 = tpu.memref_squeeze %dma_start3A_164 : memref<1x1000xi32, #tpu.memory_space<hbm>> -> memref<1000xi32, #tpu.memory_space<hbm>>
      %dma_start3A_166 = arith.constant 0 : i32
      %dma_start3A_167 = tpu.memref_slice %arg6[%dma_start3A_160, %dma_start3A_166] : memref<4x1000xi32, #tpu.memory_space<vmem>> -> memref<1x1000xi32, #tpu.memory_space<vmem>>
      %dma_start3A_168 = tpu.memref_squeeze %dma_start3A_167 : memref<1x1000xi32, #tpu.memory_space<vmem>> -> memref<1000xi32, #tpu.memory_space<vmem>>
      %dma_start3A_169 = tpu.memref_slice %arg3[%dma_start3A_159, %min3A_158] : memref<2x6400000xi32, #tpu.memory_space<hbm>> -> memref<1x1000xi32, #tpu.memory_space<hbm>>
      %dma_start3A_170 = tpu.memref_squeeze %dma_start3A_169 : memref<1x1000xi32, #tpu.memory_space<hbm>> -> memref<1000xi32, #tpu.memory_space<hbm>>
      tpu.enqueue_dma source(%dma_start3A_170 : memref<1000xi32, #tpu.memory_space<hbm>>) target(%dma_start3A_168 : memref<1000xi32, #tpu.memory_space<vmem>>) target_semaphore(%arg12 : memref<!tpu.dma_semaphore, #tpu.memory_space<semaphore_mem>>)
      %dma_start3A_171 = arith.constant 1 : i32
      %dma_start3A_172 = arith.constant 2 : i32
      %dma_start3A_173 = arith.constant 0 : i32
      %dma_start3A_174 = tpu.memref_slice %arg7[%dma_start3A_172, %dma_start3A_173] : memref<4x1000xi32, #tpu.memory_space<vmem>> -> memref<1x1000xi32, #tpu.memory_space<vmem>>
      %dma_start3A_175 = tpu.memref_squeeze %dma_start3A_174 : memref<1x1000xi32, #tpu.memory_space<vmem>> -> memref<1000xi32, #tpu.memory_space<vmem>>
      %dma_start3A_176 = tpu.memref_slice %arg3[%dma_start3A_171, %min3A_158] : memref<2x6400000xi32, #tpu.memory_space<hbm>> -> memref<1x1000xi32, #tpu.memory_space<hbm>>
      %dma_start3A_177 = tpu.memref_squeeze %dma_start3A_176 : memref<1x1000xi32, #tpu.memory_space<hbm>> -> memref<1000xi32, #tpu.memory_space<hbm>>
      %dma_start3A_178 = arith.constant 0 : i32
      %dma_start3A_179 = tpu.memref_slice %arg7[%dma_start3A_172, %dma_start3A_178] : memref<4x1000xi32, #tpu.memory_space<vmem>> -> memref<1x1000xi32, #tpu.memory_space<vmem>>
      %dma_start3A_180 = tpu.memref_squeeze %dma_start3A_179 : memref<1x1000xi32, #tpu.memory_space<vmem>> -> memref<1000xi32, #tpu.memory_space<vmem>>
      %dma_start3A_181 = tpu.memref_slice %arg3[%dma_start3A_171, %min3A_158] : memref<2x6400000xi32, #tpu.memory_space<hbm>> -> memref<1x1000xi32, #tpu.memory_space<hbm>>
      %dma_start3A_182 = tpu.memref_squeeze %dma_start3A_181 : memref<1x1000xi32, #tpu.memory_space<hbm>> -> memref<1000xi32, #tpu.memory_space<hbm>>
      tpu.enqueue_dma source(%dma_start3A_182 : memref<1000xi32, #tpu.memory_space<hbm>>) target(%dma_start3A_180 : memref<1000xi32, #tpu.memory_space<vmem>>) target_semaphore(%arg12 : memref<!tpu.dma_semaphore, #tpu.memory_space<semaphore_mem>>)
      %gt3A_183 = arith.constant 0 : i32
      %gt3A_184 = arith.cmpi sgt, %scan3A_61, %gt3A_183 : i32
      %convert_element_type3A_185 = arith.extui %gt3A_184 : i1 to i32
      %cond3A_186 = arith.constant 0 : i32
      %cond3A_187 = arith.cmpi ne, %convert_element_type3A_185, %cond3A_186 : i32
      scf.if %cond3A_187 {
        %dma_wait3A_454 = arith.constant 1 : i32
        %dma_wait3A_455 = arith.constant 0 : i32
        %dma_wait3A_456 = arith.constant 0 : i32
        %dma_wait3A_457 = tpu.memref_slice %arg8[%dma_wait3A_454, %dma_wait3A_455, %dma_wait3A_456] : memref<2x1000x8xf32, #tpu.memory_space<vmem>> -> memref<1x1000x8xf32, #tpu.memory_space<vmem>>
        %dma_wait3A_458 = tpu.memref_squeeze %dma_wait3A_457 : memref<1x1000x8xf32, #tpu.memory_space<vmem>> -> memref<1000x8xf32, #tpu.memory_space<vmem>>
        %dma_wait3A_459 = arith.constant 0 : i32
        %dma_wait3A_460 = arith.constant 0 : i32
        %dma_wait3A_461 = tpu.memref_slice %arg2[%dma_wait3A_459, %dma_wait3A_460] : memref<100000x8xf32, #tpu.memory_space<hbm>> -> memref<1000x8xf32, #tpu.memory_space<hbm>>
        %dma_wait3A_462 = arith.constant 0 : i32
        %dma_wait3A_463 = arith.constant 0 : i32
        %dma_wait3A_464 = tpu.memref_slice %arg8[%dma_wait3A_454, %dma_wait3A_462, %dma_wait3A_463] : memref<2x1000x8xf32, #tpu.memory_space<vmem>> -> memref<1x1000x8xf32, #tpu.memory_space<vmem>>
        %dma_wait3A_465 = tpu.memref_squeeze %dma_wait3A_464 : memref<1x1000x8xf32, #tpu.memory_space<vmem>> -> memref<1000x8xf32, #tpu.memory_space<vmem>>
        %dma_wait3A_466 = arith.constant 0 : i32
        %dma_wait3A_467 = arith.constant 0 : i32
        %dma_wait3A_468 = tpu.memref_slice %arg2[%dma_wait3A_466, %dma_wait3A_467] : memref<100000x8xf32, #tpu.memory_space<hbm>> -> memref<1000x8xf32, #tpu.memory_space<hbm>>
        tpu.wait_dma2 semaphore(%arg13 : memref<!tpu.dma_semaphore, #tpu.memory_space<semaphore_mem>>) src(%dma_wait3A_468 : memref<1000x8xf32, #tpu.memory_space<hbm>>) dst(%dma_wait3A_465 : memref<1000x8xf32, #tpu.memory_space<vmem>>)
      } else {
      }
      %dma_start3A_188 = arith.constant 1 : i32
      %dma_start3A_189 = arith.constant 1 : i32
      %dma_start3A_190 = arith.constant 0 : i32
      %dma_start3A_191 = arith.constant 0 : i32
      %dma_start3A_192 = tpu.memref_slice %arg8[%dma_start3A_189, %dma_start3A_190, %dma_start3A_191] : memref<2x1000x8xf32, #tpu.memory_space<vmem>> -> memref<1x1000x8xf32, #tpu.memory_space<vmem>>
      %dma_start3A_193 = tpu.memref_squeeze %dma_start3A_192 : memref<1x1000x8xf32, #tpu.memory_space<vmem>> -> memref<1000x8xf32, #tpu.memory_space<vmem>>
      %dma_start3A_194 = arith.constant 0 : i32
      %dma_start3A_195 = tpu.memref_slice %arg6[%dma_start3A_188, %dma_start3A_194] : memref<4x1000xi32, #tpu.memory_space<vmem>> -> memref<1x1000xi32, #tpu.memory_space<vmem>>
      %dma_start3A_196 = tpu.memref_squeeze %dma_start3A_195 : memref<1x1000xi32, #tpu.memory_space<vmem>> -> memref<1000xi32, #tpu.memory_space<vmem>>
      %dma_start3A_197 = arith.constant 0 : i32
      %dma_start3A_198 = arith.constant 0 : i32
      %dma_start3A_199 = tpu.memref_slice %arg9[%dma_start3A_197, %dma_start3A_198] : memref<100000x8xf32, #tpu.memory_space<vmem_shared>> -> memref<100000x8xf32, #tpu.memory_space<vmem_shared>>
      tpu.enqueue_indirect_dma source(%dma_start3A_199 : memref<100000x8xf32, #tpu.memory_space<vmem_shared>>) target(%dma_start3A_193 : memref<1000x8xf32, #tpu.memory_space<vmem>>) offsets(%dma_start3A_196 : memref<1000xi32, #tpu.memory_space<vmem>>) semaphore(%arg11 : memref<!tpu.dma_semaphore, #tpu.memory_space<semaphore_mem>>)
      %dma_wait3A_200 = arith.constant 1 : i32
      %dma_wait3A_201 = arith.constant 1 : i32
      %dma_wait3A_202 = arith.constant 0 : i32
      %dma_wait3A_203 = arith.constant 0 : i32
      %dma_wait3A_204 = tpu.memref_slice %arg8[%dma_wait3A_201, %dma_wait3A_202, %dma_wait3A_203] : memref<2x1000x8xf32, #tpu.memory_space<vmem>> -> memref<1x1000x8xf32, #tpu.memory_space<vmem>>
      %dma_wait3A_205 = tpu.memref_squeeze %dma_wait3A_204 : memref<1x1000x8xf32, #tpu.memory_space<vmem>> -> memref<1000x8xf32, #tpu.memory_space<vmem>>
      %dma_wait3A_206 = arith.constant 0 : i32
      %dma_wait3A_207 = tpu.memref_slice %arg6[%dma_wait3A_200, %dma_wait3A_206] : memref<4x1000xi32, #tpu.memory_space<vmem>> -> memref<1x1000xi32, #tpu.memory_space<vmem>>
      %dma_wait3A_208 = tpu.memref_squeeze %dma_wait3A_207 : memref<1x1000xi32, #tpu.memory_space<vmem>> -> memref<1000xi32, #tpu.memory_space<vmem>>
      %dma_wait3A_209 = arith.constant 0 : i32
      %dma_wait3A_210 = arith.constant 0 : i32
      %dma_wait3A_211 = tpu.memref_slice %arg9[%dma_wait3A_209, %dma_wait3A_210] : memref<100000x8xf32, #tpu.memory_space<vmem_shared>> -> memref<100000x8xf32, #tpu.memory_space<vmem_shared>>
      tpu.wait_indirect_dma semaphore(%arg11 : memref<!tpu.dma_semaphore, #tpu.memory_space<semaphore_mem>>) src(%dma_wait3A_211 : memref<100000x8xf32, #tpu.memory_space<vmem_shared>>) dst(%dma_wait3A_205 : memref<1000x8xf32, #tpu.memory_space<vmem>>)
      %dma_start3A_212 = arith.constant 1 : i32
      %dma_start3A_213 = arith.constant 1 : i32
      %dma_start3A_214 = arith.constant 0 : i32
      %dma_start3A_215 = arith.constant 0 : i32
      %dma_start3A_216 = tpu.memref_slice %arg8[%dma_start3A_212, %dma_start3A_214, %dma_start3A_215] : memref<2x1000x8xf32, #tpu.memory_space<vmem>> -> memref<1x1000x8xf32, #tpu.memory_space<vmem>>
      %dma_start3A_217 = tpu.memref_squeeze %dma_start3A_216 : memref<1x1000x8xf32, #tpu.memory_space<vmem>> -> memref<1000x8xf32, #tpu.memory_space<vmem>>
      %dma_start3A_218 = arith.constant 0 : i32
      %dma_start3A_219 = tpu.memref_slice %arg7[%dma_start3A_213, %dma_start3A_218] : memref<4x1000xi32, #tpu.memory_space<vmem>> -> memref<1x1000xi32, #tpu.memory_space<vmem>>
      %dma_start3A_220 = tpu.memref_squeeze %dma_start3A_219 : memref<1x1000xi32, #tpu.memory_space<vmem>> -> memref<1000xi32, #tpu.memory_space<vmem>>
      %dma_start3A_221 = arith.constant 0 : i32
      %dma_start3A_222 = arith.constant 0 : i32
      %dma_start3A_223 = tpu.memref_slice %arg10[%dma_start3A_221, %dma_start3A_222] : memref<100096x8xf32, #tpu.memory_space<vmem_shared>> -> memref<100096x8xf32, #tpu.memory_space<vmem_shared>>
      tpu.enqueue_indirect_dma source(%dma_start3A_217 : memref<1000x8xf32, #tpu.memory_space<vmem>>) target(%dma_start3A_223 : memref<100096x8xf32, #tpu.memory_space<vmem_shared>>) offsets(%dma_start3A_220 : memref<1000xi32, #tpu.memory_space<vmem>>) semaphore(%arg13 : memref<!tpu.dma_semaphore, #tpu.memory_space<semaphore_mem>>) {add = true}
      %dma_wait3A_224 = arith.constant 0 : i32
      %dma_wait3A_225 = arith.constant 2 : i32
      %dma_wait3A_226 = arith.constant 0 : i32
      %dma_wait3A_227 = tpu.memref_slice %arg6[%dma_wait3A_225, %dma_wait3A_226] : memref<4x1000xi32, #tpu.memory_space<vmem>> -> memref<1x1000xi32, #tpu.memory_space<vmem>>
      %dma_wait3A_228 = tpu.memref_squeeze %dma_wait3A_227 : memref<1x1000xi32, #tpu.memory_space<vmem>> -> memref<1000xi32, #tpu.memory_space<vmem>>
      %dma_wait3A_229 = tpu.memref_slice %arg3[%dma_wait3A_224, %min3A_158] : memref<2x6400000xi32, #tpu.memory_space<hbm>> -> memref<1x1000xi32, #tpu.memory_space<hbm>>
      %dma_wait3A_230 = tpu.memref_squeeze %dma_wait3A_229 : memref<1x1000xi32, #tpu.memory_space<hbm>> -> memref<1000xi32, #tpu.memory_space<hbm>>
      %dma_wait3A_231 = arith.constant 0 : i32
      %dma_wait3A_232 = tpu.memref_slice %arg6[%dma_wait3A_225, %dma_wait3A_231] : memref<4x1000xi32, #tpu.memory_space<vmem>> -> memref<1x1000xi32, #tpu.memory_space<vmem>>
      %dma_wait3A_233 = tpu.memref_squeeze %dma_wait3A_232 : memref<1x1000xi32, #tpu.memory_space<vmem>> -> memref<1000xi32, #tpu.memory_space<vmem>>
      %dma_wait3A_234 = tpu.memref_slice %arg3[%dma_wait3A_224, %min3A_158] : memref<2x6400000xi32, #tpu.memory_space<hbm>> -> memref<1x1000xi32, #tpu.memory_space<hbm>>
      %dma_wait3A_235 = tpu.memref_squeeze %dma_wait3A_234 : memref<1x1000xi32, #tpu.memory_space<hbm>> -> memref<1000xi32, #tpu.memory_space<hbm>>
      tpu.wait_dma2 semaphore(%arg12 : memref<!tpu.dma_semaphore, #tpu.memory_space<semaphore_mem>>) src(%dma_wait3A_235 : memref<1000xi32, #tpu.memory_space<hbm>>) dst(%dma_wait3A_233 : memref<1000xi32, #tpu.memory_space<vmem>>)
      %dma_wait3A_236 = arith.constant 1 : i32
      %dma_wait3A_237 = arith.constant 2 : i32
      %dma_wait3A_238 = arith.constant 0 : i32
      %dma_wait3A_239 = tpu.memref_slice %arg7[%dma_wait3A_237, %dma_wait3A_238] : memref<4x1000xi32, #tpu.memory_space<vmem>> -> memref<1x1000xi32, #tpu.memory_space<vmem>>
      %dma_wait3A_240 = tpu.memref_squeeze %dma_wait3A_239 : memref<1x1000xi32, #tpu.memory_space<vmem>> -> memref<1000xi32, #tpu.memory_space<vmem>>
      %dma_wait3A_241 = tpu.memref_slice %arg3[%dma_wait3A_236, %min3A_158] : memref<2x6400000xi32, #tpu.memory_space<hbm>> -> memref<1x1000xi32, #tpu.memory_space<hbm>>
      %dma_wait3A_242 = tpu.memref_squeeze %dma_wait3A_241 : memref<1x1000xi32, #tpu.memory_space<hbm>> -> memref<1000xi32, #tpu.memory_space<hbm>>
      %dma_wait3A_243 = arith.constant 0 : i32
      %dma_wait3A_244 = tpu.memref_slice %arg7[%dma_wait3A_237, %dma_wait3A_243] : memref<4x1000xi32, #tpu.memory_space<vmem>> -> memref<1x1000xi32, #tpu.memory_space<vmem>>
      %dma_wait3A_245 = tpu.memref_squeeze %dma_wait3A_244 : memref<1x1000xi32, #tpu.memory_space<vmem>> -> memref<1000xi32, #tpu.memory_space<vmem>>
      %dma_wait3A_246 = tpu.memref_slice %arg3[%dma_wait3A_236, %min3A_158] : memref<2x6400000xi32, #tpu.memory_space<hbm>> -> memref<1x1000xi32, #tpu.memory_space<hbm>>
      %dma_wait3A_247 = tpu.memref_squeeze %dma_wait3A_246 : memref<1x1000xi32, #tpu.memory_space<hbm>> -> memref<1000xi32, #tpu.memory_space<hbm>>
      tpu.wait_dma2 semaphore(%arg12 : memref<!tpu.dma_semaphore, #tpu.memory_space<semaphore_mem>>) src(%dma_wait3A_247 : memref<1000xi32, #tpu.memory_space<hbm>>) dst(%dma_wait3A_245 : memref<1000xi32, #tpu.memory_space<vmem>>)
      %add3A_248 = arith.constant 3000 : i32
      %add3A_249 = arith.addi %add3A_64, %add3A_248 : i32
      %min3A_250 = arith.constant 6399000 : i32
      %min3A_251 = arith.minsi %add3A_249, %min3A_250 : i32
      %dma_start3A_252 = arith.constant 0 : i32
      %dma_start3A_253 = arith.constant 3 : i32
      %dma_start3A_254 = arith.constant 0 : i32
      %dma_start3A_255 = tpu.memref_slice %arg6[%dma_start3A_253, %dma_start3A_254] : memref<4x1000xi32, #tpu.memory_space<vmem>> -> memref<1x1000xi32, #tpu.memory_space<vmem>>
      %dma_start3A_256 = tpu.memref_squeeze %dma_start3A_255 : memref<1x1000xi32, #tpu.memory_space<vmem>> -> memref<1000xi32, #tpu.memory_space<vmem>>
      %dma_start3A_257 = tpu.memref_slice %arg3[%dma_start3A_252, %min3A_251] : memref<2x6400000xi32, #tpu.memory_space<hbm>> -> memref<1x1000xi32, #tpu.memory_space<hbm>>
      %dma_start3A_258 = tpu.memref_squeeze %dma_start3A_257 : memref<1x1000xi32, #tpu.memory_space<hbm>> -> memref<1000xi32, #tpu.memory_space<hbm>>
      %dma_start3A_259 = arith.constant 0 : i32
      %dma_start3A_260 = tpu.memref_slice %arg6[%dma_start3A_253, %dma_start3A_259] : memref<4x1000xi32, #tpu.memory_space<vmem>> -> memref<1x1000xi32, #tpu.memory_space<vmem>>
      %dma_start3A_261 = tpu.memref_squeeze %dma_start3A_260 : memref<1x1000xi32, #tpu.memory_space<vmem>> -> memref<1000xi32, #tpu.memory_space<vmem>>
      %dma_start3A_262 = tpu.memref_slice %arg3[%dma_start3A_252, %min3A_251] : memref<2x6400000xi32, #tpu.memory_space<hbm>> -> memref<1x1000xi32, #tpu.memory_space<hbm>>
      %dma_start3A_263 = tpu.memref_squeeze %dma_start3A_262 : memref<1x1000xi32, #tpu.memory_space<hbm>> -> memref<1000xi32, #tpu.memory_space<hbm>>
      tpu.enqueue_dma source(%dma_start3A_263 : memref<1000xi32, #tpu.memory_space<hbm>>) target(%dma_start3A_261 : memref<1000xi32, #tpu.memory_space<vmem>>) target_semaphore(%arg12 : memref<!tpu.dma_semaphore, #tpu.memory_space<semaphore_mem>>)
      %dma_start3A_264 = arith.constant 1 : i32
      %dma_start3A_265 = arith.constant 3 : i32
      %dma_start3A_266 = arith.constant 0 : i32
      %dma_start3A_267 = tpu.memref_slice %arg7[%dma_start3A_265, %dma_start3A_266] : memref<4x1000xi32, #tpu.memory_space<vmem>> -> memref<1x1000xi32, #tpu.memory_space<vmem>>
      %dma_start3A_268 = tpu.memref_squeeze %dma_start3A_267 : memref<1x1000xi32, #tpu.memory_space<vmem>> -> memref<1000xi32, #tpu.memory_space<vmem>>
      %dma_start3A_269 = tpu.memref_slice %arg3[%dma_start3A_264, %min3A_251] : memref<2x6400000xi32, #tpu.memory_space<hbm>> -> memref<1x1000xi32, #tpu.memory_space<hbm>>
      %dma_start3A_270 = tpu.memref_squeeze %dma_start3A_269 : memref<1x1000xi32, #tpu.memory_space<hbm>> -> memref<1000xi32, #tpu.memory_space<hbm>>
      %dma_start3A_271 = arith.constant 0 : i32
      %dma_start3A_272 = tpu.memref_slice %arg7[%dma_start3A_265, %dma_start3A_271] : memref<4x1000xi32, #tpu.memory_space<vmem>> -> memref<1x1000xi32, #tpu.memory_space<vmem>>
      %dma_start3A_273 = tpu.memref_squeeze %dma_start3A_272 : memref<1x1000xi32, #tpu.memory_space<vmem>> -> memref<1000xi32, #tpu.memory_space<vmem>>
      %dma_start3A_274 = tpu.memref_slice %arg3[%dma_start3A_264, %min3A_251] : memref<2x6400000xi32, #tpu.memory_space<hbm>> -> memref<1x1000xi32, #tpu.memory_space<hbm>>
      %dma_start3A_275 = tpu.memref_squeeze %dma_start3A_274 : memref<1x1000xi32, #tpu.memory_space<hbm>> -> memref<1000xi32, #tpu.memory_space<hbm>>
      tpu.enqueue_dma source(%dma_start3A_275 : memref<1000xi32, #tpu.memory_space<hbm>>) target(%dma_start3A_273 : memref<1000xi32, #tpu.memory_space<vmem>>) target_semaphore(%arg12 : memref<!tpu.dma_semaphore, #tpu.memory_space<semaphore_mem>>)
      %dma_wait3A_276 = arith.constant 0 : i32
      %dma_wait3A_277 = arith.constant 0 : i32
      %dma_wait3A_278 = arith.constant 0 : i32
      %dma_wait3A_279 = tpu.memref_slice %arg8[%dma_wait3A_276, %dma_wait3A_277, %dma_wait3A_278] : memref<2x1000x8xf32, #tpu.memory_space<vmem>> -> memref<1x1000x8xf32, #tpu.memory_space<vmem>>
      %dma_wait3A_280 = tpu.memref_squeeze %dma_wait3A_279 : memref<1x1000x8xf32, #tpu.memory_space<vmem>> -> memref<1000x8xf32, #tpu.memory_space<vmem>>
      %dma_wait3A_281 = arith.constant 0 : i32
      %dma_wait3A_282 = arith.constant 0 : i32
      %dma_wait3A_283 = tpu.memref_slice %arg2[%dma_wait3A_281, %dma_wait3A_282] : memref<100000x8xf32, #tpu.memory_space<hbm>> -> memref<1000x8xf32, #tpu.memory_space<hbm>>
      %dma_wait3A_284 = arith.constant 0 : i32
      %dma_wait3A_285 = arith.constant 0 : i32
      %dma_wait3A_286 = tpu.memref_slice %arg8[%dma_wait3A_276, %dma_wait3A_284, %dma_wait3A_285] : memref<2x1000x8xf32, #tpu.memory_space<vmem>> -> memref<1x1000x8xf32, #tpu.memory_space<vmem>>
      %dma_wait3A_287 = tpu.memref_squeeze %dma_wait3A_286 : memref<1x1000x8xf32, #tpu.memory_space<vmem>> -> memref<1000x8xf32, #tpu.memory_space<vmem>>
      %dma_wait3A_288 = arith.constant 0 : i32
      %dma_wait3A_289 = arith.constant 0 : i32
      %dma_wait3A_290 = tpu.memref_slice %arg2[%dma_wait3A_288, %dma_wait3A_289] : memref<100000x8xf32, #tpu.memory_space<hbm>> -> memref<1000x8xf32, #tpu.memory_space<hbm>>
      tpu.wait_dma2 semaphore(%arg13 : memref<!tpu.dma_semaphore, #tpu.memory_space<semaphore_mem>>) src(%dma_wait3A_290 : memref<1000x8xf32, #tpu.memory_space<hbm>>) dst(%dma_wait3A_287 : memref<1000x8xf32, #tpu.memory_space<vmem>>)
      %dma_start3A_291 = arith.constant 2 : i32
      %dma_start3A_292 = arith.constant 0 : i32
      %dma_start3A_293 = arith.constant 0 : i32
      %dma_start3A_294 = arith.constant 0 : i32
      %dma_start3A_295 = tpu.memref_slice %arg8[%dma_start3A_292, %dma_start3A_293, %dma_start3A_294] : memref<2x1000x8xf32, #tpu.memory_space<vmem>> -> memref<1x1000x8xf32, #tpu.memory_space<vmem>>
      %dma_start3A_296 = tpu.memref_squeeze %dma_start3A_295 : memref<1x1000x8xf32, #tpu.memory_space<vmem>> -> memref<1000x8xf32, #tpu.memory_space<vmem>>
      %dma_start3A_297 = arith.constant 0 : i32
      %dma_start3A_298 = tpu.memref_slice %arg6[%dma_start3A_291, %dma_start3A_297] : memref<4x1000xi32, #tpu.memory_space<vmem>> -> memref<1x1000xi32, #tpu.memory_space<vmem>>
      %dma_start3A_299 = tpu.memref_squeeze %dma_start3A_298 : memref<1x1000xi32, #tpu.memory_space<vmem>> -> memref<1000xi32, #tpu.memory_space<vmem>>
      %dma_start3A_300 = arith.constant 0 : i32
      %dma_start3A_301 = arith.constant 0 : i32
      %dma_start3A_302 = tpu.memref_slice %arg9[%dma_start3A_300, %dma_start3A_301] : memref<100000x8xf32, #tpu.memory_space<vmem_shared>> -> memref<100000x8xf32, #tpu.memory_space<vmem_shared>>
      tpu.enqueue_indirect_dma source(%dma_start3A_302 : memref<100000x8xf32, #tpu.memory_space<vmem_shared>>) target(%dma_start3A_296 : memref<1000x8xf32, #tpu.memory_space<vmem>>) offsets(%dma_start3A_299 : memref<1000xi32, #tpu.memory_space<vmem>>) semaphore(%arg11 : memref<!tpu.dma_semaphore, #tpu.memory_space<semaphore_mem>>)
      %dma_wait3A_303 = arith.constant 2 : i32
      %dma_wait3A_304 = arith.constant 0 : i32
      %dma_wait3A_305 = arith.constant 0 : i32
      %dma_wait3A_306 = arith.constant 0 : i32
      %dma_wait3A_307 = tpu.memref_slice %arg8[%dma_wait3A_304, %dma_wait3A_305, %dma_wait3A_306] : memref<2x1000x8xf32, #tpu.memory_space<vmem>> -> memref<1x1000x8xf32, #tpu.memory_space<vmem>>
      %dma_wait3A_308 = tpu.memref_squeeze %dma_wait3A_307 : memref<1x1000x8xf32, #tpu.memory_space<vmem>> -> memref<1000x8xf32, #tpu.memory_space<vmem>>
      %dma_wait3A_309 = arith.constant 0 : i32
      %dma_wait3A_310 = tpu.memref_slice %arg6[%dma_wait3A_303, %dma_wait3A_309] : memref<4x1000xi32, #tpu.memory_space<vmem>> -> memref<1x1000xi32, #tpu.memory_space<vmem>>
      %dma_wait3A_311 = tpu.memref_squeeze %dma_wait3A_310 : memref<1x1000xi32, #tpu.memory_space<vmem>> -> memref<1000xi32, #tpu.memory_space<vmem>>
      %dma_wait3A_312 = arith.constant 0 : i32
      %dma_wait3A_313 = arith.constant 0 : i32
      %dma_wait3A_314 = tpu.memref_slice %arg9[%dma_wait3A_312, %dma_wait3A_313] : memref<100000x8xf32, #tpu.memory_space<vmem_shared>> -> memref<100000x8xf32, #tpu.memory_space<vmem_shared>>
      tpu.wait_indirect_dma semaphore(%arg11 : memref<!tpu.dma_semaphore, #tpu.memory_space<semaphore_mem>>) src(%dma_wait3A_314 : memref<100000x8xf32, #tpu.memory_space<vmem_shared>>) dst(%dma_wait3A_308 : memref<1000x8xf32, #tpu.memory_space<vmem>>)
      %dma_start3A_315 = arith.constant 0 : i32
      %dma_start3A_316 = arith.constant 2 : i32
      %dma_start3A_317 = arith.constant 0 : i32
      %dma_start3A_318 = arith.constant 0 : i32
      %dma_start3A_319 = tpu.memref_slice %arg8[%dma_start3A_315, %dma_start3A_317, %dma_start3A_318] : memref<2x1000x8xf32, #tpu.memory_space<vmem>> -> memref<1x1000x8xf32, #tpu.memory_space<vmem>>
      %dma_start3A_320 = tpu.memref_squeeze %dma_start3A_319 : memref<1x1000x8xf32, #tpu.memory_space<vmem>> -> memref<1000x8xf32, #tpu.memory_space<vmem>>
      %dma_start3A_321 = arith.constant 0 : i32
      %dma_start3A_322 = tpu.memref_slice %arg7[%dma_start3A_316, %dma_start3A_321] : memref<4x1000xi32, #tpu.memory_space<vmem>> -> memref<1x1000xi32, #tpu.memory_space<vmem>>
      %dma_start3A_323 = tpu.memref_squeeze %dma_start3A_322 : memref<1x1000xi32, #tpu.memory_space<vmem>> -> memref<1000xi32, #tpu.memory_space<vmem>>
      %dma_start3A_324 = arith.constant 0 : i32
      %dma_start3A_325 = arith.constant 0 : i32
      %dma_start3A_326 = tpu.memref_slice %arg10[%dma_start3A_324, %dma_start3A_325] : memref<100096x8xf32, #tpu.memory_space<vmem_shared>> -> memref<100096x8xf32, #tpu.memory_space<vmem_shared>>
      tpu.enqueue_indirect_dma source(%dma_start3A_320 : memref<1000x8xf32, #tpu.memory_space<vmem>>) target(%dma_start3A_326 : memref<100096x8xf32, #tpu.memory_space<vmem_shared>>) offsets(%dma_start3A_323 : memref<1000xi32, #tpu.memory_space<vmem>>) semaphore(%arg13 : memref<!tpu.dma_semaphore, #tpu.memory_space<semaphore_mem>>) {add = true}
      %dma_wait3A_327 = arith.constant 0 : i32
      %dma_wait3A_328 = arith.constant 3 : i32
      %dma_wait3A_329 = arith.constant 0 : i32
      %dma_wait3A_330 = tpu.memref_slice %arg6[%dma_wait3A_328, %dma_wait3A_329] : memref<4x1000xi32, #tpu.memory_space<vmem>> -> memref<1x1000xi32, #tpu.memory_space<vmem>>
      %dma_wait3A_331 = tpu.memref_squeeze %dma_wait3A_330 : memref<1x1000xi32, #tpu.memory_space<vmem>> -> memref<1000xi32, #tpu.memory_space<vmem>>
      %dma_wait3A_332 = tpu.memref_slice %arg3[%dma_wait3A_327, %min3A_251] : memref<2x6400000xi32, #tpu.memory_space<hbm>> -> memref<1x1000xi32, #tpu.memory_space<hbm>>
      %dma_wait3A_333 = tpu.memref_squeeze %dma_wait3A_332 : memref<1x1000xi32, #tpu.memory_space<hbm>> -> memref<1000xi32, #tpu.memory_space<hbm>>
      %dma_wait3A_334 = arith.constant 0 : i32
      %dma_wait3A_335 = tpu.memref_slice %arg6[%dma_wait3A_328, %dma_wait3A_334] : memref<4x1000xi32, #tpu.memory_space<vmem>> -> memref<1x1000xi32, #tpu.memory_space<vmem>>
      %dma_wait3A_336 = tpu.memref_squeeze %dma_wait3A_335 : memref<1x1000xi32, #tpu.memory_space<vmem>> -> memref<1000xi32, #tpu.memory_space<vmem>>
      %dma_wait3A_337 = tpu.memref_slice %arg3[%dma_wait3A_327, %min3A_251] : memref<2x6400000xi32, #tpu.memory_space<hbm>> -> memref<1x1000xi32, #tpu.memory_space<hbm>>
      %dma_wait3A_338 = tpu.memref_squeeze %dma_wait3A_337 : memref<1x1000xi32, #tpu.memory_space<hbm>> -> memref<1000xi32, #tpu.memory_space<hbm>>
      tpu.wait_dma2 semaphore(%arg12 : memref<!tpu.dma_semaphore, #tpu.memory_space<semaphore_mem>>) src(%dma_wait3A_338 : memref<1000xi32, #tpu.memory_space<hbm>>) dst(%dma_wait3A_336 : memref<1000xi32, #tpu.memory_space<vmem>>)
      %dma_wait3A_339 = arith.constant 1 : i32
      %dma_wait3A_340 = arith.constant 3 : i32
      %dma_wait3A_341 = arith.constant 0 : i32
      %dma_wait3A_342 = tpu.memref_slice %arg7[%dma_wait3A_340, %dma_wait3A_341] : memref<4x1000xi32, #tpu.memory_space<vmem>> -> memref<1x1000xi32, #tpu.memory_space<vmem>>
      %dma_wait3A_343 = tpu.memref_squeeze %dma_wait3A_342 : memref<1x1000xi32, #tpu.memory_space<vmem>> -> memref<1000xi32, #tpu.memory_space<vmem>>
      %dma_wait3A_344 = tpu.memref_slice %arg3[%dma_wait3A_339, %min3A_251] : memref<2x6400000xi32, #tpu.memory_space<hbm>> -> memref<1x1000xi32, #tpu.memory_space<hbm>>
      %dma_wait3A_345 = tpu.memref_squeeze %dma_wait3A_344 : memref<1x1000xi32, #tpu.memory_space<hbm>> -> memref<1000xi32, #tpu.memory_space<hbm>>
      %dma_wait3A_346 = arith.constant 0 : i32
      %dma_wait3A_347 = tpu.memref_slice %arg7[%dma_wait3A_340, %dma_wait3A_346] : memref<4x1000xi32, #tpu.memory_space<vmem>> -> memref<1x1000xi32, #tpu.memory_space<vmem>>
      %dma_wait3A_348 = tpu.memref_squeeze %dma_wait3A_347 : memref<1x1000xi32, #tpu.memory_space<vmem>> -> memref<1000xi32, #tpu.memory_space<vmem>>
      %dma_wait3A_349 = tpu.memref_slice %arg3[%dma_wait3A_339, %min3A_251] : memref<2x6400000xi32, #tpu.memory_space<hbm>> -> memref<1x1000xi32, #tpu.memory_space<hbm>>
      %dma_wait3A_350 = tpu.memref_squeeze %dma_wait3A_349 : memref<1x1000xi32, #tpu.memory_space<hbm>> -> memref<1000xi32, #tpu.memory_space<hbm>>
      tpu.wait_dma2 semaphore(%arg12 : memref<!tpu.dma_semaphore, #tpu.memory_space<semaphore_mem>>) src(%dma_wait3A_350 : memref<1000xi32, #tpu.memory_space<hbm>>) dst(%dma_wait3A_348 : memref<1000xi32, #tpu.memory_space<vmem>>)
      %add3A_351 = arith.constant 4000 : i32
      %add3A_352 = arith.addi %add3A_64, %add3A_351 : i32
      %min3A_353 = arith.constant 6399000 : i32
      %min3A_354 = arith.minsi %add3A_352, %min3A_353 : i32
      %dma_start3A_355 = arith.constant 0 : i32
      %dma_start3A_356 = arith.constant 0 : i32
      %dma_start3A_357 = arith.constant 0 : i32
      %dma_start3A_358 = tpu.memref_slice %arg6[%dma_start3A_356, %dma_start3A_357] : memref<4x1000xi32, #tpu.memory_space<vmem>> -> memref<1x1000xi32, #tpu.memory_space<vmem>>
      %dma_start3A_359 = tpu.memref_squeeze %dma_start3A_358 : memref<1x1000xi32, #tpu.memory_space<vmem>> -> memref<1000xi32, #tpu.memory_space<vmem>>
      %dma_start3A_360 = tpu.memref_slice %arg3[%dma_start3A_355, %min3A_354] : memref<2x6400000xi32, #tpu.memory_space<hbm>> -> memref<1x1000xi32, #tpu.memory_space<hbm>>
      %dma_start3A_361 = tpu.memref_squeeze %dma_start3A_360 : memref<1x1000xi32, #tpu.memory_space<hbm>> -> memref<1000xi32, #tpu.memory_space<hbm>>
      %dma_start3A_362 = arith.constant 0 : i32
      %dma_start3A_363 = tpu.memref_slice %arg6[%dma_start3A_356, %dma_start3A_362] : memref<4x1000xi32, #tpu.memory_space<vmem>> -> memref<1x1000xi32, #tpu.memory_space<vmem>>
      %dma_start3A_364 = tpu.memref_squeeze %dma_start3A_363 : memref<1x1000xi32, #tpu.memory_space<vmem>> -> memref<1000xi32, #tpu.memory_space<vmem>>
      %dma_start3A_365 = tpu.memref_slice %arg3[%dma_start3A_355, %min3A_354] : memref<2x6400000xi32, #tpu.memory_space<hbm>> -> memref<1x1000xi32, #tpu.memory_space<hbm>>
      %dma_start3A_366 = tpu.memref_squeeze %dma_start3A_365 : memref<1x1000xi32, #tpu.memory_space<hbm>> -> memref<1000xi32, #tpu.memory_space<hbm>>
      tpu.enqueue_dma source(%dma_start3A_366 : memref<1000xi32, #tpu.memory_space<hbm>>) target(%dma_start3A_364 : memref<1000xi32, #tpu.memory_space<vmem>>) target_semaphore(%arg12 : memref<!tpu.dma_semaphore, #tpu.memory_space<semaphore_mem>>)
      %dma_start3A_367 = arith.constant 1 : i32
      %dma_start3A_368 = arith.constant 0 : i32
      %dma_start3A_369 = arith.constant 0 : i32
      %dma_start3A_370 = tpu.memref_slice %arg7[%dma_start3A_368, %dma_start3A_369] : memref<4x1000xi32, #tpu.memory_space<vmem>> -> memref<1x1000xi32, #tpu.memory_space<vmem>>
      %dma_start3A_371 = tpu.memref_squeeze %dma_start3A_370 : memref<1x1000xi32, #tpu.memory_space<vmem>> -> memref<1000xi32, #tpu.memory_space<vmem>>
      %dma_start3A_372 = tpu.memref_slice %arg3[%dma_start3A_367, %min3A_354] : memref<2x6400000xi32, #tpu.memory_space<hbm>> -> memref<1x1000xi32, #tpu.memory_space<hbm>>
      %dma_start3A_373 = tpu.memref_squeeze %dma_start3A_372 : memref<1x1000xi32, #tpu.memory_space<hbm>> -> memref<1000xi32, #tpu.memory_space<hbm>>
      %dma_start3A_374 = arith.constant 0 : i32
      %dma_start3A_375 = tpu.memref_slice %arg7[%dma_start3A_368, %dma_start3A_374] : memref<4x1000xi32, #tpu.memory_space<vmem>> -> memref<1x1000xi32, #tpu.memory_space<vmem>>
      %dma_start3A_376 = tpu.memref_squeeze %dma_start3A_375 : memref<1x1000xi32, #tpu.memory_space<vmem>> -> memref<1000xi32, #tpu.memory_space<vmem>>
      %dma_start3A_377 = tpu.memref_slice %arg3[%dma_start3A_367, %min3A_354] : memref<2x6400000xi32, #tpu.memory_space<hbm>> -> memref<1x1000xi32, #tpu.memory_space<hbm>>
      %dma_start3A_378 = tpu.memref_squeeze %dma_start3A_377 : memref<1x1000xi32, #tpu.memory_space<hbm>> -> memref<1000xi32, #tpu.memory_space<hbm>>
      tpu.enqueue_dma source(%dma_start3A_378 : memref<1000xi32, #tpu.memory_space<hbm>>) target(%dma_start3A_376 : memref<1000xi32, #tpu.memory_space<vmem>>) target_semaphore(%arg12 : memref<!tpu.dma_semaphore, #tpu.memory_space<semaphore_mem>>)
      %dma_wait3A_379 = arith.constant 1 : i32
      %dma_wait3A_380 = arith.constant 0 : i32
      %dma_wait3A_381 = arith.constant 0 : i32
      %dma_wait3A_382 = tpu.memref_slice %arg8[%dma_wait3A_379, %dma_wait3A_380, %dma_wait3A_381] : memref<2x1000x8xf32, #tpu.memory_space<vmem>> -> memref<1x1000x8xf32, #tpu.memory_space<vmem>>
      %dma_wait3A_383 = tpu.memref_squeeze %dma_wait3A_382 : memref<1x1000x8xf32, #tpu.memory_space<vmem>> -> memref<1000x8xf32, #tpu.memory_space<vmem>>
      %dma_wait3A_384 = arith.constant 0 : i32
      %dma_wait3A_385 = arith.constant 0 : i32
      %dma_wait3A_386 = tpu.memref_slice %arg2[%dma_wait3A_384, %dma_wait3A_385] : memref<100000x8xf32, #tpu.memory_space<hbm>> -> memref<1000x8xf32, #tpu.memory_space<hbm>>
      %dma_wait3A_387 = arith.constant 0 : i32
      %dma_wait3A_388 = arith.constant 0 : i32
      %dma_wait3A_389 = tpu.memref_slice %arg8[%dma_wait3A_379, %dma_wait3A_387, %dma_wait3A_388] : memref<2x1000x8xf32, #tpu.memory_space<vmem>> -> memref<1x1000x8xf32, #tpu.memory_space<vmem>>
      %dma_wait3A_390 = tpu.memref_squeeze %dma_wait3A_389 : memref<1x1000x8xf32, #tpu.memory_space<vmem>> -> memref<1000x8xf32, #tpu.memory_space<vmem>>
      %dma_wait3A_391 = arith.constant 0 : i32
      %dma_wait3A_392 = arith.constant 0 : i32
      %dma_wait3A_393 = tpu.memref_slice %arg2[%dma_wait3A_391, %dma_wait3A_392] : memref<100000x8xf32, #tpu.memory_space<hbm>> -> memref<1000x8xf32, #tpu.memory_space<hbm>>
      tpu.wait_dma2 semaphore(%arg13 : memref<!tpu.dma_semaphore, #tpu.memory_space<semaphore_mem>>) src(%dma_wait3A_393 : memref<1000x8xf32, #tpu.memory_space<hbm>>) dst(%dma_wait3A_390 : memref<1000x8xf32, #tpu.memory_space<vmem>>)
      %dma_start3A_394 = arith.constant 3 : i32
      %dma_start3A_395 = arith.constant 1 : i32
      %dma_start3A_396 = arith.constant 0 : i32
      %dma_start3A_397 = arith.constant 0 : i32
      %dma_start3A_398 = tpu.memref_slice %arg8[%dma_start3A_395, %dma_start3A_396, %dma_start3A_397] : memref<2x1000x8xf32, #tpu.memory_space<vmem>> -> memref<1x1000x8xf32, #tpu.memory_space<vmem>>
      %dma_start3A_399 = tpu.memref_squeeze %dma_start3A_398 : memref<1x1000x8xf32, #tpu.memory_space<vmem>> -> memref<1000x8xf32, #tpu.memory_space<vmem>>
      %dma_start3A_400 = arith.constant 0 : i32
      %dma_start3A_401 = tpu.memref_slice %arg6[%dma_start3A_394, %dma_start3A_400] : memref<4x1000xi32, #tpu.memory_space<vmem>> -> memref<1x1000xi32, #tpu.memory_space<vmem>>
      %dma_start3A_402 = tpu.memref_squeeze %dma_start3A_401 : memref<1x1000xi32, #tpu.memory_space<vmem>> -> memref<1000xi32, #tpu.memory_space<vmem>>
      %dma_start3A_403 = arith.constant 0 : i32
      %dma_start3A_404 = arith.constant 0 : i32
      %dma_start3A_405 = tpu.memref_slice %arg9[%dma_start3A_403, %dma_start3A_404] : memref<100000x8xf32, #tpu.memory_space<vmem_shared>> -> memref<100000x8xf32, #tpu.memory_space<vmem_shared>>
      tpu.enqueue_indirect_dma source(%dma_start3A_405 : memref<100000x8xf32, #tpu.memory_space<vmem_shared>>) target(%dma_start3A_399 : memref<1000x8xf32, #tpu.memory_space<vmem>>) offsets(%dma_start3A_402 : memref<1000xi32, #tpu.memory_space<vmem>>) semaphore(%arg11 : memref<!tpu.dma_semaphore, #tpu.memory_space<semaphore_mem>>)
      %dma_wait3A_406 = arith.constant 3 : i32
      %dma_wait3A_407 = arith.constant 1 : i32
      %dma_wait3A_408 = arith.constant 0 : i32
      %dma_wait3A_409 = arith.constant 0 : i32
      %dma_wait3A_410 = tpu.memref_slice %arg8[%dma_wait3A_407, %dma_wait3A_408, %dma_wait3A_409] : memref<2x1000x8xf32, #tpu.memory_space<vmem>> -> memref<1x1000x8xf32, #tpu.memory_space<vmem>>
      %dma_wait3A_411 = tpu.memref_squeeze %dma_wait3A_410 : memref<1x1000x8xf32, #tpu.memory_space<vmem>> -> memref<1000x8xf32, #tpu.memory_space<vmem>>
      %dma_wait3A_412 = arith.constant 0 : i32
      %dma_wait3A_413 = tpu.memref_slice %arg6[%dma_wait3A_406, %dma_wait3A_412] : memref<4x1000xi32, #tpu.memory_space<vmem>> -> memref<1x1000xi32, #tpu.memory_space<vmem>>
      %dma_wait3A_414 = tpu.memref_squeeze %dma_wait3A_413 : memref<1x1000xi32, #tpu.memory_space<vmem>> -> memref<1000xi32, #tpu.memory_space<vmem>>
      %dma_wait3A_415 = arith.constant 0 : i32
      %dma_wait3A_416 = arith.constant 0 : i32
      %dma_wait3A_417 = tpu.memref_slice %arg9[%dma_wait3A_415, %dma_wait3A_416] : memref<100000x8xf32, #tpu.memory_space<vmem_shared>> -> memref<100000x8xf32, #tpu.memory_space<vmem_shared>>
      tpu.wait_indirect_dma semaphore(%arg11 : memref<!tpu.dma_semaphore, #tpu.memory_space<semaphore_mem>>) src(%dma_wait3A_417 : memref<100000x8xf32, #tpu.memory_space<vmem_shared>>) dst(%dma_wait3A_411 : memref<1000x8xf32, #tpu.memory_space<vmem>>)
      %dma_start3A_418 = arith.constant 1 : i32
      %dma_start3A_419 = arith.constant 3 : i32
      %dma_start3A_420 = arith.constant 0 : i32
      %dma_start3A_421 = arith.constant 0 : i32
      %dma_start3A_422 = tpu.memref_slice %arg8[%dma_start3A_418, %dma_start3A_420, %dma_start3A_421] : memref<2x1000x8xf32, #tpu.memory_space<vmem>> -> memref<1x1000x8xf32, #tpu.memory_space<vmem>>
      %dma_start3A_423 = tpu.memref_squeeze %dma_start3A_422 : memref<1x1000x8xf32, #tpu.memory_space<vmem>> -> memref<1000x8xf32, #tpu.memory_space<vmem>>
      %dma_start3A_424 = arith.constant 0 : i32
      %dma_start3A_425 = tpu.memref_slice %arg7[%dma_start3A_419, %dma_start3A_424] : memref<4x1000xi32, #tpu.memory_space<vmem>> -> memref<1x1000xi32, #tpu.memory_space<vmem>>
      %dma_start3A_426 = tpu.memref_squeeze %dma_start3A_425 : memref<1x1000xi32, #tpu.memory_space<vmem>> -> memref<1000xi32, #tpu.memory_space<vmem>>
      %dma_start3A_427 = arith.constant 0 : i32
      %dma_start3A_428 = arith.constant 0 : i32
      %dma_start3A_429 = tpu.memref_slice %arg10[%dma_start3A_427, %dma_start3A_428] : memref<100096x8xf32, #tpu.memory_space<vmem_shared>> -> memref<100096x8xf32, #tpu.memory_space<vmem_shared>>
      tpu.enqueue_indirect_dma source(%dma_start3A_423 : memref<1000x8xf32, #tpu.memory_space<vmem>>) target(%dma_start3A_429 : memref<100096x8xf32, #tpu.memory_space<vmem_shared>>) offsets(%dma_start3A_426 : memref<1000xi32, #tpu.memory_space<vmem>>) semaphore(%arg13 : memref<!tpu.dma_semaphore, #tpu.memory_space<semaphore_mem>>) {add = true}
      %dma_wait3A_430 = arith.constant 0 : i32
      %dma_wait3A_431 = arith.constant 0 : i32
      %dma_wait3A_432 = arith.constant 0 : i32
      %dma_wait3A_433 = tpu.memref_slice %arg6[%dma_wait3A_431, %dma_wait3A_432] : memref<4x1000xi32, #tpu.memory_space<vmem>> -> memref<1x1000xi32, #tpu.memory_space<vmem>>
      %dma_wait3A_434 = tpu.memref_squeeze %dma_wait3A_433 : memref<1x1000xi32, #tpu.memory_space<vmem>> -> memref<1000xi32, #tpu.memory_space<vmem>>
      %dma_wait3A_435 = tpu.memref_slice %arg3[%dma_wait3A_430, %min3A_354] : memref<2x6400000xi32, #tpu.memory_space<hbm>> -> memref<1x1000xi32, #tpu.memory_space<hbm>>
      %dma_wait3A_436 = tpu.memref_squeeze %dma_wait3A_435 : memref<1x1000xi32, #tpu.memory_space<hbm>> -> memref<1000xi32, #tpu.memory_space<hbm>>
      %dma_wait3A_437 = arith.constant 0 : i32
      %dma_wait3A_438 = tpu.memref_slice %arg6[%dma_wait3A_431, %dma_wait3A_437] : memref<4x1000xi32, #tpu.memory_space<vmem>> -> memref<1x1000xi32, #tpu.memory_space<vmem>>
      %dma_wait3A_439 = tpu.memref_squeeze %dma_wait3A_438 : memref<1x1000xi32, #tpu.memory_space<vmem>> -> memref<1000xi32, #tpu.memory_space<vmem>>
      %dma_wait3A_440 = tpu.memref_slice %arg3[%dma_wait3A_430, %min3A_354] : memref<2x6400000xi32, #tpu.memory_space<hbm>> -> memref<1x1000xi32, #tpu.memory_space<hbm>>
      %dma_wait3A_441 = tpu.memref_squeeze %dma_wait3A_440 : memref<1x1000xi32, #tpu.memory_space<hbm>> -> memref<1000xi32, #tpu.memory_space<hbm>>
      tpu.wait_dma2 semaphore(%arg12 : memref<!tpu.dma_semaphore, #tpu.memory_space<semaphore_mem>>) src(%dma_wait3A_441 : memref<1000xi32, #tpu.memory_space<hbm>>) dst(%dma_wait3A_439 : memref<1000xi32, #tpu.memory_space<vmem>>)
      %dma_wait3A_442 = arith.constant 1 : i32
      %dma_wait3A_443 = arith.constant 0 : i32
      %dma_wait3A_444 = arith.constant 0 : i32
      %dma_wait3A_445 = tpu.memref_slice %arg7[%dma_wait3A_443, %dma_wait3A_444] : memref<4x1000xi32, #tpu.memory_space<vmem>> -> memref<1x1000xi32, #tpu.memory_space<vmem>>
      %dma_wait3A_446 = tpu.memref_squeeze %dma_wait3A_445 : memref<1x1000xi32, #tpu.memory_space<vmem>> -> memref<1000xi32, #tpu.memory_space<vmem>>
      %dma_wait3A_447 = tpu.memref_slice %arg3[%dma_wait3A_442, %min3A_354] : memref<2x6400000xi32, #tpu.memory_space<hbm>> -> memref<1x1000xi32, #tpu.memory_space<hbm>>
      %dma_wait3A_448 = tpu.memref_squeeze %dma_wait3A_447 : memref<1x1000xi32, #tpu.memory_space<hbm>> -> memref<1000xi32, #tpu.memory_space<hbm>>
      %dma_wait3A_449 = arith.constant 0 : i32
      %dma_wait3A_450 = tpu.memref_slice %arg7[%dma_wait3A_443, %dma_wait3A_449] : memref<4x1000xi32, #tpu.memory_space<vmem>> -> memref<1x1000xi32, #tpu.memory_space<vmem>>
      %dma_wait3A_451 = tpu.memref_squeeze %dma_wait3A_450 : memref<1x1000xi32, #tpu.memory_space<vmem>> -> memref<1000xi32, #tpu.memory_space<vmem>>
      %dma_wait3A_452 = tpu.memref_slice %arg3[%dma_wait3A_442, %min3A_354] : memref<2x6400000xi32, #tpu.memory_space<hbm>> -> memref<1x1000xi32, #tpu.memory_space<hbm>>
      %dma_wait3A_453 = tpu.memref_squeeze %dma_wait3A_452 : memref<1x1000xi32, #tpu.memory_space<hbm>> -> memref<1000xi32, #tpu.memory_space<hbm>>
      tpu.wait_dma2 semaphore(%arg12 : memref<!tpu.dma_semaphore, #tpu.memory_space<semaphore_mem>>) src(%dma_wait3A_453 : memref<1000xi32, #tpu.memory_space<hbm>>) dst(%dma_wait3A_451 : memref<1000xi32, #tpu.memory_space<vmem>>)
    }
    %scan3A_20 = arith.constant 50 : i32
    %dma_wait3A = arith.constant 0 : i32
    %dma_wait3A_21 = arith.constant 0 : i32
    %dma_wait3A_22 = arith.constant 0 : i32
    %dma_wait3A_23 = tpu.memref_slice %arg8[%dma_wait3A, %dma_wait3A_21, %dma_wait3A_22] : memref<2x1000x8xf32, #tpu.memory_space<vmem>> -> memref<1x1000x8xf32, #tpu.memory_space<vmem>>
    %dma_wait3A_24 = tpu.memref_squeeze %dma_wait3A_23 : memref<1x1000x8xf32, #tpu.memory_space<vmem>> -> memref<1000x8xf32, #tpu.memory_space<vmem>>
    %dma_wait3A_25 = arith.constant 0 : i32
    %dma_wait3A_26 = arith.constant 0 : i32
    %dma_wait3A_27 = tpu.memref_slice %arg2[%dma_wait3A_25, %dma_wait3A_26] : memref<100000x8xf32, #tpu.memory_space<hbm>> -> memref<1000x8xf32, #tpu.memory_space<hbm>>
    %dma_wait3A_28 = arith.constant 0 : i32
    %dma_wait3A_29 = arith.constant 0 : i32
    %dma_wait3A_30 = tpu.memref_slice %arg8[%dma_wait3A, %dma_wait3A_28, %dma_wait3A_29] : memref<2x1000x8xf32, #tpu.memory_space<vmem>> -> memref<1x1000x8xf32, #tpu.memory_space<vmem>>
    %dma_wait3A_31 = tpu.memref_squeeze %dma_wait3A_30 : memref<1x1000x8xf32, #tpu.memory_space<vmem>> -> memref<1000x8xf32, #tpu.memory_space<vmem>>
    %dma_wait3A_32 = arith.constant 0 : i32
    %dma_wait3A_33 = arith.constant 0 : i32
    %dma_wait3A_34 = tpu.memref_slice %arg2[%dma_wait3A_32, %dma_wait3A_33] : memref<100000x8xf32, #tpu.memory_space<hbm>> -> memref<1000x8xf32, #tpu.memory_space<hbm>>
    tpu.wait_dma2 semaphore(%arg13 : memref<!tpu.dma_semaphore, #tpu.memory_space<semaphore_mem>>) src(%dma_wait3A_34 : memref<1000x8xf32, #tpu.memory_space<hbm>>) dst(%dma_wait3A_31 : memref<1000x8xf32, #tpu.memory_space<vmem>>)
    %dma_wait3A_35 = arith.constant 1 : i32
    %dma_wait3A_36 = arith.constant 0 : i32
    %dma_wait3A_37 = arith.constant 0 : i32
    %dma_wait3A_38 = tpu.memref_slice %arg8[%dma_wait3A_35, %dma_wait3A_36, %dma_wait3A_37] : memref<2x1000x8xf32, #tpu.memory_space<vmem>> -> memref<1x1000x8xf32, #tpu.memory_space<vmem>>
    %dma_wait3A_39 = tpu.memref_squeeze %dma_wait3A_38 : memref<1x1000x8xf32, #tpu.memory_space<vmem>> -> memref<1000x8xf32, #tpu.memory_space<vmem>>
    %dma_wait3A_40 = arith.constant 0 : i32
    %dma_wait3A_41 = arith.constant 0 : i32
    %dma_wait3A_42 = tpu.memref_slice %arg2[%dma_wait3A_40, %dma_wait3A_41] : memref<100000x8xf32, #tpu.memory_space<hbm>> -> memref<1000x8xf32, #tpu.memory_space<hbm>>
    %dma_wait3A_43 = arith.constant 0 : i32
    %dma_wait3A_44 = arith.constant 0 : i32
    %dma_wait3A_45 = tpu.memref_slice %arg8[%dma_wait3A_35, %dma_wait3A_43, %dma_wait3A_44] : memref<2x1000x8xf32, #tpu.memory_space<vmem>> -> memref<1x1000x8xf32, #tpu.memory_space<vmem>>
    %dma_wait3A_46 = tpu.memref_squeeze %dma_wait3A_45 : memref<1x1000x8xf32, #tpu.memory_space<vmem>> -> memref<1000x8xf32, #tpu.memory_space<vmem>>
    %dma_wait3A_47 = arith.constant 0 : i32
    %dma_wait3A_48 = arith.constant 0 : i32
    %dma_wait3A_49 = tpu.memref_slice %arg2[%dma_wait3A_47, %dma_wait3A_48] : memref<100000x8xf32, #tpu.memory_space<hbm>> -> memref<1000x8xf32, #tpu.memory_space<hbm>>
    tpu.wait_dma2 semaphore(%arg13 : memref<!tpu.dma_semaphore, #tpu.memory_space<semaphore_mem>>) src(%dma_wait3A_49 : memref<1000x8xf32, #tpu.memory_space<hbm>>) dst(%dma_wait3A_46 : memref<1000x8xf32, #tpu.memory_space<vmem>>)
    %barrier3A_50 = arith.constant 0 : index
    tpu.barrier barrier_id(%barrier3A_50)
    %lt3A_51 = arith.constant 15 : i32
    %lt3A_52 = arith.cmpi slt, %arg1, %lt3A_51 : i32
    %convert_element_type3A_53 = arith.extui %lt3A_52 : i1 to i32
    %cond3A_54 = arith.constant 0 : i32
    %cond3A_55 = arith.cmpi ne, %convert_element_type3A_53, %cond3A_54 : i32
    scf.if %cond3A_55 {
      %mul3A_61 = arith.constant 6256 : i32
      %mul3A_62 = arith.muli %arg1, %mul3A_61 : i32
      %mul3A_63 = arith.constant 100000 : i32
      %mul3A_64 = arith.muli %arg0, %mul3A_63 : i32
      %mul3A_65 = arith.constant 6256 : i32
      %mul3A_66 = arith.muli %arg1, %mul3A_65 : i32
      %add3A_67 = arith.addi %mul3A_64, %mul3A_66 : i32
      "tpu.region"() ({
        %run_scoped3A_68 = tpu.sem_alloc : memref<!tpu.dma_semaphore, #tpu.memory_space<semaphore_mem>>
        %dma_start3A = arith.constant 0 : i32
        %dma_start3A_69 = tpu.memref_slice %arg5[%add3A_67, %dma_start3A] : memref<200000x8xf32, #tpu.memory_space<hbm>> -> memref<6256x8xf32, #tpu.memory_space<hbm>>
        %dma_start3A_70 = arith.constant 0 : i32
        %dma_start3A_71 = tpu.memref_slice %arg10[%mul3A_62, %dma_start3A_70] : memref<100096x8xf32, #tpu.memory_space<vmem_shared>> -> memref<6256x8xf32, #tpu.memory_space<vmem_shared>>
        tpu.enqueue_dma source(%dma_start3A_71 : memref<6256x8xf32, #tpu.memory_space<vmem_shared>>) target(%dma_start3A_69 : memref<6256x8xf32, #tpu.memory_space<hbm>>) target_semaphore(%run_scoped3A_68 : memref<!tpu.dma_semaphore, #tpu.memory_space<semaphore_mem>>)
        %dma_wait3A_72 = arith.constant 0 : i32
        %dma_wait3A_73 = tpu.memref_slice %arg5[%add3A_67, %dma_wait3A_72] : memref<200000x8xf32, #tpu.memory_space<hbm>> -> memref<6256x8xf32, #tpu.memory_space<hbm>>
        %dma_wait3A_74 = arith.constant 0 : i32
        %dma_wait3A_75 = tpu.memref_slice %arg10[%mul3A_62, %dma_wait3A_74] : memref<100096x8xf32, #tpu.memory_space<vmem_shared>> -> memref<6256x8xf32, #tpu.memory_space<vmem_shared>>
        tpu.wait_dma2 semaphore(%run_scoped3A_68 : memref<!tpu.dma_semaphore, #tpu.memory_space<semaphore_mem>>) src(%dma_wait3A_75 : memref<6256x8xf32, #tpu.memory_space<vmem_shared>>) dst(%dma_wait3A_73 : memref<6256x8xf32, #tpu.memory_space<hbm>>)
        tpu.yield
      }) : () -> ()
    } else {
    }
    %eq3A_56 = arith.constant 15 : i32
    %eq3A_57 = arith.cmpi eq, %arg1, %eq3A_56 : i32
    %convert_element_type3A_58 = arith.extui %eq3A_57 : i1 to i32
    %cond3A_59 = arith.constant 0 : i32
    %cond3A_60 = arith.cmpi ne, %convert_element_type3A_58, %cond3A_59 : i32
    scf.if %cond3A_60 {
      %mul3A_61 = arith.constant 100000 : i32
      %mul3A_62 = arith.muli %arg0, %mul3A_61 : i32
      %add3A_63 = arith.constant 93840 : i32
      %add3A_64 = arith.addi %mul3A_62, %add3A_63 : i32
      "tpu.region"() ({
        %run_scoped3A_65 = tpu.sem_alloc : memref<!tpu.dma_semaphore, #tpu.memory_space<semaphore_mem>>
        %dma_start3A = arith.constant 0 : i32
        %dma_start3A_66 = tpu.memref_slice %arg5[%add3A_64, %dma_start3A] : memref<200000x8xf32, #tpu.memory_space<hbm>> -> memref<6160x8xf32, #tpu.memory_space<hbm>>
        %dma_start3A_67 = arith.constant 93840 : i32
        %dma_start3A_68 = arith.constant 0 : i32
        %dma_start3A_69 = tpu.memref_slice %arg10[%dma_start3A_67, %dma_start3A_68] : memref<100096x8xf32, #tpu.memory_space<vmem_shared>> -> memref<6160x8xf32, #tpu.memory_space<vmem_shared>>
        tpu.enqueue_dma source(%dma_start3A_69 : memref<6160x8xf32, #tpu.memory_space<vmem_shared>>) target(%dma_start3A_66 : memref<6160x8xf32, #tpu.memory_space<hbm>>) target_semaphore(%run_scoped3A_65 : memref<!tpu.dma_semaphore, #tpu.memory_space<semaphore_mem>>)
        %dma_wait3A_70 = arith.constant 0 : i32
        %dma_wait3A_71 = tpu.memref_slice %arg5[%add3A_64, %dma_wait3A_70] : memref<200000x8xf32, #tpu.memory_space<hbm>> -> memref<6160x8xf32, #tpu.memory_space<hbm>>
        %dma_wait3A_72 = arith.constant 93840 : i32
        %dma_wait3A_73 = arith.constant 0 : i32
        %dma_wait3A_74 = tpu.memref_slice %arg10[%dma_wait3A_72, %dma_wait3A_73] : memref<100096x8xf32, #tpu.memory_space<vmem_shared>> -> memref<6160x8xf32, #tpu.memory_space<vmem_shared>>
        tpu.wait_dma2 semaphore(%run_scoped3A_65 : memref<!tpu.dma_semaphore, #tpu.memory_space<semaphore_mem>>) src(%dma_wait3A_74 : memref<6160x8xf32, #tpu.memory_space<vmem_shared>>) dst(%dma_wait3A_71 : memref<6160x8xf32, #tpu.memory_space<hbm>>)
        tpu.yield
      }) : () -> ()
    } else {
    }
    return
  }
}

#map = affine_map<(d0, d1) -> (0, 0)>
module attributes {stable_mosaic.version = 14 : i64} {
  func.func @body(%arg0: i32, %arg1: i32, %arg2: memref<100000x8xf32, #tpu.memory_space<hbm>>, %arg3: memref<2x6400000xi32, #tpu.memory_space<hbm>>, %arg4: memref<100096x8xf32, #tpu.memory_space<hbm>>, %arg5: memref<200000x8xf32, #tpu.memory_space<hbm>>, %arg6: memref<4x1000xi32, #tpu.memory_space<vmem>>, %arg7: memref<4x1000xi32, #tpu.memory_space<vmem>>, %arg8: memref<2x1000x8xf32, #tpu.memory_space<vmem>>, %arg9: memref<100000x8xf32, #tpu.memory_space<vmem_shared>>, %arg10: memref<100096x8xf32, #tpu.memory_space<vmem_shared>>, %arg11: memref<!tpu.dma_semaphore, #tpu.memory_space<semaphore_mem>>, %arg12: memref<!tpu.dma_semaphore, #tpu.memory_space<semaphore_mem>>, %arg13: memref<!tpu.dma_semaphore, #tpu.memory_space<semaphore_mem>>) attributes {dimension_semantics = [#tpu.dimension_semantics<core_parallel>, #tpu.dimension_semantics<subcore_parallel>], iteration_bounds = array<i64: 2, 16>, scalar_prefetch = 0 : i64, scratch_operands = 8 : i64, tpu.core_type = #tpu.core_type<sc_vector_subcore>, window_params = [{transform_indices = #map}, {transform_indices = #map}, {transform_indices = #map}, {transform_indices = #map}]} {
    %mul3A = arith.constant 2 : i32
    %mul3A_0 = arith.muli %arg1, %mul3A : i32
    %add3A = arith.addi %mul3A_0, %arg0 : i32
    %lt3A = arith.constant 15 : i32
    %lt3A_1 = arith.cmpi slt, %arg1, %lt3A : i32
    %convert_element_type3A = arith.extui %lt3A_1 : i1 to i32
    %cond3A = arith.constant 0 : i32
    %cond3A_2 = arith.cmpi ne, %convert_element_type3A, %cond3A : i32
    scf.if %cond3A_2 {
      %mul3A_61 = arith.constant 6256 : i32
      %mul3A_62 = arith.muli %arg1, %mul3A_61 : i32
      %mul3A_63 = arith.constant 6256 : i32
      %mul3A_64 = arith.muli %arg1, %mul3A_63 : i32
      "tpu.region"() ({
        %run_scoped3A_65 = tpu.sem_alloc : memref<!tpu.dma_semaphore, #tpu.memory_space<semaphore_mem>>
        %dma_start3A = arith.constant 0 : i32
        %dma_start3A_66 = tpu.memref_slice %arg9[%mul3A_64, %dma_start3A] : memref<100000x8xf32, #tpu.memory_space<vmem_shared>> -> memref<6256x8xf32, #tpu.memory_space<vmem_shared>>
        %dma_start3A_67 = arith.constant 0 : i32
        %dma_start3A_68 = tpu.memref_slice %arg2[%mul3A_62, %dma_start3A_67] : memref<100000x8xf32, #tpu.memory_space<hbm>> -> memref<6256x8xf32, #tpu.memory_space<hbm>>
        tpu.enqueue_dma source(%dma_start3A_68 : memref<6256x8xf32, #tpu.memory_space<hbm>>) target(%dma_start3A_66 : memref<6256x8xf32, #tpu.memory_space<vmem_shared>>) target_semaphore(%run_scoped3A_65 : memref<!tpu.dma_semaphore, #tpu.memory_space<semaphore_mem>>)
        %dma_wait3A_69 = arith.constant 0 : i32
        %dma_wait3A_70 = tpu.memref_slice %arg9[%mul3A_64, %dma_wait3A_69] : memref<100000x8xf32, #tpu.memory_space<vmem_shared>> -> memref<6256x8xf32, #tpu.memory_space<vmem_shared>>
        %dma_wait3A_71 = arith.constant 0 : i32
        %dma_wait3A_72 = tpu.memref_slice %arg2[%mul3A_62, %dma_wait3A_71] : memref<100000x8xf32, #tpu.memory_space<hbm>> -> memref<6256x8xf32, #tpu.memory_space<hbm>>
        tpu.wait_dma2 semaphore(%run_scoped3A_65 : memref<!tpu.dma_semaphore, #tpu.memory_space<semaphore_mem>>) src(%dma_wait3A_72 : memref<6256x8xf32, #tpu.memory_space<hbm>>) dst(%dma_wait3A_70 : memref<6256x8xf32, #tpu.memory_space<vmem_shared>>)
        tpu.yield
      }) : () -> ()
    } else {
    }
    %eq3A = arith.constant 15 : i32
    %eq3A_3 = arith.cmpi eq, %arg1, %eq3A : i32
    %convert_element_type3A_4 = arith.extui %eq3A_3 : i1 to i32
    %cond3A_5 = arith.constant 0 : i32
    %cond3A_6 = arith.cmpi ne, %convert_element_type3A_4, %cond3A_5 : i32
    scf.if %cond3A_6 {
      "tpu.region"() ({
        %run_scoped3A_61 = tpu.sem_alloc : memref<!tpu.dma_semaphore, #tpu.memory_space<semaphore_mem>>
        %dma_start3A = arith.constant 93840 : i32
        %dma_start3A_62 = arith.constant 0 : i32
        %dma_start3A_63 = tpu.memref_slice %arg9[%dma_start3A, %dma_start3A_62] : memref<100000x8xf32, #tpu.memory_space<vmem_shared>> -> memref<6160x8xf32, #tpu.memory_space<vmem_shared>>
        %dma_start3A_64 = arith.constant 93840 : i32
        %dma_start3A_65 = arith.constant 0 : i32
        %dma_start3A_66 = tpu.memref_slice %arg2[%dma_start3A_64, %dma_start3A_65] : memref<100000x8xf32, #tpu.memory_space<hbm>> -> memref<6160x8xf32, #tpu.memory_space<hbm>>
        tpu.enqueue_dma source(%dma_start3A_66 : memref<6160x8xf32, #tpu.memory_space<hbm>>) target(%dma_start3A_63 : memref<6160x8xf32, #tpu.memory_space<vmem_shared>>) target_semaphore(%run_scoped3A_61 : memref<!tpu.dma_semaphore, #tpu.memory_space<semaphore_mem>>)
        %dma_wait3A_67 = arith.constant 93840 : i32
        %dma_wait3A_68 = arith.constant 0 : i32
        %dma_wait3A_69 = tpu.memref_slice %arg9[%dma_wait3A_67, %dma_wait3A_68] : memref<100000x8xf32, #tpu.memory_space<vmem_shared>> -> memref<6160x8xf32, #tpu.memory_space<vmem_shared>>
        %dma_wait3A_70 = arith.constant 93840 : i32
        %dma_wait3A_71 = arith.constant 0 : i32
        %dma_wait3A_72 = tpu.memref_slice %arg2[%dma_wait3A_70, %dma_wait3A_71] : memref<100000x8xf32, #tpu.memory_space<hbm>> -> memref<6160x8xf32, #tpu.memory_space<hbm>>
        tpu.wait_dma2 semaphore(%run_scoped3A_61 : memref<!tpu.dma_semaphore, #tpu.memory_space<semaphore_mem>>) src(%dma_wait3A_72 : memref<6160x8xf32, #tpu.memory_space<hbm>>) dst(%dma_wait3A_69 : memref<6160x8xf32, #tpu.memory_space<vmem_shared>>)
        tpu.yield
      }) : () -> ()
    } else {
    }
    %mul3A_7 = arith.constant 6256 : i32
    %mul3A_8 = arith.muli %arg1, %mul3A_7 : i32
    %mul3A_9 = arith.constant 6256 : i32
    %mul3A_10 = arith.muli %arg1, %mul3A_9 : i32
    "tpu.region"() ({
      %run_scoped3A_61 = tpu.sem_alloc : memref<!tpu.dma_semaphore, #tpu.memory_space<semaphore_mem>>
      %dma_start3A = arith.constant 0 : i32
      %dma_start3A_62 = tpu.memref_slice %arg10[%mul3A_10, %dma_start3A] : memref<100096x8xf32, #tpu.memory_space<vmem_shared>> -> memref<6256x8xf32, #tpu.memory_space<vmem_shared>>
      %dma_start3A_63 = arith.constant 0 : i32
      %dma_start3A_64 = tpu.memref_slice %arg4[%mul3A_8, %dma_start3A_63] : memref<100096x8xf32, #tpu.memory_space<hbm>> -> memref<6256x8xf32, #tpu.memory_space<hbm>>
      tpu.enqueue_dma source(%dma_start3A_64 : memref<6256x8xf32, #tpu.memory_space<hbm>>) target(%dma_start3A_62 : memref<6256x8xf32, #tpu.memory_space<vmem_shared>>) target_semaphore(%run_scoped3A_61 : memref<!tpu.dma_semaphore, #tpu.memory_space<semaphore_mem>>)
      %dma_wait3A_65 = arith.constant 0 : i32
      %dma_wait3A_66 = tpu.memref_slice %arg10[%mul3A_10, %dma_wait3A_65] : memref<100096x8xf32, #tpu.memory_space<vmem_shared>> -> memref<6256x8xf32, #tpu.memory_space<vmem_shared>>
      %dma_wait3A_67 = arith.constant 0 : i32
      %dma_wait3A_68 = tpu.memref_slice %arg4[%mul3A_8, %dma_wait3A_67] : memref<100096x8xf32, #tpu.memory_space<hbm>> -> memref<6256x8xf32, #tpu.memory_space<hbm>>
      tpu.wait_dma2 semaphore(%run_scoped3A_61 : memref<!tpu.dma_semaphore, #tpu.memory_space<semaphore_mem>>) src(%dma_wait3A_68 : memref<6256x8xf32, #tpu.memory_space<hbm>>) dst(%dma_wait3A_66 : memref<6256x8xf32, #tpu.memory_space<vmem_shared>>)
      tpu.yield
    }) : () -> ()
    %barrier3A = arith.constant 0 : index
    tpu.barrier barrier_id(%barrier3A)
    %mul3A_11 = arith.constant 200000 : i32
    %mul3A_12 = arith.muli %add3A, %mul3A_11 : i32
    %run_scoped3A = arith.constant 0 : i32
    %run_scoped3A_13 = arith.constant 0 : i32
    "tpu.region"() ({
      %run_scoped3A_61 = tpu.sem_alloc : memref<!tpu.dma_semaphore, #tpu.memory_space<semaphore_mem>>
      %dma_start3A = arith.constant 0 : i32
      %dma_start3A_62 = tpu.memref_slice %arg6[%run_scoped3A_13, %dma_start3A] : memref<4x1000xi32, #tpu.memory_space<vmem>> -> memref<1x1000xi32, #tpu.memory_space<vmem>>
      %dma_start3A_63 = tpu.memref_squeeze %dma_start3A_62 : memref<1x1000xi32, #tpu.memory_space<vmem>> -> memref<1000xi32, #tpu.memory_space<vmem>>
      %dma_start3A_64 = tpu.memref_slice %arg3[%run_scoped3A, %mul3A_12] : memref<2x6400000xi32, #tpu.memory_space<hbm>> -> memref<1x1000xi32, #tpu.memory_space<hbm>>
      %dma_start3A_65 = tpu.memref_squeeze %dma_start3A_64 : memref<1x1000xi32, #tpu.memory_space<hbm>> -> memref<1000xi32, #tpu.memory_space<hbm>>
      %dma_start3A_66 = arith.constant 0 : i32
      %dma_start3A_67 = tpu.memref_slice %arg6[%run_scoped3A_13, %dma_start3A_66] : memref<4x1000xi32, #tpu.memory_space<vmem>> -> memref<1x1000xi32, #tpu.memory_space<vmem>>
      %dma_start3A_68 = tpu.memref_squeeze %dma_start3A_67 : memref<1x1000xi32, #tpu.memory_space<vmem>> -> memref<1000xi32, #tpu.memory_space<vmem>>
      %dma_start3A_69 = tpu.memref_slice %arg3[%run_scoped3A, %mul3A_12] : memref<2x6400000xi32, #tpu.memory_space<hbm>> -> memref<1x1000xi32, #tpu.memory_space<hbm>>
      %dma_start3A_70 = tpu.memref_squeeze %dma_start3A_69 : memref<1x1000xi32, #tpu.memory_space<hbm>> -> memref<1000xi32, #tpu.memory_space<hbm>>
      tpu.enqueue_dma source(%dma_start3A_70 : memref<1000xi32, #tpu.memory_space<hbm>>) target(%dma_start3A_68 : memref<1000xi32, #tpu.memory_space<vmem>>) target_semaphore(%run_scoped3A_61 : memref<!tpu.dma_semaphore, #tpu.memory_space<semaphore_mem>>)
      %dma_wait3A_71 = arith.constant 0 : i32
      %dma_wait3A_72 = tpu.memref_slice %arg6[%run_scoped3A_13, %dma_wait3A_71] : memref<4x1000xi32, #tpu.memory_space<vmem>> -> memref<1x1000xi32, #tpu.memory_space<vmem>>
      %dma_wait3A_73 = tpu.memref_squeeze %dma_wait3A_72 : memref<1x1000xi32, #tpu.memory_space<vmem>> -> memref<1000xi32, #tpu.memory_space<vmem>>
      %dma_wait3A_74 = tpu.memref_slice %arg3[%run_scoped3A, %mul3A_12] : memref<2x6400000xi32, #tpu.memory_space<hbm>> -> memref<1x1000xi32, #tpu.memory_space<hbm>>
      %dma_wait3A_75 = tpu.memref_squeeze %dma_wait3A_74 : memref<1x1000xi32, #tpu.memory_space<hbm>> -> memref<1000xi32, #tpu.memory_space<hbm>>
      %dma_wait3A_76 = arith.constant 0 : i32
      %dma_wait3A_77 = tpu.memref_slice %arg6[%run_scoped3A_13, %dma_wait3A_76] : memref<4x1000xi32, #tpu.memory_space<vmem>> -> memref<1x1000xi32, #tpu.memory_space<vmem>>
      %dma_wait3A_78 = tpu.memref_squeeze %dma_wait3A_77 : memref<1x1000xi32, #tpu.memory_space<vmem>> -> memref<1000xi32, #tpu.memory_space<vmem>>
      %dma_wait3A_79 = tpu.memref_slice %arg3[%run_scoped3A, %mul3A_12] : memref<2x6400000xi32, #tpu.memory_space<hbm>> -> memref<1x1000xi32, #tpu.memory_space<hbm>>
      %dma_wait3A_80 = tpu.memref_squeeze %dma_wait3A_79 : memref<1x1000xi32, #tpu.memory_space<hbm>> -> memref<1000xi32, #tpu.memory_space<hbm>>
      tpu.wait_dma2 semaphore(%run_scoped3A_61 : memref<!tpu.dma_semaphore, #tpu.memory_space<semaphore_mem>>) src(%dma_wait3A_80 : memref<1000xi32, #tpu.memory_space<hbm>>) dst(%dma_wait3A_78 : memref<1000xi32, #tpu.memory_space<vmem>>)
      tpu.yield
    }) : () -> ()
    %run_scoped3A_14 = arith.constant 1 : i32
    %run_scoped3A_15 = arith.constant 0 : i32
    "tpu.region"() ({
      %run_scoped3A_61 = tpu.sem_alloc : memref<!tpu.dma_semaphore, #tpu.memory_space<semaphore_mem>>
      %dma_start3A = arith.constant 0 : i32
      %dma_start3A_62 = tpu.memref_slice %arg7[%run_scoped3A_15, %dma_start3A] : memref<4x1000xi32, #tpu.memory_space<vmem>> -> memref<1x1000xi32, #tpu.memory_space<vmem>>
      %dma_start3A_63 = tpu.memref_squeeze %dma_start3A_62 : memref<1x1000xi32, #tpu.memory_space<vmem>> -> memref<1000xi32, #tpu.memory_space<vmem>>
      %dma_start3A_64 = tpu.memref_slice %arg3[%run_scoped3A_14, %mul3A_12] : memref<2x6400000xi32, #tpu.memory_space<hbm>> -> memref<1x1000xi32, #tpu.memory_space<hbm>>
      %dma_start3A_65 = tpu.memref_squeeze %dma_start3A_64 : memref<1x1000xi32, #tpu.memory_space<hbm>> -> memref<1000xi32, #tpu.memory_space<hbm>>
      %dma_start3A_66 = arith.constant 0 : i32
      %dma_start3A_67 = tpu.memref_slice %arg7[%run_scoped3A_15, %dma_start3A_66] : memref<4x1000xi32, #tpu.memory_space<vmem>> -> memref<1x1000xi32, #tpu.memory_space<vmem>>
      %dma_start3A_68 = tpu.memref_squeeze %dma_start3A_67 : memref<1x1000xi32, #tpu.memory_space<vmem>> -> memref<1000xi32, #tpu.memory_space<vmem>>
      %dma_start3A_69 = tpu.memref_slice %arg3[%run_scoped3A_14, %mul3A_12] : memref<2x6400000xi32, #tpu.memory_space<hbm>> -> memref<1x1000xi32, #tpu.memory_space<hbm>>
      %dma_start3A_70 = tpu.memref_squeeze %dma_start3A_69 : memref<1x1000xi32, #tpu.memory_space<hbm>> -> memref<1000xi32, #tpu.memory_space<hbm>>
      tpu.enqueue_dma source(%dma_start3A_70 : memref<1000xi32, #tpu.memory_space<hbm>>) target(%dma_start3A_68 : memref<1000xi32, #tpu.memory_space<vmem>>) target_semaphore(%run_scoped3A_61 : memref<!tpu.dma_semaphore, #tpu.memory_space<semaphore_mem>>)
      %dma_wait3A_71 = arith.constant 0 : i32
      %dma_wait3A_72 = tpu.memref_slice %arg7[%run_scoped3A_15, %dma_wait3A_71] : memref<4x1000xi32, #tpu.memory_space<vmem>> -> memref<1x1000xi32, #tpu.memory_space<vmem>>
      %dma_wait3A_73 = tpu.memref_squeeze %dma_wait3A_72 : memref<1x1000xi32, #tpu.memory_space<vmem>> -> memref<1000xi32, #tpu.memory_space<vmem>>
      %dma_wait3A_74 = tpu.memref_slice %arg3[%run_scoped3A_14, %mul3A_12] : memref<2x6400000xi32, #tpu.memory_space<hbm>> -> memref<1x1000xi32, #tpu.memory_space<hbm>>
      %dma_wait3A_75 = tpu.memref_squeeze %dma_wait3A_74 : memref<1x1000xi32, #tpu.memory_space<hbm>> -> memref<1000xi32, #tpu.memory_space<hbm>>
      %dma_wait3A_76 = arith.constant 0 : i32
      %dma_wait3A_77 = tpu.memref_slice %arg7[%run_scoped3A_15, %dma_wait3A_76] : memref<4x1000xi32, #tpu.memory_space<vmem>> -> memref<1x1000xi32, #tpu.memory_space<vmem>>
      %dma_wait3A_78 = tpu.memref_squeeze %dma_wait3A_77 : memref<1x1000xi32, #tpu.memory_space<vmem>> -> memref<1000xi32, #tpu.memory_space<vmem>>
      %dma_wait3A_79 = tpu.memref_slice %arg3[%run_scoped3A_14, %mul3A_12] : memref<2x6400000xi32, #tpu.memory_space<hbm>> -> memref<1x1000xi32, #tpu.memory_space<hbm>>
      %dma_wait3A_80 = tpu.memref_squeeze %dma_wait3A_79 : memref<1x1000xi32, #tpu.memory_space<hbm>> -> memref<1000xi32, #tpu.memory_space<hbm>>
      tpu.wait_dma2 semaphore(%run_scoped3A_61 : memref<!tpu.dma_semaphore, #tpu.memory_space<semaphore_mem>>) src(%dma_wait3A_80 : memref<1000xi32, #tpu.memory_space<hbm>>) dst(%dma_wait3A_78 : memref<1000xi32, #tpu.memory_space<vmem>>)
      tpu.yield
    }) : () -> ()
    %scan3A = arith.constant 0 : i32
    %scan3A_16 = arith.constant 0 : i32
    %scan3A_17 = arith.constant 50 : i32
    %scan3A_18 = arith.addi %scan3A_16, %scan3A_17 : i32
    %scan3A_19 = arith.constant 1 : i32
    scf.for %scan3A_61 = %scan3A_16 to %scan3A_18 step %scan3A_19  : i32 {
      %mul3A_62 = arith.constant 4000 : i32
      %mul3A_63 = arith.muli %scan3A_61, %mul3A_62 : i32
      %add3A_64 = arith.addi %mul3A_12, %mul3A_63 : i32
      %add3A_65 = arith.constant 1000 : i32
      %add3A_66 = arith.addi %add3A_64, %add3A_65 : i32
      %min3A = arith.constant 6399000 : i32
      %min3A_67 = arith.minsi %add3A_66, %min3A : i32
      %dma_start3A = arith.constant 0 : i32
      %dma_start3A_68 = arith.constant 1 : i32
      %dma_start3A_69 = arith.constant 0 : i32
      %dma_start3A_70 = tpu.memref_slice %arg6[%dma_start3A_68, %dma_start3A_69] : memref<4x1000xi32, #tpu.memory_space<vmem>> -> memref<1x1000xi32, #tpu.memory_space<vmem>>
      %dma_start3A_71 = tpu.memref_squeeze %dma_start3A_70 : memref<1x1000xi32, #tpu.memory_space<vmem>> -> memref<1000xi32, #tpu.memory_space<vmem>>
      %dma_start3A_72 = tpu.memref_slice %arg3[%dma_start3A, %min3A_67] : memref<2x6400000xi32, #tpu.memory_space<hbm>> -> memref<1x1000xi32, #tpu.memory_space<hbm>>
      %dma_start3A_73 = tpu.memref_squeeze %dma_start3A_72 : memref<1x1000xi32, #tpu.memory_space<hbm>> -> memref<1000xi32, #tpu.memory_space<hbm>>
      %dma_start3A_74 = arith.constant 0 : i32
      %dma_start3A_75 = tpu.memref_slice %arg6[%dma_start3A_68, %dma_start3A_74] : memref<4x1000xi32, #tpu.memory_space<vmem>> -> memref<1x1000xi32, #tpu.memory_space<vmem>>
      %dma_start3A_76 = tpu.memref_squeeze %dma_start3A_75 : memref<1x1000xi32, #tpu.memory_space<vmem>> -> memref<1000xi32, #tpu.memory_space<vmem>>
      %dma_start3A_77 = tpu.memref_slice %arg3[%dma_start3A, %min3A_67] : memref<2x6400000xi32, #tpu.memory_space<hbm>> -> memref<1x1000xi32, #tpu.memory_space<hbm>>
      %dma_start3A_78 = tpu.memref_squeeze %dma_start3A_77 : memref<1x1000xi32, #tpu.memory_space<hbm>> -> memref<1000xi32, #tpu.memory_space<hbm>>
      tpu.enqueue_dma source(%dma_start3A_78 : memref<1000xi32, #tpu.memory_space<hbm>>) target(%dma_start3A_76 : memref<1000xi32, #tpu.memory_space<vmem>>) target_semaphore(%arg12 : memref<!tpu.dma_semaphore, #tpu.memory_space<semaphore_mem>>)
      %dma_start3A_79 = arith.constant 1 : i32
      %dma_start3A_80 = arith.constant 1 : i32
      %dma_start3A_81 = arith.constant 0 : i32
      %dma_start3A_82 = tpu.memref_slice %arg7[%dma_start3A_80, %dma_start3A_81] : memref<4x1000xi32, #tpu.memory_space<vmem>> -> memref<1x1000xi32, #tpu.memory_space<vmem>>
      %dma_start3A_83 = tpu.memref_squeeze %dma_start3A_82 : memref<1x1000xi32, #tpu.memory_space<vmem>> -> memref<1000xi32, #tpu.memory_space<vmem>>
      %dma_start3A_84 = tpu.memref_slice %arg3[%dma_start3A_79, %min3A_67] : memref<2x6400000xi32, #tpu.memory_space<hbm>> -> memref<1x1000xi32, #tpu.memory_space<hbm>>
      %dma_start3A_85 = tpu.memref_squeeze %dma_start3A_84 : memref<1x1000xi32, #tpu.memory_space<hbm>> -> memref<1000xi32, #tpu.memory_space<hbm>>
      %dma_start3A_86 = arith.constant 0 : i32
      %dma_start3A_87 = tpu.memref_slice %arg7[%dma_start3A_80, %dma_start3A_86] : memref<4x1000xi32, #tpu.memory_space<vmem>> -> memref<1x1000xi32, #tpu.memory_space<vmem>>
      %dma_start3A_88 = tpu.memref_squeeze %dma_start3A_87 : memref<1x1000xi32, #tpu.memory_space<vmem>> -> memref<1000xi32, #tpu.memory_space<vmem>>
      %dma_start3A_89 = tpu.memref_slice %arg3[%dma_start3A_79, %min3A_67] : memref<2x6400000xi32, #tpu.memory_space<hbm>> -> memref<1x1000xi32, #tpu.memory_space<hbm>>
      %dma_start3A_90 = tpu.memref_squeeze %dma_start3A_89 : memref<1x1000xi32, #tpu.memory_space<hbm>> -> memref<1000xi32, #tpu.memory_space<hbm>>
      tpu.enqueue_dma source(%dma_start3A_90 : memref<1000xi32, #tpu.memory_space<hbm>>) target(%dma_start3A_88 : memref<1000xi32, #tpu.memory_space<vmem>>) target_semaphore(%arg12 : memref<!tpu.dma_semaphore, #tpu.memory_space<semaphore_mem>>)
      %gt3A = arith.constant 0 : i32
      %gt3A_91 = arith.cmpi sgt, %scan3A_61, %gt3A : i32
      %convert_element_type3A_92 = arith.extui %gt3A_91 : i1 to i32
      %cond3A_93 = arith.constant 0 : i32
      %cond3A_94 = arith.cmpi ne, %convert_element_type3A_92, %cond3A_93 : i32
      scf.if %cond3A_94 {
        %dma_wait3A_454 = arith.constant 0 : i32
        %dma_wait3A_455 = arith.constant 0 : i32
        %dma_wait3A_456 = arith.constant 0 : i32
        %dma_wait3A_457 = tpu.memref_slice %arg8[%dma_wait3A_454, %dma_wait3A_455, %dma_wait3A_456] : memref<2x1000x8xf32, #tpu.memory_space<vmem>> -> memref<1x1000x8xf32, #tpu.memory_space<vmem>>
        %dma_wait3A_458 = tpu.memref_squeeze %dma_wait3A_457 : memref<1x1000x8xf32, #tpu.memory_space<vmem>> -> memref<1000x8xf32, #tpu.memory_space<vmem>>
        %dma_wait3A_459 = arith.constant 0 : i32
        %dma_wait3A_460 = arith.constant 0 : i32
        %dma_wait3A_461 = tpu.memref_slice %arg2[%dma_wait3A_459, %dma_wait3A_460] : memref<100000x8xf32, #tpu.memory_space<hbm>> -> memref<1000x8xf32, #tpu.memory_space<hbm>>
        %dma_wait3A_462 = arith.constant 0 : i32
        %dma_wait3A_463 = arith.constant 0 : i32
        %dma_wait3A_464 = tpu.memref_slice %arg8[%dma_wait3A_454, %dma_wait3A_462, %dma_wait3A_463] : memref<2x1000x8xf32, #tpu.memory_space<vmem>> -> memref<1x1000x8xf32, #tpu.memory_space<vmem>>
        %dma_wait3A_465 = tpu.memref_squeeze %dma_wait3A_464 : memref<1x1000x8xf32, #tpu.memory_space<vmem>> -> memref<1000x8xf32, #tpu.memory_space<vmem>>
        %dma_wait3A_466 = arith.constant 0 : i32
        %dma_wait3A_467 = arith.constant 0 : i32
        %dma_wait3A_468 = tpu.memref_slice %arg2[%dma_wait3A_466, %dma_wait3A_467] : memref<100000x8xf32, #tpu.memory_space<hbm>> -> memref<1000x8xf32, #tpu.memory_space<hbm>>
        tpu.wait_dma2 semaphore(%arg13 : memref<!tpu.dma_semaphore, #tpu.memory_space<semaphore_mem>>) src(%dma_wait3A_468 : memref<1000x8xf32, #tpu.memory_space<hbm>>) dst(%dma_wait3A_465 : memref<1000x8xf32, #tpu.memory_space<vmem>>)
      } else {
      }
      %dma_start3A_95 = arith.constant 0 : i32
      %dma_start3A_96 = arith.constant 0 : i32
      %dma_start3A_97 = arith.constant 0 : i32
      %dma_start3A_98 = arith.constant 0 : i32
      %dma_start3A_99 = tpu.memref_slice %arg8[%dma_start3A_96, %dma_start3A_97, %dma_start3A_98] : memref<2x1000x8xf32, #tpu.memory_space<vmem>> -> memref<1x1000x8xf32, #tpu.memory_space<vmem>>
      %dma_start3A_100 = tpu.memref_squeeze %dma_start3A_99 : memref<1x1000x8xf32, #tpu.memory_space<vmem>> -> memref<1000x8xf32, #tpu.memory_space<vmem>>
      %dma_start3A_101 = arith.constant 0 : i32
      %dma_start3A_102 = tpu.memref_slice %arg6[%dma_start3A_95, %dma_start3A_101] : memref<4x1000xi32, #tpu.memory_space<vmem>> -> memref<1x1000xi32, #tpu.memory_space<vmem>>
      %dma_start3A_103 = tpu.memref_squeeze %dma_start3A_102 : memref<1x1000xi32, #tpu.memory_space<vmem>> -> memref<1000xi32, #tpu.memory_space<vmem>>
      %dma_start3A_104 = arith.constant 0 : i32
      %dma_start3A_105 = arith.constant 0 : i32
      %dma_start3A_106 = tpu.memref_slice %arg9[%dma_start3A_104, %dma_start3A_105] : memref<100000x8xf32, #tpu.memory_space<vmem_shared>> -> memref<100000x8xf32, #tpu.memory_space<vmem_shared>>
      tpu.enqueue_indirect_dma source(%dma_start3A_106 : memref<100000x8xf32, #tpu.memory_space<vmem_shared>>) target(%dma_start3A_100 : memref<1000x8xf32, #tpu.memory_space<vmem>>) offsets(%dma_start3A_103 : memref<1000xi32, #tpu.memory_space<vmem>>) semaphore(%arg11 : memref<!tpu.dma_semaphore, #tpu.memory_space<semaphore_mem>>)
      %dma_wait3A_107 = arith.constant 0 : i32
      %dma_wait3A_108 = arith.constant 0 : i32
      %dma_wait3A_109 = arith.constant 0 : i32
      %dma_wait3A_110 = arith.constant 0 : i32
      %dma_wait3A_111 = tpu.memref_slice %arg8[%dma_wait3A_108, %dma_wait3A_109, %dma_wait3A_110] : memref<2x1000x8xf32, #tpu.memory_space<vmem>> -> memref<1x1000x8xf32, #tpu.memory_space<vmem>>
      %dma_wait3A_112 = tpu.memref_squeeze %dma_wait3A_111 : memref<1x1000x8xf32, #tpu.memory_space<vmem>> -> memref<1000x8xf32, #tpu.memory_space<vmem>>
      %dma_wait3A_113 = arith.constant 0 : i32
      %dma_wait3A_114 = tpu.memref_slice %arg6[%dma_wait3A_107, %dma_wait3A_113] : memref<4x1000xi32, #tpu.memory_space<vmem>> -> memref<1x1000xi32, #tpu.memory_space<vmem>>
      %dma_wait3A_115 = tpu.memref_squeeze %dma_wait3A_114 : memref<1x1000xi32, #tpu.memory_space<vmem>> -> memref<1000xi32, #tpu.memory_space<vmem>>
      %dma_wait3A_116 = arith.constant 0 : i32
      %dma_wait3A_117 = arith.constant 0 : i32
      %dma_wait3A_118 = tpu.memref_slice %arg9[%dma_wait3A_116, %dma_wait3A_117] : memref<100000x8xf32, #tpu.memory_space<vmem_shared>> -> memref<100000x8xf32, #tpu.memory_space<vmem_shared>>
      tpu.wait_indirect_dma semaphore(%arg11 : memref<!tpu.dma_semaphore, #tpu.memory_space<semaphore_mem>>) src(%dma_wait3A_118 : memref<100000x8xf32, #tpu.memory_space<vmem_shared>>) dst(%dma_wait3A_112 : memref<1000x8xf32, #tpu.memory_space<vmem>>)
      %dma_start3A_119 = arith.constant 0 : i32
      %dma_start3A_120 = arith.constant 0 : i32
      %dma_start3A_121 = arith.constant 0 : i32
      %dma_start3A_122 = arith.constant 0 : i32
      %dma_start3A_123 = tpu.memref_slice %arg8[%dma_start3A_119, %dma_start3A_121, %dma_start3A_122] : memref<2x1000x8xf32, #tpu.memory_space<vmem>> -> memref<1x1000x8xf32, #tpu.memory_space<vmem>>
      %dma_start3A_124 = tpu.memref_squeeze %dma_start3A_123 : memref<1x1000x8xf32, #tpu.memory_space<vmem>> -> memref<1000x8xf32, #tpu.memory_space<vmem>>
      %dma_start3A_125 = arith.constant 0 : i32
      %dma_start3A_126 = tpu.memref_slice %arg7[%dma_start3A_120, %dma_start3A_125] : memref<4x1000xi32, #tpu.memory_space<vmem>> -> memref<1x1000xi32, #tpu.memory_space<vmem>>
      %dma_start3A_127 = tpu.memref_squeeze %dma_start3A_126 : memref<1x1000xi32, #tpu.memory_space<vmem>> -> memref<1000xi32, #tpu.memory_space<vmem>>
      %dma_start3A_128 = arith.constant 0 : i32
      %dma_start3A_129 = arith.constant 0 : i32
      %dma_start3A_130 = tpu.memref_slice %arg10[%dma_start3A_128, %dma_start3A_129] : memref<100096x8xf32, #tpu.memory_space<vmem_shared>> -> memref<100096x8xf32, #tpu.memory_space<vmem_shared>>
      tpu.enqueue_indirect_dma source(%dma_start3A_124 : memref<1000x8xf32, #tpu.memory_space<vmem>>) target(%dma_start3A_130 : memref<100096x8xf32, #tpu.memory_space<vmem_shared>>) offsets(%dma_start3A_127 : memref<1000xi32, #tpu.memory_space<vmem>>) semaphore(%arg13 : memref<!tpu.dma_semaphore, #tpu.memory_space<semaphore_mem>>) {add = true}
      %dma_wait3A_131 = arith.constant 0 : i32
      %dma_wait3A_132 = arith.constant 1 : i32
      %dma_wait3A_133 = arith.constant 0 : i32
      %dma_wait3A_134 = tpu.memref_slice %arg6[%dma_wait3A_132, %dma_wait3A_133] : memref<4x1000xi32, #tpu.memory_space<vmem>> -> memref<1x1000xi32, #tpu.memory_space<vmem>>
      %dma_wait3A_135 = tpu.memref_squeeze %dma_wait3A_134 : memref<1x1000xi32, #tpu.memory_space<vmem>> -> memref<1000xi32, #tpu.memory_space<vmem>>
      %dma_wait3A_136 = tpu.memref_slice %arg3[%dma_wait3A_131, %min3A_67] : memref<2x6400000xi32, #tpu.memory_space<hbm>> -> memref<1x1000xi32, #tpu.memory_space<hbm>>
      %dma_wait3A_137 = tpu.memref_squeeze %dma_wait3A_136 : memref<1x1000xi32, #tpu.memory_space<hbm>> -> memref<1000xi32, #tpu.memory_space<hbm>>
      %dma_wait3A_138 = arith.constant 0 : i32
      %dma_wait3A_139 = tpu.memref_slice %arg6[%dma_wait3A_132, %dma_wait3A_138] : memref<4x1000xi32, #tpu.memory_space<vmem>> -> memref<1x1000xi32, #tpu.memory_space<vmem>>
      %dma_wait3A_140 = tpu.memref_squeeze %dma_wait3A_139 : memref<1x1000xi32, #tpu.memory_space<vmem>> -> memref<1000xi32, #tpu.memory_space<vmem>>
      %dma_wait3A_141 = tpu.memref_slice %arg3[%dma_wait3A_131, %min3A_67] : memref<2x6400000xi32, #tpu.memory_space<hbm>> -> memref<1x1000xi32, #tpu.memory_space<hbm>>
      %dma_wait3A_142 = tpu.memref_squeeze %dma_wait3A_141 : memref<1x1000xi32, #tpu.memory_space<hbm>> -> memref<1000xi32, #tpu.memory_space<hbm>>
      tpu.wait_dma2 semaphore(%arg12 : memref<!tpu.dma_semaphore, #tpu.memory_space<semaphore_mem>>) src(%dma_wait3A_142 : memref<1000xi32, #tpu.memory_space<hbm>>) dst(%dma_wait3A_140 : memref<1000xi32, #tpu.memory_space<vmem>>)
      %dma_wait3A_143 = arith.constant 1 : i32
      %dma_wait3A_144 = arith.constant 1 : i32
      %dma_wait3A_145 = arith.constant 0 : i32
      %dma_wait3A_146 = tpu.memref_slice %arg7[%dma_wait3A_144, %dma_wait3A_145] : memref<4x1000xi32, #tpu.memory_space<vmem>> -> memref<1x1000xi32, #tpu.memory_space<vmem>>
      %dma_wait3A_147 = tpu.memref_squeeze %dma_wait3A_146 : memref<1x1000xi32, #tpu.memory_space<vmem>> -> memref<1000xi32, #tpu.memory_space<vmem>>
      %dma_wait3A_148 = tpu.memref_slice %arg3[%dma_wait3A_143, %min3A_67] : memref<2x6400000xi32, #tpu.memory_space<hbm>> -> memref<1x1000xi32, #tpu.memory_space<hbm>>
      %dma_wait3A_149 = tpu.memref_squeeze %dma_wait3A_148 : memref<1x1000xi32, #tpu.memory_space<hbm>> -> memref<1000xi32, #tpu.memory_space<hbm>>
      %dma_wait3A_150 = arith.constant 0 : i32
      %dma_wait3A_151 = tpu.memref_slice %arg7[%dma_wait3A_144, %dma_wait3A_150] : memref<4x1000xi32, #tpu.memory_space<vmem>> -> memref<1x1000xi32, #tpu.memory_space<vmem>>
      %dma_wait3A_152 = tpu.memref_squeeze %dma_wait3A_151 : memref<1x1000xi32, #tpu.memory_space<vmem>> -> memref<1000xi32, #tpu.memory_space<vmem>>
      %dma_wait3A_153 = tpu.memref_slice %arg3[%dma_wait3A_143, %min3A_67] : memref<2x6400000xi32, #tpu.memory_space<hbm>> -> memref<1x1000xi32, #tpu.memory_space<hbm>>
      %dma_wait3A_154 = tpu.memref_squeeze %dma_wait3A_153 : memref<1x1000xi32, #tpu.memory_space<hbm>> -> memref<1000xi32, #tpu.memory_space<hbm>>
      tpu.wait_dma2 semaphore(%arg12 : memref<!tpu.dma_semaphore, #tpu.memory_space<semaphore_mem>>) src(%dma_wait3A_154 : memref<1000xi32, #tpu.memory_space<hbm>>) dst(%dma_wait3A_152 : memref<1000xi32, #tpu.memory_space<vmem>>)
      %add3A_155 = arith.constant 2000 : i32
      %add3A_156 = arith.addi %add3A_64, %add3A_155 : i32
      %min3A_157 = arith.constant 6399000 : i32
      %min3A_158 = arith.minsi %add3A_156, %min3A_157 : i32
      %dma_start3A_159 = arith.constant 0 : i32
      %dma_start3A_160 = arith.constant 2 : i32
      %dma_start3A_161 = arith.constant 0 : i32
      %dma_start3A_162 = tpu.memref_slice %arg6[%dma_start3A_160, %dma_start3A_161] : memref<4x1000xi32, #tpu.memory_space<vmem>> -> memref<1x1000xi32, #tpu.memory_space<vmem>>
      %dma_start3A_163 = tpu.memref_squeeze %dma_start3A_162 : memref<1x1000xi32, #tpu.memory_space<vmem>> -> memref<1000xi32, #tpu.memory_space<vmem>>
      %dma_start3A_164 = tpu.memref_slice %arg3[%dma_start3A_159, %min3A_158] : memref<2x6400000xi32, #tpu.memory_space<hbm>> -> memref<1x1000xi32, #tpu.memory_space<hbm>>
      %dma_start3A_165 = tpu.memref_squeeze %dma_start3A_164 : memref<1x1000xi32, #tpu.memory_space<hbm>> -> memref<1000xi32, #tpu.memory_space<hbm>>
      %dma_start3A_166 = arith.constant 0 : i32
      %dma_start3A_167 = tpu.memref_slice %arg6[%dma_start3A_160, %dma_start3A_166] : memref<4x1000xi32, #tpu.memory_space<vmem>> -> memref<1x1000xi32, #tpu.memory_space<vmem>>
      %dma_start3A_168 = tpu.memref_squeeze %dma_start3A_167 : memref<1x1000xi32, #tpu.memory_space<vmem>> -> memref<1000xi32, #tpu.memory_space<vmem>>
      %dma_start3A_169 = tpu.memref_slice %arg3[%dma_start3A_159, %min3A_158] : memref<2x6400000xi32, #tpu.memory_space<hbm>> -> memref<1x1000xi32, #tpu.memory_space<hbm>>
      %dma_start3A_170 = tpu.memref_squeeze %dma_start3A_169 : memref<1x1000xi32, #tpu.memory_space<hbm>> -> memref<1000xi32, #tpu.memory_space<hbm>>
      tpu.enqueue_dma source(%dma_start3A_170 : memref<1000xi32, #tpu.memory_space<hbm>>) target(%dma_start3A_168 : memref<1000xi32, #tpu.memory_space<vmem>>) target_semaphore(%arg12 : memref<!tpu.dma_semaphore, #tpu.memory_space<semaphore_mem>>)
      %dma_start3A_171 = arith.constant 1 : i32
      %dma_start3A_172 = arith.constant 2 : i32
      %dma_start3A_173 = arith.constant 0 : i32
      %dma_start3A_174 = tpu.memref_slice %arg7[%dma_start3A_172, %dma_start3A_173] : memref<4x1000xi32, #tpu.memory_space<vmem>> -> memref<1x1000xi32, #tpu.memory_space<vmem>>
      %dma_start3A_175 = tpu.memref_squeeze %dma_start3A_174 : memref<1x1000xi32, #tpu.memory_space<vmem>> -> memref<1000xi32, #tpu.memory_space<vmem>>
      %dma_start3A_176 = tpu.memref_slice %arg3[%dma_start3A_171, %min3A_158] : memref<2x6400000xi32, #tpu.memory_space<hbm>> -> memref<1x1000xi32, #tpu.memory_space<hbm>>
      %dma_start3A_177 = tpu.memref_squeeze %dma_start3A_176 : memref<1x1000xi32, #tpu.memory_space<hbm>> -> memref<1000xi32, #tpu.memory_space<hbm>>
      %dma_start3A_178 = arith.constant 0 : i32
      %dma_start3A_179 = tpu.memref_slice %arg7[%dma_start3A_172, %dma_start3A_178] : memref<4x1000xi32, #tpu.memory_space<vmem>> -> memref<1x1000xi32, #tpu.memory_space<vmem>>
      %dma_start3A_180 = tpu.memref_squeeze %dma_start3A_179 : memref<1x1000xi32, #tpu.memory_space<vmem>> -> memref<1000xi32, #tpu.memory_space<vmem>>
      %dma_start3A_181 = tpu.memref_slice %arg3[%dma_start3A_171, %min3A_158] : memref<2x6400000xi32, #tpu.memory_space<hbm>> -> memref<1x1000xi32, #tpu.memory_space<hbm>>
      %dma_start3A_182 = tpu.memref_squeeze %dma_start3A_181 : memref<1x1000xi32, #tpu.memory_space<hbm>> -> memref<1000xi32, #tpu.memory_space<hbm>>
      tpu.enqueue_dma source(%dma_start3A_182 : memref<1000xi32, #tpu.memory_space<hbm>>) target(%dma_start3A_180 : memref<1000xi32, #tpu.memory_space<vmem>>) target_semaphore(%arg12 : memref<!tpu.dma_semaphore, #tpu.memory_space<semaphore_mem>>)
      %gt3A_183 = arith.constant 0 : i32
      %gt3A_184 = arith.cmpi sgt, %scan3A_61, %gt3A_183 : i32
      %convert_element_type3A_185 = arith.extui %gt3A_184 : i1 to i32
      %cond3A_186 = arith.constant 0 : i32
      %cond3A_187 = arith.cmpi ne, %convert_element_type3A_185, %cond3A_186 : i32
      scf.if %cond3A_187 {
        %dma_wait3A_454 = arith.constant 1 : i32
        %dma_wait3A_455 = arith.constant 0 : i32
        %dma_wait3A_456 = arith.constant 0 : i32
        %dma_wait3A_457 = tpu.memref_slice %arg8[%dma_wait3A_454, %dma_wait3A_455, %dma_wait3A_456] : memref<2x1000x8xf32, #tpu.memory_space<vmem>> -> memref<1x1000x8xf32, #tpu.memory_space<vmem>>
        %dma_wait3A_458 = tpu.memref_squeeze %dma_wait3A_457 : memref<1x1000x8xf32, #tpu.memory_space<vmem>> -> memref<1000x8xf32, #tpu.memory_space<vmem>>
        %dma_wait3A_459 = arith.constant 0 : i32
        %dma_wait3A_460 = arith.constant 0 : i32
        %dma_wait3A_461 = tpu.memref_slice %arg2[%dma_wait3A_459, %dma_wait3A_460] : memref<100000x8xf32, #tpu.memory_space<hbm>> -> memref<1000x8xf32, #tpu.memory_space<hbm>>
        %dma_wait3A_462 = arith.constant 0 : i32
        %dma_wait3A_463 = arith.constant 0 : i32
        %dma_wait3A_464 = tpu.memref_slice %arg8[%dma_wait3A_454, %dma_wait3A_462, %dma_wait3A_463] : memref<2x1000x8xf32, #tpu.memory_space<vmem>> -> memref<1x1000x8xf32, #tpu.memory_space<vmem>>
        %dma_wait3A_465 = tpu.memref_squeeze %dma_wait3A_464 : memref<1x1000x8xf32, #tpu.memory_space<vmem>> -> memref<1000x8xf32, #tpu.memory_space<vmem>>
        %dma_wait3A_466 = arith.constant 0 : i32
        %dma_wait3A_467 = arith.constant 0 : i32
        %dma_wait3A_468 = tpu.memref_slice %arg2[%dma_wait3A_466, %dma_wait3A_467] : memref<100000x8xf32, #tpu.memory_space<hbm>> -> memref<1000x8xf32, #tpu.memory_space<hbm>>
        tpu.wait_dma2 semaphore(%arg13 : memref<!tpu.dma_semaphore, #tpu.memory_space<semaphore_mem>>) src(%dma_wait3A_468 : memref<1000x8xf32, #tpu.memory_space<hbm>>) dst(%dma_wait3A_465 : memref<1000x8xf32, #tpu.memory_space<vmem>>)
      } else {
      }
      %dma_start3A_188 = arith.constant 1 : i32
      %dma_start3A_189 = arith.constant 1 : i32
      %dma_start3A_190 = arith.constant 0 : i32
      %dma_start3A_191 = arith.constant 0 : i32
      %dma_start3A_192 = tpu.memref_slice %arg8[%dma_start3A_189, %dma_start3A_190, %dma_start3A_191] : memref<2x1000x8xf32, #tpu.memory_space<vmem>> -> memref<1x1000x8xf32, #tpu.memory_space<vmem>>
      %dma_start3A_193 = tpu.memref_squeeze %dma_start3A_192 : memref<1x1000x8xf32, #tpu.memory_space<vmem>> -> memref<1000x8xf32, #tpu.memory_space<vmem>>
      %dma_start3A_194 = arith.constant 0 : i32
      %dma_start3A_195 = tpu.memref_slice %arg6[%dma_start3A_188, %dma_start3A_194] : memref<4x1000xi32, #tpu.memory_space<vmem>> -> memref<1x1000xi32, #tpu.memory_space<vmem>>
      %dma_start3A_196 = tpu.memref_squeeze %dma_start3A_195 : memref<1x1000xi32, #tpu.memory_space<vmem>> -> memref<1000xi32, #tpu.memory_space<vmem>>
      %dma_start3A_197 = arith.constant 0 : i32
      %dma_start3A_198 = arith.constant 0 : i32
      %dma_start3A_199 = tpu.memref_slice %arg9[%dma_start3A_197, %dma_start3A_198] : memref<100000x8xf32, #tpu.memory_space<vmem_shared>> -> memref<100000x8xf32, #tpu.memory_space<vmem_shared>>
      tpu.enqueue_indirect_dma source(%dma_start3A_199 : memref<100000x8xf32, #tpu.memory_space<vmem_shared>>) target(%dma_start3A_193 : memref<1000x8xf32, #tpu.memory_space<vmem>>) offsets(%dma_start3A_196 : memref<1000xi32, #tpu.memory_space<vmem>>) semaphore(%arg11 : memref<!tpu.dma_semaphore, #tpu.memory_space<semaphore_mem>>)
      %dma_wait3A_200 = arith.constant 1 : i32
      %dma_wait3A_201 = arith.constant 1 : i32
      %dma_wait3A_202 = arith.constant 0 : i32
      %dma_wait3A_203 = arith.constant 0 : i32
      %dma_wait3A_204 = tpu.memref_slice %arg8[%dma_wait3A_201, %dma_wait3A_202, %dma_wait3A_203] : memref<2x1000x8xf32, #tpu.memory_space<vmem>> -> memref<1x1000x8xf32, #tpu.memory_space<vmem>>
      %dma_wait3A_205 = tpu.memref_squeeze %dma_wait3A_204 : memref<1x1000x8xf32, #tpu.memory_space<vmem>> -> memref<1000x8xf32, #tpu.memory_space<vmem>>
      %dma_wait3A_206 = arith.constant 0 : i32
      %dma_wait3A_207 = tpu.memref_slice %arg6[%dma_wait3A_200, %dma_wait3A_206] : memref<4x1000xi32, #tpu.memory_space<vmem>> -> memref<1x1000xi32, #tpu.memory_space<vmem>>
      %dma_wait3A_208 = tpu.memref_squeeze %dma_wait3A_207 : memref<1x1000xi32, #tpu.memory_space<vmem>> -> memref<1000xi32, #tpu.memory_space<vmem>>
      %dma_wait3A_209 = arith.constant 0 : i32
      %dma_wait3A_210 = arith.constant 0 : i32
      %dma_wait3A_211 = tpu.memref_slice %arg9[%dma_wait3A_209, %dma_wait3A_210] : memref<100000x8xf32, #tpu.memory_space<vmem_shared>> -> memref<100000x8xf32, #tpu.memory_space<vmem_shared>>
      tpu.wait_indirect_dma semaphore(%arg11 : memref<!tpu.dma_semaphore, #tpu.memory_space<semaphore_mem>>) src(%dma_wait3A_211 : memref<100000x8xf32, #tpu.memory_space<vmem_shared>>) dst(%dma_wait3A_205 : memref<1000x8xf32, #tpu.memory_space<vmem>>)
      %dma_start3A_212 = arith.constant 1 : i32
      %dma_start3A_213 = arith.constant 1 : i32
      %dma_start3A_214 = arith.constant 0 : i32
      %dma_start3A_215 = arith.constant 0 : i32
      %dma_start3A_216 = tpu.memref_slice %arg8[%dma_start3A_212, %dma_start3A_214, %dma_start3A_215] : memref<2x1000x8xf32, #tpu.memory_space<vmem>> -> memref<1x1000x8xf32, #tpu.memory_space<vmem>>
      %dma_start3A_217 = tpu.memref_squeeze %dma_start3A_216 : memref<1x1000x8xf32, #tpu.memory_space<vmem>> -> memref<1000x8xf32, #tpu.memory_space<vmem>>
      %dma_start3A_218 = arith.constant 0 : i32
      %dma_start3A_219 = tpu.memref_slice %arg7[%dma_start3A_213, %dma_start3A_218] : memref<4x1000xi32, #tpu.memory_space<vmem>> -> memref<1x1000xi32, #tpu.memory_space<vmem>>
      %dma_start3A_220 = tpu.memref_squeeze %dma_start3A_219 : memref<1x1000xi32, #tpu.memory_space<vmem>> -> memref<1000xi32, #tpu.memory_space<vmem>>
      %dma_start3A_221 = arith.constant 0 : i32
      %dma_start3A_222 = arith.constant 0 : i32
      %dma_start3A_223 = tpu.memref_slice %arg10[%dma_start3A_221, %dma_start3A_222] : memref<100096x8xf32, #tpu.memory_space<vmem_shared>> -> memref<100096x8xf32, #tpu.memory_space<vmem_shared>>
      tpu.enqueue_indirect_dma source(%dma_start3A_217 : memref<1000x8xf32, #tpu.memory_space<vmem>>) target(%dma_start3A_223 : memref<100096x8xf32, #tpu.memory_space<vmem_shared>>) offsets(%dma_start3A_220 : memref<1000xi32, #tpu.memory_space<vmem>>) semaphore(%arg13 : memref<!tpu.dma_semaphore, #tpu.memory_space<semaphore_mem>>) {add = true}
      %dma_wait3A_224 = arith.constant 0 : i32
      %dma_wait3A_225 = arith.constant 2 : i32
      %dma_wait3A_226 = arith.constant 0 : i32
      %dma_wait3A_227 = tpu.memref_slice %arg6[%dma_wait3A_225, %dma_wait3A_226] : memref<4x1000xi32, #tpu.memory_space<vmem>> -> memref<1x1000xi32, #tpu.memory_space<vmem>>
      %dma_wait3A_228 = tpu.memref_squeeze %dma_wait3A_227 : memref<1x1000xi32, #tpu.memory_space<vmem>> -> memref<1000xi32, #tpu.memory_space<vmem>>
      %dma_wait3A_229 = tpu.memref_slice %arg3[%dma_wait3A_224, %min3A_158] : memref<2x6400000xi32, #tpu.memory_space<hbm>> -> memref<1x1000xi32, #tpu.memory_space<hbm>>
      %dma_wait3A_230 = tpu.memref_squeeze %dma_wait3A_229 : memref<1x1000xi32, #tpu.memory_space<hbm>> -> memref<1000xi32, #tpu.memory_space<hbm>>
      %dma_wait3A_231 = arith.constant 0 : i32
      %dma_wait3A_232 = tpu.memref_slice %arg6[%dma_wait3A_225, %dma_wait3A_231] : memref<4x1000xi32, #tpu.memory_space<vmem>> -> memref<1x1000xi32, #tpu.memory_space<vmem>>
      %dma_wait3A_233 = tpu.memref_squeeze %dma_wait3A_232 : memref<1x1000xi32, #tpu.memory_space<vmem>> -> memref<1000xi32, #tpu.memory_space<vmem>>
      %dma_wait3A_234 = tpu.memref_slice %arg3[%dma_wait3A_224, %min3A_158] : memref<2x6400000xi32, #tpu.memory_space<hbm>> -> memref<1x1000xi32, #tpu.memory_space<hbm>>
      %dma_wait3A_235 = tpu.memref_squeeze %dma_wait3A_234 : memref<1x1000xi32, #tpu.memory_space<hbm>> -> memref<1000xi32, #tpu.memory_space<hbm>>
      tpu.wait_dma2 semaphore(%arg12 : memref<!tpu.dma_semaphore, #tpu.memory_space<semaphore_mem>>) src(%dma_wait3A_235 : memref<1000xi32, #tpu.memory_space<hbm>>) dst(%dma_wait3A_233 : memref<1000xi32, #tpu.memory_space<vmem>>)
      %dma_wait3A_236 = arith.constant 1 : i32
      %dma_wait3A_237 = arith.constant 2 : i32
      %dma_wait3A_238 = arith.constant 0 : i32
      %dma_wait3A_239 = tpu.memref_slice %arg7[%dma_wait3A_237, %dma_wait3A_238] : memref<4x1000xi32, #tpu.memory_space<vmem>> -> memref<1x1000xi32, #tpu.memory_space<vmem>>
      %dma_wait3A_240 = tpu.memref_squeeze %dma_wait3A_239 : memref<1x1000xi32, #tpu.memory_space<vmem>> -> memref<1000xi32, #tpu.memory_space<vmem>>
      %dma_wait3A_241 = tpu.memref_slice %arg3[%dma_wait3A_236, %min3A_158] : memref<2x6400000xi32, #tpu.memory_space<hbm>> -> memref<1x1000xi32, #tpu.memory_space<hbm>>
      %dma_wait3A_242 = tpu.memref_squeeze %dma_wait3A_241 : memref<1x1000xi32, #tpu.memory_space<hbm>> -> memref<1000xi32, #tpu.memory_space<hbm>>
      %dma_wait3A_243 = arith.constant 0 : i32
      %dma_wait3A_244 = tpu.memref_slice %arg7[%dma_wait3A_237, %dma_wait3A_243] : memref<4x1000xi32, #tpu.memory_space<vmem>> -> memref<1x1000xi32, #tpu.memory_space<vmem>>
      %dma_wait3A_245 = tpu.memref_squeeze %dma_wait3A_244 : memref<1x1000xi32, #tpu.memory_space<vmem>> -> memref<1000xi32, #tpu.memory_space<vmem>>
      %dma_wait3A_246 = tpu.memref_slice %arg3[%dma_wait3A_236, %min3A_158] : memref<2x6400000xi32, #tpu.memory_space<hbm>> -> memref<1x1000xi32, #tpu.memory_space<hbm>>
      %dma_wait3A_247 = tpu.memref_squeeze %dma_wait3A_246 : memref<1x1000xi32, #tpu.memory_space<hbm>> -> memref<1000xi32, #tpu.memory_space<hbm>>
      tpu.wait_dma2 semaphore(%arg12 : memref<!tpu.dma_semaphore, #tpu.memory_space<semaphore_mem>>) src(%dma_wait3A_247 : memref<1000xi32, #tpu.memory_space<hbm>>) dst(%dma_wait3A_245 : memref<1000xi32, #tpu.memory_space<vmem>>)
      %add3A_248 = arith.constant 3000 : i32
      %add3A_249 = arith.addi %add3A_64, %add3A_248 : i32
      %min3A_250 = arith.constant 6399000 : i32
      %min3A_251 = arith.minsi %add3A_249, %min3A_250 : i32
      %dma_start3A_252 = arith.constant 0 : i32
      %dma_start3A_253 = arith.constant 3 : i32
      %dma_start3A_254 = arith.constant 0 : i32
      %dma_start3A_255 = tpu.memref_slice %arg6[%dma_start3A_253, %dma_start3A_254] : memref<4x1000xi32, #tpu.memory_space<vmem>> -> memref<1x1000xi32, #tpu.memory_space<vmem>>
      %dma_start3A_256 = tpu.memref_squeeze %dma_start3A_255 : memref<1x1000xi32, #tpu.memory_space<vmem>> -> memref<1000xi32, #tpu.memory_space<vmem>>
      %dma_start3A_257 = tpu.memref_slice %arg3[%dma_start3A_252, %min3A_251] : memref<2x6400000xi32, #tpu.memory_space<hbm>> -> memref<1x1000xi32, #tpu.memory_space<hbm>>
      %dma_start3A_258 = tpu.memref_squeeze %dma_start3A_257 : memref<1x1000xi32, #tpu.memory_space<hbm>> -> memref<1000xi32, #tpu.memory_space<hbm>>
      %dma_start3A_259 = arith.constant 0 : i32
      %dma_start3A_260 = tpu.memref_slice %arg6[%dma_start3A_253, %dma_start3A_259] : memref<4x1000xi32, #tpu.memory_space<vmem>> -> memref<1x1000xi32, #tpu.memory_space<vmem>>
      %dma_start3A_261 = tpu.memref_squeeze %dma_start3A_260 : memref<1x1000xi32, #tpu.memory_space<vmem>> -> memref<1000xi32, #tpu.memory_space<vmem>>
      %dma_start3A_262 = tpu.memref_slice %arg3[%dma_start3A_252, %min3A_251] : memref<2x6400000xi32, #tpu.memory_space<hbm>> -> memref<1x1000xi32, #tpu.memory_space<hbm>>
      %dma_start3A_263 = tpu.memref_squeeze %dma_start3A_262 : memref<1x1000xi32, #tpu.memory_space<hbm>> -> memref<1000xi32, #tpu.memory_space<hbm>>
      tpu.enqueue_dma source(%dma_start3A_263 : memref<1000xi32, #tpu.memory_space<hbm>>) target(%dma_start3A_261 : memref<1000xi32, #tpu.memory_space<vmem>>) target_semaphore(%arg12 : memref<!tpu.dma_semaphore, #tpu.memory_space<semaphore_mem>>)
      %dma_start3A_264 = arith.constant 1 : i32
      %dma_start3A_265 = arith.constant 3 : i32
      %dma_start3A_266 = arith.constant 0 : i32
      %dma_start3A_267 = tpu.memref_slice %arg7[%dma_start3A_265, %dma_start3A_266] : memref<4x1000xi32, #tpu.memory_space<vmem>> -> memref<1x1000xi32, #tpu.memory_space<vmem>>
      %dma_start3A_268 = tpu.memref_squeeze %dma_start3A_267 : memref<1x1000xi32, #tpu.memory_space<vmem>> -> memref<1000xi32, #tpu.memory_space<vmem>>
      %dma_start3A_269 = tpu.memref_slice %arg3[%dma_start3A_264, %min3A_251] : memref<2x6400000xi32, #tpu.memory_space<hbm>> -> memref<1x1000xi32, #tpu.memory_space<hbm>>
      %dma_start3A_270 = tpu.memref_squeeze %dma_start3A_269 : memref<1x1000xi32, #tpu.memory_space<hbm>> -> memref<1000xi32, #tpu.memory_space<hbm>>
      %dma_start3A_271 = arith.constant 0 : i32
      %dma_start3A_272 = tpu.memref_slice %arg7[%dma_start3A_265, %dma_start3A_271] : memref<4x1000xi32, #tpu.memory_space<vmem>> -> memref<1x1000xi32, #tpu.memory_space<vmem>>
      %dma_start3A_273 = tpu.memref_squeeze %dma_start3A_272 : memref<1x1000xi32, #tpu.memory_space<vmem>> -> memref<1000xi32, #tpu.memory_space<vmem>>
      %dma_start3A_274 = tpu.memref_slice %arg3[%dma_start3A_264, %min3A_251] : memref<2x6400000xi32, #tpu.memory_space<hbm>> -> memref<1x1000xi32, #tpu.memory_space<hbm>>
      %dma_start3A_275 = tpu.memref_squeeze %dma_start3A_274 : memref<1x1000xi32, #tpu.memory_space<hbm>> -> memref<1000xi32, #tpu.memory_space<hbm>>
      tpu.enqueue_dma source(%dma_start3A_275 : memref<1000xi32, #tpu.memory_space<hbm>>) target(%dma_start3A_273 : memref<1000xi32, #tpu.memory_space<vmem>>) target_semaphore(%arg12 : memref<!tpu.dma_semaphore, #tpu.memory_space<semaphore_mem>>)
      %dma_wait3A_276 = arith.constant 0 : i32
      %dma_wait3A_277 = arith.constant 0 : i32
      %dma_wait3A_278 = arith.constant 0 : i32
      %dma_wait3A_279 = tpu.memref_slice %arg8[%dma_wait3A_276, %dma_wait3A_277, %dma_wait3A_278] : memref<2x1000x8xf32, #tpu.memory_space<vmem>> -> memref<1x1000x8xf32, #tpu.memory_space<vmem>>
      %dma_wait3A_280 = tpu.memref_squeeze %dma_wait3A_279 : memref<1x1000x8xf32, #tpu.memory_space<vmem>> -> memref<1000x8xf32, #tpu.memory_space<vmem>>
      %dma_wait3A_281 = arith.constant 0 : i32
      %dma_wait3A_282 = arith.constant 0 : i32
      %dma_wait3A_283 = tpu.memref_slice %arg2[%dma_wait3A_281, %dma_wait3A_282] : memref<100000x8xf32, #tpu.memory_space<hbm>> -> memref<1000x8xf32, #tpu.memory_space<hbm>>
      %dma_wait3A_284 = arith.constant 0 : i32
      %dma_wait3A_285 = arith.constant 0 : i32
      %dma_wait3A_286 = tpu.memref_slice %arg8[%dma_wait3A_276, %dma_wait3A_284, %dma_wait3A_285] : memref<2x1000x8xf32, #tpu.memory_space<vmem>> -> memref<1x1000x8xf32, #tpu.memory_space<vmem>>
      %dma_wait3A_287 = tpu.memref_squeeze %dma_wait3A_286 : memref<1x1000x8xf32, #tpu.memory_space<vmem>> -> memref<1000x8xf32, #tpu.memory_space<vmem>>
      %dma_wait3A_288 = arith.constant 0 : i32
      %dma_wait3A_289 = arith.constant 0 : i32
      %dma_wait3A_290 = tpu.memref_slice %arg2[%dma_wait3A_288, %dma_wait3A_289] : memref<100000x8xf32, #tpu.memory_space<hbm>> -> memref<1000x8xf32, #tpu.memory_space<hbm>>
      tpu.wait_dma2 semaphore(%arg13 : memref<!tpu.dma_semaphore, #tpu.memory_space<semaphore_mem>>) src(%dma_wait3A_290 : memref<1000x8xf32, #tpu.memory_space<hbm>>) dst(%dma_wait3A_287 : memref<1000x8xf32, #tpu.memory_space<vmem>>)
      %dma_start3A_291 = arith.constant 2 : i32
      %dma_start3A_292 = arith.constant 0 : i32
      %dma_start3A_293 = arith.constant 0 : i32
      %dma_start3A_294 = arith.constant 0 : i32
      %dma_start3A_295 = tpu.memref_slice %arg8[%dma_start3A_292, %dma_start3A_293, %dma_start3A_294] : memref<2x1000x8xf32, #tpu.memory_space<vmem>> -> memref<1x1000x8xf32, #tpu.memory_space<vmem>>
      %dma_start3A_296 = tpu.memref_squeeze %dma_start3A_295 : memref<1x1000x8xf32, #tpu.memory_space<vmem>> -> memref<1000x8xf32, #tpu.memory_space<vmem>>
      %dma_start3A_297 = arith.constant 0 : i32
      %dma_start3A_298 = tpu.memref_slice %arg6[%dma_start3A_291, %dma_start3A_297] : memref<4x1000xi32, #tpu.memory_space<vmem>> -> memref<1x1000xi32, #tpu.memory_space<vmem>>
      %dma_start3A_299 = tpu.memref_squeeze %dma_start3A_298 : memref<1x1000xi32, #tpu.memory_space<vmem>> -> memref<1000xi32, #tpu.memory_space<vmem>>
      %dma_start3A_300 = arith.constant 0 : i32
      %dma_start3A_301 = arith.constant 0 : i32
      %dma_start3A_302 = tpu.memref_slice %arg9[%dma_start3A_300, %dma_start3A_301] : memref<100000x8xf32, #tpu.memory_space<vmem_shared>> -> memref<100000x8xf32, #tpu.memory_space<vmem_shared>>
      tpu.enqueue_indirect_dma source(%dma_start3A_302 : memref<100000x8xf32, #tpu.memory_space<vmem_shared>>) target(%dma_start3A_296 : memref<1000x8xf32, #tpu.memory_space<vmem>>) offsets(%dma_start3A_299 : memref<1000xi32, #tpu.memory_space<vmem>>) semaphore(%arg11 : memref<!tpu.dma_semaphore, #tpu.memory_space<semaphore_mem>>)
      %dma_wait3A_303 = arith.constant 2 : i32
      %dma_wait3A_304 = arith.constant 0 : i32
      %dma_wait3A_305 = arith.constant 0 : i32
      %dma_wait3A_306 = arith.constant 0 : i32
      %dma_wait3A_307 = tpu.memref_slice %arg8[%dma_wait3A_304, %dma_wait3A_305, %dma_wait3A_306] : memref<2x1000x8xf32, #tpu.memory_space<vmem>> -> memref<1x1000x8xf32, #tpu.memory_space<vmem>>
      %dma_wait3A_308 = tpu.memref_squeeze %dma_wait3A_307 : memref<1x1000x8xf32, #tpu.memory_space<vmem>> -> memref<1000x8xf32, #tpu.memory_space<vmem>>
      %dma_wait3A_309 = arith.constant 0 : i32
      %dma_wait3A_310 = tpu.memref_slice %arg6[%dma_wait3A_303, %dma_wait3A_309] : memref<4x1000xi32, #tpu.memory_space<vmem>> -> memref<1x1000xi32, #tpu.memory_space<vmem>>
      %dma_wait3A_311 = tpu.memref_squeeze %dma_wait3A_310 : memref<1x1000xi32, #tpu.memory_space<vmem>> -> memref<1000xi32, #tpu.memory_space<vmem>>
      %dma_wait3A_312 = arith.constant 0 : i32
      %dma_wait3A_313 = arith.constant 0 : i32
      %dma_wait3A_314 = tpu.memref_slice %arg9[%dma_wait3A_312, %dma_wait3A_313] : memref<100000x8xf32, #tpu.memory_space<vmem_shared>> -> memref<100000x8xf32, #tpu.memory_space<vmem_shared>>
      tpu.wait_indirect_dma semaphore(%arg11 : memref<!tpu.dma_semaphore, #tpu.memory_space<semaphore_mem>>) src(%dma_wait3A_314 : memref<100000x8xf32, #tpu.memory_space<vmem_shared>>) dst(%dma_wait3A_308 : memref<1000x8xf32, #tpu.memory_space<vmem>>)
      %dma_start3A_315 = arith.constant 0 : i32
      %dma_start3A_316 = arith.constant 2 : i32
      %dma_start3A_317 = arith.constant 0 : i32
      %dma_start3A_318 = arith.constant 0 : i32
      %dma_start3A_319 = tpu.memref_slice %arg8[%dma_start3A_315, %dma_start3A_317, %dma_start3A_318] : memref<2x1000x8xf32, #tpu.memory_space<vmem>> -> memref<1x1000x8xf32, #tpu.memory_space<vmem>>
      %dma_start3A_320 = tpu.memref_squeeze %dma_start3A_319 : memref<1x1000x8xf32, #tpu.memory_space<vmem>> -> memref<1000x8xf32, #tpu.memory_space<vmem>>
      %dma_start3A_321 = arith.constant 0 : i32
      %dma_start3A_322 = tpu.memref_slice %arg7[%dma_start3A_316, %dma_start3A_321] : memref<4x1000xi32, #tpu.memory_space<vmem>> -> memref<1x1000xi32, #tpu.memory_space<vmem>>
      %dma_start3A_323 = tpu.memref_squeeze %dma_start3A_322 : memref<1x1000xi32, #tpu.memory_space<vmem>> -> memref<1000xi32, #tpu.memory_space<vmem>>
      %dma_start3A_324 = arith.constant 0 : i32
      %dma_start3A_325 = arith.constant 0 : i32
      %dma_start3A_326 = tpu.memref_slice %arg10[%dma_start3A_324, %dma_start3A_325] : memref<100096x8xf32, #tpu.memory_space<vmem_shared>> -> memref<100096x8xf32, #tpu.memory_space<vmem_shared>>
      tpu.enqueue_indirect_dma source(%dma_start3A_320 : memref<1000x8xf32, #tpu.memory_space<vmem>>) target(%dma_start3A_326 : memref<100096x8xf32, #tpu.memory_space<vmem_shared>>) offsets(%dma_start3A_323 : memref<1000xi32, #tpu.memory_space<vmem>>) semaphore(%arg13 : memref<!tpu.dma_semaphore, #tpu.memory_space<semaphore_mem>>) {add = true}
      %dma_wait3A_327 = arith.constant 0 : i32
      %dma_wait3A_328 = arith.constant 3 : i32
      %dma_wait3A_329 = arith.constant 0 : i32
      %dma_wait3A_330 = tpu.memref_slice %arg6[%dma_wait3A_328, %dma_wait3A_329] : memref<4x1000xi32, #tpu.memory_space<vmem>> -> memref<1x1000xi32, #tpu.memory_space<vmem>>
      %dma_wait3A_331 = tpu.memref_squeeze %dma_wait3A_330 : memref<1x1000xi32, #tpu.memory_space<vmem>> -> memref<1000xi32, #tpu.memory_space<vmem>>
      %dma_wait3A_332 = tpu.memref_slice %arg3[%dma_wait3A_327, %min3A_251] : memref<2x6400000xi32, #tpu.memory_space<hbm>> -> memref<1x1000xi32, #tpu.memory_space<hbm>>
      %dma_wait3A_333 = tpu.memref_squeeze %dma_wait3A_332 : memref<1x1000xi32, #tpu.memory_space<hbm>> -> memref<1000xi32, #tpu.memory_space<hbm>>
      %dma_wait3A_334 = arith.constant 0 : i32
      %dma_wait3A_335 = tpu.memref_slice %arg6[%dma_wait3A_328, %dma_wait3A_334] : memref<4x1000xi32, #tpu.memory_space<vmem>> -> memref<1x1000xi32, #tpu.memory_space<vmem>>
      %dma_wait3A_336 = tpu.memref_squeeze %dma_wait3A_335 : memref<1x1000xi32, #tpu.memory_space<vmem>> -> memref<1000xi32, #tpu.memory_space<vmem>>
      %dma_wait3A_337 = tpu.memref_slice %arg3[%dma_wait3A_327, %min3A_251] : memref<2x6400000xi32, #tpu.memory_space<hbm>> -> memref<1x1000xi32, #tpu.memory_space<hbm>>
      %dma_wait3A_338 = tpu.memref_squeeze %dma_wait3A_337 : memref<1x1000xi32, #tpu.memory_space<hbm>> -> memref<1000xi32, #tpu.memory_space<hbm>>
      tpu.wait_dma2 semaphore(%arg12 : memref<!tpu.dma_semaphore, #tpu.memory_space<semaphore_mem>>) src(%dma_wait3A_338 : memref<1000xi32, #tpu.memory_space<hbm>>) dst(%dma_wait3A_336 : memref<1000xi32, #tpu.memory_space<vmem>>)
      %dma_wait3A_339 = arith.constant 1 : i32
      %dma_wait3A_340 = arith.constant 3 : i32
      %dma_wait3A_341 = arith.constant 0 : i32
      %dma_wait3A_342 = tpu.memref_slice %arg7[%dma_wait3A_340, %dma_wait3A_341] : memref<4x1000xi32, #tpu.memory_space<vmem>> -> memref<1x1000xi32, #tpu.memory_space<vmem>>
      %dma_wait3A_343 = tpu.memref_squeeze %dma_wait3A_342 : memref<1x1000xi32, #tpu.memory_space<vmem>> -> memref<1000xi32, #tpu.memory_space<vmem>>
      %dma_wait3A_344 = tpu.memref_slice %arg3[%dma_wait3A_339, %min3A_251] : memref<2x6400000xi32, #tpu.memory_space<hbm>> -> memref<1x1000xi32, #tpu.memory_space<hbm>>
      %dma_wait3A_345 = tpu.memref_squeeze %dma_wait3A_344 : memref<1x1000xi32, #tpu.memory_space<hbm>> -> memref<1000xi32, #tpu.memory_space<hbm>>
      %dma_wait3A_346 = arith.constant 0 : i32
      %dma_wait3A_347 = tpu.memref_slice %arg7[%dma_wait3A_340, %dma_wait3A_346] : memref<4x1000xi32, #tpu.memory_space<vmem>> -> memref<1x1000xi32, #tpu.memory_space<vmem>>
      %dma_wait3A_348 = tpu.memref_squeeze %dma_wait3A_347 : memref<1x1000xi32, #tpu.memory_space<vmem>> -> memref<1000xi32, #tpu.memory_space<vmem>>
      %dma_wait3A_349 = tpu.memref_slice %arg3[%dma_wait3A_339, %min3A_251] : memref<2x6400000xi32, #tpu.memory_space<hbm>> -> memref<1x1000xi32, #tpu.memory_space<hbm>>
      %dma_wait3A_350 = tpu.memref_squeeze %dma_wait3A_349 : memref<1x1000xi32, #tpu.memory_space<hbm>> -> memref<1000xi32, #tpu.memory_space<hbm>>
      tpu.wait_dma2 semaphore(%arg12 : memref<!tpu.dma_semaphore, #tpu.memory_space<semaphore_mem>>) src(%dma_wait3A_350 : memref<1000xi32, #tpu.memory_space<hbm>>) dst(%dma_wait3A_348 : memref<1000xi32, #tpu.memory_space<vmem>>)
      %add3A_351 = arith.constant 4000 : i32
      %add3A_352 = arith.addi %add3A_64, %add3A_351 : i32
      %min3A_353 = arith.constant 6399000 : i32
      %min3A_354 = arith.minsi %add3A_352, %min3A_353 : i32
      %dma_start3A_355 = arith.constant 0 : i32
      %dma_start3A_356 = arith.constant 0 : i32
      %dma_start3A_357 = arith.constant 0 : i32
      %dma_start3A_358 = tpu.memref_slice %arg6[%dma_start3A_356, %dma_start3A_357] : memref<4x1000xi32, #tpu.memory_space<vmem>> -> memref<1x1000xi32, #tpu.memory_space<vmem>>
      %dma_start3A_359 = tpu.memref_squeeze %dma_start3A_358 : memref<1x1000xi32, #tpu.memory_space<vmem>> -> memref<1000xi32, #tpu.memory_space<vmem>>
      %dma_start3A_360 = tpu.memref_slice %arg3[%dma_start3A_355, %min3A_354] : memref<2x6400000xi32, #tpu.memory_space<hbm>> -> memref<1x1000xi32, #tpu.memory_space<hbm>>
      %dma_start3A_361 = tpu.memref_squeeze %dma_start3A_360 : memref<1x1000xi32, #tpu.memory_space<hbm>> -> memref<1000xi32, #tpu.memory_space<hbm>>
      %dma_start3A_362 = arith.constant 0 : i32
      %dma_start3A_363 = tpu.memref_slice %arg6[%dma_start3A_356, %dma_start3A_362] : memref<4x1000xi32, #tpu.memory_space<vmem>> -> memref<1x1000xi32, #tpu.memory_space<vmem>>
      %dma_start3A_364 = tpu.memref_squeeze %dma_start3A_363 : memref<1x1000xi32, #tpu.memory_space<vmem>> -> memref<1000xi32, #tpu.memory_space<vmem>>
      %dma_start3A_365 = tpu.memref_slice %arg3[%dma_start3A_355, %min3A_354] : memref<2x6400000xi32, #tpu.memory_space<hbm>> -> memref<1x1000xi32, #tpu.memory_space<hbm>>
      %dma_start3A_366 = tpu.memref_squeeze %dma_start3A_365 : memref<1x1000xi32, #tpu.memory_space<hbm>> -> memref<1000xi32, #tpu.memory_space<hbm>>
      tpu.enqueue_dma source(%dma_start3A_366 : memref<1000xi32, #tpu.memory_space<hbm>>) target(%dma_start3A_364 : memref<1000xi32, #tpu.memory_space<vmem>>) target_semaphore(%arg12 : memref<!tpu.dma_semaphore, #tpu.memory_space<semaphore_mem>>)
      %dma_start3A_367 = arith.constant 1 : i32
      %dma_start3A_368 = arith.constant 0 : i32
      %dma_start3A_369 = arith.constant 0 : i32
      %dma_start3A_370 = tpu.memref_slice %arg7[%dma_start3A_368, %dma_start3A_369] : memref<4x1000xi32, #tpu.memory_space<vmem>> -> memref<1x1000xi32, #tpu.memory_space<vmem>>
      %dma_start3A_371 = tpu.memref_squeeze %dma_start3A_370 : memref<1x1000xi32, #tpu.memory_space<vmem>> -> memref<1000xi32, #tpu.memory_space<vmem>>
      %dma_start3A_372 = tpu.memref_slice %arg3[%dma_start3A_367, %min3A_354] : memref<2x6400000xi32, #tpu.memory_space<hbm>> -> memref<1x1000xi32, #tpu.memory_space<hbm>>
      %dma_start3A_373 = tpu.memref_squeeze %dma_start3A_372 : memref<1x1000xi32, #tpu.memory_space<hbm>> -> memref<1000xi32, #tpu.memory_space<hbm>>
      %dma_start3A_374 = arith.constant 0 : i32
      %dma_start3A_375 = tpu.memref_slice %arg7[%dma_start3A_368, %dma_start3A_374] : memref<4x1000xi32, #tpu.memory_space<vmem>> -> memref<1x1000xi32, #tpu.memory_space<vmem>>
      %dma_start3A_376 = tpu.memref_squeeze %dma_start3A_375 : memref<1x1000xi32, #tpu.memory_space<vmem>> -> memref<1000xi32, #tpu.memory_space<vmem>>
      %dma_start3A_377 = tpu.memref_slice %arg3[%dma_start3A_367, %min3A_354] : memref<2x6400000xi32, #tpu.memory_space<hbm>> -> memref<1x1000xi32, #tpu.memory_space<hbm>>
      %dma_start3A_378 = tpu.memref_squeeze %dma_start3A_377 : memref<1x1000xi32, #tpu.memory_space<hbm>> -> memref<1000xi32, #tpu.memory_space<hbm>>
      tpu.enqueue_dma source(%dma_start3A_378 : memref<1000xi32, #tpu.memory_space<hbm>>) target(%dma_start3A_376 : memref<1000xi32, #tpu.memory_space<vmem>>) target_semaphore(%arg12 : memref<!tpu.dma_semaphore, #tpu.memory_space<semaphore_mem>>)
      %dma_wait3A_379 = arith.constant 1 : i32
      %dma_wait3A_380 = arith.constant 0 : i32
      %dma_wait3A_381 = arith.constant 0 : i32
      %dma_wait3A_382 = tpu.memref_slice %arg8[%dma_wait3A_379, %dma_wait3A_380, %dma_wait3A_381] : memref<2x1000x8xf32, #tpu.memory_space<vmem>> -> memref<1x1000x8xf32, #tpu.memory_space<vmem>>
      %dma_wait3A_383 = tpu.memref_squeeze %dma_wait3A_382 : memref<1x1000x8xf32, #tpu.memory_space<vmem>> -> memref<1000x8xf32, #tpu.memory_space<vmem>>
      %dma_wait3A_384 = arith.constant 0 : i32
      %dma_wait3A_385 = arith.constant 0 : i32
      %dma_wait3A_386 = tpu.memref_slice %arg2[%dma_wait3A_384, %dma_wait3A_385] : memref<100000x8xf32, #tpu.memory_space<hbm>> -> memref<1000x8xf32, #tpu.memory_space<hbm>>
      %dma_wait3A_387 = arith.constant 0 : i32
      %dma_wait3A_388 = arith.constant 0 : i32
      %dma_wait3A_389 = tpu.memref_slice %arg8[%dma_wait3A_379, %dma_wait3A_387, %dma_wait3A_388] : memref<2x1000x8xf32, #tpu.memory_space<vmem>> -> memref<1x1000x8xf32, #tpu.memory_space<vmem>>
      %dma_wait3A_390 = tpu.memref_squeeze %dma_wait3A_389 : memref<1x1000x8xf32, #tpu.memory_space<vmem>> -> memref<1000x8xf32, #tpu.memory_space<vmem>>
      %dma_wait3A_391 = arith.constant 0 : i32
      %dma_wait3A_392 = arith.constant 0 : i32
      %dma_wait3A_393 = tpu.memref_slice %arg2[%dma_wait3A_391, %dma_wait3A_392] : memref<100000x8xf32, #tpu.memory_space<hbm>> -> memref<1000x8xf32, #tpu.memory_space<hbm>>
      tpu.wait_dma2 semaphore(%arg13 : memref<!tpu.dma_semaphore, #tpu.memory_space<semaphore_mem>>) src(%dma_wait3A_393 : memref<1000x8xf32, #tpu.memory_space<hbm>>) dst(%dma_wait3A_390 : memref<1000x8xf32, #tpu.memory_space<vmem>>)
      %dma_start3A_394 = arith.constant 3 : i32
      %dma_start3A_395 = arith.constant 1 : i32
      %dma_start3A_396 = arith.constant 0 : i32
      %dma_start3A_397 = arith.constant 0 : i32
      %dma_start3A_398 = tpu.memref_slice %arg8[%dma_start3A_395, %dma_start3A_396, %dma_start3A_397] : memref<2x1000x8xf32, #tpu.memory_space<vmem>> -> memref<1x1000x8xf32, #tpu.memory_space<vmem>>
      %dma_start3A_399 = tpu.memref_squeeze %dma_start3A_398 : memref<1x1000x8xf32, #tpu.memory_space<vmem>> -> memref<1000x8xf32, #tpu.memory_space<vmem>>
      %dma_start3A_400 = arith.constant 0 : i32
      %dma_start3A_401 = tpu.memref_slice %arg6[%dma_start3A_394, %dma_start3A_400] : memref<4x1000xi32, #tpu.memory_space<vmem>> -> memref<1x1000xi32, #tpu.memory_space<vmem>>
      %dma_start3A_402 = tpu.memref_squeeze %dma_start3A_401 : memref<1x1000xi32, #tpu.memory_space<vmem>> -> memref<1000xi32, #tpu.memory_space<vmem>>
      %dma_start3A_403 = arith.constant 0 : i32
      %dma_start3A_404 = arith.constant 0 : i32
      %dma_start3A_405 = tpu.memref_slice %arg9[%dma_start3A_403, %dma_start3A_404] : memref<100000x8xf32, #tpu.memory_space<vmem_shared>> -> memref<100000x8xf32, #tpu.memory_space<vmem_shared>>
      tpu.enqueue_indirect_dma source(%dma_start3A_405 : memref<100000x8xf32, #tpu.memory_space<vmem_shared>>) target(%dma_start3A_399 : memref<1000x8xf32, #tpu.memory_space<vmem>>) offsets(%dma_start3A_402 : memref<1000xi32, #tpu.memory_space<vmem>>) semaphore(%arg11 : memref<!tpu.dma_semaphore, #tpu.memory_space<semaphore_mem>>)
      %dma_wait3A_406 = arith.constant 3 : i32
      %dma_wait3A_407 = arith.constant 1 : i32
      %dma_wait3A_408 = arith.constant 0 : i32
      %dma_wait3A_409 = arith.constant 0 : i32
      %dma_wait3A_410 = tpu.memref_slice %arg8[%dma_wait3A_407, %dma_wait3A_408, %dma_wait3A_409] : memref<2x1000x8xf32, #tpu.memory_space<vmem>> -> memref<1x1000x8xf32, #tpu.memory_space<vmem>>
      %dma_wait3A_411 = tpu.memref_squeeze %dma_wait3A_410 : memref<1x1000x8xf32, #tpu.memory_space<vmem>> -> memref<1000x8xf32, #tpu.memory_space<vmem>>
      %dma_wait3A_412 = arith.constant 0 : i32
      %dma_wait3A_413 = tpu.memref_slice %arg6[%dma_wait3A_406, %dma_wait3A_412] : memref<4x1000xi32, #tpu.memory_space<vmem>> -> memref<1x1000xi32, #tpu.memory_space<vmem>>
      %dma_wait3A_414 = tpu.memref_squeeze %dma_wait3A_413 : memref<1x1000xi32, #tpu.memory_space<vmem>> -> memref<1000xi32, #tpu.memory_space<vmem>>
      %dma_wait3A_415 = arith.constant 0 : i32
      %dma_wait3A_416 = arith.constant 0 : i32
      %dma_wait3A_417 = tpu.memref_slice %arg9[%dma_wait3A_415, %dma_wait3A_416] : memref<100000x8xf32, #tpu.memory_space<vmem_shared>> -> memref<100000x8xf32, #tpu.memory_space<vmem_shared>>
      tpu.wait_indirect_dma semaphore(%arg11 : memref<!tpu.dma_semaphore, #tpu.memory_space<semaphore_mem>>) src(%dma_wait3A_417 : memref<100000x8xf32, #tpu.memory_space<vmem_shared>>) dst(%dma_wait3A_411 : memref<1000x8xf32, #tpu.memory_space<vmem>>)
      %dma_start3A_418 = arith.constant 1 : i32
      %dma_start3A_419 = arith.constant 3 : i32
      %dma_start3A_420 = arith.constant 0 : i32
      %dma_start3A_421 = arith.constant 0 : i32
      %dma_start3A_422 = tpu.memref_slice %arg8[%dma_start3A_418, %dma_start3A_420, %dma_start3A_421] : memref<2x1000x8xf32, #tpu.memory_space<vmem>> -> memref<1x1000x8xf32, #tpu.memory_space<vmem>>
      %dma_start3A_423 = tpu.memref_squeeze %dma_start3A_422 : memref<1x1000x8xf32, #tpu.memory_space<vmem>> -> memref<1000x8xf32, #tpu.memory_space<vmem>>
      %dma_start3A_424 = arith.constant 0 : i32
      %dma_start3A_425 = tpu.memref_slice %arg7[%dma_start3A_419, %dma_start3A_424] : memref<4x1000xi32, #tpu.memory_space<vmem>> -> memref<1x1000xi32, #tpu.memory_space<vmem>>
      %dma_start3A_426 = tpu.memref_squeeze %dma_start3A_425 : memref<1x1000xi32, #tpu.memory_space<vmem>> -> memref<1000xi32, #tpu.memory_space<vmem>>
      %dma_start3A_427 = arith.constant 0 : i32
      %dma_start3A_428 = arith.constant 0 : i32
      %dma_start3A_429 = tpu.memref_slice %arg10[%dma_start3A_427, %dma_start3A_428] : memref<100096x8xf32, #tpu.memory_space<vmem_shared>> -> memref<100096x8xf32, #tpu.memory_space<vmem_shared>>
      tpu.enqueue_indirect_dma source(%dma_start3A_423 : memref<1000x8xf32, #tpu.memory_space<vmem>>) target(%dma_start3A_429 : memref<100096x8xf32, #tpu.memory_space<vmem_shared>>) offsets(%dma_start3A_426 : memref<1000xi32, #tpu.memory_space<vmem>>) semaphore(%arg13 : memref<!tpu.dma_semaphore, #tpu.memory_space<semaphore_mem>>) {add = true}
      %dma_wait3A_430 = arith.constant 0 : i32
      %dma_wait3A_431 = arith.constant 0 : i32
      %dma_wait3A_432 = arith.constant 0 : i32
      %dma_wait3A_433 = tpu.memref_slice %arg6[%dma_wait3A_431, %dma_wait3A_432] : memref<4x1000xi32, #tpu.memory_space<vmem>> -> memref<1x1000xi32, #tpu.memory_space<vmem>>
      %dma_wait3A_434 = tpu.memref_squeeze %dma_wait3A_433 : memref<1x1000xi32, #tpu.memory_space<vmem>> -> memref<1000xi32, #tpu.memory_space<vmem>>
      %dma_wait3A_435 = tpu.memref_slice %arg3[%dma_wait3A_430, %min3A_354] : memref<2x6400000xi32, #tpu.memory_space<hbm>> -> memref<1x1000xi32, #tpu.memory_space<hbm>>
      %dma_wait3A_436 = tpu.memref_squeeze %dma_wait3A_435 : memref<1x1000xi32, #tpu.memory_space<hbm>> -> memref<1000xi32, #tpu.memory_space<hbm>>
      %dma_wait3A_437 = arith.constant 0 : i32
      %dma_wait3A_438 = tpu.memref_slice %arg6[%dma_wait3A_431, %dma_wait3A_437] : memref<4x1000xi32, #tpu.memory_space<vmem>> -> memref<1x1000xi32, #tpu.memory_space<vmem>>
      %dma_wait3A_439 = tpu.memref_squeeze %dma_wait3A_438 : memref<1x1000xi32, #tpu.memory_space<vmem>> -> memref<1000xi32, #tpu.memory_space<vmem>>
      %dma_wait3A_440 = tpu.memref_slice %arg3[%dma_wait3A_430, %min3A_354] : memref<2x6400000xi32, #tpu.memory_space<hbm>> -> memref<1x1000xi32, #tpu.memory_space<hbm>>
      %dma_wait3A_441 = tpu.memref_squeeze %dma_wait3A_440 : memref<1x1000xi32, #tpu.memory_space<hbm>> -> memref<1000xi32, #tpu.memory_space<hbm>>
      tpu.wait_dma2 semaphore(%arg12 : memref<!tpu.dma_semaphore, #tpu.memory_space<semaphore_mem>>) src(%dma_wait3A_441 : memref<1000xi32, #tpu.memory_space<hbm>>) dst(%dma_wait3A_439 : memref<1000xi32, #tpu.memory_space<vmem>>)
      %dma_wait3A_442 = arith.constant 1 : i32
      %dma_wait3A_443 = arith.constant 0 : i32
      %dma_wait3A_444 = arith.constant 0 : i32
      %dma_wait3A_445 = tpu.memref_slice %arg7[%dma_wait3A_443, %dma_wait3A_444] : memref<4x1000xi32, #tpu.memory_space<vmem>> -> memref<1x1000xi32, #tpu.memory_space<vmem>>
      %dma_wait3A_446 = tpu.memref_squeeze %dma_wait3A_445 : memref<1x1000xi32, #tpu.memory_space<vmem>> -> memref<1000xi32, #tpu.memory_space<vmem>>
      %dma_wait3A_447 = tpu.memref_slice %arg3[%dma_wait3A_442, %min3A_354] : memref<2x6400000xi32, #tpu.memory_space<hbm>> -> memref<1x1000xi32, #tpu.memory_space<hbm>>
      %dma_wait3A_448 = tpu.memref_squeeze %dma_wait3A_447 : memref<1x1000xi32, #tpu.memory_space<hbm>> -> memref<1000xi32, #tpu.memory_space<hbm>>
      %dma_wait3A_449 = arith.constant 0 : i32
      %dma_wait3A_450 = tpu.memref_slice %arg7[%dma_wait3A_443, %dma_wait3A_449] : memref<4x1000xi32, #tpu.memory_space<vmem>> -> memref<1x1000xi32, #tpu.memory_space<vmem>>
      %dma_wait3A_451 = tpu.memref_squeeze %dma_wait3A_450 : memref<1x1000xi32, #tpu.memory_space<vmem>> -> memref<1000xi32, #tpu.memory_space<vmem>>
      %dma_wait3A_452 = tpu.memref_slice %arg3[%dma_wait3A_442, %min3A_354] : memref<2x6400000xi32, #tpu.memory_space<hbm>> -> memref<1x1000xi32, #tpu.memory_space<hbm>>
      %dma_wait3A_453 = tpu.memref_squeeze %dma_wait3A_452 : memref<1x1000xi32, #tpu.memory_space<hbm>> -> memref<1000xi32, #tpu.memory_space<hbm>>
      tpu.wait_dma2 semaphore(%arg12 : memref<!tpu.dma_semaphore, #tpu.memory_space<semaphore_mem>>) src(%dma_wait3A_453 : memref<1000xi32, #tpu.memory_space<hbm>>) dst(%dma_wait3A_451 : memref<1000xi32, #tpu.memory_space<vmem>>)
    }
    %scan3A_20 = arith.constant 50 : i32
    %dma_wait3A = arith.constant 0 : i32
    %dma_wait3A_21 = arith.constant 0 : i32
    %dma_wait3A_22 = arith.constant 0 : i32
    %dma_wait3A_23 = tpu.memref_slice %arg8[%dma_wait3A, %dma_wait3A_21, %dma_wait3A_22] : memref<2x1000x8xf32, #tpu.memory_space<vmem>> -> memref<1x1000x8xf32, #tpu.memory_space<vmem>>
    %dma_wait3A_24 = tpu.memref_squeeze %dma_wait3A_23 : memref<1x1000x8xf32, #tpu.memory_space<vmem>> -> memref<1000x8xf32, #tpu.memory_space<vmem>>
    %dma_wait3A_25 = arith.constant 0 : i32
    %dma_wait3A_26 = arith.constant 0 : i32
    %dma_wait3A_27 = tpu.memref_slice %arg2[%dma_wait3A_25, %dma_wait3A_26] : memref<100000x8xf32, #tpu.memory_space<hbm>> -> memref<1000x8xf32, #tpu.memory_space<hbm>>
    %dma_wait3A_28 = arith.constant 0 : i32
    %dma_wait3A_29 = arith.constant 0 : i32
    %dma_wait3A_30 = tpu.memref_slice %arg8[%dma_wait3A, %dma_wait3A_28, %dma_wait3A_29] : memref<2x1000x8xf32, #tpu.memory_space<vmem>> -> memref<1x1000x8xf32, #tpu.memory_space<vmem>>
    %dma_wait3A_31 = tpu.memref_squeeze %dma_wait3A_30 : memref<1x1000x8xf32, #tpu.memory_space<vmem>> -> memref<1000x8xf32, #tpu.memory_space<vmem>>
    %dma_wait3A_32 = arith.constant 0 : i32
    %dma_wait3A_33 = arith.constant 0 : i32
    %dma_wait3A_34 = tpu.memref_slice %arg2[%dma_wait3A_32, %dma_wait3A_33] : memref<100000x8xf32, #tpu.memory_space<hbm>> -> memref<1000x8xf32, #tpu.memory_space<hbm>>
    tpu.wait_dma2 semaphore(%arg13 : memref<!tpu.dma_semaphore, #tpu.memory_space<semaphore_mem>>) src(%dma_wait3A_34 : memref<1000x8xf32, #tpu.memory_space<hbm>>) dst(%dma_wait3A_31 : memref<1000x8xf32, #tpu.memory_space<vmem>>)
    %dma_wait3A_35 = arith.constant 1 : i32
    %dma_wait3A_36 = arith.constant 0 : i32
    %dma_wait3A_37 = arith.constant 0 : i32
    %dma_wait3A_38 = tpu.memref_slice %arg8[%dma_wait3A_35, %dma_wait3A_36, %dma_wait3A_37] : memref<2x1000x8xf32, #tpu.memory_space<vmem>> -> memref<1x1000x8xf32, #tpu.memory_space<vmem>>
    %dma_wait3A_39 = tpu.memref_squeeze %dma_wait3A_38 : memref<1x1000x8xf32, #tpu.memory_space<vmem>> -> memref<1000x8xf32, #tpu.memory_space<vmem>>
    %dma_wait3A_40 = arith.constant 0 : i32
    %dma_wait3A_41 = arith.constant 0 : i32
    %dma_wait3A_42 = tpu.memref_slice %arg2[%dma_wait3A_40, %dma_wait3A_41] : memref<100000x8xf32, #tpu.memory_space<hbm>> -> memref<1000x8xf32, #tpu.memory_space<hbm>>
    %dma_wait3A_43 = arith.constant 0 : i32
    %dma_wait3A_44 = arith.constant 0 : i32
    %dma_wait3A_45 = tpu.memref_slice %arg8[%dma_wait3A_35, %dma_wait3A_43, %dma_wait3A_44] : memref<2x1000x8xf32, #tpu.memory_space<vmem>> -> memref<1x1000x8xf32, #tpu.memory_space<vmem>>
    %dma_wait3A_46 = tpu.memref_squeeze %dma_wait3A_45 : memref<1x1000x8xf32, #tpu.memory_space<vmem>> -> memref<1000x8xf32, #tpu.memory_space<vmem>>
    %dma_wait3A_47 = arith.constant 0 : i32
    %dma_wait3A_48 = arith.constant 0 : i32
    %dma_wait3A_49 = tpu.memref_slice %arg2[%dma_wait3A_47, %dma_wait3A_48] : memref<100000x8xf32, #tpu.memory_space<hbm>> -> memref<1000x8xf32, #tpu.memory_space<hbm>>
    tpu.wait_dma2 semaphore(%arg13 : memref<!tpu.dma_semaphore, #tpu.memory_space<semaphore_mem>>) src(%dma_wait3A_49 : memref<1000x8xf32, #tpu.memory_space<hbm>>) dst(%dma_wait3A_46 : memref<1000x8xf32, #tpu.memory_space<vmem>>)
    %barrier3A_50 = arith.constant 0 : index
    tpu.barrier barrier_id(%barrier3A_50)
    %lt3A_51 = arith.constant 15 : i32
    %lt3A_52 = arith.cmpi slt, %arg1, %lt3A_51 : i32
    %convert_element_type3A_53 = arith.extui %lt3A_52 : i1 to i32
    %cond3A_54 = arith.constant 0 : i32
    %cond3A_55 = arith.cmpi ne, %convert_element_type3A_53, %cond3A_54 : i32
    scf.if %cond3A_55 {
      %mul3A_61 = arith.constant 6256 : i32
      %mul3A_62 = arith.muli %arg1, %mul3A_61 : i32
      %mul3A_63 = arith.constant 100000 : i32
      %mul3A_64 = arith.muli %arg0, %mul3A_63 : i32
      %mul3A_65 = arith.constant 6256 : i32
      %mul3A_66 = arith.muli %arg1, %mul3A_65 : i32
      %add3A_67 = arith.addi %mul3A_64, %mul3A_66 : i32
      "tpu.region"() ({
        %run_scoped3A_68 = tpu.sem_alloc : memref<!tpu.dma_semaphore, #tpu.memory_space<semaphore_mem>>
        %dma_start3A = arith.constant 0 : i32
        %dma_start3A_69 = tpu.memref_slice %arg5[%add3A_67, %dma_start3A] : memref<200000x8xf32, #tpu.memory_space<hbm>> -> memref<6256x8xf32, #tpu.memory_space<hbm>>
        %dma_start3A_70 = arith.constant 0 : i32
        %dma_start3A_71 = tpu.memref_slice %arg10[%mul3A_62, %dma_start3A_70] : memref<100096x8xf32, #tpu.memory_space<vmem_shared>> -> memref<6256x8xf32, #tpu.memory_space<vmem_shared>>
        tpu.enqueue_dma source(%dma_start3A_71 : memref<6256x8xf32, #tpu.memory_space<vmem_shared>>) target(%dma_start3A_69 : memref<6256x8xf32, #tpu.memory_space<hbm>>) target_semaphore(%run_scoped3A_68 : memref<!tpu.dma_semaphore, #tpu.memory_space<semaphore_mem>>)
        %dma_wait3A_72 = arith.constant 0 : i32
        %dma_wait3A_73 = tpu.memref_slice %arg5[%add3A_67, %dma_wait3A_72] : memref<200000x8xf32, #tpu.memory_space<hbm>> -> memref<6256x8xf32, #tpu.memory_space<hbm>>
        %dma_wait3A_74 = arith.constant 0 : i32
        %dma_wait3A_75 = tpu.memref_slice %arg10[%mul3A_62, %dma_wait3A_74] : memref<100096x8xf32, #tpu.memory_space<vmem_shared>> -> memref<6256x8xf32, #tpu.memory_space<vmem_shared>>
        tpu.wait_dma2 semaphore(%run_scoped3A_68 : memref<!tpu.dma_semaphore, #tpu.memory_space<semaphore_mem>>) src(%dma_wait3A_75 : memref<6256x8xf32, #tpu.memory_space<vmem_shared>>) dst(%dma_wait3A_73 : memref<6256x8xf32, #tpu.memory_space<hbm>>)
        tpu.yield
      }) : () -> ()
    } else {
    }
    %eq3A_56 = arith.constant 15 : i32
    %eq3A_57 = arith.cmpi eq, %arg1, %eq3A_56 : i32
    %convert_element_type3A_58 = arith.extui %eq3A_57 : i1 to i32
    %cond3A_59 = arith.constant 0 : i32
    %cond3A_60 = arith.cmpi ne, %convert_element_type3A_58, %cond3A_59 : i32
    scf.if %cond3A_60 {
      %mul3A_61 = arith.constant 100000 : i32
      %mul3A_62 = arith.muli %arg0, %mul3A_61 : i32
      %add3A_63 = arith.constant 93840 : i32
      %add3A_64 = arith.addi %mul3A_62, %add3A_63 : i32
      "tpu.region"() ({
        %run_scoped3A_65 = tpu.sem_alloc : memref<!tpu.dma_semaphore, #tpu.memory_space<semaphore_mem>>
        %dma_start3A = arith.constant 0 : i32
        %dma_start3A_66 = tpu.memref_slice %arg5[%add3A_64, %dma_start3A] : memref<200000x8xf32, #tpu.memory_space<hbm>> -> memref<6160x8xf32, #tpu.memory_space<hbm>>
        %dma_start3A_67 = arith.constant 93840 : i32
        %dma_start3A_68 = arith.constant 0 : i32
        %dma_start3A_69 = tpu.memref_slice %arg10[%dma_start3A_67, %dma_start3A_68] : memref<100096x8xf32, #tpu.memory_space<vmem_shared>> -> memref<6160x8xf32, #tpu.memory_space<vmem_shared>>
        tpu.enqueue_dma source(%dma_start3A_69 : memref<6160x8xf32, #tpu.memory_space<vmem_shared>>) target(%dma_start3A_66 : memref<6160x8xf32, #tpu.memory_space<hbm>>) target_semaphore(%run_scoped3A_65 : memref<!tpu.dma_semaphore, #tpu.memory_space<semaphore_mem>>)
        %dma_wait3A_70 = arith.constant 0 : i32
        %dma_wait3A_71 = tpu.memref_slice %arg5[%add3A_64, %dma_wait3A_70] : memref<200000x8xf32, #tpu.memory_space<hbm>> -> memref<6160x8xf32, #tpu.memory_space<hbm>>
        %dma_wait3A_72 = arith.constant 93840 : i32
        %dma_wait3A_73 = arith.constant 0 : i32
        %dma_wait3A_74 = tpu.memref_slice %arg10[%dma_wait3A_72, %dma_wait3A_73] : memref<100096x8xf32, #tpu.memory_space<vmem_shared>> -> memref<6160x8xf32, #tpu.memory_space<vmem_shared>>
        tpu.wait_dma2 semaphore(%run_scoped3A_65 : memref<!tpu.dma_semaphore, #tpu.memory_space<semaphore_mem>>) src(%dma_wait3A_74 : memref<6160x8xf32, #tpu.memory_space<vmem_shared>>) dst(%dma_wait3A_71 : memref<6160x8xf32, #tpu.memory_space<hbm>>)
        tpu.yield
      }) : () -> ()
    } else {
    }
    return
  }
}

module attributes {stable_mosaic.version = 14 : i64} {
  func.func @ubody(%arg0: i32, %arg1: memref<1x1xf32, #tpu.memory_space<smem>>, %arg2: memref<6250x128xf32, #tpu.memory_space<vmem>>, %arg3: memref<1x6250x128xf32, #tpu.memory_space<vmem>>, %arg4: memref<1x6250x128xf32, #tpu.memory_space<vmem>>, %arg5: memref<128x128xf32, #tpu.memory_space<vmem>>, %arg6: memref<1x128xf32, #tpu.memory_space<vmem>>, %arg7: memref<6250x128xf32, #tpu.memory_space<vmem>>) attributes {dimension_semantics = [#tpu.dimension_semantics<arbitrary>], iteration_bounds = array<i64: 1>, scalar_prefetch = 0 : i64, scratch_operands = 0 : i64, tpu.core_type = #tpu.core_type<tc>, window_params = [{transform_indices = @transform_0, window_bounds = array<i64: 1, 1>}, {transform_indices = @transform_1, window_bounds = array<i64: 6250, 128>}, {transform_indices = @transform_2, window_bounds = array<i64: 1, 6250, 128>}, {transform_indices = @transform_3, window_bounds = array<i64: 1, 6250, 128>}, {pipeline_mode = #tpu.pipeline_mode<synchronous>, transform_indices = @transform_4, window_bounds = array<i64: 128, 128>}, {pipeline_mode = #tpu.pipeline_mode<synchronous>, transform_indices = @transform_5, window_bounds = array<i64: 1, 128>}, {transform_indices = @transform_6, window_bounds = array<i64: 6250, 128>}]} {
    %get3A = arith.constant 0 : index
    %get3A_0 = arith.constant 0 : index
    %get3A_1 = vector.load %arg2[%get3A, %get3A_0] : memref<6250x128xf32, #tpu.memory_space<vmem>>, vector<6250x128xf32>
    %get3A_2 = arith.constant 0 : index
    %get3A_3 = arith.constant 0 : index
    %get3A_4 = memref.load %arg1[%get3A_2, %get3A_3] : memref<1x1xf32, #tpu.memory_space<smem>>
    %add3A = arith.constant 1.000000e+00 : f32
    %add3A_5 = arith.addf %add3A, %get3A_4 : f32
    %mul3A = vector.broadcast %add3A_5 : f32 to vector<6250x128xf32>
    %mul3A_6 = arith.mulf %get3A_1, %mul3A : vector<6250x128xf32>
    %get3A_7 = arith.constant 0 : index
    %get3A_8 = arith.constant 0 : index
    %get3A_9 = arith.constant 0 : index
    %get3A_10 = vector.load %arg3[%get3A_7, %get3A_8, %get3A_9] : memref<1x6250x128xf32, #tpu.memory_space<vmem>>, vector<1x6250x128xf32>
    %get3A_11 = vector.shape_cast %get3A_10 : vector<1x6250x128xf32> to vector<6250x128xf32>
    %add3A_12 = arith.addf %mul3A_6, %get3A_11 : vector<6250x128xf32>
    %get3A_13 = arith.constant 0 : index
    %get3A_14 = arith.constant 0 : index
    %get3A_15 = arith.constant 0 : index
    %get3A_16 = vector.load %arg4[%get3A_13, %get3A_14, %get3A_15] : memref<1x6250x128xf32, #tpu.memory_space<vmem>>, vector<1x6250x128xf32>
    %get3A_17 = vector.shape_cast %get3A_16 : vector<1x6250x128xf32> to vector<6250x128xf32>
    %add3A_18 = arith.addf %add3A_12, %get3A_17 : vector<6250x128xf32>
    %get3A_19 = arith.constant 0 : index
    %get3A_20 = arith.constant 0 : index
    %get3A_21 = vector.load %arg5[%get3A_19, %get3A_20] : memref<128x128xf32, #tpu.memory_space<vmem>>, vector<128x128xf32>
    %dot_general3A = arith.constant dense<0.000000e+00> : vector<6250x128xf32>
    %dot_general3A_22 = tpu.matmul %add3A_18, %get3A_21, %dot_general3A {dimension_numbers = #tpu.dot_dimension_numbers<[1], [0], [0], [1], [0, 0, 1, 1], [], []>, transpose_lhs_hint = false} : vector<6250x128xf32>, vector<128x128xf32>, vector<6250x128xf32> -> vector<6250x128xf32>
    %get3A_23 = arith.constant 0 : index
    %get3A_24 = arith.constant 0 : index
    %get3A_25 = vector.load %arg6[%get3A_23, %get3A_24] : memref<1x128xf32, #tpu.memory_space<vmem>>, vector<1x128xf32>
    %add3A_26 = vector.broadcast %get3A_25 : vector<1x128xf32> to vector<6250x128xf32>
    %add3A_27 = arith.addf %dot_general3A_22, %add3A_26 : vector<6250x128xf32>
    %max3A = arith.constant 0.000000e+00 : f32
    %max3A_28 = vector.broadcast %max3A : f32 to vector<6250x128xf32>
    %max3A_29 = arith.maximumf %add3A_27, %max3A_28 : vector<6250x128xf32>
    %swap3A = arith.constant 0 : index
    %swap3A_30 = arith.constant 0 : index
    %swap3A_31 = vector.load %arg7[%swap3A, %swap3A_30] : memref<6250x128xf32, #tpu.memory_space<vmem>>, vector<6250x128xf32>
    tpu.vector_store %arg7[%swap3A, %swap3A_30], %max3A_29 {strides = array<i32>} : memref<6250x128xf32, #tpu.memory_space<vmem>>, vector<6250x128xf32>,
    return
  }
  func.func @transform_0(%arg0: i32) -> (i32, i32) {
    %c0_i32 = arith.constant 0 : i32
    %c0_i32_0 = arith.constant 0 : i32
    %c0_i32_1 = arith.constant 0 : i32
    return %c0_i32, %c0_i32_0 : i32, i32
  }
  func.func @transform_1(%arg0: i32) -> (i32, i32) {
    %c0_i32 = arith.constant 0 : i32
    %c0_i32_0 = arith.constant 0 : i32
    return %arg0, %c0_i32 : i32, i32
  }
  func.func @transform_2(%arg0: i32) -> (i32, i32, i32) {
    %c0_i32 = arith.constant 0 : i32
    %c0_i32_0 = arith.constant 0 : i32
    %c0_i32_1 = arith.constant 0 : i32
    return %c0_i32, %arg0, %c0_i32_0 : i32, i32, i32
  }
  func.func @transform_3(%arg0: i32) -> (i32, i32, i32) {
    %c1_i32 = arith.constant 1 : i32
    %c0_i32 = arith.constant 0 : i32
    %c0_i32_0 = arith.constant 0 : i32
    return %c1_i32, %arg0, %c0_i32 : i32, i32, i32
  }
  func.func @transform_4(%arg0: i32) -> (i32, i32) {
    %c0_i32 = arith.constant 0 : i32
    %c0_i32_0 = arith.constant 0 : i32
    %c0_i32_1 = arith.constant 0 : i32
    return %c0_i32, %c0_i32_0 : i32, i32
  }
  func.func @transform_5(%arg0: i32) -> (i32, i32) {
    %c0_i32 = arith.constant 0 : i32
    %c0_i32_0 = arith.constant 0 : i32
    %c0_i32_1 = arith.constant 0 : i32
    return %c0_i32, %c0_i32_0 : i32, i32
  }
  func.func @transform_6(%arg0: i32) -> (i32, i32) {
    %c0_i32 = arith.constant 0 : i32
    %c0_i32_0 = arith.constant 0 : i32
    return %arg0, %c0_i32 : i32, i32
  }
}

module attributes {stable_mosaic.version = 14 : i64} {
  func.func @fbody(%arg0: i32, %arg1: memref<1x1xf32, #tpu.memory_space<smem>>, %arg2: memref<6250x128xf32, #tpu.memory_space<vmem>>, %arg3: memref<1x6250x128xf32, #tpu.memory_space<vmem>>, %arg4: memref<1x6250x128xf32, #tpu.memory_space<vmem>>, %arg5: memref<128x128xf32, #tpu.memory_space<vmem>>, %arg6: memref<1x128xf32, #tpu.memory_space<vmem>>, %arg7: memref<128x320xf32, #tpu.memory_space<vmem>>, %arg8: memref<1x320xf32, #tpu.memory_space<vmem>>, %arg9: memref<320x480xf32, #tpu.memory_space<vmem>>, %arg10: memref<1x480xf32, #tpu.memory_space<vmem>>, %arg11: memref<480x16xf32, #tpu.memory_space<vmem>>, %arg12: memref<1x16xf32, #tpu.memory_space<vmem>>, %arg13: memref<6250x16xf32, #tpu.memory_space<vmem>>) attributes {dimension_semantics = [#tpu.dimension_semantics<arbitrary>], iteration_bounds = array<i64: 1>, scalar_prefetch = 0 : i64, scratch_operands = 0 : i64, tpu.core_type = #tpu.core_type<tc>, window_params = [{transform_indices = @transform_0, window_bounds = array<i64: 1, 1>}, {transform_indices = @transform_1, window_bounds = array<i64: 6250, 128>}, {transform_indices = @transform_2, window_bounds = array<i64: 1, 6250, 128>}, {transform_indices = @transform_3, window_bounds = array<i64: 1, 6250, 128>}, {pipeline_mode = #tpu.pipeline_mode<synchronous>, transform_indices = @transform_4, window_bounds = array<i64: 128, 128>}, {pipeline_mode = #tpu.pipeline_mode<synchronous>, transform_indices = @transform_5, window_bounds = array<i64: 1, 128>}, {pipeline_mode = #tpu.pipeline_mode<synchronous>, transform_indices = @transform_6, window_bounds = array<i64: 128, 320>}, {pipeline_mode = #tpu.pipeline_mode<synchronous>, transform_indices = @transform_7, window_bounds = array<i64: 1, 320>}, {pipeline_mode = #tpu.pipeline_mode<synchronous>, transform_indices = @transform_8, window_bounds = array<i64: 320, 480>}, {pipeline_mode = #tpu.pipeline_mode<synchronous>, transform_indices = @transform_9, window_bounds = array<i64: 1, 480>}, {pipeline_mode = #tpu.pipeline_mode<synchronous>, transform_indices = @transform_10, window_bounds = array<i64: 480, 16>}, {pipeline_mode = #tpu.pipeline_mode<synchronous>, transform_indices = @transform_11, window_bounds = array<i64: 1, 16>}, {transform_indices = @transform_12, window_bounds = array<i64: 6250, 16>}]} {
    %get3A = arith.constant 0 : index
    %get3A_0 = arith.constant 0 : index
    %get3A_1 = vector.load %arg2[%get3A, %get3A_0] : memref<6250x128xf32, #tpu.memory_space<vmem>>, vector<6250x128xf32>
    %get3A_2 = arith.constant 0 : index
    %get3A_3 = arith.constant 0 : index
    %get3A_4 = memref.load %arg1[%get3A_2, %get3A_3] : memref<1x1xf32, #tpu.memory_space<smem>>
    %add3A = arith.constant 1.000000e+00 : f32
    %add3A_5 = arith.addf %add3A, %get3A_4 : f32
    %mul3A = vector.broadcast %add3A_5 : f32 to vector<6250x128xf32>
    %mul3A_6 = arith.mulf %get3A_1, %mul3A : vector<6250x128xf32>
    %get3A_7 = arith.constant 0 : index
    %get3A_8 = arith.constant 0 : index
    %get3A_9 = arith.constant 0 : index
    %get3A_10 = vector.load %arg3[%get3A_7, %get3A_8, %get3A_9] : memref<1x6250x128xf32, #tpu.memory_space<vmem>>, vector<1x6250x128xf32>
    %get3A_11 = vector.shape_cast %get3A_10 : vector<1x6250x128xf32> to vector<6250x128xf32>
    %add3A_12 = arith.addf %mul3A_6, %get3A_11 : vector<6250x128xf32>
    %get3A_13 = arith.constant 0 : index
    %get3A_14 = arith.constant 0 : index
    %get3A_15 = arith.constant 0 : index
    %get3A_16 = vector.load %arg4[%get3A_13, %get3A_14, %get3A_15] : memref<1x6250x128xf32, #tpu.memory_space<vmem>>, vector<1x6250x128xf32>
    %get3A_17 = vector.shape_cast %get3A_16 : vector<1x6250x128xf32> to vector<6250x128xf32>
    %add3A_18 = arith.addf %add3A_12, %get3A_17 : vector<6250x128xf32>
    %get3A_19 = arith.constant 0 : index
    %get3A_20 = arith.constant 0 : index
    %get3A_21 = vector.load %arg5[%get3A_19, %get3A_20] : memref<128x128xf32, #tpu.memory_space<vmem>>, vector<128x128xf32>
    %dot_general3A = arith.constant dense<0.000000e+00> : vector<6250x128xf32>
    %dot_general3A_22 = tpu.matmul %add3A_18, %get3A_21, %dot_general3A {dimension_numbers = #tpu.dot_dimension_numbers<[1], [0], [0], [1], [0, 0, 1, 1], [], []>, transpose_lhs_hint = false} : vector<6250x128xf32>, vector<128x128xf32>, vector<6250x128xf32> -> vector<6250x128xf32>
    %get3A_23 = arith.constant 0 : index
    %get3A_24 = arith.constant 0 : index
    %get3A_25 = vector.load %arg6[%get3A_23, %get3A_24] : memref<1x128xf32, #tpu.memory_space<vmem>>, vector<1x128xf32>
    %add3A_26 = vector.broadcast %get3A_25 : vector<1x128xf32> to vector<6250x128xf32>
    %add3A_27 = arith.addf %dot_general3A_22, %add3A_26 : vector<6250x128xf32>
    %max3A = arith.constant 0.000000e+00 : f32
    %max3A_28 = vector.broadcast %max3A : f32 to vector<6250x128xf32>
    %max3A_29 = arith.maximumf %add3A_27, %max3A_28 : vector<6250x128xf32>
    %get3A_30 = arith.constant 0 : index
    %get3A_31 = arith.constant 0 : index
    %get3A_32 = vector.load %arg7[%get3A_30, %get3A_31] : memref<128x320xf32, #tpu.memory_space<vmem>>, vector<128x320xf32>
    %dot_general3A_33 = arith.constant dense<0.000000e+00> : vector<6250x320xf32>
    %dot_general3A_34 = tpu.matmul %max3A_29, %get3A_32, %dot_general3A_33 {dimension_numbers = #tpu.dot_dimension_numbers<[1], [0], [0], [1], [0, 0, 1, 1], [], []>, transpose_lhs_hint = false} : vector<6250x128xf32>, vector<128x320xf32>, vector<6250x320xf32> -> vector<6250x320xf32>
    %get3A_35 = arith.constant 0 : index
    %get3A_36 = arith.constant 0 : index
    %get3A_37 = vector.load %arg8[%get3A_35, %get3A_36] : memref<1x320xf32, #tpu.memory_space<vmem>>, vector<1x320xf32>
    %add3A_38 = vector.broadcast %get3A_37 : vector<1x320xf32> to vector<6250x320xf32>
    %add3A_39 = arith.addf %dot_general3A_34, %add3A_38 : vector<6250x320xf32>
    %neg3A = arith.constant 0.000000e+00 : f32
    %neg3A_40 = vector.broadcast %neg3A : f32 to vector<6250x320xf32>
    %neg3A_41 = arith.subf %neg3A_40, %add3A_39 : vector<6250x320xf32>
    %exp3A = math.exp %neg3A_41 : vector<6250x320xf32>
    %add3A_42 = arith.constant 1.000000e+00 : f32
    %add3A_43 = vector.broadcast %add3A_42 : f32 to vector<6250x320xf32>
    %add3A_44 = arith.addf %add3A_43, %exp3A : vector<6250x320xf32>
    %div3A = arith.constant 1.000000e+00 : f32
    %div3A_45 = vector.broadcast %div3A : f32 to vector<6250x320xf32>
    %div3A_46 = arith.divf %div3A_45, %add3A_44 : vector<6250x320xf32>
    %get3A_47 = arith.constant 0 : index
    %get3A_48 = arith.constant 0 : index
    %get3A_49 = vector.load %arg9[%get3A_47, %get3A_48] : memref<320x480xf32, #tpu.memory_space<vmem>>, vector<320x480xf32>
    %dot_general3A_50 = arith.constant dense<0.000000e+00> : vector<6250x480xf32>
    %dot_general3A_51 = tpu.matmul %div3A_46, %get3A_49, %dot_general3A_50 {dimension_numbers = #tpu.dot_dimension_numbers<[1], [0], [0], [1], [0, 0, 1, 1], [], []>, transpose_lhs_hint = false} : vector<6250x320xf32>, vector<320x480xf32>, vector<6250x480xf32> -> vector<6250x480xf32>
    %get3A_52 = arith.constant 0 : index
    %get3A_53 = arith.constant 0 : index
    %get3A_54 = vector.load %arg10[%get3A_52, %get3A_53] : memref<1x480xf32, #tpu.memory_space<vmem>>, vector<1x480xf32>
    %add3A_55 = vector.broadcast %get3A_54 : vector<1x480xf32> to vector<6250x480xf32>
    %add3A_56 = arith.addf %dot_general3A_51, %add3A_55 : vector<6250x480xf32>
    %neg3A_57 = arith.constant 0.000000e+00 : f32
    %neg3A_58 = vector.broadcast %neg3A_57 : f32 to vector<6250x480xf32>
    %neg3A_59 = arith.subf %neg3A_58, %add3A_56 : vector<6250x480xf32>
    %exp3A_60 = math.exp %neg3A_59 : vector<6250x480xf32>
    %add3A_61 = arith.constant 1.000000e+00 : f32
    %add3A_62 = vector.broadcast %add3A_61 : f32 to vector<6250x480xf32>
    %add3A_63 = arith.addf %add3A_62, %exp3A_60 : vector<6250x480xf32>
    %div3A_64 = arith.constant 1.000000e+00 : f32
    %div3A_65 = vector.broadcast %div3A_64 : f32 to vector<6250x480xf32>
    %div3A_66 = arith.divf %div3A_65, %add3A_63 : vector<6250x480xf32>
    %get3A_67 = arith.constant 0 : index
    %get3A_68 = arith.constant 0 : index
    %get3A_69 = vector.load %arg11[%get3A_67, %get3A_68] : memref<480x16xf32, #tpu.memory_space<vmem>>, vector<480x16xf32>
    %dot_general3A_70 = arith.constant dense<0.000000e+00> : vector<6250x16xf32>
    %dot_general3A_71 = tpu.matmul %div3A_66, %get3A_69, %dot_general3A_70 {dimension_numbers = #tpu.dot_dimension_numbers<[1], [0], [0], [1], [0, 0, 1, 1], [], []>, transpose_lhs_hint = false} : vector<6250x480xf32>, vector<480x16xf32>, vector<6250x16xf32> -> vector<6250x16xf32>
    %get3A_72 = arith.constant 0 : index
    %get3A_73 = arith.constant 0 : index
    %get3A_74 = vector.load %arg12[%get3A_72, %get3A_73] : memref<1x16xf32, #tpu.memory_space<vmem>>, vector<1x16xf32>
    %add3A_75 = vector.broadcast %get3A_74 : vector<1x16xf32> to vector<6250x16xf32>
    %add3A_76 = arith.addf %dot_general3A_71, %add3A_75 : vector<6250x16xf32>
    %neg3A_77 = arith.constant 0.000000e+00 : f32
    %neg3A_78 = vector.broadcast %neg3A_77 : f32 to vector<6250x16xf32>
    %neg3A_79 = arith.subf %neg3A_78, %add3A_76 : vector<6250x16xf32>
    %exp3A_80 = math.exp %neg3A_79 : vector<6250x16xf32>
    %add3A_81 = arith.constant 1.000000e+00 : f32
    %add3A_82 = vector.broadcast %add3A_81 : f32 to vector<6250x16xf32>
    %add3A_83 = arith.addf %add3A_82, %exp3A_80 : vector<6250x16xf32>
    %div3A_84 = arith.constant 1.000000e+00 : f32
    %div3A_85 = vector.broadcast %div3A_84 : f32 to vector<6250x16xf32>
    %div3A_86 = arith.divf %div3A_85, %add3A_83 : vector<6250x16xf32>
    %swap3A = arith.constant 0 : index
    %swap3A_87 = arith.constant 0 : index
    %swap3A_88 = vector.load %arg13[%swap3A, %swap3A_87] : memref<6250x16xf32, #tpu.memory_space<vmem>>, vector<6250x16xf32>
    tpu.vector_store %arg13[%swap3A, %swap3A_87], %div3A_86 {strides = array<i32>} : memref<6250x16xf32, #tpu.memory_space<vmem>>, vector<6250x16xf32>,
    return
  }
  func.func @transform_0(%arg0: i32) -> (i32, i32) {
    %c0_i32 = arith.constant 0 : i32
    %c0_i32_0 = arith.constant 0 : i32
    %c0_i32_1 = arith.constant 0 : i32
    return %c0_i32, %c0_i32_0 : i32, i32
  }
  func.func @transform_1(%arg0: i32) -> (i32, i32) {
    %c0_i32 = arith.constant 0 : i32
    %c0_i32_0 = arith.constant 0 : i32
    return %arg0, %c0_i32 : i32, i32
  }
  func.func @transform_2(%arg0: i32) -> (i32, i32, i32) {
    %c0_i32 = arith.constant 0 : i32
    %c0_i32_0 = arith.constant 0 : i32
    %c0_i32_1 = arith.constant 0 : i32
    return %c0_i32, %arg0, %c0_i32_0 : i32, i32, i32
  }
  func.func @transform_3(%arg0: i32) -> (i32, i32, i32) {
    %c1_i32 = arith.constant 1 : i32
    %c0_i32 = arith.constant 0 : i32
    %c0_i32_0 = arith.constant 0 : i32
    return %c1_i32, %arg0, %c0_i32 : i32, i32, i32
  }
  func.func @transform_4(%arg0: i32) -> (i32, i32) {
    %c0_i32 = arith.constant 0 : i32
    %c0_i32_0 = arith.constant 0 : i32
    %c0_i32_1 = arith.constant 0 : i32
    return %c0_i32, %c0_i32_0 : i32, i32
  }
  func.func @transform_5(%arg0: i32) -> (i32, i32) {
    %c0_i32 = arith.constant 0 : i32
    %c0_i32_0 = arith.constant 0 : i32
    %c0_i32_1 = arith.constant 0 : i32
    return %c0_i32, %c0_i32_0 : i32, i32
  }
  func.func @transform_6(%arg0: i32) -> (i32, i32) {
    %c0_i32 = arith.constant 0 : i32
    %c0_i32_0 = arith.constant 0 : i32
    %c0_i32_1 = arith.constant 0 : i32
    return %c0_i32, %c0_i32_0 : i32, i32
  }
  func.func @transform_7(%arg0: i32) -> (i32, i32) {
    %c0_i32 = arith.constant 0 : i32
    %c0_i32_0 = arith.constant 0 : i32
    %c0_i32_1 = arith.constant 0 : i32
    return %c0_i32, %c0_i32_0 : i32, i32
  }
  func.func @transform_8(%arg0: i32) -> (i32, i32) {
    %c0_i32 = arith.constant 0 : i32
    %c0_i32_0 = arith.constant 0 : i32
    %c0_i32_1 = arith.constant 0 : i32
    return %c0_i32, %c0_i32_0 : i32, i32
  }
  func.func @transform_9(%arg0: i32) -> (i32, i32) {
    %c0_i32 = arith.constant 0 : i32
    %c0_i32_0 = arith.constant 0 : i32
    %c0_i32_1 = arith.constant 0 : i32
    return %c0_i32, %c0_i32_0 : i32, i32
  }
  func.func @transform_10(%arg0: i32) -> (i32, i32) {
    %c0_i32 = arith.constant 0 : i32
    %c0_i32_0 = arith.constant 0 : i32
    %c0_i32_1 = arith.constant 0 : i32
    return %c0_i32, %c0_i32_0 : i32, i32
  }
  func.func @transform_11(%arg0: i32) -> (i32, i32) {
    %c0_i32 = arith.constant 0 : i32
    %c0_i32_0 = arith.constant 0 : i32
    %c0_i32_1 = arith.constant 0 : i32
    return %c0_i32, %c0_i32_0 : i32, i32
  }
  func.func @transform_12(%arg0: i32) -> (i32, i32) {
    %c0_i32 = arith.constant 0 : i32
    %c0_i32_0 = arith.constant 0 : i32
    return %arg0, %c0_i32 : i32, i32
  }
}

</mosaic_0001>

<sc_bundles>
// kernel: kernel.11.cloned.1.call-start
scs
__scs_entry_jumppad:
0x0: {  	(pc) =	sbr.rel $0x88, $3  }
0x1: {  	(tag) =	ssettag $0x0;
	lr =	simm.s32 $0x1  }
0x2: {  	[smem:$0x3F92] =	sst lr;
	_ =	strace $0xD0000000  }
0x3: {  	_ = 	snop  }
0x4: {  	_ = 	snop  }
0x5: {  	_ = 	snop  }
0x6: {  	_ = 	snop  }
0x7: {  	_ = 	snop  }
__scs_overlays_trampoline_lowered:
0x8: {  	[smem:$0x3FA1] =	sst s0  }
0x9: {  	[smem:$0x3FA2] =	sst s1  }
0xa: {  	[smem:$0x3FA3] =	sst s2  }
0xb: {  	[smem:$0x3FA4] =	sst s3  }
0xc: {  	[smem:$0x3FA5] =	sst s4  }
0xd: {  	[smem:$0x3FA6] =	sst s5  }
0xe: {  	[smem:$0x3FA7] =	sst s6  }
0xf: {  	[smem:$0x3FA8] =	sst s7  }
0x10: {  	[smem:$0x3FA9] =	sst s8  }
0x11: {  	[smem:$0x3FAA] =	sst s9;
	s0 =	simm.s32 @!p0 $0x0  }
0x12: {  	s1 =	sld [smem:$0x3F90];
	s0 =	simm.s32 @p0 $0x1  }
0x13: {  	[smem:$0x3FAB] =	sst s0;
	s0 =	simm.s32 @!p1 $0x0  }
0x14: {  	s2 =	sld [smem:$0x3F8F];
	s0 =	simm.s32 @p1 $0x1  }
0x15: {  	[smem:$0x3FAC] =	sst s0;
	s0 =	simm.s32 @!p2 $0x0  }
0x16: {  	s3 =	sld [smem:$0x3FDB];
	s0 =	simm.s32 @p2 $0x1  }
0x17: {  	s4 =	simm.s32 $0x1BF5;
	[smem:$0x3FAE] =	sst s0  }
0x18: {  	s0 =	sld [smem:$0x3F91];
	_ =	swait.ge [sflag:s4], $0x0  }
0x19: {  	s7 =	sld [smem:$0x3F92]  }
0x1a: {  	s8 =	sadd.s32 $0xFFFFE003, lr  }
0x1b: {  	s9 =	sadd.s32 $0xFFFFFEF7, lr;
	s5 =	simm.s32 $0xFFFFFFFF;
	p2 =	slt.u32 s8, $0xFFFFF086  }
0x1c: {  	p1 =	slt.u32 s9, $0xF7A;
	s5 =	simm.s32 @!p2 $0x0  }
0x1d: {  	s5 =	simm.s32 @p1 $0x1;
	p0 =	seq.s32 s7, s2  }
0x1e: {  	s7 =	smul.u32 @!p0 $0xF7A, s2;
	p2 =	seq.s32 @!p0 s5, $0x0  }
0x1f: {  	s9 =	smul.u32 $0xF7A, s1;
	s8 =	simm.s32 @!p0 $0x1BF5;
	p2 =	por !p2, p0  }
0x20: {  	[sflag:s8] =	ssyncset.s32 @!p0 $0xFFFFF086;
	s6 =	sadd.s32 @!p0 s3, s7;
	s7 =	simm.s32 @!p0 $0x108  }
0x21: {  	s3 =	sadd.s32 s3, s9;
	s6 =	sadd.s32 @!p0 $0x88, s6;
	s7 =	simm.s32 @p2 $0x1082  }
0x22: {  	[simem:s7], [sflag:s8] =	dma.local @!p0 [hbm:s6], $0xF7A  }
0x23: {  	s9 =	sor.u32 $0xD0000000, s2;
	s6 =	simm.s32 $0x108;
	_ =	swait.ge @!p0 [sflag:s8], $0x0  }
0x24: {  	s3 =	sadd.s32 $0x88, s3;
	s6 =	simm.s32 @!p1 $0x1082;
	[sflag:s4] =	ssyncset.s32 $0xFFFFF086  }
0x25: {  	[simem:s6], [sflag:s4] =	dma.local [hbm:s3], $0xF7A  }
0x26: {  	[smem:$0x3F92] =	sst s1;
	(tag) =	ssettag s2;
	_ =	strace s9  }
0x27: {  	s1 =	sld [smem:$0x3FA2]  }
0x28: {  	s2 =	sld [smem:$0x3FA3]  }
0x29: {  	s4 =	sld [smem:$0x3FA5]  }
0x2a: {  	p0 =	seq.s32 s5, $0x0;
	s5 =	sld [smem:$0x3FA6]  }
0x2b: {  	s6 =	sld [smem:$0x3FA7]  }
0x2c: {  	s7 =	sld [smem:$0x3FA8]  }
0x2d: {  	s3 =	simm.s32 $0x108;
	s8 =	sld [smem:$0x3FA9]  }
0x2e: {  	s3 =	simm.s32 @!p0 $0x1082;
	s9 =	sld [smem:$0x3FAA]  }
0x2f: {  	lr =	sadd.s32 s0, s3;
	s0 =	sld [smem:$0x3FA1]  }
0x30: {  	s3 =	sld [smem:$0x3FA4]  }
0x31: {  	[smem:$0x3FAD] =	sst s10  }
0x32: {  	s10 =	sld [smem:$0x3FAB];
	_ =	sdelay $0x3  }
0x33: {  	p0 =	seq.s32 s10, $0x1;
	s10 =	sld [smem:$0x3FAD];
	_ =	sdelay $0x3  }
0x34: {  	[smem:$0x3FAD] =	sst s10  }
0x35: {  	s10 =	sld [smem:$0x3FAC];
	_ =	sdelay $0x3  }
0x36: {  	p1 =	seq.s32 s10, $0x1;
	s10 =	sld [smem:$0x3FAD];
	_ =	sdelay $0x3  }
0x37: {  	[smem:$0x3FAD] =	sst s10  }
0x38: {  	s10 =	sld [smem:$0x3FAE]  }
0x39: {  	_ = 	snop;
	(pc) =	sbr.ind lr, $3  }
0x3a: {  	_ = 	snop  }
0x3b: {  	_ = 	snop  }
0x3c: {  	p2 =	seq.s32 s10, $0x1;
	s10 =	sld [smem:$0x3FAD]  }
0x3d: {  	_ =	shalt  }
0x3e: {  	_ =	shalt  }
0x3f: {  	_ =	shalt  }
0x40: {  	_ =	shalt  }
0x41: {  	_ =	shalt  }
0x42: {  	_ =	shalt  }
0x43: {  	_ =	shalt  }
0x44: {  	_ =	shalt  }
0x45: {  	_ =	shalt  }
0x46: {  	_ =	shalt  }
0x47: {  	_ =	shalt  }
0x48: {  	_ =	shalt  }
0x49: {  	_ =	shalt  }
0x4a: {  	_ =	shalt  }
0x4b: {  	_ =	shalt  }
0x4c: {  	_ =	shalt  }
0x4d: {  	_ =	shalt  }
0x4e: {  	_ =	shalt  }
0x4f: {  	_ =	shalt  }
0x50: {  	_ =	shalt  }
0x51: {  	_ =	shalt  }
0x52: {  	_ =	shalt  }
0x53: {  	_ =	shalt  }
0x54: {  	_ =	shalt  }
0x55: {  	_ =	shalt  }
0x56: {  	_ =	shalt  }
0x57: {  	_ =	shalt  }
0x58: {  	_ =	shalt  }
0x59: {  	_ =	shalt  }
0x5a: {  	_ =	shalt  }
0x5b: {  	_ =	shalt  }
0x5c: {  	_ =	shalt  }
0x5d: {  	_ =	shalt  }
0x5e: {  	_ =	shalt  }
0x5f: {  	_ =	shalt  }
0x60: {  	_ =	shalt  }
0x61: {  	_ =	shalt  }
0x62: {  	_ =	shalt  }
0x63: {  	_ =	shalt  }
0x64: {  	_ =	shalt  }
0x65: {  	_ =	shalt  }
0x66: {  	_ =	shalt  }
0x67: {  	_ =	shalt  }
0x68: {  	_ =	shalt  }
0x69: {  	_ =	shalt  }
0x6a: {  	_ =	shalt  }
0x6b: {  	_ =	shalt  }
0x6c: {  	_ =	shalt  }
0x6d: {  	_ =	shalt  }
0x6e: {  	_ =	shalt  }
0x6f: {  	_ =	shalt  }
0x70: {  	_ =	shalt  }
0x71: {  	_ =	shalt  }
0x72: {  	_ =	shalt  }
0x73: {  	_ =	shalt  }
0x74: {  	_ =	shalt  }
0x75: {  	_ =	shalt  }
0x76: {  	_ =	shalt  }
0x77: {  	_ =	shalt  }
0x78: {  	_ =	shalt  }
0x79: {  	_ =	shalt  }
0x7a: {  	_ =	shalt  }
0x7b: {  	_ =	shalt  }
0x7c: {  	_ =	shalt  }
0x7d: {  	_ =	shalt  }
0x7e: {  	_ =	shalt  }
0x7f: {  	_ =	shalt  }
0x80: {  	_ =	shalt  }
0x81: {  	_ =	shalt  }
0x82: {  	_ =	shalt  }
0x83: {  	_ =	shalt  }
0x84: {  	_ =	shalt  }
0x85: {  	_ =	shalt  }
0x86: {  	_ =	shalt  }
0x87: {  	_ =	shalt  }
.Lfunc_end0:
.L_simem_size_0:
called_computation.2_lowered:
.L_overlay_start_0:
0x88: {  	s2 =	sld [smem:$0x3FD9]  }
0x89: {  	s3 =	sld [smem:$0x3FFE];
	_ =	sdelay $0x1  }
0x8a: {  	s1 =	srdreg.scid  }
0x8b: {  	s0 =	sand.u32 $0x1, s1  }
0x8c: {  	s16 =	sshll.u32 s0, $0xA;
	s2 =	sadd.s32 s3, s2  }
0x8d: {  	s2 =	sadd.s32 s2, s16  }
0x8e: {  	[smem:$0x3FB9] =	sst s2  }
0x8f: {  	_ = 	snop  }
0x90: {  	(tm) =	ssettm $0x1  }
0x91: {  	s17 =	sld [smem:$0x3FFB];
	_ =	sdelay $0x3  }
0x92: {  	_ =	strace s17  }
0x93: {  	s2 =	sld [smem:$0x3FFC];
	_ =	sdelay $0x3  }
0x94: {  	_ =	strace s2  }
0x95: {  	s2 =	sld [smem:$0x3FFD];
	_ =	sdelay $0x3  }
0x96: {  	_ =	strace s2  }
0x97: {  	_ =	strace $0x8FFFFFFF  }
0x98: {  	s18 =	sld [smem:$0x3FDB];
	_ =	sdelay $0x1  }
0x99: {  	s19 =	simm.s32 $_scs_section_size  }
0x9a: {  	s4 =	simm.s32 $_size__tile_overlayer_lowered;
	s5 =	simm.s32 $_tile_overlayer_lowered  }
0x9b: {  	s22 =	simm.s32 $0x1BFF;
	s21 =	sshll.u32 s5, $0x1;
	s2 =	sadd.s32 s19, s18  }
0x9c: {  	s6 =	simm.s32 $0x0;
	s20 =	sshll.u32 s4, $0x1;
	s4 =	sadd.s32 s21, s2  }
0x9d: {  	[timem:s6], [sflag:s22] =	dma.local [hbm:s4], s20  }
0x9e: {  	_ =	swait.ge [sflag:s22], s20  }
0x9f: {  	s3 =	ssub.s32 $0x0, s20;
	[sflag:s22] =	ssyncset.done $0x0  }
0xa0: {  	[sflag:s22] =	ssyncadd.s32 s3;
	_ =	sdelay $0x1  }
0xa1: {  	s23 =	simm.s32 $0x1B8B  }
0xa2: {  	_ =	swait.ge [sflag:s23], $0x1  }
0xa3: {  	[sflag:s23] =	ssyncset.done $0x0  }
0xa4: {  	s25 =	simm.s32 $0x1B8E;
	s24 =	sld [smem:$0x3FFE];
	[sflag:s23] =	ssyncadd.s32 $0xFFFFFFFF  }
0xa5: {  	s26 =	simm.s32 $execute0_lowered;
	[smem:$0x3FD2] =	sst s25  }
0xa6: {  	s4 =	sshll.u32 s26, $0x1;
	_ =	strace $0x8000004C;
	[dreg:$0x1] =	wrdreg $0xFFFFFFFF  }
0xa7: {  	s28 =	simm.s32 $_size_execute0_lowered;
	s2 =	sadd.s32 s2, s4;
	[dreg:$0x0] =	wrdreg $0x0  }
0xa8: {  	s4 =	sshll.u32 s28, $0x1;
	[dreg:$0x2] =	wrdreg s2  }
0xa9: {  	[dreg:$0x3] =	wrdreg s4  }
0xaa: {  	[dreg:$0x4] =	wrdreg $0xC0  }
0xab: {  	_ =	task [dreg:s6], $0x5FFFF  }
0xac: {  	[dreg:$0x1] =	wrdreg $0xFFFFFFFF  }
0xad: {  	[dreg:$0x0] =	wrdreg $0x60  }
0xae: {  	[dreg:$0x2] =	wrdreg s24  }
0xaf: {  	[dreg:$0x3] =	wrdreg $0x5DC00  }
0xb0: {  	[dreg:$0x4] =	wrdreg $0x121100  }
0xb1: {  	[dreg:$0x5] =	wrdreg $0x9  }
0xb2: {  	_ =	task.clear_ibuf [dreg:s6], $0x6FFFF;
	_ =	strace $0x9000004C  }
0xb3: {  	s29 =	simm.s32 $0x9;
	_ =	strace $0x8000004E  }
0xb4: {  	_ =	swait.ge [sflag:s29], $0x1  }
0xb5: {  	[sflag:s29] =	ssyncadd.s32 $0xFFFFFFFF  }
0xb6: {  	_ =	strace $0x9000004E  }
0xb7: {  	_ =	sfence  }
0xb8: {  	s30 =	sld [smem:$0x0];
	_ =	sdelay $0x2  }
0xb9: {  	s31 =	sshll.u32 s1, $0xD;
	s1 =	sshrl.u32 s1, $0x2  }
0xba: {  	s3 =	sand.u32 $0x4000, s31;
	s1 =	sadd.s32 s1, s30  }
0xbb: {  	s0 =	sor.u32 s3, s0;
	s1 =	sshll.u32 s1, $0x11  }
0xbc: {  	s0 =	sor.u32 s1, s0  }
0xbd: {  	s0 =	sadd.s32 $0x8F2B, s0  }
0xbe: {  	[sflag:s0] =	ssyncadd.remote.s32 $0x1  }
0xbf: {  	_ =	sfence.sel $0xFFFF  }
0xc0: {  	[dreg:$0x0] =	wrdreg $0xFFFFFFFF;
	(pc) =	sbr.abs _section_cstart, $3  }
0xc1: {  	[dreg:$0x1] =	wrdreg $0xFFFFFFFF  }
0xc2: {  	_ =	task.clear_ibuf [dreg:s6], $0x2FFFF;
	_ =	strace $0x9FFFFFFF  }
0xc3: {  	(tm) =	ssettm $0x7FFFFFFF  }
tec
execute0_lowered:
.L_overlay_start_1:
0x0: {  	(tag) =	ssettag $0x1  }
0x1: {  	s0 =	rddreg [dreg:$0x0]  }
0x2: {  	s2 =	rddreg [dreg:$0x1]  }
0x3: {  	s3 =	rddreg [dreg:$0x2];
	s15 =	stileid.u32;
	s4 =	simm.s32 $0x0  }
0x4: {  	s5 =	srdreg.scid;
	s28 =	simm.s32 $0x7D0;
	s29 =	simm.s32 $0x1770  }
0x5: {  	s30 =	simm.s32 $0x3E80;
	s31 =	simm.s32 $0xBB8;
	s1 =	smul.u32 $0xC380, s15  }
0x6: {  	[smem:$0x7FF] =	sst s4;
	s7 =	sand.u32 $0x1, s5;
	s18 =	smul.u32 $0x1870, s15  }
0x7: {  	s5 =	sadd.s32 $0x3600, s0;
	s9 =	sadd.s32 $0x1BB000, s0;
	s12 =	smul.u32 $0x61A80, s15  }
0x8: {  	s11 =	sshll.u32 s15, $0x1;
	p0 =	seq.s32 s15, $0xF;
	s21 =	smul.u32 $0xC3500, s7  }
0x9: {  	_ =	strace $0x8000004D;
	s8 =	ssub.s32 $0x2, s7;
	s24 =	smul.u32 $0x30D40, s7  }
0xa: {  	s17 =	sor.u32 s7, s11;
	s25 =	smul.u32 $0x186A0, s7;
	s7 =	simm.s32 $0x0  }
0xb: {  	s6 =	sshrl.u32 s1, $0x3;
	s10 =	sshrl.u32 s8, $0x1;
	s14 =	sadd.s32 s1, s2  }
0xc: {  	s20 =	smul.u32 $0x30D40, s17;
	s17 =	sadd.s32 $0xB7480, s2;
	s26 =	sadd.s32 s9, s18  }
0xd: {  	s6 =	sadd.s32 s6, s0;
	s13 =	ssub.s32 s8, s10;
	s0 =	sadd.s32 $0x1A0E90, s0  }
0xe: {  	s8 =	sadd.s32 s1, s3;
	s12 =	sadd.s32 s24, s12;
	s1 =	sadd.s32 $0xB7480, s3  }
0xf: {  	s19 =	sadd.s32 $0x18A000, s6;
	[dreg:$0xa] =	wrdreg s0;
	s22 =	sshrl.u32 s20, $0x3  }
0x10: {  	s6 =	sadd.s32 $0x1A2800, s6;
	s0 =	sshrl.u32 s21, $0x3;
	s10 =	sadd.s32 $0xBB8, s12  }
0x11: {  	s11 =	sadd.s32 $0x61B3B8, s12;
	s13 =	smax.u32 s13, $0x1;
	s18 =	sadd.s32 $0x7D0, s12  }
0x12: {  	s20 =	sadd.s32 $0x61AFD0, s12;
	s21 =	sadd.s32 $0x3E8, s12;
	[dreg:$0x9] =	wrdreg s19  }
0x13: {  	[dreg:$0xb] =	wrdreg s6;
	s23 =	sadd.s32 s5, s22;
	s0 =	sadd.s32 s9, s0  }
0x14: {  	s9 =	sadd.s32 s25, s26;
	[dreg:$0x10] =	wrdreg s13;
	s19 =	sshrl.u32 s18, $0x3  }
0x15: {  	s25 =	sadd.s32 $0x61ABE8, s12;
	s18 =	sshrl.u32 @!p0 s14, $0x3;
	[dreg:$0xc] =	wrdreg s23  }
0x16: {  	s6 =	sadd.s32 $0xC3500, s23;
	[dreg:$0xe] =	wrdreg s9;
	s0 =	sadd.s32 $0x16E90, s0  }
0x17: {  	s23 =	sshrl.u32 s21, $0x3;
	s26 =	sshrl.u32 s25, $0x3;
	[dreg:$0xd] =	wrdreg s6  }
0x18: {  	s21 =	simm.s32 $0x3E8;
	s25 =	sshrl.u32 @p0 s1, $0x3;
	[dreg:$0xf] =	wrdreg s0  }
0x19: {  	s0 =	sshrl.u32 s10, $0x3;
	s6 =	sshrl.u32 s11, $0x3;
	s24 =	sadd.s32 s23, s5  }
0x1a: {  	s23 =	simm.s32 $0x1F40;
	s0 =	sadd.s32 s0, s5;
	[dreg:$0x8] =	wrdreg s24  }
0x1b: {  	s16 =	sadd.s32 s6, s5;
	s6 =	sshrl.u32 s20, $0x3;
	[dreg:$0x4] =	wrdreg s0  }
0x1c: {  	s20 =	simm.s32 $0xFA0;
	s24 =	simm.s32 $0x1;
	[dreg:$0x5] =	wrdreg s16  }
0x1d: {  	s0 =	sadd.s32 s19, s5;
	s22 =	sadd.s32 s6, s5;
	s16 =	sadd.s32 s26, s5  }
0x1e: {  	s19 =	simm.s32 $0x4;
	s26 =	simm.s32 $0x2;
	[dreg:$0x6] =	wrdreg s0  }
0x1f: {  	s6 =	simm.s32 $0x3;
	[dreg:$0x7] =	wrdreg s22;
	s0 =	sshrl.u32 @p0 s17, $0x3  }
0x20: {  	s22 =	simm.s32 $0x1388;
	[dreg:$0x11] =	wrdreg s0;
	s0 =	simm.s32 $0x1B58  }
.LBB2_1:
0x21: {  	s9 =	rddreg [dreg:$0xa]  }
0x22: {  	s1 =	simm.s32 @p0 $0x1FC4;
	s10 =	rddreg [dreg:$0x11]  }
0x23: {  	[spmem:s10], [sflag:s1] =	dma.local @p0 [hbm:s9], $0x1810  }
0x24: {  	s1 =	simm.s32 @p0 $0x4  }
0x25: {  	s10 =	stileid.u32;
	_ =	swait.ge @p0 [sflag:s1], $0x1810  }
0x26: {  	s9 =	sshll.u32 @!p0 s10, $0x6;
	[sflag:s1] =	ssyncset.done @p0 $0x0  }
0x27: {  	[sflag:s1] =	ssyncadd.s32 @p0 $0xFFFFE7F0;
	s1 =	sor.u32 @!p0 $0x1C04, s9;
	s9 =	rddreg [dreg:$0x9]  }
0x28: {  	[spmem:s18], [sflag:s1] =	dma.local @!p0 [hbm:s9], $0x1870  }
0x29: {  	s1 =	simm.s32 @!p0 $0x4  }
0x2a: {  	_ =	swait.ge @!p0 [sflag:s1], $0x1870  }
0x2b: {  	s17 =	sshll.u32 s10, $0x6;
	s10 =	sshrl.u32 s8, $0x3;
	[sflag:s1] =	ssyncset.done @!p0 $0x0  }
0x2c: {  	s9 =	sor.u32 $0x1C04, s17;
	s11 =	rddreg [dreg:$0xb];
	[sflag:s1] =	ssyncadd.s32 @!p0 $0xFFFFE790  }
0x2d: {  	[spmem:s10], [sflag:s9] =	dma.local [hbm:s11], $0x1870  }
0x2e: {  	_ =	swait.ge [sflag:s19], $0x1870  }
0x2f: {  	[sflag:s19] =	ssyncset.done $0x0  }
0x30: {  	[sflag:s19] =	ssyncadd.s32 $0xFFFFE790  }
0x31: {  	[bflag:$0x0] =	sbarrier.arrive $0xFFFF  }
0x32: {  	s13 =	rddreg [dreg:$0xc]  }
0x33: {  	[tilespmem:s4], [sflag:$0x4] =	stream.linear.gather [hbm4b:s13+s4], $0x3E8, $0x38;
	[tilespmem:$0x1E490] =	vst v63  }
0x34: {  	_ =	swait.ge [sflag:s19], $0x3E8  }
0x35: {  	[sflag:s19] =	ssyncset.done $0x0  }
0x36: {  	s14 =	rddreg [dreg:$0xd];
	[sflag:s19] =	ssyncadd.s32 $0xFFFFFC18  }
0x37: {  	[tilespmem:s20], [sflag:$0x4] =	stream.linear.gather [hbm4b:s14+s4], $0x3E8, $0x38;
	[tilespmem:$0x1E490] =	vst v63  }
0x38: {  	_ =	swait.ge [sflag:s19], $0x3E8  }
0x39: {  	s15 =	rddreg [dreg:$0x8];
	[sflag:s19] =	ssyncset.done $0x0  }
0x3a: {  	p1 =	por $0x1, $0x1;
	[sflag:s19] =	ssyncadd.s32 $0xFFFFFC18;
	s1 =	sadd.s32 $0x0, s15  }
0x3b: {  	[tilespmem:s21], [sflag:$0x2] =	stream.linear.gather [hbm4b:s1+s4], $0x3E8, $0x38;
	[tilespmem:$0x1E490] =	vst v63  }
0x3c: {  	s17 =	sadd.s32 $0x0, s16;
	s1 =	simm.s32 @!p1 $0x3  }
0x3d: {  	[tilespmem:s22], [sflag:$0x2] =	stream.linear.gather [hbm4b:s17+s4], $0x3E8, $0x38;
	[tilespmem:$0x1E490] =	vst v63  }
0x3e: {  	_ =	swait.ge @!p1 [sflag:s1], $0x1F40  }
0x3f: {  	[sflag:s1] =	ssyncset.done @!p1 $0x0  }
0x40: {  	[sflag:s1] =	ssyncadd.s32 @!p1 $0xFFFFE0C0  }
0x41: {  	[tilespmem:s23], [sflag:$0x1] =	stream.indirect.gather [spmem:s2], $0x8, s4, s21, $0xb8;
	[tilespmem:$0x1E490] =	vst v63  }
0x42: {  	_ =	swait.ge [sflag:s24], $0x1F40  }
0x43: {  	[sflag:s24] =	ssyncset.done $0x0  }
0x44: {  	[sflag:s24] =	ssyncadd.s32 $0xFFFFE0C0  }
0x45: {  	[spmem:s3] =	stream.indirect.scatter.add.f32 [tilespmem:s23], [sflag:$0x3], $0x8, s20, s21, $0xb8;
	[tilespmem:$0x1E490] =	vst v63  }
0x46: {  	_ =	swait.ge [sflag:s26], $0x3E8  }
0x47: {  	[sflag:s26] =	ssyncset.done $0x0  }
0x48: {  	[sflag:s26] =	ssyncadd.s32 $0xFFFFFC18  }
0x49: {  	_ =	swait.ge [sflag:s26], $0x3E8  }
0x4a: {  	s11 =	rddreg [dreg:$0x6];
	[sflag:s26] =	ssyncset.done $0x0  }
0x4b: {  	s13 =	rddreg [dreg:$0x7];
	[sflag:s26] =	ssyncadd.s32 $0xFFFFFC18;
	s11 =	sadd.s32 $0x0, s11  }
0x4c: {  	[tilespmem:s28], [sflag:$0x2] =	stream.linear.gather [hbm4b:s11+s4], $0x3E8, $0x38;
	[tilespmem:$0x1E490] =	vst v63  }
0x4d: {  	s10 =	sadd.s32 $0x0, s13  }
0x4e: {  	[tilespmem:s29], [sflag:$0x2] =	stream.linear.gather [hbm4b:s10+s4], $0x3E8, $0x38;
	[tilespmem:$0x1E490] =	vst v63  }
0x4f: {  	_ =	swait.ge @!p1 [sflag:s1], $0x1F40  }
0x50: {  	[sflag:s1] =	ssyncset.done @!p1 $0x0  }
0x51: {  	[sflag:s1] =	ssyncadd.s32 @!p1 $0xFFFFE0C0  }
0x52: {  	[tilespmem:s30], [sflag:$0x1] =	stream.indirect.gather [spmem:s2], $0x8, s21, s21, $0xb8;
	[tilespmem:$0x1E490] =	vst v63  }
0x53: {  	_ =	swait.ge [sflag:s24], $0x1F40  }
0x54: {  	[sflag:s24] =	ssyncset.done $0x0  }
0x55: {  	[sflag:s24] =	ssyncadd.s32 $0xFFFFE0C0  }
0x56: {  	[spmem:s3] =	stream.indirect.scatter.add.f32 [tilespmem:s30], [sflag:$0x3], $0x8, s22, s21, $0xb8;
	[tilespmem:$0x1E490] =	vst v63  }
0x57: {  	_ =	swait.ge [sflag:s26], $0x3E8  }
0x58: {  	[sflag:s26] =	ssyncset.done $0x0  }
0x59: {  	[sflag:s26] =	ssyncadd.s32 $0xFFFFFC18  }
0x5a: {  	_ =	swait.ge [sflag:s26], $0x3E8  }
0x5b: {  	s13 =	rddreg [dreg:$0x4];
	[sflag:s26] =	ssyncset.done $0x0  }
0x5c: {  	s14 =	rddreg [dreg:$0x5];
	[sflag:s26] =	ssyncadd.s32 $0xFFFFFC18;
	s1 =	sadd.s32 $0x0, s13  }
0x5d: {  	[tilespmem:s31], [sflag:$0x2] =	stream.linear.gather [hbm4b:s1+s4], $0x3E8, $0x38;
	[tilespmem:$0x1E490] =	vst v63  }
0x5e: {  	s15 =	sadd.s32 $0x0, s14  }
0x5f: {  	[tilespmem:s0], [sflag:$0x2] =	stream.linear.gather [hbm4b:s15+s4], $0x3E8, $0x38;
	[tilespmem:$0x1E490] =	vst v63  }
0x60: {  	_ =	swait.ge [sflag:s6], $0x1F40  }
0x61: {  	[sflag:s6] =	ssyncset.done $0x0  }
0x62: {  	[sflag:s6] =	ssyncadd.s32 $0xFFFFE0C0  }
0x63: {  	[tilespmem:s23], [sflag:$0x1] =	stream.indirect.gather [spmem:s2], $0x8, s28, s21, $0xb8;
	[tilespmem:$0x1E490] =	vst v63  }
0x64: {  	_ =	swait.ge [sflag:s24], $0x1F40  }
0x65: {  	[sflag:s24] =	ssyncset.done $0x0  }
0x66: {  	[sflag:s24] =	ssyncadd.s32 $0xFFFFE0C0  }
0x67: {  	[spmem:s3] =	stream.indirect.scatter.add.f32 [tilespmem:s23], [sflag:$0x3], $0x8, s29, s21, $0xb8;
	[tilespmem:$0x1E490] =	vst v63  }
0x68: {  	_ =	swait.ge [sflag:s26], $0x3E8  }
0x69: {  	p1 =	slt.s32 s12, $0x619478;
	s1 =	smov.u32 s12;
	[sflag:s26] =	ssyncset.done $0x0  }
0x6a: {  	s1 =	simm.s32 @!p1 $0x619478;
	[sflag:s26] =	ssyncadd.s32 $0xFFFFFC18  }
0x6b: {  	s1 =	sshrl.u32 s1, $0x3;
	_ =	swait.ge [sflag:s26], $0x3E8  }
0x6c: {  	s1 =	sadd.s32 s5, s1;
	[sflag:s26] =	ssyncset.done $0x0  }
0x6d: {  	s17 =	sadd.s32 $0x1F4, s1;
	[sflag:s26] =	ssyncadd.s32 $0xFFFFFC18  }
0x6e: {  	[tilespmem:s4], [sflag:$0x2] =	stream.linear.gather [hbm4b:s17+s4], $0x3E8, $0x38;
	[tilespmem:$0x1E490] =	vst v63  }
0x6f: {  	s1 =	sadd.s32 $0xC36F4, s1  }
0x70: {  	[tilespmem:s20], [sflag:$0x2] =	stream.linear.gather [hbm4b:s1+s4], $0x3E8, $0x38;
	[tilespmem:$0x1E490] =	vst v63  }
0x71: {  	_ =	swait.ge [sflag:s6], $0x1F40  }
0x72: {  	[sflag:s6] =	ssyncset.done $0x0  }
0x73: {  	[sflag:s6] =	ssyncadd.s32 $0xFFFFE0C0  }
0x74: {  	[tilespmem:s30], [sflag:$0x1] =	stream.indirect.gather [spmem:s2], $0x8, s31, s21, $0xb8;
	[tilespmem:$0x1E490] =	vst v63  }
0x75: {  	_ =	swait.ge [sflag:s24], $0x1F40  }
0x76: {  	[sflag:s24] =	ssyncset.done $0x0  }
0x77: {  	[sflag:s24] =	ssyncadd.s32 $0xFFFFE0C0  }
0x78: {  	[spmem:s3] =	stream.indirect.scatter.add.f32 [tilespmem:s30], [sflag:$0x3], $0x8, s0, s21, $0xb8;
	[tilespmem:$0x1E490] =	vst v63  }
0x79: {  	_ =	swait.ge [sflag:s26], $0x3E8  }
0x7a: {  	[sflag:s26] =	ssyncset.done $0x0  }
0x7b: {  	s11 =	sadd.s32 $0xFA0, s12;
	[sflag:s26] =	ssyncadd.s32 $0xFFFFFC18  }
0x7c: {  	s13 =	simm.s32 $0x3E8;
	s1 =	simm.s32 $0x1F4;
	_ =	swait.ge [sflag:s26], $0x3E8  }
.LBB2_2:
0x7d: {  	s10 =	rddreg [dreg:$0x8];
	[sflag:s26] =	ssyncset.done $0x0  }
0x7e: {  	p2 =	seq.s32 s1, $0x0;
	[sflag:s26] =	ssyncadd.s32 $0xFFFFFC18;
	s10 =	sadd.s32 s1, s10  }
0x7f: {  	[tilespmem:s21], [sflag:$0x2] =	stream.linear.gather [hbm4b:s10+s4], $0x3E8, $0x38;
	[tilespmem:$0x1E490] =	vst v63  }
0x80: {  	s15 =	sadd.s32 s1, s16;
	s10 =	simm.s32 @!p2 $0x3  }
0x81: {  	[tilespmem:s22], [sflag:$0x2] =	stream.linear.gather [hbm4b:s15+s4], $0x3E8, $0x38;
	[tilespmem:$0x1E490] =	vst v63  }
0x82: {  	_ =	swait.ge @!p2 [sflag:s10], $0x1F40  }
0x83: {  	[sflag:s10] =	ssyncset.done @!p2 $0x0  }
0x84: {  	[sflag:s10] =	ssyncadd.s32 @!p2 $0xFFFFE0C0  }
0x85: {  	[tilespmem:s23], [sflag:$0x1] =	stream.indirect.gather [spmem:s2], $0x8, s4, s21, $0xb8;
	[tilespmem:$0x1E490] =	vst v63  }
0x86: {  	_ =	swait.ge [sflag:s24], $0x1F40  }
0x87: {  	[sflag:s24] =	ssyncset.done $0x0  }
0x88: {  	[sflag:s24] =	ssyncadd.s32 $0xFFFFE0C0  }
0x89: {  	[spmem:s3] =	stream.indirect.scatter.add.f32 [tilespmem:s23], [sflag:$0x3], $0x8, s20, s21, $0xb8;
	[tilespmem:$0x1E490] =	vst v63  }
0x8a: {  	_ =	swait.ge [sflag:s26], $0x3E8  }
0x8b: {  	[sflag:s26] =	ssyncset.done $0x0  }
0x8c: {  	[sflag:s26] =	ssyncadd.s32 $0xFFFFFC18  }
0x8d: {  	_ =	swait.ge [sflag:s26], $0x3E8  }
0x8e: {  	s15 =	rddreg [dreg:$0x6];
	[sflag:s26] =	ssyncset.done $0x0  }
0x8f: {  	s17 =	rddreg [dreg:$0x7];
	[sflag:s26] =	ssyncadd.s32 $0xFFFFFC18;
	s15 =	sadd.s32 s1, s15  }
0x90: {  	[tilespmem:s28], [sflag:$0x2] =	stream.linear.gather [hbm4b:s15+s4], $0x3E8, $0x38;
	[tilespmem:$0x1E490] =	vst v63  }
0x91: {  	s17 =	sadd.s32 s1, s17  }
0x92: {  	[tilespmem:s29], [sflag:$0x2] =	stream.linear.gather [hbm4b:s17+s4], $0x3E8, $0x38;
	[tilespmem:$0x1E490] =	vst v63  }
0x93: {  	_ =	swait.ge @!p2 [sflag:s10], $0x1F40  }
0x94: {  	[sflag:s10] =	ssyncset.done @!p2 $0x0  }
0x95: {  	[sflag:s10] =	ssyncadd.s32 @!p2 $0xFFFFE0C0  }
0x96: {  	[tilespmem:s30], [sflag:$0x1] =	stream.indirect.gather [spmem:s2], $0x8, s21, s21, $0xb8;
	[tilespmem:$0x1E490] =	vst v63  }
0x97: {  	_ =	swait.ge [sflag:s24], $0x1F40  }
0x98: {  	[sflag:s24] =	ssyncset.done $0x0  }
0x99: {  	[sflag:s24] =	ssyncadd.s32 $0xFFFFE0C0  }
0x9a: {  	[spmem:s3] =	stream.indirect.scatter.add.f32 [tilespmem:s30], [sflag:$0x3], $0x8, s22, s21, $0xb8;
	[tilespmem:$0x1E490] =	vst v63  }
0x9b: {  	_ =	swait.ge [sflag:s26], $0x3E8  }
0x9c: {  	[sflag:s26] =	ssyncset.done $0x0  }
0x9d: {  	[sflag:s26] =	ssyncadd.s32 $0xFFFFFC18  }
0x9e: {  	_ =	swait.ge [sflag:s26], $0x3E8  }
0x9f: {  	s15 =	rddreg [dreg:$0x4];
	[sflag:s26] =	ssyncset.done $0x0  }
0xa0: {  	s17 =	rddreg [dreg:$0x5];
	[sflag:s26] =	ssyncadd.s32 $0xFFFFFC18;
	s10 =	sadd.s32 s1, s15  }
0xa1: {  	[tilespmem:s31], [sflag:$0x2] =	stream.linear.gather [hbm4b:s10+s4], $0x3E8, $0x38;
	[tilespmem:$0x1E490] =	vst v63  }
0xa2: {  	s15 =	sadd.s32 s1, s17  }
0xa3: {  	[tilespmem:s0], [sflag:$0x2] =	stream.linear.gather [hbm4b:s15+s4], $0x3E8, $0x38;
	[tilespmem:$0x1E490] =	vst v63  }
0xa4: {  	_ =	swait.ge [sflag:s6], $0x1F40  }
0xa5: {  	[sflag:s6] =	ssyncset.done $0x0  }
0xa6: {  	[sflag:s6] =	ssyncadd.s32 $0xFFFFE0C0  }
0xa7: {  	[tilespmem:s23], [sflag:$0x1] =	stream.indirect.gather [spmem:s2], $0x8, s28, s21, $0xb8;
	[tilespmem:$0x1E490] =	vst v63  }
0xa8: {  	_ =	swait.ge [sflag:s24], $0x1F40  }
0xa9: {  	[sflag:s24] =	ssyncset.done $0x0  }
0xaa: {  	[sflag:s24] =	ssyncadd.s32 $0xFFFFE0C0  }
0xab: {  	[spmem:s3] =	stream.indirect.scatter.add.f32 [tilespmem:s23], [sflag:$0x3], $0x8, s29, s21, $0xb8;
	[tilespmem:$0x1E490] =	vst v63  }
0xac: {  	_ =	swait.ge [sflag:s26], $0x3E8  }
0xad: {  	p2 =	slt.s32 s11, $0x619478;
	s10 =	smov.u32 s11;
	[sflag:s26] =	ssyncset.done $0x0  }
0xae: {  	s10 =	simm.s32 @!p2 $0x619478;
	[sflag:s26] =	ssyncadd.s32 $0xFFFFFC18  }
0xaf: {  	s10 =	sshrl.u32 s10, $0x3;
	_ =	swait.ge [sflag:s26], $0x3E8  }
0xb0: {  	s10 =	sadd.s32 s5, s10;
	[sflag:s26] =	ssyncset.done $0x0  }
0xb1: {  	s17 =	sadd.s32 $0x1F4, s10;
	[sflag:s26] =	ssyncadd.s32 $0xFFFFFC18  }
0xb2: {  	[tilespmem:s4], [sflag:$0x2] =	stream.linear.gather [hbm4b:s17+s4], $0x3E8, $0x38;
	[tilespmem:$0x1E490] =	vst v63  }
0xb3: {  	s10 =	sadd.s32 $0xC36F4, s10  }
0xb4: {  	[tilespmem:s20], [sflag:$0x2] =	stream.linear.gather [hbm4b:s10+s4], $0x3E8, $0x38;
	[tilespmem:$0x1E490] =	vst v63  }
0xb5: {  	_ =	swait.ge [sflag:s6], $0x1F40  }
0xb6: {  	[sflag:s6] =	ssyncset.done $0x0  }
0xb7: {  	[sflag:s6] =	ssyncadd.s32 $0xFFFFE0C0  }
0xb8: {  	[tilespmem:s30], [sflag:$0x1] =	stream.indirect.gather [spmem:s2], $0x8, s31, s21, $0xb8;
	[tilespmem:$0x1E490] =	vst v63  }
0xb9: {  	_ =	swait.ge [sflag:s24], $0x1F40  }
0xba: {  	s14 =	smov.u32 s13;
	s13 =	sadd.s32 $0x1F4, s13;
	[sflag:s24] =	ssyncset.done $0x0  }
0xbb: {  	p1 =	sne.s32 s13, $0x61A8;
	[sflag:s24] =	ssyncadd.s32 $0xFFFFE0C0  }
0xbc: {  	[spmem:s3] =	stream.indirect.scatter.add.f32 [tilespmem:s30], [sflag:$0x3], $0x8, s0, s21, $0xb8;
	[tilespmem:$0x1E490] =	vst v63  }
.Ltmp0:
0xbd: {  	_ = 	snop;
	(pc) =	sbr.rel @p1 .LBB2_2-.Ltmp0, $4  }
0xbe: {  	_ =	swait.ge [sflag:s26], $0x3E8  }
0xbf: {  	[sflag:s26] =	ssyncset.done $0x0  }
0xc0: {  	[sflag:s26] =	ssyncadd.s32 $0xFFFFFC18  }
0xc1: {  	s1 =	smov.u32 s14;
	s11 =	sadd.s32 $0xFA0, s11;
	_ =	swait.ge [sflag:s26], $0x3E8  }
0xc2: {  	s10 =	rddreg [dreg:$0x8];
	[sflag:s26] =	ssyncset.done $0x0  }
0xc3: {  	p1 =	seq.s32 s1, $0x0;
	[sflag:s26] =	ssyncadd.s32 $0xFFFFFC18;
	s10 =	sadd.s32 s1, s10  }
0xc4: {  	[tilespmem:s21], [sflag:$0x2] =	stream.linear.gather [hbm4b:s10+s4], $0x3E8, $0x38;
	[tilespmem:$0x1E490] =	vst v63  }
0xc5: {  	s13 =	sadd.s32 s1, s16;
	s10 =	simm.s32 @!p1 $0x3  }
0xc6: {  	[tilespmem:s22], [sflag:$0x2] =	stream.linear.gather [hbm4b:s13+s4], $0x3E8, $0x38;
	[tilespmem:$0x1E490] =	vst v63  }
0xc7: {  	_ =	swait.ge @!p1 [sflag:s10], $0x1F40  }
0xc8: {  	[sflag:s10] =	ssyncset.done @!p1 $0x0  }
0xc9: {  	[sflag:s10] =	ssyncadd.s32 @!p1 $0xFFFFE0C0  }
0xca: {  	[tilespmem:s23], [sflag:$0x1] =	stream.indirect.gather [spmem:s2], $0x8, s4, s21, $0xb8;
	[tilespmem:$0x1E490] =	vst v63  }
0xcb: {  	_ =	swait.ge [sflag:s24], $0x1F40  }
0xcc: {  	[sflag:s24] =	ssyncset.done $0x0  }
0xcd: {  	[sflag:s24] =	ssyncadd.s32 $0xFFFFE0C0  }
0xce: {  	[spmem:s3] =	stream.indirect.scatter.add.f32 [tilespmem:s23], [sflag:$0x3], $0x8, s20, s21, $0xb8;
	[tilespmem:$0x1E490] =	vst v63  }
0xcf: {  	_ =	swait.ge [sflag:s26], $0x3E8  }
0xd0: {  	[sflag:s26] =	ssyncset.done $0x0  }
0xd1: {  	[sflag:s26] =	ssyncadd.s32 $0xFFFFFC18  }
0xd2: {  	_ =	swait.ge [sflag:s26], $0x3E8  }
0xd3: {  	s13 =	rddreg [dreg:$0x6];
	[sflag:s26] =	ssyncset.done $0x0  }
0xd4: {  	s14 =	rddreg [dreg:$0x7];
	[sflag:s26] =	ssyncadd.s32 $0xFFFFFC18;
	s13 =	sadd.s32 s1, s13  }
0xd5: {  	[tilespmem:s28], [sflag:$0x2] =	stream.linear.gather [hbm4b:s13+s4], $0x3E8, $0x38;
	[tilespmem:$0x1E490] =	vst v63  }
0xd6: {  	s14 =	sadd.s32 s1, s14  }
0xd7: {  	[tilespmem:s29], [sflag:$0x2] =	stream.linear.gather [hbm4b:s14+s4], $0x3E8, $0x38;
	[tilespmem:$0x1E490] =	vst v63  }
0xd8: {  	_ =	swait.ge @!p1 [sflag:s10], $0x1F40  }
0xd9: {  	[sflag:s10] =	ssyncset.done @!p1 $0x0  }
0xda: {  	[sflag:s10] =	ssyncadd.s32 @!p1 $0xFFFFE0C0  }
0xdb: {  	[tilespmem:s30], [sflag:$0x1] =	stream.indirect.gather [spmem:s2], $0x8, s21, s21, $0xb8;
	[tilespmem:$0x1E490] =	vst v63  }
0xdc: {  	_ =	swait.ge [sflag:s24], $0x1F40  }
0xdd: {  	[sflag:s24] =	ssyncset.done $0x0  }
0xde: {  	[sflag:s24] =	ssyncadd.s32 $0xFFFFE0C0  }
0xdf: {  	[spmem:s3] =	stream.indirect.scatter.add.f32 [tilespmem:s30], [sflag:$0x3], $0x8, s22, s21, $0xb8;
	[tilespmem:$0x1E490] =	vst v63  }
0xe0: {  	_ =	swait.ge [sflag:s26], $0x3E8  }
0xe1: {  	[sflag:s26] =	ssyncset.done $0x0  }
0xe2: {  	[sflag:s26] =	ssyncadd.s32 $0xFFFFFC18  }
0xe3: {  	_ =	swait.ge [sflag:s26], $0x3E8  }
0xe4: {  	s15 =	rddreg [dreg:$0x4];
	[sflag:s26] =	ssyncset.done $0x0  }
0xe5: {  	s17 =	rddreg [dreg:$0x5];
	[sflag:s26] =	ssyncadd.s32 $0xFFFFFC18;
	s10 =	sadd.s32 s1, s15  }
0xe6: {  	[tilespmem:s31], [sflag:$0x2] =	stream.linear.gather [hbm4b:s10+s4], $0x3E8, $0x38;
	[tilespmem:$0x1E490] =	vst v63  }
0xe7: {  	s13 =	sadd.s32 s1, s17  }
0xe8: {  	[tilespmem:s0], [sflag:$0x2] =	stream.linear.gather [hbm4b:s13+s4], $0x3E8, $0x38;
	[tilespmem:$0x1E490] =	vst v63  }
0xe9: {  	_ =	swait.ge [sflag:s6], $0x1F40  }
0xea: {  	[sflag:s6] =	ssyncset.done $0x0  }
0xeb: {  	[sflag:s6] =	ssyncadd.s32 $0xFFFFE0C0  }
0xec: {  	[tilespmem:s23], [sflag:$0x1] =	stream.indirect.gather [spmem:s2], $0x8, s28, s21, $0xb8;
	[tilespmem:$0x1E490] =	vst v63  }
0xed: {  	_ =	swait.ge [sflag:s24], $0x1F40  }
0xee: {  	[sflag:s24] =	ssyncset.done $0x0  }
0xef: {  	[sflag:s24] =	ssyncadd.s32 $0xFFFFE0C0  }
0xf0: {  	[spmem:s3] =	stream.indirect.scatter.add.f32 [tilespmem:s23], [sflag:$0x3], $0x8, s29, s21, $0xb8;
	[tilespmem:$0x1E490] =	vst v63  }
0xf1: {  	_ =	swait.ge [sflag:s26], $0x3E8  }
0xf2: {  	p1 =	slt.s32 s11, $0x619478;
	[sflag:s26] =	ssyncset.done $0x0  }
0xf3: {  	s11 =	simm.s32 @!p1 $0x619478;
	[sflag:s26] =	ssyncadd.s32 $0xFFFFFC18  }
0xf4: {  	s14 =	sshrl.u32 s11, $0x3;
	_ =	swait.ge [sflag:s26], $0x3E8  }
0xf5: {  	s1 =	sadd.s32 s5, s14;
	[sflag:s26] =	ssyncset.done $0x0  }
0xf6: {  	s15 =	sadd.s32 $0x1F4, s1;
	[sflag:s26] =	ssyncadd.s32 $0xFFFFFC18  }
0xf7: {  	[tilespmem:s4], [sflag:$0x2] =	stream.linear.gather [hbm4b:s15+s4], $0x3E8, $0x38;
	[tilespmem:$0x1E490] =	vst v63  }
0xf8: {  	s1 =	sadd.s32 $0xC36F4, s1  }
0xf9: {  	[tilespmem:s20], [sflag:$0x2] =	stream.linear.gather [hbm4b:s1+s4], $0x3E8, $0x38;
	[tilespmem:$0x1E490] =	vst v63  }
0xfa: {  	_ =	swait.ge [sflag:s6], $0x1F40  }
0xfb: {  	[sflag:s6] =	ssyncset.done $0x0  }
0xfc: {  	[sflag:s6] =	ssyncadd.s32 $0xFFFFE0C0  }
0xfd: {  	[tilespmem:s30], [sflag:$0x1] =	stream.indirect.gather [spmem:s2], $0x8, s31, s21, $0xb8;
	[tilespmem:$0x1E490] =	vst v63  }
0xfe: {  	_ =	swait.ge [sflag:s24], $0x1F40  }
0xff: {  	[sflag:s24] =	ssyncset.done $0x0  }
0x100: {  	[sflag:s24] =	ssyncadd.s32 $0xFFFFE0C0  }
0x101: {  	[spmem:s3] =	stream.indirect.scatter.add.f32 [tilespmem:s30], [sflag:$0x3], $0x8, s0, s21, $0xb8;
	[tilespmem:$0x1E490] =	vst v63  }
0x102: {  	_ =	swait.ge [sflag:s26], $0x3E8  }
0x103: {  	[sflag:s26] =	ssyncset.done $0x0  }
0x104: {  	[sflag:s26] =	ssyncadd.s32 $0xFFFFFC18  }
0x105: {  	_ =	swait.ge [sflag:s26], $0x3E8  }
0x106: {  	[sflag:s26] =	ssyncset.done $0x0  }
0x107: {  	[sflag:s26] =	ssyncadd.s32 $0xFFFFFC18  }
0x108: {  	_ =	swait.ge [sflag:s6], $0x1F40  }
0x109: {  	[sflag:s6] =	ssyncset.done $0x0  }
0x10a: {  	[sflag:s6] =	ssyncadd.s32 $0xFFFFE0C0  }
0x10b: {  	_ =	swait.ge [sflag:s6], $0x1F40  }
0x10c: {  	[sflag:s6] =	ssyncset.done $0x0  }
0x10d: {  	[sflag:s6] =	ssyncadd.s32 $0xFFFFE0C0  }
0x10e: {  	[bflag:$0x0] =	sbarrier.arrive $0xFFFF  }
0x10f: {  	s1 =	rddreg [dreg:$0xf]  }
0x110: {  	[hbm:s1], [sflag:s9] =	dma.local @p0 [spmem:s25], $0x1810  }
0x111: {  	s1 =	simm.s32 @p0 $0x4  }
0x112: {  	_ =	swait.ge @p0 [sflag:s1], $0x1810  }
0x113: {  	[sflag:s1] =	ssyncset.done @p0 $0x0  }
0x114: {  	s10 =	rddreg [dreg:$0xe];
	[sflag:s1] =	ssyncadd.s32 @p0 $0xFFFFE7F0;
	s1 =	sshrl.u32 @!p0 s8, $0x3  }
0x115: {  	[hbm:s10], [sflag:s9] =	dma.local @!p0 [spmem:s1], $0x1870  }
0x116: {  	s1 =	simm.s32 @!p0 $0x4  }
0x117: {  	_ =	swait.ge @!p0 [sflag:s1], $0x1870  }
0x118: {  	s7 =	sadd.s32 $0x1, s7;
	s17 =	rddreg [dreg:$0x10]  }
0x119: {  	p1 =	sne.s32 s7, s17  }
.Ltmp1:
0x11a: {  	_ = 	snop;
	(pc) =	sbr.rel @p1 .LBB2_1-.Ltmp1, $3  }
0x11b: {  	_ =	sdelay $0x1  }
0x11c: {  	[sflag:s1] =	ssyncset.done @!p0 $0x0  }
0x11d: {  	[sflag:s1] =	ssyncadd.s32 @!p0 $0xFFFFE790  }
0x11e: {  	_ =	sfence.sel $0x180000  }
0x11f: {  	[bflag:$0x0] =	sbarrier.arrive $0xFFFF  }
0x120: {  	_ =	strace $0x9000004D  }
0x121: {  	s0 =	stileid.u32;
	[bflag:$0x2] =	sbarrier.arrive $0xFFFF  }
0x122: {  	p0 =	sne.s32 s0, $0x0;
	s0 =	rddreg [dreg:$0x3]  }
0x123: {  	s0 =	sadd.s32 @!p0 $0x100000, s0  }
0x124: {  	[sflag:s0] =	ssyncadd.tile.s32 @!p0 $0x1;
	_ =	shalt  }
.Lfunc_end2:
_tile_overlayer_lowered:
.L_overlay_start_2:
0x125: {  	(tag) =	ssettag $0x2  }
0x126: {  	s0 =	rddreg [dreg:$0x0];
	s2 =	stileid.u32  }
0x127: {  	s1 =	rddreg [dreg:$0x1];
	p0 =	sne.s32 s2, $0x0  }
0x128: {  	s3 =	rddreg [dreg:$0x2];
	[bflag:$0x3] =	sbarrier.arrive $0xFFFF;
	s2 =	simm.s32 @!p0 $0x1C04  }
0x129: {  	[timem:s3], [sflag:s2] =	dma.local @!p0 [hbm:s0], s1  }
0x12a: {  	s0 =	simm.s32 @!p0 $0x4  }
0x12b: {  	_ =	swait.ge @!p0 [sflag:s0], s1  }
0x12c: {  	s1 =	ssub.s32 @!p0 $0x0, s1;
	[sflag:s0] =	ssyncset.done @!p0 $0x0  }
0x12d: {  	[sflag:s0] =	ssyncadd.s32 @!p0 s1  }
0x12e: {  	[bflag:$0x3] =	sbarrier.arrive $0xFFFF  }
0x12f: {  	_ =	shalt  }

// kernel: kernel.14.cloned.1.call-start
scs
__scs_entry_jumppad:
0x0: {  	(pc) =	sbr.rel $0x88, $3  }
0x1: {  	(tag) =	ssettag $0x0;
	lr =	simm.s32 $0x1  }
0x2: {  	[smem:$0x3F92] =	sst lr;
	_ =	strace $0xD0000000  }
0x3: {  	_ = 	snop  }
0x4: {  	_ = 	snop  }
0x5: {  	_ = 	snop  }
0x6: {  	_ = 	snop  }
0x7: {  	_ = 	snop  }
__scs_overlays_trampoline_lowered:
0x8: {  	[smem:$0x3FA1] =	sst s0  }
0x9: {  	[smem:$0x3FA2] =	sst s1  }
0xa: {  	[smem:$0x3FA3] =	sst s2  }
0xb: {  	[smem:$0x3FA4] =	sst s3  }
0xc: {  	[smem:$0x3FA5] =	sst s4  }
0xd: {  	[smem:$0x3FA6] =	sst s5  }
0xe: {  	[smem:$0x3FA7] =	sst s6  }
0xf: {  	[smem:$0x3FA8] =	sst s7  }
0x10: {  	[smem:$0x3FA9] =	sst s8  }
0x11: {  	[smem:$0x3FAA] =	sst s9;
	s0 =	simm.s32 @!p0 $0x0  }
0x12: {  	s1 =	sld [smem:$0x3F90];
	s0 =	simm.s32 @p0 $0x1  }
0x13: {  	[smem:$0x3FAB] =	sst s0;
	s0 =	simm.s32 @!p1 $0x0  }
0x14: {  	s2 =	sld [smem:$0x3F8F];
	s0 =	simm.s32 @p1 $0x1  }
0x15: {  	[smem:$0x3FAC] =	sst s0;
	s0 =	simm.s32 @!p2 $0x0  }
0x16: {  	s3 =	sld [smem:$0x3FDB];
	s0 =	simm.s32 @p2 $0x1  }
0x17: {  	s4 =	simm.s32 $0x1BF5;
	[smem:$0x3FAE] =	sst s0  }
0x18: {  	s0 =	sld [smem:$0x3F91];
	_ =	swait.ge [sflag:s4], $0x0  }
0x19: {  	s7 =	sld [smem:$0x3F92]  }
0x1a: {  	s8 =	sadd.s32 $0xFFFFE003, lr  }
0x1b: {  	s9 =	sadd.s32 $0xFFFFFEF7, lr;
	s5 =	simm.s32 $0xFFFFFFFF;
	p2 =	slt.u32 s8, $0xFFFFF086  }
0x1c: {  	p1 =	slt.u32 s9, $0xF7A;
	s5 =	simm.s32 @!p2 $0x0  }
0x1d: {  	s5 =	simm.s32 @p1 $0x1;
	p0 =	seq.s32 s7, s2  }
0x1e: {  	s7 =	smul.u32 @!p0 $0xF7A, s2;
	p2 =	seq.s32 @!p0 s5, $0x0  }
0x1f: {  	s9 =	smul.u32 $0xF7A, s1;
	s8 =	simm.s32 @!p0 $0x1BF5;
	p2 =	por !p2, p0  }
0x20: {  	[sflag:s8] =	ssyncset.s32 @!p0 $0xFFFFF086;
	s6 =	sadd.s32 @!p0 s3, s7;
	s7 =	simm.s32 @!p0 $0x108  }
0x21: {  	s3 =	sadd.s32 s3, s9;
	s6 =	sadd.s32 @!p0 $0x88, s6;
	s7 =	simm.s32 @p2 $0x1082  }
0x22: {  	[simem:s7], [sflag:s8] =	dma.local @!p0 [hbm:s6], $0xF7A  }
0x23: {  	s9 =	sor.u32 $0xD0000000, s2;
	s6 =	simm.s32 $0x108;
	_ =	swait.ge @!p0 [sflag:s8], $0x0  }
0x24: {  	s3 =	sadd.s32 $0x88, s3;
	s6 =	simm.s32 @!p1 $0x1082;
	[sflag:s4] =	ssyncset.s32 $0xFFFFF086  }
0x25: {  	[simem:s6], [sflag:s4] =	dma.local [hbm:s3], $0xF7A  }
0x26: {  	[smem:$0x3F92] =	sst s1;
	(tag) =	ssettag s2;
	_ =	strace s9  }
0x27: {  	s1 =	sld [smem:$0x3FA2]  }
0x28: {  	s2 =	sld [smem:$0x3FA3]  }
0x29: {  	s4 =	sld [smem:$0x3FA5]  }
0x2a: {  	p0 =	seq.s32 s5, $0x0;
	s5 =	sld [smem:$0x3FA6]  }
0x2b: {  	s6 =	sld [smem:$0x3FA7]  }
0x2c: {  	s7 =	sld [smem:$0x3FA8]  }
0x2d: {  	s3 =	simm.s32 $0x108;
	s8 =	sld [smem:$0x3FA9]  }
0x2e: {  	s3 =	simm.s32 @!p0 $0x1082;
	s9 =	sld [smem:$0x3FAA]  }
0x2f: {  	lr =	sadd.s32 s0, s3;
	s0 =	sld [smem:$0x3FA1]  }
0x30: {  	s3 =	sld [smem:$0x3FA4]  }
0x31: {  	[smem:$0x3FAD] =	sst s10  }
0x32: {  	s10 =	sld [smem:$0x3FAB];
	_ =	sdelay $0x3  }
0x33: {  	p0 =	seq.s32 s10, $0x1;
	s10 =	sld [smem:$0x3FAD];
	_ =	sdelay $0x3  }
0x34: {  	[smem:$0x3FAD] =	sst s10  }
0x35: {  	s10 =	sld [smem:$0x3FAC];
	_ =	sdelay $0x3  }
0x36: {  	p1 =	seq.s32 s10, $0x1;
	s10 =	sld [smem:$0x3FAD];
	_ =	sdelay $0x3  }
0x37: {  	[smem:$0x3FAD] =	sst s10  }
0x38: {  	s10 =	sld [smem:$0x3FAE]  }
0x39: {  	_ = 	snop;
	(pc) =	sbr.ind lr, $3  }
0x3a: {  	_ = 	snop  }
0x3b: {  	_ = 	snop  }
0x3c: {  	p2 =	seq.s32 s10, $0x1;
	s10 =	sld [smem:$0x3FAD]  }
0x3d: {  	_ =	shalt  }
0x3e: {  	_ =	shalt  }
0x3f: {  	_ =	shalt  }
0x40: {  	_ =	shalt  }
0x41: {  	_ =	shalt  }
0x42: {  	_ =	shalt  }
0x43: {  	_ =	shalt  }
0x44: {  	_ =	shalt  }
0x45: {  	_ =	shalt  }
0x46: {  	_ =	shalt  }
0x47: {  	_ =	shalt  }
0x48: {  	_ =	shalt  }
0x49: {  	_ =	shalt  }
0x4a: {  	_ =	shalt  }
0x4b: {  	_ =	shalt  }
0x4c: {  	_ =	shalt  }
0x4d: {  	_ =	shalt  }
0x4e: {  	_ =	shalt  }
0x4f: {  	_ =	shalt  }
0x50: {  	_ =	shalt  }
0x51: {  	_ =	shalt  }
0x52: {  	_ =	shalt  }
0x53: {  	_ =	shalt  }
0x54: {  	_ =	shalt  }
0x55: {  	_ =	shalt  }
0x56: {  	_ =	shalt  }
0x57: {  	_ =	shalt  }
0x58: {  	_ =	shalt  }
0x59: {  	_ =	shalt  }
0x5a: {  	_ =	shalt  }
0x5b: {  	_ =	shalt  }
0x5c: {  	_ =	shalt  }
0x5d: {  	_ =	shalt  }
0x5e: {  	_ =	shalt  }
0x5f: {  	_ =	shalt  }
0x60: {  	_ =	shalt  }
0x61: {  	_ =	shalt  }
0x62: {  	_ =	shalt  }
0x63: {  	_ =	shalt  }
0x64: {  	_ =	shalt  }
0x65: {  	_ =	shalt  }
0x66: {  	_ =	shalt  }
0x67: {  	_ =	shalt  }
0x68: {  	_ =	shalt  }
0x69: {  	_ =	shalt  }
0x6a: {  	_ =	shalt  }
0x6b: {  	_ =	shalt  }
0x6c: {  	_ =	shalt  }
0x6d: {  	_ =	shalt  }
0x6e: {  	_ =	shalt  }
0x6f: {  	_ =	shalt  }
0x70: {  	_ =	shalt  }
0x71: {  	_ =	shalt  }
0x72: {  	_ =	shalt  }
0x73: {  	_ =	shalt  }
0x74: {  	_ =	shalt  }
0x75: {  	_ =	shalt  }
0x76: {  	_ =	shalt  }
0x77: {  	_ =	shalt  }
0x78: {  	_ =	shalt  }
0x79: {  	_ =	shalt  }
0x7a: {  	_ =	shalt  }
0x7b: {  	_ =	shalt  }
0x7c: {  	_ =	shalt  }
0x7d: {  	_ =	shalt  }
0x7e: {  	_ =	shalt  }
0x7f: {  	_ =	shalt  }
0x80: {  	_ =	shalt  }
0x81: {  	_ =	shalt  }
0x82: {  	_ =	shalt  }
0x83: {  	_ =	shalt  }
0x84: {  	_ =	shalt  }
0x85: {  	_ =	shalt  }
0x86: {  	_ =	shalt  }
0x87: {  	_ =	shalt  }
.Lfunc_end0:
.L_simem_size_0:
called_computation.3_lowered:
.L_overlay_start_0:
0x88: {  	s2 =	sld [smem:$0x3FD9]  }
0x89: {  	s3 =	sld [smem:$0x3FFE];
	_ =	sdelay $0x1  }
0x8a: {  	s1 =	srdreg.scid  }
0x8b: {  	s0 =	sand.u32 $0x1, s1  }
0x8c: {  	s16 =	sshll.u32 s0, $0xA;
	s2 =	sadd.s32 s3, s2  }
0x8d: {  	s2 =	sadd.s32 s2, s16  }
0x8e: {  	[smem:$0x3FB9] =	sst s2  }
0x8f: {  	_ = 	snop  }
0x90: {  	(tm) =	ssettm $0x1  }
0x91: {  	s17 =	sld [smem:$0x3FFB];
	_ =	sdelay $0x3  }
0x92: {  	_ =	strace s17  }
0x93: {  	s2 =	sld [smem:$0x3FFC];
	_ =	sdelay $0x3  }
0x94: {  	_ =	strace s2  }
0x95: {  	s2 =	sld [smem:$0x3FFD];
	_ =	sdelay $0x3  }
0x96: {  	_ =	strace s2  }
0x97: {  	_ =	strace $0x8FFFFFFF  }
0x98: {  	s18 =	sld [smem:$0x3FDB];
	_ =	sdelay $0x1  }
0x99: {  	s19 =	simm.s32 $_scs_section_size  }
0x9a: {  	s4 =	simm.s32 $_size__tile_overlayer_lowered;
	s5 =	simm.s32 $_tile_overlayer_lowered  }
0x9b: {  	s22 =	simm.s32 $0x1BFF;
	s21 =	sshll.u32 s5, $0x1;
	s2 =	sadd.s32 s19, s18  }
0x9c: {  	s6 =	simm.s32 $0x0;
	s20 =	sshll.u32 s4, $0x1;
	s4 =	sadd.s32 s21, s2  }
0x9d: {  	[timem:s6], [sflag:s22] =	dma.local [hbm:s4], s20  }
0x9e: {  	_ =	swait.ge [sflag:s22], s20  }
0x9f: {  	s3 =	ssub.s32 $0x0, s20;
	[sflag:s22] =	ssyncset.done $0x0  }
0xa0: {  	[sflag:s22] =	ssyncadd.s32 s3;
	_ =	sdelay $0x1  }
0xa1: {  	s23 =	simm.s32 $0x1B8B  }
0xa2: {  	_ =	swait.ge [sflag:s23], $0x1  }
0xa3: {  	[sflag:s23] =	ssyncset.done $0x0  }
0xa4: {  	s25 =	simm.s32 $0x1B8E;
	s24 =	sld [smem:$0x3FFE];
	[sflag:s23] =	ssyncadd.s32 $0xFFFFFFFF  }
0xa5: {  	s26 =	simm.s32 $execute0_lowered;
	[smem:$0x3FD2] =	sst s25  }
0xa6: {  	s4 =	sshll.u32 s26, $0x1;
	_ =	strace $0x8000004F;
	[dreg:$0x1] =	wrdreg $0xFFFFFFFF  }
0xa7: {  	s28 =	simm.s32 $_size_execute0_lowered;
	s2 =	sadd.s32 s2, s4;
	[dreg:$0x0] =	wrdreg $0x0  }
0xa8: {  	s4 =	sshll.u32 s28, $0x1;
	[dreg:$0x2] =	wrdreg s2  }
0xa9: {  	[dreg:$0x3] =	wrdreg s4  }
0xaa: {  	[dreg:$0x4] =	wrdreg $0xC0  }
0xab: {  	_ =	task [dreg:s6], $0x5FFFF  }
0xac: {  	[dreg:$0x1] =	wrdreg $0xFFFFFFFF  }
0xad: {  	[dreg:$0x0] =	wrdreg $0x60  }
0xae: {  	[dreg:$0x2] =	wrdreg s24  }
0xaf: {  	[dreg:$0x3] =	wrdreg $0x5DC00  }
0xb0: {  	[dreg:$0x4] =	wrdreg $0x121100  }
0xb1: {  	[dreg:$0x5] =	wrdreg $0x9  }
0xb2: {  	_ =	task.clear_ibuf [dreg:s6], $0x6FFFF;
	_ =	strace $0x9000004F  }
0xb3: {  	s29 =	simm.s32 $0x9;
	_ =	strace $0x80000051  }
0xb4: {  	_ =	swait.ge [sflag:s29], $0x1  }
0xb5: {  	[sflag:s29] =	ssyncadd.s32 $0xFFFFFFFF  }
0xb6: {  	_ =	strace $0x90000051  }
0xb7: {  	_ =	sfence  }
0xb8: {  	s30 =	sld [smem:$0x0];
	_ =	sdelay $0x2  }
0xb9: {  	s31 =	sshll.u32 s1, $0xD;
	s1 =	sshrl.u32 s1, $0x2  }
0xba: {  	s3 =	sand.u32 $0x4000, s31;
	s1 =	sadd.s32 s1, s30  }
0xbb: {  	s0 =	sor.u32 s3, s0;
	s1 =	sshll.u32 s1, $0x11  }
0xbc: {  	s0 =	sor.u32 s1, s0  }
0xbd: {  	s0 =	sadd.s32 $0x8F2B, s0  }
0xbe: {  	[sflag:s0] =	ssyncadd.remote.s32 $0x1  }
0xbf: {  	_ =	sfence.sel $0xFFFF  }
0xc0: {  	[dreg:$0x0] =	wrdreg $0xFFFFFFFF;
	(pc) =	sbr.abs _section_cstart, $3  }
0xc1: {  	[dreg:$0x1] =	wrdreg $0xFFFFFFFF  }
0xc2: {  	_ =	task.clear_ibuf [dreg:s6], $0x2FFFF;
	_ =	strace $0x9FFFFFFF  }
0xc3: {  	(tm) =	ssettm $0x7FFFFFFF  }
tec
execute0_lowered:
.L_overlay_start_1:
0x0: {  	(tag) =	ssettag $0x1  }
0x1: {  	s0 =	rddreg [dreg:$0x0]  }
0x2: {  	s2 =	rddreg [dreg:$0x1]  }
0x3: {  	s3 =	rddreg [dreg:$0x2];
	s15 =	stileid.u32;
	s4 =	simm.s32 $0x0  }
0x4: {  	s5 =	srdreg.scid;
	s28 =	simm.s32 $0x7D0;
	s29 =	simm.s32 $0x1770  }
0x5: {  	s30 =	simm.s32 $0x3E80;
	s31 =	simm.s32 $0xBB8;
	s1 =	smul.u32 $0xC380, s15  }
0x6: {  	[smem:$0x7FF] =	sst s4;
	s7 =	sand.u32 $0x1, s5;
	s18 =	smul.u32 $0x1870, s15  }
0x7: {  	s5 =	sadd.s32 $0x3600, s0;
	s9 =	sadd.s32 $0x1BB000, s0;
	s12 =	smul.u32 $0x61A80, s15  }
0x8: {  	s11 =	sshll.u32 s15, $0x1;
	p0 =	seq.s32 s15, $0xF;
	s21 =	smul.u32 $0xC3500, s7  }
0x9: {  	_ =	strace $0x80000050;
	s8 =	ssub.s32 $0x2, s7;
	s24 =	smul.u32 $0x30D40, s7  }
0xa: {  	s17 =	sor.u32 s7, s11;
	s25 =	smul.u32 $0x186A0, s7;
	s7 =	simm.s32 $0x0  }
0xb: {  	s6 =	sshrl.u32 s1, $0x3;
	s10 =	sshrl.u32 s8, $0x1;
	s14 =	sadd.s32 s1, s2  }
0xc: {  	s20 =	smul.u32 $0x30D40, s17;
	s17 =	sadd.s32 $0xB7480, s2;
	s26 =	sadd.s32 s9, s18  }
0xd: {  	s6 =	sadd.s32 s6, s0;
	s13 =	ssub.s32 s8, s10;
	s0 =	sadd.s32 $0x1A0E90, s0  }
0xe: {  	s8 =	sadd.s32 s1, s3;
	s12 =	sadd.s32 s24, s12;
	s1 =	sadd.s32 $0xB7480, s3  }
0xf: {  	s19 =	sadd.s32 $0x18A000, s6;
	[dreg:$0xa] =	wrdreg s0;
	s22 =	sshrl.u32 s20, $0x3  }
0x10: {  	s6 =	sadd.s32 $0x1A2800, s6;
	s0 =	sshrl.u32 s21, $0x3;
	s10 =	sadd.s32 $0xBB8, s12  }
0x11: {  	s11 =	sadd.s32 $0x61B3B8, s12;
	s13 =	smax.u32 s13, $0x1;
	s18 =	sadd.s32 $0x7D0, s12  }
0x12: {  	s20 =	sadd.s32 $0x61AFD0, s12;
	s21 =	sadd.s32 $0x3E8, s12;
	[dreg:$0x9] =	wrdreg s19  }
0x13: {  	[dreg:$0xb] =	wrdreg s6;
	s23 =	sadd.s32 s5, s22;
	s0 =	sadd.s32 s9, s0  }
0x14: {  	s9 =	sadd.s32 s25, s26;
	[dreg:$0x10] =	wrdreg s13;
	s19 =	sshrl.u32 s18, $0x3  }
0x15: {  	s25 =	sadd.s32 $0x61ABE8, s12;
	s18 =	sshrl.u32 @!p0 s14, $0x3;
	[dreg:$0xc] =	wrdreg s23  }
0x16: {  	s6 =	sadd.s32 $0xC3500, s23;
	[dreg:$0xe] =	wrdreg s9;
	s0 =	sadd.s32 $0x16E90, s0  }
0x17: {  	s23 =	sshrl.u32 s21, $0x3;
	s26 =	sshrl.u32 s25, $0x3;
	[dreg:$0xd] =	wrdreg s6  }
0x18: {  	s21 =	simm.s32 $0x3E8;
	s25 =	sshrl.u32 @p0 s1, $0x3;
	[dreg:$0xf] =	wrdreg s0  }
0x19: {  	s0 =	sshrl.u32 s10, $0x3;
	s6 =	sshrl.u32 s11, $0x3;
	s24 =	sadd.s32 s23, s5  }
0x1a: {  	s23 =	simm.s32 $0x1F40;
	s0 =	sadd.s32 s0, s5;
	[dreg:$0x8] =	wrdreg s24  }
0x1b: {  	s16 =	sadd.s32 s6, s5;
	s6 =	sshrl.u32 s20, $0x3;
	[dreg:$0x4] =	wrdreg s0  }
0x1c: {  	s20 =	simm.s32 $0xFA0;
	s24 =	simm.s32 $0x1;
	[dreg:$0x5] =	wrdreg s16  }
0x1d: {  	s0 =	sadd.s32 s19, s5;
	s22 =	sadd.s32 s6, s5;
	s16 =	sadd.s32 s26, s5  }
0x1e: {  	s19 =	simm.s32 $0x4;
	s26 =	simm.s32 $0x2;
	[dreg:$0x6] =	wrdreg s0  }
0x1f: {  	s6 =	simm.s32 $0x3;
	[dreg:$0x7] =	wrdreg s22;
	s0 =	sshrl.u32 @p0 s17, $0x3  }
0x20: {  	s22 =	simm.s32 $0x1388;
	[dreg:$0x11] =	wrdreg s0;
	s0 =	simm.s32 $0x1B58  }
.LBB2_1:
0x21: {  	s9 =	rddreg [dreg:$0xa]  }
0x22: {  	s1 =	simm.s32 @p0 $0x1FC4;
	s10 =	rddreg [dreg:$0x11]  }
0x23: {  	[spmem:s10], [sflag:s1] =	dma.local @p0 [hbm:s9], $0x1810  }
0x24: {  	s1 =	simm.s32 @p0 $0x4  }
0x25: {  	s10 =	stileid.u32;
	_ =	swait.ge @p0 [sflag:s1], $0x1810  }
0x26: {  	s9 =	sshll.u32 @!p0 s10, $0x6;
	[sflag:s1] =	ssyncset.done @p0 $0x0  }
0x27: {  	[sflag:s1] =	ssyncadd.s32 @p0 $0xFFFFE7F0;
	s1 =	sor.u32 @!p0 $0x1C04, s9;
	s9 =	rddreg [dreg:$0x9]  }
0x28: {  	[spmem:s18], [sflag:s1] =	dma.local @!p0 [hbm:s9], $0x1870  }
0x29: {  	s1 =	simm.s32 @!p0 $0x4  }
0x2a: {  	_ =	swait.ge @!p0 [sflag:s1], $0x1870  }
0x2b: {  	s17 =	sshll.u32 s10, $0x6;
	s10 =	sshrl.u32 s8, $0x3;
	[sflag:s1] =	ssyncset.done @!p0 $0x0  }
0x2c: {  	s9 =	sor.u32 $0x1C04, s17;
	s11 =	rddreg [dreg:$0xb];
	[sflag:s1] =	ssyncadd.s32 @!p0 $0xFFFFE790  }
0x2d: {  	[spmem:s10], [sflag:s9] =	dma.local [hbm:s11], $0x1870  }
0x2e: {  	_ =	swait.ge [sflag:s19], $0x1870  }
0x2f: {  	[sflag:s19] =	ssyncset.done $0x0  }
0x30: {  	[sflag:s19] =	ssyncadd.s32 $0xFFFFE790  }
0x31: {  	[bflag:$0x0] =	sbarrier.arrive $0xFFFF  }
0x32: {  	s13 =	rddreg [dreg:$0xc]  }
0x33: {  	[tilespmem:s4], [sflag:$0x4] =	stream.linear.gather [hbm4b:s13+s4], $0x3E8, $0x38;
	[tilespmem:$0x1E490] =	vst v63  }
0x34: {  	_ =	swait.ge [sflag:s19], $0x3E8  }
0x35: {  	[sflag:s19] =	ssyncset.done $0x0  }
0x36: {  	s14 =	rddreg [dreg:$0xd];
	[sflag:s19] =	ssyncadd.s32 $0xFFFFFC18  }
0x37: {  	[tilespmem:s20], [sflag:$0x4] =	stream.linear.gather [hbm4b:s14+s4], $0x3E8, $0x38;
	[tilespmem:$0x1E490] =	vst v63  }
0x38: {  	_ =	swait.ge [sflag:s19], $0x3E8  }
0x39: {  	s15 =	rddreg [dreg:$0x8];
	[sflag:s19] =	ssyncset.done $0x0  }
0x3a: {  	p1 =	por $0x1, $0x1;
	[sflag:s19] =	ssyncadd.s32 $0xFFFFFC18;
	s1 =	sadd.s32 $0x0, s15  }
0x3b: {  	[tilespmem:s21], [sflag:$0x2] =	stream.linear.gather [hbm4b:s1+s4], $0x3E8, $0x38;
	[tilespmem:$0x1E490] =	vst v63  }
0x3c: {  	s17 =	sadd.s32 $0x0, s16;
	s1 =	simm.s32 @!p1 $0x3  }
0x3d: {  	[tilespmem:s22], [sflag:$0x2] =	stream.linear.gather [hbm4b:s17+s4], $0x3E8, $0x38;
	[tilespmem:$0x1E490] =	vst v63  }
0x3e: {  	_ =	swait.ge @!p1 [sflag:s1], $0x1F40  }
0x3f: {  	[sflag:s1] =	ssyncset.done @!p1 $0x0  }
0x40: {  	[sflag:s1] =	ssyncadd.s32 @!p1 $0xFFFFE0C0  }
0x41: {  	[tilespmem:s23], [sflag:$0x1] =	stream.indirect.gather [spmem:s2], $0x8, s4, s21, $0xb8;
	[tilespmem:$0x1E490] =	vst v63  }
0x42: {  	_ =	swait.ge [sflag:s24], $0x1F40  }
0x43: {  	[sflag:s24] =	ssyncset.done $0x0  }
0x44: {  	[sflag:s24] =	ssyncadd.s32 $0xFFFFE0C0  }
0x45: {  	[spmem:s3] =	stream.indirect.scatter.add.f32 [tilespmem:s23], [sflag:$0x3], $0x8, s20, s21, $0xb8;
	[tilespmem:$0x1E490] =	vst v63  }
0x46: {  	_ =	swait.ge [sflag:s26], $0x3E8  }
0x47: {  	[sflag:s26] =	ssyncset.done $0x0  }
0x48: {  	[sflag:s26] =	ssyncadd.s32 $0xFFFFFC18  }
0x49: {  	_ =	swait.ge [sflag:s26], $0x3E8  }
0x4a: {  	s11 =	rddreg [dreg:$0x6];
	[sflag:s26] =	ssyncset.done $0x0  }
0x4b: {  	s13 =	rddreg [dreg:$0x7];
	[sflag:s26] =	ssyncadd.s32 $0xFFFFFC18;
	s11 =	sadd.s32 $0x0, s11  }
0x4c: {  	[tilespmem:s28], [sflag:$0x2] =	stream.linear.gather [hbm4b:s11+s4], $0x3E8, $0x38;
	[tilespmem:$0x1E490] =	vst v63  }
0x4d: {  	s10 =	sadd.s32 $0x0, s13  }
0x4e: {  	[tilespmem:s29], [sflag:$0x2] =	stream.linear.gather [hbm4b:s10+s4], $0x3E8, $0x38;
	[tilespmem:$0x1E490] =	vst v63  }
0x4f: {  	_ =	swait.ge @!p1 [sflag:s1], $0x1F40  }
0x50: {  	[sflag:s1] =	ssyncset.done @!p1 $0x0  }
0x51: {  	[sflag:s1] =	ssyncadd.s32 @!p1 $0xFFFFE0C0  }
0x52: {  	[tilespmem:s30], [sflag:$0x1] =	stream.indirect.gather [spmem:s2], $0x8, s21, s21, $0xb8;
	[tilespmem:$0x1E490] =	vst v63  }
0x53: {  	_ =	swait.ge [sflag:s24], $0x1F40  }
0x54: {  	[sflag:s24] =	ssyncset.done $0x0  }
0x55: {  	[sflag:s24] =	ssyncadd.s32 $0xFFFFE0C0  }
0x56: {  	[spmem:s3] =	stream.indirect.scatter.add.f32 [tilespmem:s30], [sflag:$0x3], $0x8, s22, s21, $0xb8;
	[tilespmem:$0x1E490] =	vst v63  }
0x57: {  	_ =	swait.ge [sflag:s26], $0x3E8  }
0x58: {  	[sflag:s26] =	ssyncset.done $0x0  }
0x59: {  	[sflag:s26] =	ssyncadd.s32 $0xFFFFFC18  }
0x5a: {  	_ =	swait.ge [sflag:s26], $0x3E8  }
0x5b: {  	s13 =	rddreg [dreg:$0x4];
	[sflag:s26] =	ssyncset.done $0x0  }
0x5c: {  	s14 =	rddreg [dreg:$0x5];
	[sflag:s26] =	ssyncadd.s32 $0xFFFFFC18;
	s1 =	sadd.s32 $0x0, s13  }
0x5d: {  	[tilespmem:s31], [sflag:$0x2] =	stream.linear.gather [hbm4b:s1+s4], $0x3E8, $0x38;
	[tilespmem:$0x1E490] =	vst v63  }
0x5e: {  	s15 =	sadd.s32 $0x0, s14  }
0x5f: {  	[tilespmem:s0], [sflag:$0x2] =	stream.linear.gather [hbm4b:s15+s4], $0x3E8, $0x38;
	[tilespmem:$0x1E490] =	vst v63  }
0x60: {  	_ =	swait.ge [sflag:s6], $0x1F40  }
0x61: {  	[sflag:s6] =	ssyncset.done $0x0  }
0x62: {  	[sflag:s6] =	ssyncadd.s32 $0xFFFFE0C0  }
0x63: {  	[tilespmem:s23], [sflag:$0x1] =	stream.indirect.gather [spmem:s2], $0x8, s28, s21, $0xb8;
	[tilespmem:$0x1E490] =	vst v63  }
0x64: {  	_ =	swait.ge [sflag:s24], $0x1F40  }
0x65: {  	[sflag:s24] =	ssyncset.done $0x0  }
0x66: {  	[sflag:s24] =	ssyncadd.s32 $0xFFFFE0C0  }
0x67: {  	[spmem:s3] =	stream.indirect.scatter.add.f32 [tilespmem:s23], [sflag:$0x3], $0x8, s29, s21, $0xb8;
	[tilespmem:$0x1E490] =	vst v63  }
0x68: {  	_ =	swait.ge [sflag:s26], $0x3E8  }
0x69: {  	p1 =	slt.s32 s12, $0x619478;
	s1 =	smov.u32 s12;
	[sflag:s26] =	ssyncset.done $0x0  }
0x6a: {  	s1 =	simm.s32 @!p1 $0x619478;
	[sflag:s26] =	ssyncadd.s32 $0xFFFFFC18  }
0x6b: {  	s1 =	sshrl.u32 s1, $0x3;
	_ =	swait.ge [sflag:s26], $0x3E8  }
0x6c: {  	s1 =	sadd.s32 s5, s1;
	[sflag:s26] =	ssyncset.done $0x0  }
0x6d: {  	s17 =	sadd.s32 $0x1F4, s1;
	[sflag:s26] =	ssyncadd.s32 $0xFFFFFC18  }
0x6e: {  	[tilespmem:s4], [sflag:$0x2] =	stream.linear.gather [hbm4b:s17+s4], $0x3E8, $0x38;
	[tilespmem:$0x1E490] =	vst v63  }
0x6f: {  	s1 =	sadd.s32 $0xC36F4, s1  }
0x70: {  	[tilespmem:s20], [sflag:$0x2] =	stream.linear.gather [hbm4b:s1+s4], $0x3E8, $0x38;
	[tilespmem:$0x1E490] =	vst v63  }
0x71: {  	_ =	swait.ge [sflag:s6], $0x1F40  }
0x72: {  	[sflag:s6] =	ssyncset.done $0x0  }
0x73: {  	[sflag:s6] =	ssyncadd.s32 $0xFFFFE0C0  }
0x74: {  	[tilespmem:s30], [sflag:$0x1] =	stream.indirect.gather [spmem:s2], $0x8, s31, s21, $0xb8;
	[tilespmem:$0x1E490] =	vst v63  }
0x75: {  	_ =	swait.ge [sflag:s24], $0x1F40  }
0x76: {  	[sflag:s24] =	ssyncset.done $0x0  }
0x77: {  	[sflag:s24] =	ssyncadd.s32 $0xFFFFE0C0  }
0x78: {  	[spmem:s3] =	stream.indirect.scatter.add.f32 [tilespmem:s30], [sflag:$0x3], $0x8, s0, s21, $0xb8;
	[tilespmem:$0x1E490] =	vst v63  }
0x79: {  	_ =	swait.ge [sflag:s26], $0x3E8  }
0x7a: {  	[sflag:s26] =	ssyncset.done $0x0  }
0x7b: {  	s11 =	sadd.s32 $0xFA0, s12;
	[sflag:s26] =	ssyncadd.s32 $0xFFFFFC18  }
0x7c: {  	s13 =	simm.s32 $0x3E8;
	s1 =	simm.s32 $0x1F4;
	_ =	swait.ge [sflag:s26], $0x3E8  }
.LBB2_2:
0x7d: {  	s10 =	rddreg [dreg:$0x8];
	[sflag:s26] =	ssyncset.done $0x0  }
0x7e: {  	p2 =	seq.s32 s1, $0x0;
	[sflag:s26] =	ssyncadd.s32 $0xFFFFFC18;
	s10 =	sadd.s32 s1, s10  }
0x7f: {  	[tilespmem:s21], [sflag:$0x2] =	stream.linear.gather [hbm4b:s10+s4], $0x3E8, $0x38;
	[tilespmem:$0x1E490] =	vst v63  }
0x80: {  	s15 =	sadd.s32 s1, s16;
	s10 =	simm.s32 @!p2 $0x3  }
0x81: {  	[tilespmem:s22], [sflag:$0x2] =	stream.linear.gather [hbm4b:s15+s4], $0x3E8, $0x38;
	[tilespmem:$0x1E490] =	vst v63  }
0x82: {  	_ =	swait.ge @!p2 [sflag:s10], $0x1F40  }
0x83: {  	[sflag:s10] =	ssyncset.done @!p2 $0x0  }
0x84: {  	[sflag:s10] =	ssyncadd.s32 @!p2 $0xFFFFE0C0  }
0x85: {  	[tilespmem:s23], [sflag:$0x1] =	stream.indirect.gather [spmem:s2], $0x8, s4, s21, $0xb8;
	[tilespmem:$0x1E490] =	vst v63  }
0x86: {  	_ =	swait.ge [sflag:s24], $0x1F40  }
0x87: {  	[sflag:s24] =	ssyncset.done $0x0  }
0x88: {  	[sflag:s24] =	ssyncadd.s32 $0xFFFFE0C0  }
0x89: {  	[spmem:s3] =	stream.indirect.scatter.add.f32 [tilespmem:s23], [sflag:$0x3], $0x8, s20, s21, $0xb8;
	[tilespmem:$0x1E490] =	vst v63  }
0x8a: {  	_ =	swait.ge [sflag:s26], $0x3E8  }
0x8b: {  	[sflag:s26] =	ssyncset.done $0x0  }
0x8c: {  	[sflag:s26] =	ssyncadd.s32 $0xFFFFFC18  }
0x8d: {  	_ =	swait.ge [sflag:s26], $0x3E8  }
0x8e: {  	s15 =	rddreg [dreg:$0x6];
	[sflag:s26] =	ssyncset.done $0x0  }
0x8f: {  	s17 =	rddreg [dreg:$0x7];
	[sflag:s26] =	ssyncadd.s32 $0xFFFFFC18;
	s15 =	sadd.s32 s1, s15  }
0x90: {  	[tilespmem:s28], [sflag:$0x2] =	stream.linear.gather [hbm4b:s15+s4], $0x3E8, $0x38;
	[tilespmem:$0x1E490] =	vst v63  }
0x91: {  	s17 =	sadd.s32 s1, s17  }
0x92: {  	[tilespmem:s29], [sflag:$0x2] =	stream.linear.gather [hbm4b:s17+s4], $0x3E8, $0x38;
	[tilespmem:$0x1E490] =	vst v63  }
0x93: {  	_ =	swait.ge @!p2 [sflag:s10], $0x1F40  }
0x94: {  	[sflag:s10] =	ssyncset.done @!p2 $0x0  }
0x95: {  	[sflag:s10] =	ssyncadd.s32 @!p2 $0xFFFFE0C0  }
0x96: {  	[tilespmem:s30], [sflag:$0x1] =	stream.indirect.gather [spmem:s2], $0x8, s21, s21, $0xb8;
	[tilespmem:$0x1E490] =	vst v63  }
0x97: {  	_ =	swait.ge [sflag:s24], $0x1F40  }
0x98: {  	[sflag:s24] =	ssyncset.done $0x0  }
0x99: {  	[sflag:s24] =	ssyncadd.s32 $0xFFFFE0C0  }
0x9a: {  	[spmem:s3] =	stream.indirect.scatter.add.f32 [tilespmem:s30], [sflag:$0x3], $0x8, s22, s21, $0xb8;
	[tilespmem:$0x1E490] =	vst v63  }
0x9b: {  	_ =	swait.ge [sflag:s26], $0x3E8  }
0x9c: {  	[sflag:s26] =	ssyncset.done $0x0  }
0x9d: {  	[sflag:s26] =	ssyncadd.s32 $0xFFFFFC18  }
0x9e: {  	_ =	swait.ge [sflag:s26], $0x3E8  }
0x9f: {  	s15 =	rddreg [dreg:$0x4];
	[sflag:s26] =	ssyncset.done $0x0  }
0xa0: {  	s17 =	rddreg [dreg:$0x5];
	[sflag:s26] =	ssyncadd.s32 $0xFFFFFC18;
	s10 =	sadd.s32 s1, s15  }
0xa1: {  	[tilespmem:s31], [sflag:$0x2] =	stream.linear.gather [hbm4b:s10+s4], $0x3E8, $0x38;
	[tilespmem:$0x1E490] =	vst v63  }
0xa2: {  	s15 =	sadd.s32 s1, s17  }
0xa3: {  	[tilespmem:s0], [sflag:$0x2] =	stream.linear.gather [hbm4b:s15+s4], $0x3E8, $0x38;
	[tilespmem:$0x1E490] =	vst v63  }
0xa4: {  	_ =	swait.ge [sflag:s6], $0x1F40  }
0xa5: {  	[sflag:s6] =	ssyncset.done $0x0  }
0xa6: {  	[sflag:s6] =	ssyncadd.s32 $0xFFFFE0C0  }
0xa7: {  	[tilespmem:s23], [sflag:$0x1] =	stream.indirect.gather [spmem:s2], $0x8, s28, s21, $0xb8;
	[tilespmem:$0x1E490] =	vst v63  }
0xa8: {  	_ =	swait.ge [sflag:s24], $0x1F40  }
0xa9: {  	[sflag:s24] =	ssyncset.done $0x0  }
0xaa: {  	[sflag:s24] =	ssyncadd.s32 $0xFFFFE0C0  }
0xab: {  	[spmem:s3] =	stream.indirect.scatter.add.f32 [tilespmem:s23], [sflag:$0x3], $0x8, s29, s21, $0xb8;
	[tilespmem:$0x1E490] =	vst v63  }
0xac: {  	_ =	swait.ge [sflag:s26], $0x3E8  }
0xad: {  	p2 =	slt.s32 s11, $0x619478;
	s10 =	smov.u32 s11;
	[sflag:s26] =	ssyncset.done $0x0  }
0xae: {  	s10 =	simm.s32 @!p2 $0x619478;
	[sflag:s26] =	ssyncadd.s32 $0xFFFFFC18  }
0xaf: {  	s10 =	sshrl.u32 s10, $0x3;
	_ =	swait.ge [sflag:s26], $0x3E8  }
0xb0: {  	s10 =	sadd.s32 s5, s10;
	[sflag:s26] =	ssyncset.done $0x0  }
0xb1: {  	s17 =	sadd.s32 $0x1F4, s10;
	[sflag:s26] =	ssyncadd.s32 $0xFFFFFC18  }
0xb2: {  	[tilespmem:s4], [sflag:$0x2] =	stream.linear.gather [hbm4b:s17+s4], $0x3E8, $0x38;
	[tilespmem:$0x1E490] =	vst v63  }
0xb3: {  	s10 =	sadd.s32 $0xC36F4, s10  }
0xb4: {  	[tilespmem:s20], [sflag:$0x2] =	stream.linear.gather [hbm4b:s10+s4], $0x3E8, $0x38;
	[tilespmem:$0x1E490] =	vst v63  }
0xb5: {  	_ =	swait.ge [sflag:s6], $0x1F40  }
0xb6: {  	[sflag:s6] =	ssyncset.done $0x0  }
0xb7: {  	[sflag:s6] =	ssyncadd.s32 $0xFFFFE0C0  }
0xb8: {  	[tilespmem:s30], [sflag:$0x1] =	stream.indirect.gather [spmem:s2], $0x8, s31, s21, $0xb8;
	[tilespmem:$0x1E490] =	vst v63  }
0xb9: {  	_ =	swait.ge [sflag:s24], $0x1F40  }
0xba: {  	s14 =	smov.u32 s13;
	s13 =	sadd.s32 $0x1F4, s13;
	[sflag:s24] =	ssyncset.done $0x0  }
0xbb: {  	p1 =	sne.s32 s13, $0x61A8;
	[sflag:s24] =	ssyncadd.s32 $0xFFFFE0C0  }
0xbc: {  	[spmem:s3] =	stream.indirect.scatter.add.f32 [tilespmem:s30], [sflag:$0x3], $0x8, s0, s21, $0xb8;
	[tilespmem:$0x1E490] =	vst v63  }
.Ltmp0:
0xbd: {  	_ = 	snop;
	(pc) =	sbr.rel @p1 .LBB2_2-.Ltmp0, $4  }
0xbe: {  	_ =	swait.ge [sflag:s26], $0x3E8  }
0xbf: {  	[sflag:s26] =	ssyncset.done $0x0  }
0xc0: {  	[sflag:s26] =	ssyncadd.s32 $0xFFFFFC18  }
0xc1: {  	s1 =	smov.u32 s14;
	s11 =	sadd.s32 $0xFA0, s11;
	_ =	swait.ge [sflag:s26], $0x3E8  }
0xc2: {  	s10 =	rddreg [dreg:$0x8];
	[sflag:s26] =	ssyncset.done $0x0  }
0xc3: {  	p1 =	seq.s32 s1, $0x0;
	[sflag:s26] =	ssyncadd.s32 $0xFFFFFC18;
	s10 =	sadd.s32 s1, s10  }
0xc4: {  	[tilespmem:s21], [sflag:$0x2] =	stream.linear.gather [hbm4b:s10+s4], $0x3E8, $0x38;
	[tilespmem:$0x1E490] =	vst v63  }
0xc5: {  	s13 =	sadd.s32 s1, s16;
	s10 =	simm.s32 @!p1 $0x3  }
0xc6: {  	[tilespmem:s22], [sflag:$0x2] =	stream.linear.gather [hbm4b:s13+s4], $0x3E8, $0x38;
	[tilespmem:$0x1E490] =	vst v63  }
0xc7: {  	_ =	swait.ge @!p1 [sflag:s10], $0x1F40  }
0xc8: {  	[sflag:s10] =	ssyncset.done @!p1 $0x0  }
0xc9: {  	[sflag:s10] =	ssyncadd.s32 @!p1 $0xFFFFE0C0  }
0xca: {  	[tilespmem:s23], [sflag:$0x1] =	stream.indirect.gather [spmem:s2], $0x8, s4, s21, $0xb8;
	[tilespmem:$0x1E490] =	vst v63  }
0xcb: {  	_ =	swait.ge [sflag:s24], $0x1F40  }
0xcc: {  	[sflag:s24] =	ssyncset.done $0x0  }
0xcd: {  	[sflag:s24] =	ssyncadd.s32 $0xFFFFE0C0  }
0xce: {  	[spmem:s3] =	stream.indirect.scatter.add.f32 [tilespmem:s23], [sflag:$0x3], $0x8, s20, s21, $0xb8;
	[tilespmem:$0x1E490] =	vst v63  }
0xcf: {  	_ =	swait.ge [sflag:s26], $0x3E8  }
0xd0: {  	[sflag:s26] =	ssyncset.done $0x0  }
0xd1: {  	[sflag:s26] =	ssyncadd.s32 $0xFFFFFC18  }
0xd2: {  	_ =	swait.ge [sflag:s26], $0x3E8  }
0xd3: {  	s13 =	rddreg [dreg:$0x6];
	[sflag:s26] =	ssyncset.done $0x0  }
0xd4: {  	s14 =	rddreg [dreg:$0x7];
	[sflag:s26] =	ssyncadd.s32 $0xFFFFFC18;
	s13 =	sadd.s32 s1, s13  }
0xd5: {  	[tilespmem:s28], [sflag:$0x2] =	stream.linear.gather [hbm4b:s13+s4], $0x3E8, $0x38;
	[tilespmem:$0x1E490] =	vst v63  }
0xd6: {  	s14 =	sadd.s32 s1, s14  }
0xd7: {  	[tilespmem:s29], [sflag:$0x2] =	stream.linear.gather [hbm4b:s14+s4], $0x3E8, $0x38;
	[tilespmem:$0x1E490] =	vst v63  }
0xd8: {  	_ =	swait.ge @!p1 [sflag:s10], $0x1F40  }
0xd9: {  	[sflag:s10] =	ssyncset.done @!p1 $0x0  }
0xda: {  	[sflag:s10] =	ssyncadd.s32 @!p1 $0xFFFFE0C0  }
0xdb: {  	[tilespmem:s30], [sflag:$0x1] =	stream.indirect.gather [spmem:s2], $0x8, s21, s21, $0xb8;
	[tilespmem:$0x1E490] =	vst v63  }
0xdc: {  	_ =	swait.ge [sflag:s24], $0x1F40  }
0xdd: {  	[sflag:s24] =	ssyncset.done $0x0  }
0xde: {  	[sflag:s24] =	ssyncadd.s32 $0xFFFFE0C0  }
0xdf: {  	[spmem:s3] =	stream.indirect.scatter.add.f32 [tilespmem:s30], [sflag:$0x3], $0x8, s22, s21, $0xb8;
	[tilespmem:$0x1E490] =	vst v63  }
0xe0: {  	_ =	swait.ge [sflag:s26], $0x3E8  }
0xe1: {  	[sflag:s26] =	ssyncset.done $0x0  }
0xe2: {  	[sflag:s26] =	ssyncadd.s32 $0xFFFFFC18  }
0xe3: {  	_ =	swait.ge [sflag:s26], $0x3E8  }
0xe4: {  	s15 =	rddreg [dreg:$0x4];
	[sflag:s26] =	ssyncset.done $0x0  }
0xe5: {  	s17 =	rddreg [dreg:$0x5];
	[sflag:s26] =	ssyncadd.s32 $0xFFFFFC18;
	s10 =	sadd.s32 s1, s15  }
0xe6: {  	[tilespmem:s31], [sflag:$0x2] =	stream.linear.gather [hbm4b:s10+s4], $0x3E8, $0x38;
	[tilespmem:$0x1E490] =	vst v63  }
0xe7: {  	s13 =	sadd.s32 s1, s17  }
0xe8: {  	[tilespmem:s0], [sflag:$0x2] =	stream.linear.gather [hbm4b:s13+s4], $0x3E8, $0x38;
	[tilespmem:$0x1E490] =	vst v63  }
0xe9: {  	_ =	swait.ge [sflag:s6], $0x1F40  }
0xea: {  	[sflag:s6] =	ssyncset.done $0x0  }
0xeb: {  	[sflag:s6] =	ssyncadd.s32 $0xFFFFE0C0  }
0xec: {  	[tilespmem:s23], [sflag:$0x1] =	stream.indirect.gather [spmem:s2], $0x8, s28, s21, $0xb8;
	[tilespmem:$0x1E490] =	vst v63  }
0xed: {  	_ =	swait.ge [sflag:s24], $0x1F40  }
0xee: {  	[sflag:s24] =	ssyncset.done $0x0  }
0xef: {  	[sflag:s24] =	ssyncadd.s32 $0xFFFFE0C0  }
0xf0: {  	[spmem:s3] =	stream.indirect.scatter.add.f32 [tilespmem:s23], [sflag:$0x3], $0x8, s29, s21, $0xb8;
	[tilespmem:$0x1E490] =	vst v63  }
0xf1: {  	_ =	swait.ge [sflag:s26], $0x3E8  }
0xf2: {  	p1 =	slt.s32 s11, $0x619478;
	[sflag:s26] =	ssyncset.done $0x0  }
0xf3: {  	s11 =	simm.s32 @!p1 $0x619478;
	[sflag:s26] =	ssyncadd.s32 $0xFFFFFC18  }
0xf4: {  	s14 =	sshrl.u32 s11, $0x3;
	_ =	swait.ge [sflag:s26], $0x3E8  }
0xf5: {  	s1 =	sadd.s32 s5, s14;
	[sflag:s26] =	ssyncset.done $0x0  }
0xf6: {  	s15 =	sadd.s32 $0x1F4, s1;
	[sflag:s26] =	ssyncadd.s32 $0xFFFFFC18  }
0xf7: {  	[tilespmem:s4], [sflag:$0x2] =	stream.linear.gather [hbm4b:s15+s4], $0x3E8, $0x38;
	[tilespmem:$0x1E490] =	vst v63  }
0xf8: {  	s1 =	sadd.s32 $0xC36F4, s1  }
0xf9: {  	[tilespmem:s20], [sflag:$0x2] =	stream.linear.gather [hbm4b:s1+s4], $0x3E8, $0x38;
	[tilespmem:$0x1E490] =	vst v63  }
0xfa: {  	_ =	swait.ge [sflag:s6], $0x1F40  }
0xfb: {  	[sflag:s6] =	ssyncset.done $0x0  }
0xfc: {  	[sflag:s6] =	ssyncadd.s32 $0xFFFFE0C0  }
0xfd: {  	[tilespmem:s30], [sflag:$0x1] =	stream.indirect.gather [spmem:s2], $0x8, s31, s21, $0xb8;
	[tilespmem:$0x1E490] =	vst v63  }
0xfe: {  	_ =	swait.ge [sflag:s24], $0x1F40  }
0xff: {  	[sflag:s24] =	ssyncset.done $0x0  }
0x100: {  	[sflag:s24] =	ssyncadd.s32 $0xFFFFE0C0  }
0x101: {  	[spmem:s3] =	stream.indirect.scatter.add.f32 [tilespmem:s30], [sflag:$0x3], $0x8, s0, s21, $0xb8;
	[tilespmem:$0x1E490] =	vst v63  }
0x102: {  	_ =	swait.ge [sflag:s26], $0x3E8  }
0x103: {  	[sflag:s26] =	ssyncset.done $0x0  }
0x104: {  	[sflag:s26] =	ssyncadd.s32 $0xFFFFFC18  }
0x105: {  	_ =	swait.ge [sflag:s26], $0x3E8  }
0x106: {  	[sflag:s26] =	ssyncset.done $0x0  }
0x107: {  	[sflag:s26] =	ssyncadd.s32 $0xFFFFFC18  }
0x108: {  	_ =	swait.ge [sflag:s6], $0x1F40  }
0x109: {  	[sflag:s6] =	ssyncset.done $0x0  }
0x10a: {  	[sflag:s6] =	ssyncadd.s32 $0xFFFFE0C0  }
0x10b: {  	_ =	swait.ge [sflag:s6], $0x1F40  }
0x10c: {  	[sflag:s6] =	ssyncset.done $0x0  }
0x10d: {  	[sflag:s6] =	ssyncadd.s32 $0xFFFFE0C0  }
0x10e: {  	[bflag:$0x0] =	sbarrier.arrive $0xFFFF  }
0x10f: {  	s1 =	rddreg [dreg:$0xf]  }
0x110: {  	[hbm:s1], [sflag:s9] =	dma.local @p0 [spmem:s25], $0x1810  }
0x111: {  	s1 =	simm.s32 @p0 $0x4  }
0x112: {  	_ =	swait.ge @p0 [sflag:s1], $0x1810  }
0x113: {  	[sflag:s1] =	ssyncset.done @p0 $0x0  }
0x114: {  	s10 =	rddreg [dreg:$0xe];
	[sflag:s1] =	ssyncadd.s32 @p0 $0xFFFFE7F0;
	s1 =	sshrl.u32 @!p0 s8, $0x3  }
0x115: {  	[hbm:s10], [sflag:s9] =	dma.local @!p0 [spmem:s1], $0x1870  }
0x116: {  	s1 =	simm.s32 @!p0 $0x4  }
0x117: {  	_ =	swait.ge @!p0 [sflag:s1], $0x1870  }
0x118: {  	s7 =	sadd.s32 $0x1, s7;
	s17 =	rddreg [dreg:$0x10]  }
0x119: {  	p1 =	sne.s32 s7, s17  }
.Ltmp1:
0x11a: {  	_ = 	snop;
	(pc) =	sbr.rel @p1 .LBB2_1-.Ltmp1, $3  }
0x11b: {  	_ =	sdelay $0x1  }
0x11c: {  	[sflag:s1] =	ssyncset.done @!p0 $0x0  }
0x11d: {  	[sflag:s1] =	ssyncadd.s32 @!p0 $0xFFFFE790  }
0x11e: {  	_ =	sfence.sel $0x180000  }
0x11f: {  	[bflag:$0x0] =	sbarrier.arrive $0xFFFF  }
0x120: {  	_ =	strace $0x90000050  }
0x121: {  	s0 =	stileid.u32;
	[bflag:$0x2] =	sbarrier.arrive $0xFFFF  }
0x122: {  	p0 =	sne.s32 s0, $0x0;
	s0 =	rddreg [dreg:$0x3]  }
0x123: {  	s0 =	sadd.s32 @!p0 $0x100000, s0  }
0x124: {  	[sflag:s0] =	ssyncadd.tile.s32 @!p0 $0x1;
	_ =	shalt  }
.Lfunc_end2:
_tile_overlayer_lowered:
.L_overlay_start_2:
0x125: {  	(tag) =	ssettag $0x2  }
0x126: {  	s0 =	rddreg [dreg:$0x0];
	s2 =	stileid.u32  }
0x127: {  	s1 =	rddreg [dreg:$0x1];
	p0 =	sne.s32 s2, $0x0  }
0x128: {  	s3 =	rddreg [dreg:$0x2];
	[bflag:$0x3] =	sbarrier.arrive $0xFFFF;
	s2 =	simm.s32 @!p0 $0x1C04  }
0x129: {  	[timem:s3], [sflag:s2] =	dma.local @!p0 [hbm:s0], s1  }
0x12a: {  	s0 =	simm.s32 @!p0 $0x4  }
0x12b: {  	_ =	swait.ge @!p0 [sflag:s0], s1  }
0x12c: {  	s1 =	ssub.s32 @!p0 $0x0, s1;
	[sflag:s0] =	ssyncset.done @!p0 $0x0  }
0x12d: {  	[sflag:s0] =	ssyncadd.s32 @!p0 s1  }
0x12e: {  	[bflag:$0x3] =	sbarrier.arrive $0xFFFF  }
0x12f: {  	_ =	shalt  }

// kernel: kernel.8.cloned.1.call-start
scs
__scs_entry_jumppad:
0x0: {  	(pc) =	sbr.rel $0x88, $3  }
0x1: {  	(tag) =	ssettag $0x0;
	lr =	simm.s32 $0x1  }
0x2: {  	[smem:$0x3F92] =	sst lr;
	_ =	strace $0xD0000000  }
0x3: {  	_ = 	snop  }
0x4: {  	_ = 	snop  }
0x5: {  	_ = 	snop  }
0x6: {  	_ = 	snop  }
0x7: {  	_ = 	snop  }
__scs_overlays_trampoline_lowered:
0x8: {  	[smem:$0x3FA1] =	sst s0  }
0x9: {  	[smem:$0x3FA2] =	sst s1  }
0xa: {  	[smem:$0x3FA3] =	sst s2  }
0xb: {  	[smem:$0x3FA4] =	sst s3  }
0xc: {  	[smem:$0x3FA5] =	sst s4  }
0xd: {  	[smem:$0x3FA6] =	sst s5  }
0xe: {  	[smem:$0x3FA7] =	sst s6  }
0xf: {  	[smem:$0x3FA8] =	sst s7  }
0x10: {  	[smem:$0x3FA9] =	sst s8  }
0x11: {  	[smem:$0x3FAA] =	sst s9;
	s0 =	simm.s32 @!p0 $0x0  }
0x12: {  	s1 =	sld [smem:$0x3F90];
	s0 =	simm.s32 @p0 $0x1  }
0x13: {  	[smem:$0x3FAB] =	sst s0;
	s0 =	simm.s32 @!p1 $0x0  }
0x14: {  	s2 =	sld [smem:$0x3F8F];
	s0 =	simm.s32 @p1 $0x1  }
0x15: {  	[smem:$0x3FAC] =	sst s0;
	s0 =	simm.s32 @!p2 $0x0  }
0x16: {  	s3 =	sld [smem:$0x3FDB];
	s0 =	simm.s32 @p2 $0x1  }
0x17: {  	s4 =	simm.s32 $0x1BF5;
	[smem:$0x3FAE] =	sst s0  }
0x18: {  	s0 =	sld [smem:$0x3F91];
	_ =	swait.ge [sflag:s4], $0x0  }
0x19: {  	s7 =	sld [smem:$0x3F92]  }
0x1a: {  	s8 =	sadd.s32 $0xFFFFE003, lr  }
0x1b: {  	s9 =	sadd.s32 $0xFFFFFEF7, lr;
	s5 =	simm.s32 $0xFFFFFFFF;
	p2 =	slt.u32 s8, $0xFFFFF086  }
0x1c: {  	p1 =	slt.u32 s9, $0xF7A;
	s5 =	simm.s32 @!p2 $0x0  }
0x1d: {  	s5 =	simm.s32 @p1 $0x1;
	p0 =	seq.s32 s7, s2  }
0x1e: {  	s7 =	smul.u32 @!p0 $0xF7A, s2;
	p2 =	seq.s32 @!p0 s5, $0x0  }
0x1f: {  	s9 =	smul.u32 $0xF7A, s1;
	s8 =	simm.s32 @!p0 $0x1BF5;
	p2 =	por !p2, p0  }
0x20: {  	[sflag:s8] =	ssyncset.s32 @!p0 $0xFFFFF086;
	s6 =	sadd.s32 @!p0 s3, s7;
	s7 =	simm.s32 @!p0 $0x108  }
0x21: {  	s3 =	sadd.s32 s3, s9;
	s6 =	sadd.s32 @!p0 $0x88, s6;
	s7 =	simm.s32 @p2 $0x1082  }
0x22: {  	[simem:s7], [sflag:s8] =	dma.local @!p0 [hbm:s6], $0xF7A  }
0x23: {  	s9 =	sor.u32 $0xD0000000, s2;
	s6 =	simm.s32 $0x108;
	_ =	swait.ge @!p0 [sflag:s8], $0x0  }
0x24: {  	s3 =	sadd.s32 $0x88, s3;
	s6 =	simm.s32 @!p1 $0x1082;
	[sflag:s4] =	ssyncset.s32 $0xFFFFF086  }
0x25: {  	[simem:s6], [sflag:s4] =	dma.local [hbm:s3], $0xF7A  }
0x26: {  	[smem:$0x3F92] =	sst s1;
	(tag) =	ssettag s2;
	_ =	strace s9  }
0x27: {  	s1 =	sld [smem:$0x3FA2]  }
0x28: {  	s2 =	sld [smem:$0x3FA3]  }
0x29: {  	s4 =	sld [smem:$0x3FA5]  }
0x2a: {  	p0 =	seq.s32 s5, $0x0;
	s5 =	sld [smem:$0x3FA6]  }
0x2b: {  	s6 =	sld [smem:$0x3FA7]  }
0x2c: {  	s7 =	sld [smem:$0x3FA8]  }
0x2d: {  	s3 =	simm.s32 $0x108;
	s8 =	sld [smem:$0x3FA9]  }
0x2e: {  	s3 =	simm.s32 @!p0 $0x1082;
	s9 =	sld [smem:$0x3FAA]  }
0x2f: {  	lr =	sadd.s32 s0, s3;
	s0 =	sld [smem:$0x3FA1]  }
0x30: {  	s3 =	sld [smem:$0x3FA4]  }
0x31: {  	[smem:$0x3FAD] =	sst s10  }
0x32: {  	s10 =	sld [smem:$0x3FAB];
	_ =	sdelay $0x3  }
0x33: {  	p0 =	seq.s32 s10, $0x1;
	s10 =	sld [smem:$0x3FAD];
	_ =	sdelay $0x3  }
0x34: {  	[smem:$0x3FAD] =	sst s10  }
0x35: {  	s10 =	sld [smem:$0x3FAC];
	_ =	sdelay $0x3  }
0x36: {  	p1 =	seq.s32 s10, $0x1;
	s10 =	sld [smem:$0x3FAD];
	_ =	sdelay $0x3  }
0x37: {  	[smem:$0x3FAD] =	sst s10  }
0x38: {  	s10 =	sld [smem:$0x3FAE]  }
0x39: {  	_ = 	snop;
	(pc) =	sbr.ind lr, $3  }
0x3a: {  	_ = 	snop  }
0x3b: {  	_ = 	snop  }
0x3c: {  	p2 =	seq.s32 s10, $0x1;
	s10 =	sld [smem:$0x3FAD]  }
0x3d: {  	_ =	shalt  }
0x3e: {  	_ =	shalt  }
0x3f: {  	_ =	shalt  }
0x40: {  	_ =	shalt  }
0x41: {  	_ =	shalt  }
0x42: {  	_ =	shalt  }
0x43: {  	_ =	shalt  }
0x44: {  	_ =	shalt  }
0x45: {  	_ =	shalt  }
0x46: {  	_ =	shalt  }
0x47: {  	_ =	shalt  }
0x48: {  	_ =	shalt  }
0x49: {  	_ =	shalt  }
0x4a: {  	_ =	shalt  }
0x4b: {  	_ =	shalt  }
0x4c: {  	_ =	shalt  }
0x4d: {  	_ =	shalt  }
0x4e: {  	_ =	shalt  }
0x4f: {  	_ =	shalt  }
0x50: {  	_ =	shalt  }
0x51: {  	_ =	shalt  }
0x52: {  	_ =	shalt  }
0x53: {  	_ =	shalt  }
0x54: {  	_ =	shalt  }
0x55: {  	_ =	shalt  }
0x56: {  	_ =	shalt  }
0x57: {  	_ =	shalt  }
0x58: {  	_ =	shalt  }
0x59: {  	_ =	shalt  }
0x5a: {  	_ =	shalt  }
0x5b: {  	_ =	shalt  }
0x5c: {  	_ =	shalt  }
0x5d: {  	_ =	shalt  }
0x5e: {  	_ =	shalt  }
0x5f: {  	_ =	shalt  }
0x60: {  	_ =	shalt  }
0x61: {  	_ =	shalt  }
0x62: {  	_ =	shalt  }
0x63: {  	_ =	shalt  }
0x64: {  	_ =	shalt  }
0x65: {  	_ =	shalt  }
0x66: {  	_ =	shalt  }
0x67: {  	_ =	shalt  }
0x68: {  	_ =	shalt  }
0x69: {  	_ =	shalt  }
0x6a: {  	_ =	shalt  }
0x6b: {  	_ =	shalt  }
0x6c: {  	_ =	shalt  }
0x6d: {  	_ =	shalt  }
0x6e: {  	_ =	shalt  }
0x6f: {  	_ =	shalt  }
0x70: {  	_ =	shalt  }
0x71: {  	_ =	shalt  }
0x72: {  	_ =	shalt  }
0x73: {  	_ =	shalt  }
0x74: {  	_ =	shalt  }
0x75: {  	_ =	shalt  }
0x76: {  	_ =	shalt  }
0x77: {  	_ =	shalt  }
0x78: {  	_ =	shalt  }
0x79: {  	_ =	shalt  }
0x7a: {  	_ =	shalt  }
0x7b: {  	_ =	shalt  }
0x7c: {  	_ =	shalt  }
0x7d: {  	_ =	shalt  }
0x7e: {  	_ =	shalt  }
0x7f: {  	_ =	shalt  }
0x80: {  	_ =	shalt  }
0x81: {  	_ =	shalt  }
0x82: {  	_ =	shalt  }
0x83: {  	_ =	shalt  }
0x84: {  	_ =	shalt  }
0x85: {  	_ =	shalt  }
0x86: {  	_ =	shalt  }
0x87: {  	_ =	shalt  }
.Lfunc_end0:
.L_simem_size_0:
called_computation.1_lowered:
.L_overlay_start_0:
0x88: {  	s2 =	sld [smem:$0x3FD9]  }
0x89: {  	s3 =	sld [smem:$0x3FFE];
	_ =	sdelay $0x1  }
0x8a: {  	s1 =	srdreg.scid  }
0x8b: {  	s0 =	sand.u32 $0x1, s1  }
0x8c: {  	s16 =	sshll.u32 s0, $0xA;
	s2 =	sadd.s32 s3, s2  }
0x8d: {  	s2 =	sadd.s32 s2, s16  }
0x8e: {  	[smem:$0x3FB9] =	sst s2  }
0x8f: {  	_ = 	snop  }
0x90: {  	(tm) =	ssettm $0x1  }
0x91: {  	s17 =	sld [smem:$0x3FFB];
	_ =	sdelay $0x3  }
0x92: {  	_ =	strace s17  }
0x93: {  	s2 =	sld [smem:$0x3FFC];
	_ =	sdelay $0x3  }
0x94: {  	_ =	strace s2  }
0x95: {  	s2 =	sld [smem:$0x3FFD];
	_ =	sdelay $0x3  }
0x96: {  	_ =	strace s2  }
0x97: {  	_ =	strace $0x8FFFFFFF  }
0x98: {  	s18 =	sld [smem:$0x3FDB];
	_ =	sdelay $0x1  }
0x99: {  	s19 =	simm.s32 $_scs_section_size  }
0x9a: {  	s4 =	simm.s32 $_size__tile_overlayer_lowered;
	s5 =	simm.s32 $_tile_overlayer_lowered  }
0x9b: {  	s22 =	simm.s32 $0x1BFF;
	s21 =	sshll.u32 s5, $0x1;
	s2 =	sadd.s32 s19, s18  }
0x9c: {  	s6 =	simm.s32 $0x0;
	s20 =	sshll.u32 s4, $0x1;
	s4 =	sadd.s32 s21, s2  }
0x9d: {  	[timem:s6], [sflag:s22] =	dma.local [hbm:s4], s20  }
0x9e: {  	_ =	swait.ge [sflag:s22], s20  }
0x9f: {  	s3 =	ssub.s32 $0x0, s20;
	[sflag:s22] =	ssyncset.done $0x0  }
0xa0: {  	[sflag:s22] =	ssyncadd.s32 s3;
	_ =	sdelay $0x1  }
0xa1: {  	s23 =	simm.s32 $0x1B8B  }
0xa2: {  	_ =	swait.ge [sflag:s23], $0x1  }
0xa3: {  	[sflag:s23] =	ssyncset.done $0x0  }
0xa4: {  	s25 =	simm.s32 $0x1B8E;
	s24 =	sld [smem:$0x3FFE];
	[sflag:s23] =	ssyncadd.s32 $0xFFFFFFFF  }
0xa5: {  	s26 =	simm.s32 $execute0_lowered;
	[smem:$0x3FD2] =	sst s25  }
0xa6: {  	s4 =	sshll.u32 s26, $0x1;
	_ =	strace $0x80000049;
	[dreg:$0x1] =	wrdreg $0xFFFFFFFF  }
0xa7: {  	s28 =	simm.s32 $_size_execute0_lowered;
	s2 =	sadd.s32 s2, s4;
	[dreg:$0x0] =	wrdreg $0x0  }
0xa8: {  	s4 =	sshll.u32 s28, $0x1;
	[dreg:$0x2] =	wrdreg s2  }
0xa9: {  	[dreg:$0x3] =	wrdreg s4  }
0xaa: {  	[dreg:$0x4] =	wrdreg $0xC0  }
0xab: {  	_ =	task [dreg:s6], $0x5FFFF  }
0xac: {  	[dreg:$0x1] =	wrdreg $0xFFFFFFFF  }
0xad: {  	[dreg:$0x0] =	wrdreg $0x60  }
0xae: {  	[dreg:$0x2] =	wrdreg s24  }
0xaf: {  	[dreg:$0x3] =	wrdreg $0x5DC00  }
0xb0: {  	[dreg:$0x4] =	wrdreg $0x121100  }
0xb1: {  	[dreg:$0x5] =	wrdreg $0x9  }
0xb2: {  	_ =	task.clear_ibuf [dreg:s6], $0x6FFFF;
	_ =	strace $0x90000049  }
0xb3: {  	s29 =	simm.s32 $0x9;
	_ =	strace $0x8000004B  }
0xb4: {  	_ =	swait.ge [sflag:s29], $0x1  }
0xb5: {  	[sflag:s29] =	ssyncadd.s32 $0xFFFFFFFF  }
0xb6: {  	_ =	strace $0x9000004B  }
0xb7: {  	_ =	sfence  }
0xb8: {  	s30 =	sld [smem:$0x0];
	_ =	sdelay $0x2  }
0xb9: {  	s31 =	sshll.u32 s1, $0xD;
	s1 =	sshrl.u32 s1, $0x2  }
0xba: {  	s3 =	sand.u32 $0x4000, s31;
	s1 =	sadd.s32 s1, s30  }
0xbb: {  	s0 =	sor.u32 s3, s0;
	s1 =	sshll.u32 s1, $0x11  }
0xbc: {  	s0 =	sor.u32 s1, s0  }
0xbd: {  	s0 =	sadd.s32 $0x8F2B, s0  }
0xbe: {  	[sflag:s0] =	ssyncadd.remote.s32 $0x1  }
0xbf: {  	_ =	sfence.sel $0xFFFF  }
0xc0: {  	[dreg:$0x0] =	wrdreg $0xFFFFFFFF;
	(pc) =	sbr.abs _section_cstart, $3  }
0xc1: {  	[dreg:$0x1] =	wrdreg $0xFFFFFFFF  }
0xc2: {  	_ =	task.clear_ibuf [dreg:s6], $0x2FFFF;
	_ =	strace $0x9FFFFFFF  }
0xc3: {  	(tm) =	ssettm $0x7FFFFFFF  }
tec
execute0_lowered:
.L_overlay_start_1:
0x0: {  	(tag) =	ssettag $0x1  }
0x1: {  	s0 =	rddreg [dreg:$0x0]  }
0x2: {  	s2 =	rddreg [dreg:$0x1]  }
0x3: {  	s3 =	rddreg [dreg:$0x2];
	s15 =	stileid.u32;
	s4 =	simm.s32 $0x0  }
0x4: {  	s5 =	srdreg.scid;
	s28 =	simm.s32 $0x7D0;
	s29 =	simm.s32 $0x1770  }
0x5: {  	s30 =	simm.s32 $0x3E80;
	s31 =	simm.s32 $0xBB8;
	s1 =	smul.u32 $0xC380, s15  }
0x6: {  	[smem:$0x7FF] =	sst s4;
	s7 =	sand.u32 $0x1, s5;
	s18 =	smul.u32 $0x1870, s15  }
0x7: {  	s5 =	sadd.s32 $0x3600, s0;
	s9 =	sadd.s32 $0x1BB000, s0;
	s12 =	smul.u32 $0x61A80, s15  }
0x8: {  	s11 =	sshll.u32 s15, $0x1;
	p0 =	seq.s32 s15, $0xF;
	s21 =	smul.u32 $0xC3500, s7  }
0x9: {  	_ =	strace $0x8000004A;
	s8 =	ssub.s32 $0x2, s7;
	s24 =	smul.u32 $0x30D40, s7  }
0xa: {  	s17 =	sor.u32 s7, s11;
	s25 =	smul.u32 $0x186A0, s7;
	s7 =	simm.s32 $0x0  }
0xb: {  	s6 =	sshrl.u32 s1, $0x3;
	s10 =	sshrl.u32 s8, $0x1;
	s14 =	sadd.s32 s1, s2  }
0xc: {  	s20 =	smul.u32 $0x30D40, s17;
	s17 =	sadd.s32 $0xB7480, s2;
	s26 =	sadd.s32 s9, s18  }
0xd: {  	s6 =	sadd.s32 s6, s0;
	s13 =	ssub.s32 s8, s10;
	s0 =	sadd.s32 $0x1A0E90, s0  }
0xe: {  	s8 =	sadd.s32 s1, s3;
	s12 =	sadd.s32 s24, s12;
	s1 =	sadd.s32 $0xB7480, s3  }
0xf: {  	s19 =	sadd.s32 $0x18A000, s6;
	[dreg:$0xa] =	wrdreg s0;
	s22 =	sshrl.u32 s20, $0x3  }
0x10: {  	s6 =	sadd.s32 $0x1A2800, s6;
	s0 =	sshrl.u32 s21, $0x3;
	s10 =	sadd.s32 $0xBB8, s12  }
0x11: {  	s11 =	sadd.s32 $0x61B3B8, s12;
	s13 =	smax.u32 s13, $0x1;
	s18 =	sadd.s32 $0x7D0, s12  }
0x12: {  	s20 =	sadd.s32 $0x61AFD0, s12;
	s21 =	sadd.s32 $0x3E8, s12;
	[dreg:$0x9] =	wrdreg s19  }
0x13: {  	[dreg:$0xb] =	wrdreg s6;
	s23 =	sadd.s32 s5, s22;
	s0 =	sadd.s32 s9, s0  }
0x14: {  	s9 =	sadd.s32 s25, s26;
	[dreg:$0x10] =	wrdreg s13;
	s19 =	sshrl.u32 s18, $0x3  }
0x15: {  	s25 =	sadd.s32 $0x61ABE8, s12;
	s18 =	sshrl.u32 @!p0 s14, $0x3;
	[dreg:$0xc] =	wrdreg s23  }
0x16: {  	s6 =	sadd.s32 $0xC3500, s23;
	[dreg:$0xe] =	wrdreg s9;
	s0 =	sadd.s32 $0x16E90, s0  }
0x17: {  	s23 =	sshrl.u32 s21, $0x3;
	s26 =	sshrl.u32 s25, $0x3;
	[dreg:$0xd] =	wrdreg s6  }
0x18: {  	s21 =	simm.s32 $0x3E8;
	s25 =	sshrl.u32 @p0 s1, $0x3;
	[dreg:$0xf] =	wrdreg s0  }
0x19: {  	s0 =	sshrl.u32 s10, $0x3;
	s6 =	sshrl.u32 s11, $0x3;
	s24 =	sadd.s32 s23, s5  }
0x1a: {  	s23 =	simm.s32 $0x1F40;
	s0 =	sadd.s32 s0, s5;
	[dreg:$0x8] =	wrdreg s24  }
0x1b: {  	s16 =	sadd.s32 s6, s5;
	s6 =	sshrl.u32 s20, $0x3;
	[dreg:$0x4] =	wrdreg s0  }
0x1c: {  	s20 =	simm.s32 $0xFA0;
	s24 =	simm.s32 $0x1;
	[dreg:$0x5] =	wrdreg s16  }
0x1d: {  	s0 =	sadd.s32 s19, s5;
	s22 =	sadd.s32 s6, s5;
	s16 =	sadd.s32 s26, s5  }
0x1e: {  	s19 =	simm.s32 $0x4;
	s26 =	simm.s32 $0x2;
	[dreg:$0x6] =	wrdreg s0  }
0x1f: {  	s6 =	simm.s32 $0x3;
	[dreg:$0x7] =	wrdreg s22;
	s0 =	sshrl.u32 @p0 s17, $0x3  }
0x20: {  	s22 =	simm.s32 $0x1388;
	[dreg:$0x11] =	wrdreg s0;
	s0 =	simm.s32 $0x1B58  }
.LBB2_1:
0x21: {  	s9 =	rddreg [dreg:$0xa]  }
0x22: {  	s1 =	simm.s32 @p0 $0x1FC4;
	s10 =	rddreg [dreg:$0x11]  }
0x23: {  	[spmem:s10], [sflag:s1] =	dma.local @p0 [hbm:s9], $0x1810  }
0x24: {  	s1 =	simm.s32 @p0 $0x4  }
0x25: {  	s10 =	stileid.u32;
	_ =	swait.ge @p0 [sflag:s1], $0x1810  }
0x26: {  	s9 =	sshll.u32 @!p0 s10, $0x6;
	[sflag:s1] =	ssyncset.done @p0 $0x0  }
0x27: {  	[sflag:s1] =	ssyncadd.s32 @p0 $0xFFFFE7F0;
	s1 =	sor.u32 @!p0 $0x1C04, s9;
	s9 =	rddreg [dreg:$0x9]  }
0x28: {  	[spmem:s18], [sflag:s1] =	dma.local @!p0 [hbm:s9], $0x1870  }
0x29: {  	s1 =	simm.s32 @!p0 $0x4  }
0x2a: {  	_ =	swait.ge @!p0 [sflag:s1], $0x1870  }
0x2b: {  	s17 =	sshll.u32 s10, $0x6;
	s10 =	sshrl.u32 s8, $0x3;
	[sflag:s1] =	ssyncset.done @!p0 $0x0  }
0x2c: {  	s9 =	sor.u32 $0x1C04, s17;
	s11 =	rddreg [dreg:$0xb];
	[sflag:s1] =	ssyncadd.s32 @!p0 $0xFFFFE790  }
0x2d: {  	[spmem:s10], [sflag:s9] =	dma.local [hbm:s11], $0x1870  }
0x2e: {  	_ =	swait.ge [sflag:s19], $0x1870  }
0x2f: {  	[sflag:s19] =	ssyncset.done $0x0  }
0x30: {  	[sflag:s19] =	ssyncadd.s32 $0xFFFFE790  }
0x31: {  	[bflag:$0x0] =	sbarrier.arrive $0xFFFF  }
0x32: {  	s13 =	rddreg [dreg:$0xc]  }
0x33: {  	[tilespmem:s4], [sflag:$0x4] =	stream.linear.gather [hbm4b:s13+s4], $0x3E8, $0x38;
	[tilespmem:$0x1E490] =	vst v63  }
0x34: {  	_ =	swait.ge [sflag:s19], $0x3E8  }
0x35: {  	[sflag:s19] =	ssyncset.done $0x0  }
0x36: {  	s14 =	rddreg [dreg:$0xd];
	[sflag:s19] =	ssyncadd.s32 $0xFFFFFC18  }
0x37: {  	[tilespmem:s20], [sflag:$0x4] =	stream.linear.gather [hbm4b:s14+s4], $0x3E8, $0x38;
	[tilespmem:$0x1E490] =	vst v63  }
0x38: {  	_ =	swait.ge [sflag:s19], $0x3E8  }
0x39: {  	s15 =	rddreg [dreg:$0x8];
	[sflag:s19] =	ssyncset.done $0x0  }
0x3a: {  	p1 =	por $0x1, $0x1;
	[sflag:s19] =	ssyncadd.s32 $0xFFFFFC18;
	s1 =	sadd.s32 $0x0, s15  }
0x3b: {  	[tilespmem:s21], [sflag:$0x2] =	stream.linear.gather [hbm4b:s1+s4], $0x3E8, $0x38;
	[tilespmem:$0x1E490] =	vst v63  }
0x3c: {  	s17 =	sadd.s32 $0x0, s16;
	s1 =	simm.s32 @!p1 $0x3  }
0x3d: {  	[tilespmem:s22], [sflag:$0x2] =	stream.linear.gather [hbm4b:s17+s4], $0x3E8, $0x38;
	[tilespmem:$0x1E490] =	vst v63  }
0x3e: {  	_ =	swait.ge @!p1 [sflag:s1], $0x1F40  }
0x3f: {  	[sflag:s1] =	ssyncset.done @!p1 $0x0  }
0x40: {  	[sflag:s1] =	ssyncadd.s32 @!p1 $0xFFFFE0C0  }
0x41: {  	[tilespmem:s23], [sflag:$0x1] =	stream.indirect.gather [spmem:s2], $0x8, s4, s21, $0xb8;
	[tilespmem:$0x1E490] =	vst v63  }
0x42: {  	_ =	swait.ge [sflag:s24], $0x1F40  }
0x43: {  	[sflag:s24] =	ssyncset.done $0x0  }
0x44: {  	[sflag:s24] =	ssyncadd.s32 $0xFFFFE0C0  }
0x45: {  	[spmem:s3] =	stream.indirect.scatter.add.f32 [tilespmem:s23], [sflag:$0x3], $0x8, s20, s21, $0xb8;
	[tilespmem:$0x1E490] =	vst v63  }
0x46: {  	_ =	swait.ge [sflag:s26], $0x3E8  }
0x47: {  	[sflag:s26] =	ssyncset.done $0x0  }
0x48: {  	[sflag:s26] =	ssyncadd.s32 $0xFFFFFC18  }
0x49: {  	_ =	swait.ge [sflag:s26], $0x3E8  }
0x4a: {  	s11 =	rddreg [dreg:$0x6];
	[sflag:s26] =	ssyncset.done $0x0  }
0x4b: {  	s13 =	rddreg [dreg:$0x7];
	[sflag:s26] =	ssyncadd.s32 $0xFFFFFC18;
	s11 =	sadd.s32 $0x0, s11  }
0x4c: {  	[tilespmem:s28], [sflag:$0x2] =	stream.linear.gather [hbm4b:s11+s4], $0x3E8, $0x38;
	[tilespmem:$0x1E490] =	vst v63  }
0x4d: {  	s10 =	sadd.s32 $0x0, s13  }
0x4e: {  	[tilespmem:s29], [sflag:$0x2] =	stream.linear.gather [hbm4b:s10+s4], $0x3E8, $0x38;
	[tilespmem:$0x1E490] =	vst v63  }
0x4f: {  	_ =	swait.ge @!p1 [sflag:s1], $0x1F40  }
0x50: {  	[sflag:s1] =	ssyncset.done @!p1 $0x0  }
0x51: {  	[sflag:s1] =	ssyncadd.s32 @!p1 $0xFFFFE0C0  }
0x52: {  	[tilespmem:s30], [sflag:$0x1] =	stream.indirect.gather [spmem:s2], $0x8, s21, s21, $0xb8;
	[tilespmem:$0x1E490] =	vst v63  }
0x53: {  	_ =	swait.ge [sflag:s24], $0x1F40  }
0x54: {  	[sflag:s24] =	ssyncset.done $0x0  }
0x55: {  	[sflag:s24] =	ssyncadd.s32 $0xFFFFE0C0  }
0x56: {  	[spmem:s3] =	stream.indirect.scatter.add.f32 [tilespmem:s30], [sflag:$0x3], $0x8, s22, s21, $0xb8;
	[tilespmem:$0x1E490] =	vst v63  }
0x57: {  	_ =	swait.ge [sflag:s26], $0x3E8  }
0x58: {  	[sflag:s26] =	ssyncset.done $0x0  }
0x59: {  	[sflag:s26] =	ssyncadd.s32 $0xFFFFFC18  }
0x5a: {  	_ =	swait.ge [sflag:s26], $0x3E8  }
0x5b: {  	s13 =	rddreg [dreg:$0x4];
	[sflag:s26] =	ssyncset.done $0x0  }
0x5c: {  	s14 =	rddreg [dreg:$0x5];
	[sflag:s26] =	ssyncadd.s32 $0xFFFFFC18;
	s1 =	sadd.s32 $0x0, s13  }
0x5d: {  	[tilespmem:s31], [sflag:$0x2] =	stream.linear.gather [hbm4b:s1+s4], $0x3E8, $0x38;
	[tilespmem:$0x1E490] =	vst v63  }
0x5e: {  	s15 =	sadd.s32 $0x0, s14  }
0x5f: {  	[tilespmem:s0], [sflag:$0x2] =	stream.linear.gather [hbm4b:s15+s4], $0x3E8, $0x38;
	[tilespmem:$0x1E490] =	vst v63  }
0x60: {  	_ =	swait.ge [sflag:s6], $0x1F40  }
0x61: {  	[sflag:s6] =	ssyncset.done $0x0  }
0x62: {  	[sflag:s6] =	ssyncadd.s32 $0xFFFFE0C0  }
0x63: {  	[tilespmem:s23], [sflag:$0x1] =	stream.indirect.gather [spmem:s2], $0x8, s28, s21, $0xb8;
	[tilespmem:$0x1E490] =	vst v63  }
0x64: {  	_ =	swait.ge [sflag:s24], $0x1F40  }
0x65: {  	[sflag:s24] =	ssyncset.done $0x0  }
0x66: {  	[sflag:s24] =	ssyncadd.s32 $0xFFFFE0C0  }
0x67: {  	[spmem:s3] =	stream.indirect.scatter.add.f32 [tilespmem:s23], [sflag:$0x3], $0x8, s29, s21, $0xb8;
	[tilespmem:$0x1E490] =	vst v63  }
0x68: {  	_ =	swait.ge [sflag:s26], $0x3E8  }
0x69: {  	p1 =	slt.s32 s12, $0x619478;
	s1 =	smov.u32 s12;
	[sflag:s26] =	ssyncset.done $0x0  }
0x6a: {  	s1 =	simm.s32 @!p1 $0x619478;
	[sflag:s26] =	ssyncadd.s32 $0xFFFFFC18  }
0x6b: {  	s1 =	sshrl.u32 s1, $0x3;
	_ =	swait.ge [sflag:s26], $0x3E8  }
0x6c: {  	s1 =	sadd.s32 s5, s1;
	[sflag:s26] =	ssyncset.done $0x0  }
0x6d: {  	s17 =	sadd.s32 $0x1F4, s1;
	[sflag:s26] =	ssyncadd.s32 $0xFFFFFC18  }
0x6e: {  	[tilespmem:s4], [sflag:$0x2] =	stream.linear.gather [hbm4b:s17+s4], $0x3E8, $0x38;
	[tilespmem:$0x1E490] =	vst v63  }
0x6f: {  	s1 =	sadd.s32 $0xC36F4, s1  }
0x70: {  	[tilespmem:s20], [sflag:$0x2] =	stream.linear.gather [hbm4b:s1+s4], $0x3E8, $0x38;
	[tilespmem:$0x1E490] =	vst v63  }
0x71: {  	_ =	swait.ge [sflag:s6], $0x1F40  }
0x72: {  	[sflag:s6] =	ssyncset.done $0x0  }
0x73: {  	[sflag:s6] =	ssyncadd.s32 $0xFFFFE0C0  }
0x74: {  	[tilespmem:s30], [sflag:$0x1] =	stream.indirect.gather [spmem:s2], $0x8, s31, s21, $0xb8;
	[tilespmem:$0x1E490] =	vst v63  }
0x75: {  	_ =	swait.ge [sflag:s24], $0x1F40  }
0x76: {  	[sflag:s24] =	ssyncset.done $0x0  }
0x77: {  	[sflag:s24] =	ssyncadd.s32 $0xFFFFE0C0  }
0x78: {  	[spmem:s3] =	stream.indirect.scatter.add.f32 [tilespmem:s30], [sflag:$0x3], $0x8, s0, s21, $0xb8;
	[tilespmem:$0x1E490] =	vst v63  }
0x79: {  	_ =	swait.ge [sflag:s26], $0x3E8  }
0x7a: {  	[sflag:s26] =	ssyncset.done $0x0  }
0x7b: {  	s11 =	sadd.s32 $0xFA0, s12;
	[sflag:s26] =	ssyncadd.s32 $0xFFFFFC18  }
0x7c: {  	s13 =	simm.s32 $0x3E8;
	s1 =	simm.s32 $0x1F4;
	_ =	swait.ge [sflag:s26], $0x3E8  }
.LBB2_2:
0x7d: {  	s10 =	rddreg [dreg:$0x8];
	[sflag:s26] =	ssyncset.done $0x0  }
0x7e: {  	p2 =	seq.s32 s1, $0x0;
	[sflag:s26] =	ssyncadd.s32 $0xFFFFFC18;
	s10 =	sadd.s32 s1, s10  }
0x7f: {  	[tilespmem:s21], [sflag:$0x2] =	stream.linear.gather [hbm4b:s10+s4], $0x3E8, $0x38;
	[tilespmem:$0x1E490] =	vst v63  }
0x80: {  	s15 =	sadd.s32 s1, s16;
	s10 =	simm.s32 @!p2 $0x3  }
0x81: {  	[tilespmem:s22], [sflag:$0x2] =	stream.linear.gather [hbm4b:s15+s4], $0x3E8, $0x38;
	[tilespmem:$0x1E490] =	vst v63  }
0x82: {  	_ =	swait.ge @!p2 [sflag:s10], $0x1F40  }
0x83: {  	[sflag:s10] =	ssyncset.done @!p2 $0x0  }
0x84: {  	[sflag:s10] =	ssyncadd.s32 @!p2 $0xFFFFE0C0  }
0x85: {  	[tilespmem:s23], [sflag:$0x1] =	stream.indirect.gather [spmem:s2], $0x8, s4, s21, $0xb8;
	[tilespmem:$0x1E490] =	vst v63  }
0x86: {  	_ =	swait.ge [sflag:s24], $0x1F40  }
0x87: {  	[sflag:s24] =	ssyncset.done $0x0  }
0x88: {  	[sflag:s24] =	ssyncadd.s32 $0xFFFFE0C0  }
0x89: {  	[spmem:s3] =	stream.indirect.scatter.add.f32 [tilespmem:s23], [sflag:$0x3], $0x8, s20, s21, $0xb8;
	[tilespmem:$0x1E490] =	vst v63  }
0x8a: {  	_ =	swait.ge [sflag:s26], $0x3E8  }
0x8b: {  	[sflag:s26] =	ssyncset.done $0x0  }
0x8c: {  	[sflag:s26] =	ssyncadd.s32 $0xFFFFFC18  }
0x8d: {  	_ =	swait.ge [sflag:s26], $0x3E8  }
0x8e: {  	s15 =	rddreg [dreg:$0x6];
	[sflag:s26] =	ssyncset.done $0x0  }
0x8f: {  	s17 =	rddreg [dreg:$0x7];
	[sflag:s26] =	ssyncadd.s32 $0xFFFFFC18;
	s15 =	sadd.s32 s1, s15  }
0x90: {  	[tilespmem:s28], [sflag:$0x2] =	stream.linear.gather [hbm4b:s15+s4], $0x3E8, $0x38;
	[tilespmem:$0x1E490] =	vst v63  }
0x91: {  	s17 =	sadd.s32 s1, s17  }
0x92: {  	[tilespmem:s29], [sflag:$0x2] =	stream.linear.gather [hbm4b:s17+s4], $0x3E8, $0x38;
	[tilespmem:$0x1E490] =	vst v63  }
0x93: {  	_ =	swait.ge @!p2 [sflag:s10], $0x1F40  }
0x94: {  	[sflag:s10] =	ssyncset.done @!p2 $0x0  }
0x95: {  	[sflag:s10] =	ssyncadd.s32 @!p2 $0xFFFFE0C0  }
0x96: {  	[tilespmem:s30], [sflag:$0x1] =	stream.indirect.gather [spmem:s2], $0x8, s21, s21, $0xb8;
	[tilespmem:$0x1E490] =	vst v63  }
0x97: {  	_ =	swait.ge [sflag:s24], $0x1F40  }
0x98: {  	[sflag:s24] =	ssyncset.done $0x0  }
0x99: {  	[sflag:s24] =	ssyncadd.s32 $0xFFFFE0C0  }
0x9a: {  	[spmem:s3] =	stream.indirect.scatter.add.f32 [tilespmem:s30], [sflag:$0x3], $0x8, s22, s21, $0xb8;
	[tilespmem:$0x1E490] =	vst v63  }
0x9b: {  	_ =	swait.ge [sflag:s26], $0x3E8  }
0x9c: {  	[sflag:s26] =	ssyncset.done $0x0  }
0x9d: {  	[sflag:s26] =	ssyncadd.s32 $0xFFFFFC18  }
0x9e: {  	_ =	swait.ge [sflag:s26], $0x3E8  }
0x9f: {  	s15 =	rddreg [dreg:$0x4];
	[sflag:s26] =	ssyncset.done $0x0  }
0xa0: {  	s17 =	rddreg [dreg:$0x5];
	[sflag:s26] =	ssyncadd.s32 $0xFFFFFC18;
	s10 =	sadd.s32 s1, s15  }
0xa1: {  	[tilespmem:s31], [sflag:$0x2] =	stream.linear.gather [hbm4b:s10+s4], $0x3E8, $0x38;
	[tilespmem:$0x1E490] =	vst v63  }
0xa2: {  	s15 =	sadd.s32 s1, s17  }
0xa3: {  	[tilespmem:s0], [sflag:$0x2] =	stream.linear.gather [hbm4b:s15+s4], $0x3E8, $0x38;
	[tilespmem:$0x1E490] =	vst v63  }
0xa4: {  	_ =	swait.ge [sflag:s6], $0x1F40  }
0xa5: {  	[sflag:s6] =	ssyncset.done $0x0  }
0xa6: {  	[sflag:s6] =	ssyncadd.s32 $0xFFFFE0C0  }
0xa7: {  	[tilespmem:s23], [sflag:$0x1] =	stream.indirect.gather [spmem:s2], $0x8, s28, s21, $0xb8;
	[tilespmem:$0x1E490] =	vst v63  }
0xa8: {  	_ =	swait.ge [sflag:s24], $0x1F40  }
0xa9: {  	[sflag:s24] =	ssyncset.done $0x0  }
0xaa: {  	[sflag:s24] =	ssyncadd.s32 $0xFFFFE0C0  }
0xab: {  	[spmem:s3] =	stream.indirect.scatter.add.f32 [tilespmem:s23], [sflag:$0x3], $0x8, s29, s21, $0xb8;
	[tilespmem:$0x1E490] =	vst v63  }
0xac: {  	_ =	swait.ge [sflag:s26], $0x3E8  }
0xad: {  	p2 =	slt.s32 s11, $0x619478;
	s10 =	smov.u32 s11;
	[sflag:s26] =	ssyncset.done $0x0  }
0xae: {  	s10 =	simm.s32 @!p2 $0x619478;
	[sflag:s26] =	ssyncadd.s32 $0xFFFFFC18  }
0xaf: {  	s10 =	sshrl.u32 s10, $0x3;
	_ =	swait.ge [sflag:s26], $0x3E8  }
0xb0: {  	s10 =	sadd.s32 s5, s10;
	[sflag:s26] =	ssyncset.done $0x0  }
0xb1: {  	s17 =	sadd.s32 $0x1F4, s10;
	[sflag:s26] =	ssyncadd.s32 $0xFFFFFC18  }
0xb2: {  	[tilespmem:s4], [sflag:$0x2] =	stream.linear.gather [hbm4b:s17+s4], $0x3E8, $0x38;
	[tilespmem:$0x1E490] =	vst v63  }
0xb3: {  	s10 =	sadd.s32 $0xC36F4, s10  }
0xb4: {  	[tilespmem:s20], [sflag:$0x2] =	stream.linear.gather [hbm4b:s10+s4], $0x3E8, $0x38;
	[tilespmem:$0x1E490] =	vst v63  }
0xb5: {  	_ =	swait.ge [sflag:s6], $0x1F40  }
0xb6: {  	[sflag:s6] =	ssyncset.done $0x0  }
0xb7: {  	[sflag:s6] =	ssyncadd.s32 $0xFFFFE0C0  }
0xb8: {  	[tilespmem:s30], [sflag:$0x1] =	stream.indirect.gather [spmem:s2], $0x8, s31, s21, $0xb8;
	[tilespmem:$0x1E490] =	vst v63  }
0xb9: {  	_ =	swait.ge [sflag:s24], $0x1F40  }
0xba: {  	s14 =	smov.u32 s13;
	s13 =	sadd.s32 $0x1F4, s13;
	[sflag:s24] =	ssyncset.done $0x0  }
0xbb: {  	p1 =	sne.s32 s13, $0x61A8;
	[sflag:s24] =	ssyncadd.s32 $0xFFFFE0C0  }
0xbc: {  	[spmem:s3] =	stream.indirect.scatter.add.f32 [tilespmem:s30], [sflag:$0x3], $0x8, s0, s21, $0xb8;
	[tilespmem:$0x1E490] =	vst v63  }
.Ltmp0:
0xbd: {  	_ = 	snop;
	(pc) =	sbr.rel @p1 .LBB2_2-.Ltmp0, $4  }
0xbe: {  	_ =	swait.ge [sflag:s26], $0x3E8  }
0xbf: {  	[sflag:s26] =	ssyncset.done $0x0  }
0xc0: {  	[sflag:s26] =	ssyncadd.s32 $0xFFFFFC18  }
0xc1: {  	s1 =	smov.u32 s14;
	s11 =	sadd.s32 $0xFA0, s11;
	_ =	swait.ge [sflag:s26], $0x3E8  }
0xc2: {  	s10 =	rddreg [dreg:$0x8];
	[sflag:s26] =	ssyncset.done $0x0  }
0xc3: {  	p1 =	seq.s32 s1, $0x0;
	[sflag:s26] =	ssyncadd.s32 $0xFFFFFC18;
	s10 =	sadd.s32 s1, s10  }
0xc4: {  	[tilespmem:s21], [sflag:$0x2] =	stream.linear.gather [hbm4b:s10+s4], $0x3E8, $0x38;
	[tilespmem:$0x1E490] =	vst v63  }
0xc5: {  	s13 =	sadd.s32 s1, s16;
	s10 =	simm.s32 @!p1 $0x3  }
0xc6: {  	[tilespmem:s22], [sflag:$0x2] =	stream.linear.gather [hbm4b:s13+s4], $0x3E8, $0x38;
	[tilespmem:$0x1E490] =	vst v63  }
0xc7: {  	_ =	swait.ge @!p1 [sflag:s10], $0x1F40  }
0xc8: {  	[sflag:s10] =	ssyncset.done @!p1 $0x0  }
0xc9: {  	[sflag:s10] =	ssyncadd.s32 @!p1 $0xFFFFE0C0  }
0xca: {  	[tilespmem:s23], [sflag:$0x1] =	stream.indirect.gather [spmem:s2], $0x8, s4, s21, $0xb8;
	[tilespmem:$0x1E490] =	vst v63  }
0xcb: {  	_ =	swait.ge [sflag:s24], $0x1F40  }
0xcc: {  	[sflag:s24] =	ssyncset.done $0x0  }
0xcd: {  	[sflag:s24] =	ssyncadd.s32 $0xFFFFE0C0  }
0xce: {  	[spmem:s3] =	stream.indirect.scatter.add.f32 [tilespmem:s23], [sflag:$0x3], $0x8, s20, s21, $0xb8;
	[tilespmem:$0x1E490] =	vst v63  }
0xcf: {  	_ =	swait.ge [sflag:s26], $0x3E8  }
0xd0: {  	[sflag:s26] =	ssyncset.done $0x0  }
0xd1: {  	[sflag:s26] =	ssyncadd.s32 $0xFFFFFC18  }
0xd2: {  	_ =	swait.ge [sflag:s26], $0x3E8  }
0xd3: {  	s13 =	rddreg [dreg:$0x6];
	[sflag:s26] =	ssyncset.done $0x0  }
0xd4: {  	s14 =	rddreg [dreg:$0x7];
	[sflag:s26] =	ssyncadd.s32 $0xFFFFFC18;
	s13 =	sadd.s32 s1, s13  }
0xd5: {  	[tilespmem:s28], [sflag:$0x2] =	stream.linear.gather [hbm4b:s13+s4], $0x3E8, $0x38;
	[tilespmem:$0x1E490] =	vst v63  }
0xd6: {  	s14 =	sadd.s32 s1, s14  }
0xd7: {  	[tilespmem:s29], [sflag:$0x2] =	stream.linear.gather [hbm4b:s14+s4], $0x3E8, $0x38;
	[tilespmem:$0x1E490] =	vst v63  }
0xd8: {  	_ =	swait.ge @!p1 [sflag:s10], $0x1F40  }
0xd9: {  	[sflag:s10] =	ssyncset.done @!p1 $0x0  }
0xda: {  	[sflag:s10] =	ssyncadd.s32 @!p1 $0xFFFFE0C0  }
0xdb: {  	[tilespmem:s30], [sflag:$0x1] =	stream.indirect.gather [spmem:s2], $0x8, s21, s21, $0xb8;
	[tilespmem:$0x1E490] =	vst v63  }
0xdc: {  	_ =	swait.ge [sflag:s24], $0x1F40  }
0xdd: {  	[sflag:s24] =	ssyncset.done $0x0  }
0xde: {  	[sflag:s24] =	ssyncadd.s32 $0xFFFFE0C0  }
0xdf: {  	[spmem:s3] =	stream.indirect.scatter.add.f32 [tilespmem:s30], [sflag:$0x3], $0x8, s22, s21, $0xb8;
	[tilespmem:$0x1E490] =	vst v63  }
0xe0: {  	_ =	swait.ge [sflag:s26], $0x3E8  }
0xe1: {  	[sflag:s26] =	ssyncset.done $0x0  }
0xe2: {  	[sflag:s26] =	ssyncadd.s32 $0xFFFFFC18  }
0xe3: {  	_ =	swait.ge [sflag:s26], $0x3E8  }
0xe4: {  	s15 =	rddreg [dreg:$0x4];
	[sflag:s26] =	ssyncset.done $0x0  }
0xe5: {  	s17 =	rddreg [dreg:$0x5];
	[sflag:s26] =	ssyncadd.s32 $0xFFFFFC18;
	s10 =	sadd.s32 s1, s15  }
0xe6: {  	[tilespmem:s31], [sflag:$0x2] =	stream.linear.gather [hbm4b:s10+s4], $0x3E8, $0x38;
	[tilespmem:$0x1E490] =	vst v63  }
0xe7: {  	s13 =	sadd.s32 s1, s17  }
0xe8: {  	[tilespmem:s0], [sflag:$0x2] =	stream.linear.gather [hbm4b:s13+s4], $0x3E8, $0x38;
	[tilespmem:$0x1E490] =	vst v63  }
0xe9: {  	_ =	swait.ge [sflag:s6], $0x1F40  }
0xea: {  	[sflag:s6] =	ssyncset.done $0x0  }
0xeb: {  	[sflag:s6] =	ssyncadd.s32 $0xFFFFE0C0  }
0xec: {  	[tilespmem:s23], [sflag:$0x1] =	stream.indirect.gather [spmem:s2], $0x8, s28, s21, $0xb8;
	[tilespmem:$0x1E490] =	vst v63  }
0xed: {  	_ =	swait.ge [sflag:s24], $0x1F40  }
0xee: {  	[sflag:s24] =	ssyncset.done $0x0  }
0xef: {  	[sflag:s24] =	ssyncadd.s32 $0xFFFFE0C0  }
0xf0: {  	[spmem:s3] =	stream.indirect.scatter.add.f32 [tilespmem:s23], [sflag:$0x3], $0x8, s29, s21, $0xb8;
	[tilespmem:$0x1E490] =	vst v63  }
0xf1: {  	_ =	swait.ge [sflag:s26], $0x3E8  }
0xf2: {  	p1 =	slt.s32 s11, $0x619478;
	[sflag:s26] =	ssyncset.done $0x0  }
0xf3: {  	s11 =	simm.s32 @!p1 $0x619478;
	[sflag:s26] =	ssyncadd.s32 $0xFFFFFC18  }
0xf4: {  	s14 =	sshrl.u32 s11, $0x3;
	_ =	swait.ge [sflag:s26], $0x3E8  }
0xf5: {  	s1 =	sadd.s32 s5, s14;
	[sflag:s26] =	ssyncset.done $0x0  }
0xf6: {  	s15 =	sadd.s32 $0x1F4, s1;
	[sflag:s26] =	ssyncadd.s32 $0xFFFFFC18  }
0xf7: {  	[tilespmem:s4], [sflag:$0x2] =	stream.linear.gather [hbm4b:s15+s4], $0x3E8, $0x38;
	[tilespmem:$0x1E490] =	vst v63  }
0xf8: {  	s1 =	sadd.s32 $0xC36F4, s1  }
0xf9: {  	[tilespmem:s20], [sflag:$0x2] =	stream.linear.gather [hbm4b:s1+s4], $0x3E8, $0x38;
	[tilespmem:$0x1E490] =	vst v63  }
0xfa: {  	_ =	swait.ge [sflag:s6], $0x1F40  }
0xfb: {  	[sflag:s6] =	ssyncset.done $0x0  }
0xfc: {  	[sflag:s6] =	ssyncadd.s32 $0xFFFFE0C0  }
0xfd: {  	[tilespmem:s30], [sflag:$0x1] =	stream.indirect.gather [spmem:s2], $0x8, s31, s21, $0xb8;
	[tilespmem:$0x1E490] =	vst v63  }
0xfe: {  	_ =	swait.ge [sflag:s24], $0x1F40  }
0xff: {  	[sflag:s24] =	ssyncset.done $0x0  }
0x100: {  	[sflag:s24] =	ssyncadd.s32 $0xFFFFE0C0  }
0x101: {  	[spmem:s3] =	stream.indirect.scatter.add.f32 [tilespmem:s30], [sflag:$0x3], $0x8, s0, s21, $0xb8;
	[tilespmem:$0x1E490] =	vst v63  }
0x102: {  	_ =	swait.ge [sflag:s26], $0x3E8  }
0x103: {  	[sflag:s26] =	ssyncset.done $0x0  }
0x104: {  	[sflag:s26] =	ssyncadd.s32 $0xFFFFFC18  }
0x105: {  	_ =	swait.ge [sflag:s26], $0x3E8  }
0x106: {  	[sflag:s26] =	ssyncset.done $0x0  }
0x107: {  	[sflag:s26] =	ssyncadd.s32 $0xFFFFFC18  }
0x108: {  	_ =	swait.ge [sflag:s6], $0x1F40  }
0x109: {  	[sflag:s6] =	ssyncset.done $0x0  }
0x10a: {  	[sflag:s6] =	ssyncadd.s32 $0xFFFFE0C0  }
0x10b: {  	_ =	swait.ge [sflag:s6], $0x1F40  }
0x10c: {  	[sflag:s6] =	ssyncset.done $0x0  }
0x10d: {  	[sflag:s6] =	ssyncadd.s32 $0xFFFFE0C0  }
0x10e: {  	[bflag:$0x0] =	sbarrier.arrive $0xFFFF  }
0x10f: {  	s1 =	rddreg [dreg:$0xf]  }
0x110: {  	[hbm:s1], [sflag:s9] =	dma.local @p0 [spmem:s25], $0x1810  }
0x111: {  	s1 =	simm.s32 @p0 $0x4  }
0x112: {  	_ =	swait.ge @p0 [sflag:s1], $0x1810  }
0x113: {  	[sflag:s1] =	ssyncset.done @p0 $0x0  }
0x114: {  	s10 =	rddreg [dreg:$0xe];
	[sflag:s1] =	ssyncadd.s32 @p0 $0xFFFFE7F0;
	s1 =	sshrl.u32 @!p0 s8, $0x3  }
0x115: {  	[hbm:s10], [sflag:s9] =	dma.local @!p0 [spmem:s1], $0x1870  }
0x116: {  	s1 =	simm.s32 @!p0 $0x4  }
0x117: {  	_ =	swait.ge @!p0 [sflag:s1], $0x1870  }
0x118: {  	s7 =	sadd.s32 $0x1, s7;
	s17 =	rddreg [dreg:$0x10]  }
0x119: {  	p1 =	sne.s32 s7, s17  }
.Ltmp1:
0x11a: {  	_ = 	snop;
	(pc) =	sbr.rel @p1 .LBB2_1-.Ltmp1, $3  }
0x11b: {  	_ =	sdelay $0x1  }
0x11c: {  	[sflag:s1] =	ssyncset.done @!p0 $0x0  }
0x11d: {  	[sflag:s1] =	ssyncadd.s32 @!p0 $0xFFFFE790  }
0x11e: {  	_ =	sfence.sel $0x180000  }
0x11f: {  	[bflag:$0x0] =	sbarrier.arrive $0xFFFF  }
0x120: {  	_ =	strace $0x9000004A  }
0x121: {  	s0 =	stileid.u32;
	[bflag:$0x2] =	sbarrier.arrive $0xFFFF  }
0x122: {  	p0 =	sne.s32 s0, $0x0;
	s0 =	rddreg [dreg:$0x3]  }
0x123: {  	s0 =	sadd.s32 @!p0 $0x100000, s0  }
0x124: {  	[sflag:s0] =	ssyncadd.tile.s32 @!p0 $0x1;
	_ =	shalt  }
.Lfunc_end2:
_tile_overlayer_lowered:
.L_overlay_start_2:
0x125: {  	(tag) =	ssettag $0x2  }
0x126: {  	s0 =	rddreg [dreg:$0x0];
	s2 =	stileid.u32  }
0x127: {  	s1 =	rddreg [dreg:$0x1];
	p0 =	sne.s32 s2, $0x0  }
0x128: {  	s3 =	rddreg [dreg:$0x2];
	[bflag:$0x3] =	sbarrier.arrive $0xFFFF;
	s2 =	simm.s32 @!p0 $0x1C04  }
0x129: {  	[timem:s3], [sflag:s2] =	dma.local @!p0 [hbm:s0], s1  }
0x12a: {  	s0 =	simm.s32 @!p0 $0x4  }
0x12b: {  	_ =	swait.ge @!p0 [sflag:s0], s1  }
0x12c: {  	s1 =	ssub.s32 @!p0 $0x0, s1;
	[sflag:s0] =	ssyncset.done @!p0 $0x0  }
0x12d: {  	[sflag:s0] =	ssyncadd.s32 @!p0 s1  }
0x12e: {  	[bflag:$0x3] =	sbarrier.arrive $0xFFFF  }
0x12f: {  	_ =	shalt  }

// kernel: sparse-core-data-format-call.cloned.1.call-start
scs
called_computation_lowered:
.L_overlay_start_0:
0x0: {  	s2 =	sld [smem:$0x3FD9]  }
0x1: {  	s3 =	sld [smem:$0x3FFE];
	_ =	sdelay $0x1  }
0x2: {  	s1 =	srdreg.scid  }
0x3: {  	s0 =	sand.u32 $0x1, s1  }
0x4: {  	s18 =	sshll.u32 s0, $0xA;
	s2 =	sadd.s32 s3, s2  }
0x5: {  	s2 =	sadd.s32 s2, s18  }
0x6: {  	[smem:$0x3FB9] =	sst s2  }
0x7: {  	_ = 	snop  }
0x8: {  	s2 =	sld [smem:$0x3FC8];
	(tm) =	ssettm $0x1  }
0x9: {  	s19 =	sld [smem:$0x3FFB];
	_ =	sdelay $0x3  }
0xa: {  	_ =	strace s19  }
0xb: {  	s3 =	sld [smem:$0x3FFC];
	_ =	sdelay $0x3  }
0xc: {  	_ =	strace s3  }
0xd: {  	s3 =	sld [smem:$0x3FFD];
	_ =	sdelay $0x3  }
0xe: {  	_ =	strace s3  }
0xf: {  	_ =	strace $0x8FFFFFFF  }
0x10: {  	s20 =	sld [smem:$0x3FDB];
	_ =	sdelay $0x1  }
0x11: {  	s4 =	simm.s32 $_scs_section_size  }
0x12: {  	s5 =	simm.s32 $_size__tile_overlayer_lowered;
	s6 =	simm.s32 $_tile_overlayer_lowered  }
0x13: {  	s23 =	simm.s32 $0x1BFF;
	s22 =	sshll.u32 s6, $0x1;
	s3 =	sadd.s32 s4, s20  }
0x14: {  	s7 =	simm.s32 $0x0;
	s21 =	sshll.u32 s5, $0x1;
	s5 =	sadd.s32 s22, s3  }
0x15: {  	[timem:s7], [sflag:s23] =	dma.local [hbm:s5], s21  }
0x16: {  	_ =	swait.ge [sflag:s23], s21  }
0x17: {  	s4 =	ssub.s32 $0x0, s21;
	[sflag:s23] =	ssyncset.done $0x0  }
0x18: {  	[sflag:s23] =	ssyncadd.s32 s4;
	_ =	sdelay $0x1  }
0x19: {  	s24 =	simm.s32 $0x1B8B  }
0x1a: {  	_ =	swait.ge [sflag:s24], $0x1  }
0x1b: {  	[sflag:s24] =	ssyncset.done $0x0  }
0x1c: {  	s26 =	simm.s32 $0x1B8E;
	s25 =	sld [smem:$0x3FFE];
	[sflag:s24] =	ssyncadd.s32 $0xFFFFFFFF  }
0x1d: {  	s27 =	simm.s32 $execute0_lowered;
	[smem:$0x3FD2] =	sst s26  }
0x1e: {  	s5 =	sshll.u32 s27, $0x1;
	_ =	strace $0x80000046;
	[dreg:$0x1] =	wrdreg $0xFFFFFFFF  }
0x1f: {  	s28 =	simm.s32 $_size_execute0_lowered;
	s3 =	sadd.s32 s3, s5;
	[dreg:$0x0] =	wrdreg $0x0  }
0x20: {  	s5 =	sshll.u32 s28, $0x1;
	[dreg:$0x2] =	wrdreg s3  }
0x21: {  	[dreg:$0x3] =	wrdreg s5  }
0x22: {  	[dreg:$0x4] =	wrdreg $0xC0  }
0x23: {  	_ =	task [dreg:s7], $0x5FFFF  }
0x24: {  	[dreg:$0x1] =	wrdreg $0xFFFFFFFF  }
0x25: {  	[dreg:$0x0] =	wrdreg $0x60  }
0x26: {  	[dreg:$0x2] =	wrdreg s2  }
0x27: {  	[dreg:$0x3] =	wrdreg s25  }
0x28: {  	[dreg:$0x4] =	wrdreg $0x9  }
0x29: {  	_ =	task.clear_ibuf [dreg:s7], $0x5FFFF;
	_ =	strace $0x90000046  }
0x2a: {  	s29 =	simm.s32 $0x9;
	_ =	strace $0x80000048  }
0x2b: {  	_ =	swait.ge [sflag:s29], $0x1  }
0x2c: {  	[sflag:s29] =	ssyncadd.s32 $0xFFFFFFFF  }
0x2d: {  	_ =	strace $0x90000048  }
0x2e: {  	_ =	sfence  }
0x2f: {  	s30 =	sld [smem:$0x0];
	_ =	sdelay $0x2  }
0x30: {  	s31 =	sshll.u32 s1, $0xD;
	s1 =	sshrl.u32 s1, $0x2  }
0x31: {  	s3 =	sand.u32 $0x4000, s31;
	s1 =	sadd.s32 s1, s30  }
0x32: {  	s0 =	sor.u32 s3, s0;
	s1 =	sshll.u32 s1, $0x11  }
0x33: {  	s0 =	sor.u32 s1, s0  }
0x34: {  	s0 =	sadd.s32 $0x8F2B, s0  }
0x35: {  	[sflag:s0] =	ssyncadd.remote.s32 $0x1  }
0x36: {  	_ =	sfence.sel $0xFFFF  }
0x37: {  	[dreg:$0x0] =	wrdreg $0xFFFFFFFF;
	(pc) =	sbr.abs _section_cstart, $3  }
0x38: {  	[dreg:$0x1] =	wrdreg $0xFFFFFFFF  }
0x39: {  	_ =	task.clear_ibuf [dreg:s7], $0x2FFFF;
	_ =	strace $0x9FFFFFFF  }
0x3a: {  	(tm) =	ssettm $0x7FFFFFFF  }
0x3b: {  	_ =	shalt  }
tec
execute0_lowered:
.L_overlay_start_1:
0x0: {  	(tag) =	ssettag $0x1  }
0x1: {  	s0 =	stileid.u32;
	s7 =	rddreg [dreg:$0x0]  }
0x2: {  	s1 =	srdreg.scid;
	s4 =	rddreg [dreg:$0x1]  }
0x3: {  	s30 =	simm.s32 $0x2;
	s10 =	simm.s32 $0x0;
	s14 =	simm.s32 $0x0  }
0x4: {  	s15 =	simm.s32 $0x0;
	s11 =	simm.s32 $0x0;
	s13 =	simm.s32 $0x0  }
0x5: {  	s2 =	sand.u32 $0x1, s1;
	s3 =	sshll.u32 s0, $0x7;
	s1 =	rddreg [dreg:$0x2]  }
0x6: {  	_ =	strace $0x80000047;
	s5 =	ssub.s32 $0xC300, s3;
	s6 =	ssub.s32 $0x2, s2  }
.Ltmp0:
0x7: {  	s5 =	sshrl.u32 s5, $0xB;
	s8 =	sshrl.u32 s6, $0x1;
	(pc) =	sbr.rel .LBB1_1-.Ltmp0, $4  }
0x8: {  	s4 =	sadd.s32 $0x3600, s4;
	s9 =	sadd.s32 $0x1, s5;
	s6 =	ssub.s32 s6, s8  }
0x9: {  	s31 =	sshll.u32 s2, $0x4;
	s5 =	simm.s32 $0x1;
	s6 =	smul.u32 s9, s6  }
0xa: {  	s12 =	smov.u32 s3;
	s7 =	sadd.s32 s7, s31;
	[sflag:s5] =	ssyncpa.u1 $0x0  }
0xb: {  	s9 =	simm.s32 $0x0;
	[sflag:s30] =	ssyncpa.u1 $0x0;
	s8 =	sadd.s32 $0x1, s6  }
.LBB1_4:
0xc: {  	s21 =	simm.s32 $0x0  }
.LBB1_8:
0xd: {  	_ =	sdelay $0x3  }
0xe: {  	v6 =	vld [tilespmem:s18+$0xFFFFFFC0];
	[tilespmem:v0+s20+$0x30 ss:$0x1] =	vst.idx.msk @p0 $0xffff, v2  }
0xf: {  	v58 =	vld [tilespmem:s18+$0xFFFFFFD0];
	[tilespmem:v0+s20+$0x40 ss:$0x1] =	vst.idx.msk @p0 $0xffff, v3;
	s21 =	sadd.s32 @p0 $0x80, s21  }
0x10: {  	v59 =	vld [tilespmem:s18+$0xFFFFFFE0];
	[tilespmem:v0+s20+$0x50 ss:$0x1] =	vst.idx.msk @p0 $0xffff, v5;
	s19 =	smov.u32 @p0 s21  }
0x11: {  	v60 =	vld [tilespmem:s18+$0xFFFFFFF0];
	[tilespmem:v0+s20+$0x60 ss:$0x1] =	vst.idx.msk @p0 $0xffff, v4;
	s19 =	sand.u32 $0x3F80, s19  }
0x12: {  	v61 =	vld [tilespmem:s18+$0x0];
	[tilespmem:v0+s19+$0x70 ss:$0x1] =	vst.idx.msk $0xffff, v1  }
0x13: {  	v62 =	vld [tilespmem:s18+$0x10];
	[tilespmem:v0+s19+$0x0 ss:$0x1] =	vst.idx.msk $0xffff, v6  }
0x14: {  	v63 =	vld [tilespmem:s18+$0x20];
	[tilespmem:v0+s19+$0x10 ss:$0x1] =	vst.idx.msk $0xffff, v58  }
0x15: {  	[tilespmem:v0+s19+$0x20 ss:$0x1] =	vst.idx.msk $0xffff, v59  }
0x16: {  	[tilespmem:v0+s19+$0x30 ss:$0x1] =	vst.idx.msk $0xffff, v60  }
0x17: {  	[tilespmem:v0+s19+$0x40 ss:$0x1] =	vst.idx.msk $0xffff, v61  }
0x18: {  	[tilespmem:v0+s19+$0x50 ss:$0x1] =	vst.idx.msk $0xffff, v62  }
0x19: {  	[tilespmem:v0+s19+$0x60 ss:$0x1] =	vst.idx.msk $0xffff, v63  }
.LBB1_9:
0x1a: {  	s18 =	sand.u32 $0x1FFFFFF, s11  }
0x1b: {  	s19 =	smulhi.u32 $0x14F8B59, s18;
	_ =	sdelay $0x1  }
0x1c: {  	s19 =	sshrl.u32 s19, $0x8  }
0x1d: {  	s19 =	smul.u32 $0xC350, s19  }
0x1e: {  	s15 =	smul.u32 $0xC3500, s15  }
0x1f: {  	s18 =	ssub.s32 s18, s19  }
0x20: {  	s15 =	sadd.s32 s4, s15;
	s18 =	sshll.u32 s18, $0x4  }
0x21: {  	s15 =	sadd.s32 s18, s15  }
0x22: {  	[hbm4b:s15+s9] =	stream.linear.scatter [tilespmem:s17], [sflag:$0x2], s16, $0x38;
	[tilespmem:$0x10000] =	vst v63  }
.LBB1_10:
0x23: {  	p0 =	slt.u32 s13, $0x2  }
0x24: {  	p1 =	sgt.s32 @!p0 s14, $0xC2D0  }
0x25: {  	s15 =	smov.u32 s14;
	s16 =	sshra.s32 @!p0 s14, $0x1F;
	p1 =	por !p1, p0  }
0x26: {  	s14 =	sand.u32 @!p0 s16, s14;
	s15 =	simm.s32 @p1 $0xC2D0  }
0x27: {  	s14 =	ssub.s32 @!p0 s15, s14  }
0x28: {  	s14 =	sadd.s32 @!p0 $0xFFFF3D30, s14  }
0x29: {  	s15 =	sshll.u32 @!p0 s14, $0x7  }
0x2a: {  	p1 =	sgt.s32 @!p0 s14, $0x7F;
	s14 =	ssub.s32 @!p0 $0x4000, s15  }
0x2b: {  	s16 =	sadd.s32 $0x800, s12;
	p1 =	por !p1, p0;
	s14 =	sand.u32 @!p0 $0x3FFFFF80, s14  }
0x2c: {  	s14 =	simm.s32 @!p1 $0x0;
	p1 =	sgt.s32 s16, $0xC34F  }
0x2d: {  	s16 =	smov.u32 @p1 s3;
	p1 =	sne.s32 s13, s8  }
.Ltmp1:
0x2e: {  	_ = 	snop;
	(pc) =	sbr.rel @!p1 .LBB1_11-.Ltmp1, $4  }
0x2f: {  	s10 =	sadd.s32 $0x4000, s10;
	s15 =	simm.s32 @!p0 $0x2  }
0x30: {  	_ =	swait.ge @!p0 [sflag:s15], s14;
	s17 =	ssub.s32 @!p0 $0x0, s14;
	s14 =	smov.u32 s11  }
0x31: {  	s13 =	sadd.s32 $0x1, s13;
	s11 =	smov.u32 s12;
	[sflag:s15] =	ssyncset.done @!p0 $0x0  }
0x32: {  	s12 =	smov.u32 s16;
	[sflag:s15] =	ssyncadd.s32 @!p0 s17;
	s15 =	smov.u32 s2  }
.LBB1_1:
0x33: {  	p0 =	sge.u32 s13, s6  }
0x34: {  	p1 =	sgt.s32 @!p0 s12, $0xC2D0  }
0x35: {  	s16 =	smov.u32 s12;
	s17 =	sshra.s32 @!p0 s12, $0x1F;
	p1 =	por !p1, p0  }
0x36: {  	s17 =	sand.u32 @!p0 s17, s12;
	s16 =	simm.s32 @p1 $0xC2D0  }
0x37: {  	s16 =	ssub.s32 @!p0 s16, s17  }
0x38: {  	s31 =	sadd.s32 $0xFFFFFFFF, s13;
	s18 =	sxor.u32 @!p0 $0xFFFFFFFF, s13;
	s16 =	sadd.s32 @!p0 $0xFFFF3D30, s16  }
0x39: {  	s19 =	simm.s32 @!p0 $0x80;
	s20 =	simm.s32 @!p0 $0x100;
	s17 =	sshll.u32 @!p0 s16, $0x7  }
0x3a: {  	p1 =	sgt.s32 @!p0 s16, $0x7F;
	s16 =	ssub.s32 @!p0 $0x4000, s17;
	s17 =	sshll.u32 @!p0 s18, $0xE  }
0x3b: {  	p1 =	por !p1, p0;
	s18 =	sshll.u32 @!p0 s12, $0x5;
	s16 =	sand.u32 @!p0 $0x3FFFFF80, s16  }
0x3c: {  	s17 =	sand.u32 @!p0 $0x4000, s17;
	s18 =	sadd.s32 @!p0 s18, s7;
	s16 =	simm.s32 @!p1 $0x0  }
0x3d: {  	[tilespmem:s17], [sflag:$0x1] =	stream.strided.gather @!p0 [hbm4b:s18+s19], s16, s20, s19, $0x38;
	[tilespmem:$0x10000] =	vst v63  }
0x3e: {  	p0 =	sge.u32 s31, s6  }
.Ltmp2:
0x3f: {  	_ = 	snop;
	(pc) =	sbr.rel @p0 .LBB1_10-.Ltmp2, $1  }
0x40: {  	_ =	sdelay $0x3  }
0x41: {  	p0 =	sgt.s32 s11, $0xC2D0;
	s16 =	smov.u32 s11;
	s17 =	sshra.s32 s11, $0x1F  }
0x42: {  	s16 =	simm.s32 @!p0 $0xC2D0;
	s17 =	sand.u32 s17, s11  }
0x43: {  	s16 =	ssub.s32 s16, s17  }
0x44: {  	s16 =	sadd.s32 $0xFFFF3D30, s16  }
0x45: {  	s30 =	sshll.u32 s16, $0x7  }
0x46: {  	s17 =	ssub.s32 $0x4000, s30  }
0x47: {  	p0 =	sgt.s32 s16, $0x7F;
	s16 =	sand.u32 $0x3FFFFF80, s17;
	s17 =	sadd.s32 $0x80, s11  }
0x48: {  	s16 =	simm.s32 @p0 $0x0;
	p0 =	slt.s32 s17, $0xC350  }
0x49: {  	s17 =	simm.s32 @!p0 $0xC350  }
0x4a: {  	s20 =	ssub.s32 s17, s11  }
0x4b: {  	p0 =	slt.s32 s20, $0x1  }
.Ltmp3:
0x4c: {  	_ = 	snop;
	(pc) =	sbr.rel @p0 .LBB1_9-.Ltmp3, $4  }
0x4d: {  	_ = 	snop  }
0x4e: {  	s19 =	sshll.u32 s13, $0xE;
	_ =	swait.ge [sflag:s5], s16  }
0x4f: {  	s31 =	sand.u32 $0x4000, s19;
	s18 =	ssub.s32 $0x0, s16;
	[sflag:s5] =	ssyncset.done $0x0  }
0x50: {  	s17 =	sor.u32 $0x8000, s31;
	[sflag:s5] =	ssyncadd.s32 s18  }
0x51: {  	p1 =	sne.s32 s20, $0x1  }
.Ltmp4:
0x52: {  	v0 =	vmov s17;
	(pc) =	sbr.rel @!p1 .LBB1_4-.Ltmp4, $4  }
0x53: {  	_ = 	snop  }
0x54: {  	s18 =	sand.u32 $0x4000, s10  }
0x55: {  	s18 =	sor.u32 $0x40, s18  }
0x56: {  	s19 =	simm.s32 $0x0;
	s21 =	sadd.s32 $0xFFFFFFFF, s20;
	p0 =	por $0x0, $0x0;
	v1 =	vld [tilespmem:s18+$0x30]  }
0x57: {  	v4 =	vld [tilespmem:s18+$0xFFFFFFC0]  }
0x58: {  	v6 =	vld [tilespmem:s18+$0xFFFFFFD0]  }
0x59: {  	v7 =	vld [tilespmem:s18+$0xFFFFFFE0];
	p1 =	sne.s32 s21, $0x1  }
.Ltmp5:
0x5a: {  	v2 =	vld [tilespmem:s18+$0xFFFFFFF0];
	s20 =	sand.u32 $0x3F80, s19;
	(pc) =	sbr.rel @!p1 .LBB1_6-.Ltmp5, $4  }
0x5b: {  	v3 =	vld [tilespmem:s18+$0x0];
	[tilespmem:v0+s20+$0x70 ss:$0x1] =	vst.idx.msk $0xffff, v1  }
0x5c: {  	v5 =	vld [tilespmem:s18+$0x10];
	[tilespmem:v0+s20+$0x0 ss:$0x1] =	vst.idx.msk $0xffff, v4  }
0x5d: {  	v4 =	vld [tilespmem:s18+$0x20];
	[tilespmem:v0+s20+$0x10 ss:$0x1] =	vst.idx.msk $0xffff, v6;
	s18 =	sadd.s32 $0x80, s18  }
0x5e: {  	s22 =	sadd.s32 $0xFFFFFFFF, s21;
	p0 =	por $0x1, $0x1;
	s21 =	simm.s32 $0x0;
	[tilespmem:v0+s20+$0x20 ss:$0x1] =	vst.idx.msk $0xffff, v7;
	v1 =	vld [tilespmem:s18+$0x30]  }
.LBB1_7:
0x5f: {  	p1 =	sne.s32 s22, $0x1;
	v6 =	vld [tilespmem:s18+$0xFFFFFFC0];
	[tilespmem:v0+s20+$0x30 ss:$0x1] =	vst.idx.msk $0xffff, v2  }
0x60: {  	v7 =	vld [tilespmem:s18+$0xFFFFFFD0];
	[tilespmem:v0+s20+$0x40 ss:$0x1] =	vst.idx.msk $0xffff, v3  }
0x61: {  	s21 =	sadd.s32 $0x80, s21;
	v8 =	vld [tilespmem:s18+$0xFFFFFFE0];
	[tilespmem:v0+s20+$0x50 ss:$0x1] =	vst.idx.msk $0xffff, v5  }
.Ltmp6:
0x62: {  	v2 =	vld [tilespmem:s18+$0xFFFFFFF0];
	[tilespmem:v0+s20+$0x60 ss:$0x1] =	vst.idx.msk $0xffff, v4;
	s20 =	sand.u32 $0x3F80, s21;
	(pc) =	sbr.rel @p1 .LBB1_7-.Ltmp6, $4  }
0x63: {  	v3 =	vld [tilespmem:s18+$0x0];
	[tilespmem:v0+s20+$0x70 ss:$0x1] =	vst.idx.msk $0xffff, v1  }
0x64: {  	[tilespmem:v0+s20+$0x0 ss:$0x1] =	vst.idx.msk $0xffff, v6;
	v5 =	vld [tilespmem:s18+$0x10]  }
0x65: {  	[tilespmem:v0+s20+$0x10 ss:$0x1] =	vst.idx.msk $0xffff, v7;
	v4 =	vld [tilespmem:s18+$0x20];
	s18 =	sadd.s32 $0x80, s18  }
0x66: {  	s22 =	sadd.s32 $0xFFFFFFFF, s22;
	v1 =	vld [tilespmem:s18+$0x30];
	[tilespmem:v0+s20+$0x20 ss:$0x1] =	vst.idx.msk $0xffff, v8  }
.Ltmp7:
0x67: {  	_ = 	snop;
	(pc) =	sbr.rel .LBB1_8-.Ltmp7, $1  }
0x68: {  	_ =	sdelay $0x3  }
.LBB1_6:
.Ltmp8:
0x69: {  	(pc) =	sbr.rel .LBB1_8-.Ltmp8, $2  }
0x6a: {  	_ =	sdelay $0x2  }
0x6b: {  	s21 =	simm.s32 $0x0  }
.LBB1_11:
0x6c: {  	_ =	sfence.sel $0x180000  }
0x6d: {  	s2 =	simm.s32 $0x1;
	[bflag:$0x0] =	sbarrier.arrive $0xFFFF  }
0x6e: {  	s31 =	simm.s32 $0x2;
	[sflag:s2] =	ssyncpa.u1 $0x1  }
0x6f: {  	[sflag:s31] =	ssyncpa.u1 $0x1  }
0x70: {  	p0 =	sne.s32 s0, $0x0;
	_ =	strace $0x90000047  }
0x71: {  	s0 =	sadd.s32 @!p0 $0x100000, s1;
	[bflag:$0x2] =	sbarrier.arrive $0xFFFF  }
0x72: {  	[sflag:s0] =	ssyncadd.tile.s32 @!p0 $0x1;
	_ =	shalt  }
.Lfunc_end1:
_tile_overlayer_lowered:
.L_overlay_start_2:
0x73: {  	(tag) =	ssettag $0x2  }
0x74: {  	s0 =	rddreg [dreg:$0x0];
	s2 =	stileid.u32  }
0x75: {  	s1 =	rddreg [dreg:$0x1];
	p0 =	sne.s32 s2, $0x0  }
0x76: {  	s3 =	rddreg [dreg:$0x2];
	[bflag:$0x3] =	sbarrier.arrive $0xFFFF;
	s2 =	simm.s32 @!p0 $0x1C01  }
0x77: {  	[timem:s3], [sflag:s2] =	dma.local @!p0 [hbm:s0], s1  }
0x78: {  	s0 =	simm.s32 @!p0 $0x1  }
0x79: {  	_ =	swait.ge @!p0 [sflag:s0], s1  }
0x7a: {  	s1 =	ssub.s32 @!p0 $0x0, s1;
	[sflag:s0] =	ssyncset.done @!p0 $0x0  }
0x7b: {  	[sflag:s0] =	ssyncadd.s32 @!p0 s1  }
0x7c: {  	[bflag:$0x3] =	sbarrier.arrive $0xFFFF  }
0x7d: {  	_ =	shalt  }

</sc_bundles>
